<compile_context>
chip_gen: v7x
topology: tpu7x:2x2x1
jax: 0.10.2.dev20260603
libtpu: 0.0.44.dev20260713+nightly
codegen_flags: <defaults>
</compile_context>

<pallas_src>
import jax
import jax.numpy as jnp
from jax import lax
from jax.experimental import pallas as pl
from jax.experimental.pallas import tpu as pltpu
from jax.experimental.pallas import tpu_sc as plsc

N = 10000
NP = 10240
E = 160000
NT = 16
EPT = E // NT
NPT = NP // NT
L = 16


def _leaky(e):
    return jnp.maximum(e, 0.0) + 0.2 * jnp.minimum(e, 0.0)


def _body(src_h, dst_h, x_h, c_h,
          out_h,
          srcv, dstv, tb0, tb1, tb2, tb3,
          a0, a1, a2, a3, o0, o1, o2, rng, obuf, zbuf, idxv, pv, pbuf, cv,
          sh_a0, sh_a1, sh_a2, sh_a3, sh_tbl, sh_part, sem):
    tid = lax.axis_index("s")
    ebase = tid * EPT
    nbase = tid * NPT
    zeros = jnp.zeros((L,), jnp.float32)

    def bc(k):
        return plsc.load_gather(cv, [jnp.full((L,), k, jnp.int32)])

    pltpu.sync_copy(src_h.at[pl.ds(ebase, EPT)], srcv)
    pltpu.sync_copy(dst_h.at[pl.ds(ebase, EPT)], dstv)
    pltpu.sync_copy(x_h, tb2)
    pltpu.sync_copy(c_h, cv)

    idc = lax.iota(jnp.int32, L)

    @pl.loop(0, NPT // L)
    def _(j):
        zbuf[pl.ds(j * L, L)] = zeros

    @pl.loop(0, NP // L)
    def _(j):
        idxv[pl.ds(j * L, L)] = j * L + idc

    sh_accs = [sh_a0, sh_a1, sh_a2, sh_a3]

    def zero_accs(refs):
        @pl.loop(0, NP // L)
        def _(j):
            for r in refs:
                r[pl.ds(j * L, L)] = zeros
        for k in range(len(refs)):
            pltpu.sync_copy(zbuf, sh_accs[k].at[pl.ds(nbase, NPT)])

    def merge_accs(refs):
        plsc.subcore_barrier()
        for k, r in enumerate(refs):
            pltpu.sync_copy(r, sh_accs[k].at[idxv], add=True)
        plsc.subcore_barrier()
        for k in range(len(refs)):
            pltpu.sync_copy(sh_accs[k].at[pl.ds(nbase, NPT)], rng.at[k])

    cs1 = bc(0)
    cd1 = bc(1)
    zero_accs([a0, a1])

    G = 16
    NG = EPT // L
    NI = NG // G
    TG = NG - NI * G

    def l1_groups(g0, ng):
        s = [srcv[pl.ds((g0 + g) * L, L)] for g in range(ng)]
        d = [dstv[pl.ds((g0 + g) * L, L)] for g in range(ng)]
        xs = [plsc.load_gather(tb2, [s[g]]) for g in range(ng)]
        xd = [plsc.load_gather(tb2, [d[g]]) for g in range(ng)]
        w = [jnp.exp(_leaky(cs1 * xs[g] + cd1 * xd[g])) for g in range(ng)]
        for g in range(ng):
            plsc.addupdate_scatter(a0, [d[g]], w[g])
            plsc.addupdate_scatter(a1, [d[g]], w[g] * xs[g])

    @pl.loop(0, NI)
    def _(i):
        l1_groups(i * G, G)
    if TG:
        l1_groups(NI * G, TG)

    merge_accs([a0, a1])

    w10, w11, w12 = bc(2), bc(3), bc(4)
    b10, b11, b12 = bc(5), bc(6), bc(7)

    @pl.loop(0, NPT // L)
    def _(j):
        sl16 = pl.ds(j * L, L)
        xv = tb2[pl.ds(nbase + j * L, L)]
        wv = jnp.exp(_leaky(cs1 * xv + cd1 * xv))
        den = rng[0, sl16] + wv
        s = rng[1, sl16] + wv * xv
        r = s / den
        o0[sl16] = jnp.maximum(w10 * r + b10, 0.0)
        o1[sl16] = jnp.maximum(w11 * r + b11, 0.0)
        o2[sl16] = jnp.maximum(w12 * r + b12, 0.0)

    w2 = [[bc(8 + 3 * i + j) for j in range(3)] for i in range(3)]
    as2 = [bc(17 + j) for j in range(3)]
    ad2 = [bc(20 + j) for j in range(3)]

    @pl.loop(0, NPT // L)
    def _(j):
        sl16 = pl.ds(j * L, L)
        v0, v1, v2 = o0[sl16], o1[sl16], o2[sl16]
        h = [v0 * w2[0][jj] + v1 * w2[1][jj] + v2 * w2[2][jj] for jj in range(3)]
        rng[0, sl16] = h[0] * ad2[0] + h[1] * ad2[1] + h[2] * ad2[2]
        rng[1, sl16] = h[0]
        rng[2, sl16] = h[1]
        rng[3, sl16] = h[2]

    for k in range(4):
        pltpu.sync_copy(rng.at[k], sh_tbl.at[pl.ds(k * NP + nbase, NPT)])
    plsc.subcore_barrier()
    for k, tb in enumerate([tb0, tb1, tb2, tb3]):
        pltpu.sync_copy(sh_tbl.at[pl.ds(k * NP, NP)], tb)

    zero_accs([a0, a1, a2, a3])

    def l2_groups(g0, ng):
        s = [srcv[pl.ds((g0 + g) * L, L)] for g in range(ng)]
        d = [dstv[pl.ds((g0 + g) * L, L)] for g in range(ng)]
        ed = [plsc.load_gather(tb0, [d[g]]) for g in range(ng)]
        h0 = [plsc.load_gather(tb1, [s[g]]) for g in range(ng)]
        h1 = [plsc.load_gather(tb2, [s[g]]) for g in range(ng)]
        h2 = [plsc.load_gather(tb3, [s[g]]) for g in range(ng)]
        es = [h0[g] * as2[0] + h1[g] * as2[1] + h2[g] * as2[2]
              for g in range(ng)]
        w = [jnp.exp(_leaky(es[g] + ed[g])) for g in range(ng)]
        for g in range(ng):
            plsc.addupdate_scatter(a0, [d[g]], w[g])
            plsc.addupdate_scatter(a1, [d[g]], w[g] * h0[g])
            plsc.addupdate_scatter(a2, [d[g]], w[g] * h1[g])
            plsc.addupdate_scatter(a3, [d[g]], w[g] * h2[g])

    @pl.loop(0, NI)
    def _(i):
        l2_groups(i * G, G)
    if TG:
        l2_groups(NI * G, TG)

    merge_accs([a0, a1, a2, a3])

    b20, b21, b22 = bc(23), bc(24), bc(25)

    @pl.loop(0, NPT // L)
    def _(j):
        sl16 = pl.ds(j * L, L)
        own = pl.ds(nbase + j * L, L)
        ed = tb0[own]
        h0, h1, h2 = tb1[own], tb2[own], tb3[own]
        es = h0 * as2[0] + h1 * as2[1] + h2 * as2[2]
        wv = jnp.exp(_leaky(es + ed))
        den = rng[0, sl16] + wv
        o0[sl16] = jnp.maximum((rng[1, sl16] + wv * h0) / den + b20, 0.0)
        o1[sl16] = jnp.maximum((rng[2, sl16] + wv * h1) / den + b21, 0.0)
        o2[sl16] = jnp.maximum((rng[3, sl16] + wv * h2) / den + b22, 0.0)

    w30, w31, w32 = bc(26), bc(27), bc(28)

    @pl.loop(0, NPT // L)
    def _(j):
        sl16 = pl.ds(j * L, L)
        rng[0, sl16] = o0[sl16] * w30 + o1[sl16] * w31 + o2[sl16] * w32

    pltpu.sync_copy(rng.at[0], sh_tbl.at[pl.ds(nbase, NPT)])
    plsc.subcore_barrier()
    pltpu.sync_copy(sh_tbl.at[pl.ds(0, NP)], tb0)

    as3, ad3, b3 = bc(29), bc(30), bc(31)
    zero_accs([a0, a1])

    def l3_groups(g0, ng):
        s = [srcv[pl.ds((g0 + g) * L, L)] for g in range(ng)]
        d = [dstv[pl.ds((g0 + g) * L, L)] for g in range(ng)]
        hs = [plsc.load_gather(tb0, [s[g]]) for g in range(ng)]
        hd = [plsc.load_gather(tb0, [d[g]]) for g in range(ng)]
        w = [jnp.exp(_leaky(as3 * hs[g] + ad3 * hd[g])) for g in range(ng)]
        for g in range(ng):
            plsc.addupdate_scatter(a0, [d[g]], w[g])
            plsc.addupdate_scatter(a1, [d[g]], w[g] * hs[g])

    @pl.loop(0, NI)
    def _(i):
        l3_groups(i * G, G)
    if TG:
        l3_groups(NI * G, TG)

    merge_accs([a0, a1])

    iota = lax.iota(jnp.int32, L)

    @pl.loop(0, NPT // L, init_carry=zeros)
    def partial(j, acc):
        sl16 = pl.ds(j * L, L)
        hv = tb0[pl.ds(nbase + j * L, L)]
        wv = jnp.exp(_leaky(as3 * hv + ad3 * hv))
        den = rng[0, sl16] + wv
        o3 = (rng[1, sl16] + wv * hv) / den + b3
        ids = nbase + j * L + iota
        t = jnp.where(ids < N, jnp.exp(o3), 0.0)
        obuf[sl16] = t
        return acc + t

    pv[...] = partial
    pltpu.sync_copy(pv, sh_part.at[pl.ds(tid * L, L)])
    plsc.subcore_barrier()
    pltpu.sync_copy(sh_part, pbuf)

    tot = zeros
    for sl in range(NT):
        tot = tot + pbuf[pl.ds(sl * L, L)]
    totv = lax.broadcast_in_dim(jnp.sum(tot), (L,), ())
    inv = jnp.full((L,), 1.0, jnp.float32) / totv

    @pl.loop(0, NPT // L)
    def _(j):
        sl16 = pl.ds(j * L, L)
        obuf[sl16] = obuf[sl16] * inv

    pltpu.sync_copy(obuf, out_h.at[pl.ds(nbase, NPT)])


def _gat_sc(src, dst, xp, consts):
    mesh = plsc.VectorSubcoreMesh(core_axis_name="c", subcore_axis_name="s",
                                  num_cores=1)
    f = pl.kernel(
        _body,
        out_type=jax.ShapeDtypeStruct((NP,), jnp.float32),
        mesh=mesh,
        compiler_params=pltpu.CompilerParams(needs_layout_passes=False),
        scratch_types=[
            pltpu.VMEM((EPT,), jnp.int32),
            pltpu.VMEM((EPT,), jnp.int32),
            pltpu.VMEM((NP,), jnp.float32),
            pltpu.VMEM((NP,), jnp.float32),
            pltpu.VMEM((NP,), jnp.float32),
            pltpu.VMEM((NP,), jnp.float32),
            pltpu.VMEM((NP,), jnp.float32),
            pltpu.VMEM((NP,), jnp.float32),
            pltpu.VMEM((NP,), jnp.float32),
            pltpu.VMEM((NP,), jnp.float32),
            pltpu.VMEM((NPT,), jnp.float32),
            pltpu.VMEM((NPT,), jnp.float32),
            pltpu.VMEM((NPT,), jnp.float32),
            pltpu.VMEM((8, NPT), jnp.float32),
            pltpu.VMEM((NPT,), jnp.float32),
            pltpu.VMEM((NPT,), jnp.float32),
            pltpu.VMEM((NP,), jnp.int32),
            pltpu.VMEM((L,), jnp.float32),
            pltpu.VMEM((NT * L,), jnp.float32),
            pltpu.VMEM((32,), jnp.float32),
            pltpu.VMEM_SHARED((NP,), jnp.float32),
            pltpu.VMEM_SHARED((NP,), jnp.float32),
            pltpu.VMEM_SHARED((NP,), jnp.float32),
            pltpu.VMEM_SHARED((NP,), jnp.float32),
            pltpu.VMEM_SHARED((4 * NP,), jnp.float32),
            pltpu.VMEM_SHARED((NT * L,), jnp.float32),
            pltpu.SemaphoreType.DMA,
        ],
    )
    return f(src, dst, xp, consts)


def kernel(x, edge_index, W1, att_src1, att_dst1, b1, W2, att_src2, att_dst2,
           b2, W3, att_src3, att_dst3, b3, phi1, phi2):
    xs = x[:, 0]
    xp = jnp.concatenate([xs, jnp.zeros((NP - N,), jnp.float32)])
    src = edge_index[0]
    dst = edge_index[1]
    consts = jnp.concatenate([
        (W1[0] @ att_src1)[None], (W1[0] @ att_dst1)[None],
        W1[0], b1,
        W2.reshape(-1),
        att_src2, att_dst2, b2,
        W3[:, 0], att_src3, att_dst3, b3,
    ]).astype(jnp.float32)
    out_pad = _gat_sc(src, dst, xp, consts)
    return out_pad[:N, None]

# --- scband reference (transcript-rebuilt; emitter-appended) ---
"""Pipeline reference for scband-model-78305843740791 (READ-ONLY COPY).

The authoritative reference and input builder live on the scoring server;
editing this copy changes nothing except your own understanding.
"""

import jax, jax.numpy as jnp
import numpy as np

HIDDEN_DIM = 128
N_NODES = 10000
N_EDGES = 160000


def _randn(key, i, shape, scale=0.1):
    return scale * jax.random.normal(jax.random.fold_in(key, i), shape, dtype=jnp.float32)


def setup_inputs(seed: int = 0):
    key = jax.random.key(seed)
    inp = {}
    inp['x'] = jax.random.normal(jax.random.fold_in(key, 0), (N_NODES, 1), dtype=jnp.float32)
    inp['edge_index'] = jax.random.randint(jax.random.fold_in(key, 1), (2, N_EDGES), 0, N_NODES, dtype=jnp.int32)
    dims = [(1, 3), (3, 3), (3, 1)]
    for li, (fi, fo) in enumerate(dims, start=1):
        inp['W%d' % li] = _randn(key, 10 + li, (fi, fo))
        inp['att_src%d' % li] = _randn(key, 20 + li, (fo,))
        inp['att_dst%d' % li] = _randn(key, 30 + li, (fo,))
        inp['b%d' % li] = jnp.zeros((fo,), dtype=jnp.float32)
    inp['phi1'] = jax.random.normal(jax.random.fold_in(key, 41), (HIDDEN_DIM, 1), dtype=jnp.float32)
    inp['phi2'] = jax.random.normal(jax.random.fold_in(key, 42), (HIDDEN_DIM, 1), dtype=jnp.float32)
    return inp


def _gat_conv(x, src, dst, W, a_src, a_dst, b):
    # PyG GATConv, heads=1, negative_slope=0.2, bias, self-loops added by caller
    N = x.shape[0]
    h = x @ W
    e = (h * a_src).sum(-1)[src] + (h * a_dst).sum(-1)[dst]
    e = jnp.where(e >= 0, e, 0.2 * e)
    m = jax.lax.stop_gradient(jax.ops.segment_max(e, dst, num_segments=N))
    ex = jnp.exp(e - m[dst])
    s = jax.ops.segment_sum(ex, dst, num_segments=N)
    alpha = ex / s[dst]
    return jax.ops.segment_sum(alpha[:, None] * h[src], dst, num_segments=N) + b


def _gat_forward(x, edge_index, params):
    (W1, as1, ad1, b1, W2, as2, ad2, b2, W3, as3, ad3, b3) = params
    N = x.shape[0]
    loops = jnp.arange(N, dtype=edge_index.dtype)
    src = jnp.concatenate([edge_index[0], loops])
    dst = jnp.concatenate([edge_index[1], loops])
    h = jax.nn.relu(_gat_conv(x, src, dst, W1, as1, ad1, b1))
    h = jax.nn.relu(_gat_conv(h, src, dst, W2, as2, ad2, b2))
    h = _gat_conv(h, src, dst, W3, as3, ad3, b3)
    return jax.nn.softmax(h, axis=0)


def _decoder_loop(out, edge_index, phi1, phi2):
    # Faithful to Model.decoderFunc; runs n_nodes iterations; result is discarded
    # by the original forward (it only mutates starting_node, never x).
    x = out
    src = edge_index[0]
    dst = edge_index[1]
    # (phi1 @ x[start]).T @ (phi2 @ x[dest].T) with x of width 1 equals
    # (phi1.T @ phi2) * x[start] * x[dest], a scalar per candidate edge.
    c = (phi1.T @ phi2)[0, 0]
    start = jnp.argmax(x, axis=0)  # shape [1]
    n = x.shape[0]
    neg_inf = jnp.float32(-jnp.inf)

    def body(_, carry):
        start, done = carry
        mask = src == start[0]
        has_edge = jnp.any(mask)
        a = c * x[start[0], 0] * x[dst, 0]
        a = a / np.sqrt(float(HIDDEN_DIM))
        a = jnp.tanh(a)
        a = jnp.where(mask, a, neg_inf)
        a = a - jnp.max(a)
        e = jnp.exp(a)
        prob = e / jnp.sum(e)
        new_start = dst[jnp.argmax(prob)][None]
        done_next = done | ~has_edge
        start = jnp.where(done_next, start, new_start)
        return (start, done_next)

    start, _ = jax.lax.fori_loop(0, n, body, (start, jnp.array(False)))
    return start


def reference(x, edge_index, W1, att_src1, att_dst1, b1, W2, att_src2, att_dst2, b2, W3, att_src3, att_dst3, b3, phi1, phi2):
    params = (W1, att_src1, att_dst1, b1, W2, att_src2, att_dst2, b2, W3, att_src3, att_dst3, b3)
    out = _gat_forward(x, edge_index, params)
    _decoder_loop(out, edge_index, phi1, phi2)
    return out

if __name__ == "__main__":
    import jax
    _d = setup_inputs()
    print(jax.jit(kernel)(*tuple(_d.values())))

</pallas_src>

<mosaic_0001>
#map = affine_map<(d0, d1) -> (0)>
module attributes {stable_mosaic.version = 14 : i64} {
  func.func @_body(%arg0: i32, %arg1: i32, %arg2: memref<160000xi32, #tpu.memory_space<hbm>>, %arg3: memref<160000xi32, #tpu.memory_space<hbm>>, %arg4: memref<10240xf32, #tpu.memory_space<hbm>>, %arg5: memref<32xf32, #tpu.memory_space<hbm>>, %arg6: memref<10240xf32, #tpu.memory_space<hbm>>, %arg7: memref<10000xi32, #tpu.memory_space<vmem>>, %arg8: memref<10000xi32, #tpu.memory_space<vmem>>, %arg9: memref<10240xf32, #tpu.memory_space<vmem>>, %arg10: memref<10240xf32, #tpu.memory_space<vmem>>, %arg11: memref<10240xf32, #tpu.memory_space<vmem>>, %arg12: memref<10240xf32, #tpu.memory_space<vmem>>, %arg13: memref<10240xf32, #tpu.memory_space<vmem>>, %arg14: memref<10240xf32, #tpu.memory_space<vmem>>, %arg15: memref<10240xf32, #tpu.memory_space<vmem>>, %arg16: memref<10240xf32, #tpu.memory_space<vmem>>, %arg17: memref<640xf32, #tpu.memory_space<vmem>>, %arg18: memref<640xf32, #tpu.memory_space<vmem>>, %arg19: memref<640xf32, #tpu.memory_space<vmem>>, %arg20: memref<8x640xf32, #tpu.memory_space<vmem>>, %arg21: memref<640xf32, #tpu.memory_space<vmem>>, %arg22: memref<640xf32, #tpu.memory_space<vmem>>, %arg23: memref<10240xi32, #tpu.memory_space<vmem>>, %arg24: memref<16xf32, #tpu.memory_space<vmem>>, %arg25: memref<256xf32, #tpu.memory_space<vmem>>, %arg26: memref<32xf32, #tpu.memory_space<vmem>>, %arg27: memref<10240xf32, #tpu.memory_space<vmem_shared>>, %arg28: memref<10240xf32, #tpu.memory_space<vmem_shared>>, %arg29: memref<10240xf32, #tpu.memory_space<vmem_shared>>, %arg30: memref<10240xf32, #tpu.memory_space<vmem_shared>>, %arg31: memref<40960xf32, #tpu.memory_space<vmem_shared>>, %arg32: memref<256xf32, #tpu.memory_space<vmem_shared>>, %arg33: memref<!tpu.dma_semaphore, #tpu.memory_space<semaphore_mem>>) attributes {dimension_semantics = [#tpu.dimension_semantics<core_parallel>, #tpu.dimension_semantics<subcore_parallel>], iteration_bounds = array<i64: 1, 16>, scalar_prefetch = 0 : i64, scratch_operands = 27 : i64, tpu.core_type = #tpu.core_type<sc_vector_subcore>, window_params = [{transform_indices = #map}, {transform_indices = #map}, {transform_indices = #map}, {transform_indices = #map}, {transform_indices = #map}]} {
    %mul3A = arith.constant 10000 : i32
    %mul3A_0 = arith.muli %arg1, %mul3A : i32
    %mul3A_1 = arith.constant 640 : i32
    %mul3A_2 = arith.muli %arg1, %mul3A_1 : i32
    %broadcast_in_dim3A = arith.constant 0.000000e+00 : f32
    %broadcast_in_dim3A_3 = vector.broadcast %broadcast_in_dim3A : f32 to vector<16xf32>
    "tpu.region"() ({
      %run_scoped3A_320 = tpu.sem_alloc : memref<!tpu.dma_semaphore, #tpu.memory_space<semaphore_mem>>
      %dma_start3A = tpu.memref_slice %arg2[%mul3A_0] : memref<160000xi32, #tpu.memory_space<hbm>> -> memref<10000xi32, #tpu.memory_space<hbm>>
      %dma_start3A_321 = tpu.memref_slice %arg2[%mul3A_0] : memref<160000xi32, #tpu.memory_space<hbm>> -> memref<10000xi32, #tpu.memory_space<hbm>>
      tpu.enqueue_dma source(%dma_start3A_321 : memref<10000xi32, #tpu.memory_space<hbm>>) target(%arg7 : memref<10000xi32, #tpu.memory_space<vmem>>) target_semaphore(%run_scoped3A_320 : memref<!tpu.dma_semaphore, #tpu.memory_space<semaphore_mem>>)
      %dma_wait3A = tpu.memref_slice %arg2[%mul3A_0] : memref<160000xi32, #tpu.memory_space<hbm>> -> memref<10000xi32, #tpu.memory_space<hbm>>
      %dma_wait3A_322 = tpu.memref_slice %arg2[%mul3A_0] : memref<160000xi32, #tpu.memory_space<hbm>> -> memref<10000xi32, #tpu.memory_space<hbm>>
      tpu.wait_dma2 semaphore(%run_scoped3A_320 : memref<!tpu.dma_semaphore, #tpu.memory_space<semaphore_mem>>) src(%dma_wait3A_322 : memref<10000xi32, #tpu.memory_space<hbm>>) dst(%arg7 : memref<10000xi32, #tpu.memory_space<vmem>>)
      tpu.yield
    }) : () -> ()
    "tpu.region"() ({
      %run_scoped3A_320 = tpu.sem_alloc : memref<!tpu.dma_semaphore, #tpu.memory_space<semaphore_mem>>
      %dma_start3A = tpu.memref_slice %arg3[%mul3A_0] : memref<160000xi32, #tpu.memory_space<hbm>> -> memref<10000xi32, #tpu.memory_space<hbm>>
      %dma_start3A_321 = tpu.memref_slice %arg3[%mul3A_0] : memref<160000xi32, #tpu.memory_space<hbm>> -> memref<10000xi32, #tpu.memory_space<hbm>>
      tpu.enqueue_dma source(%dma_start3A_321 : memref<10000xi32, #tpu.memory_space<hbm>>) target(%arg8 : memref<10000xi32, #tpu.memory_space<vmem>>) target_semaphore(%run_scoped3A_320 : memref<!tpu.dma_semaphore, #tpu.memory_space<semaphore_mem>>)
      %dma_wait3A = tpu.memref_slice %arg3[%mul3A_0] : memref<160000xi32, #tpu.memory_space<hbm>> -> memref<10000xi32, #tpu.memory_space<hbm>>
      %dma_wait3A_322 = tpu.memref_slice %arg3[%mul3A_0] : memref<160000xi32, #tpu.memory_space<hbm>> -> memref<10000xi32, #tpu.memory_space<hbm>>
      tpu.wait_dma2 semaphore(%run_scoped3A_320 : memref<!tpu.dma_semaphore, #tpu.memory_space<semaphore_mem>>) src(%dma_wait3A_322 : memref<10000xi32, #tpu.memory_space<hbm>>) dst(%arg8 : memref<10000xi32, #tpu.memory_space<vmem>>)
      tpu.yield
    }) : () -> ()
    "tpu.region"() ({
      %run_scoped3A_320 = tpu.sem_alloc : memref<!tpu.dma_semaphore, #tpu.memory_space<semaphore_mem>>
      tpu.enqueue_dma source(%arg4 : memref<10240xf32, #tpu.memory_space<hbm>>) target(%arg11 : memref<10240xf32, #tpu.memory_space<vmem>>) target_semaphore(%run_scoped3A_320 : memref<!tpu.dma_semaphore, #tpu.memory_space<semaphore_mem>>)
      tpu.wait_dma2 semaphore(%run_scoped3A_320 : memref<!tpu.dma_semaphore, #tpu.memory_space<semaphore_mem>>) src(%arg4 : memref<10240xf32, #tpu.memory_space<hbm>>) dst(%arg11 : memref<10240xf32, #tpu.memory_space<vmem>>)
      tpu.yield
    }) : () -> ()
    "tpu.region"() ({
      %run_scoped3A_320 = tpu.sem_alloc : memref<!tpu.dma_semaphore, #tpu.memory_space<semaphore_mem>>
      tpu.enqueue_dma source(%arg5 : memref<32xf32, #tpu.memory_space<hbm>>) target(%arg26 : memref<32xf32, #tpu.memory_space<vmem>>) target_semaphore(%run_scoped3A_320 : memref<!tpu.dma_semaphore, #tpu.memory_space<semaphore_mem>>)
      tpu.wait_dma2 semaphore(%run_scoped3A_320 : memref<!tpu.dma_semaphore, #tpu.memory_space<semaphore_mem>>) src(%arg5 : memref<32xf32, #tpu.memory_space<hbm>>) dst(%arg26 : memref<32xf32, #tpu.memory_space<vmem>>)
      tpu.yield
    }) : () -> ()
    %iota3A = tpu.iota {dimensions = array<i32: 0>} : vector<16xi32>
    %scan3A = arith.constant 0 : i32
    %scan3A_4 = arith.constant 40 : i32
    %scan3A_5 = arith.addi %scan3A, %scan3A_4 : i32
    %scan3A_6 = arith.constant 1 : i32
    scf.for %scan3A_320 = %scan3A to %scan3A_5 step %scan3A_6  : i32 {
      %mul3A_321 = arith.constant 1 : i32
      %mul3A_322 = arith.muli %scan3A_320, %mul3A_321 : i32
      %add3A_323 = arith.constant 0 : i32
      %add3A_324 = arith.addi %add3A_323, %mul3A_322 : i32
      %mul3A_325 = arith.constant 16 : i32
      %mul3A_326 = arith.muli %add3A_324, %mul3A_325 : i32
      %swap3A_327 = arith.index_cast %mul3A_326 : i32 to index
      %swap3A_328 = tpu.vector_load %arg22[%swap3A_327] {strides = array<i32>} : memref<640xf32, #tpu.memory_space<vmem>>, vector<16xf32>,
      tpu.vector_store %arg22[%swap3A_327], %broadcast_in_dim3A_3 {strides = array<i32>} : memref<640xf32, #tpu.memory_space<vmem>>, vector<16xf32>,
    }
    %scan3A_7 = arith.constant 40 : i32
    %scan3A_8 = arith.constant 0 : i32
    %scan3A_9 = arith.constant 640 : i32
    %scan3A_10 = arith.addi %scan3A_8, %scan3A_9 : i32
    %scan3A_11 = arith.constant 1 : i32
    scf.for %scan3A_320 = %scan3A_8 to %scan3A_10 step %scan3A_11  : i32 {
      %mul3A_321 = arith.constant 1 : i32
      %mul3A_322 = arith.muli %scan3A_320, %mul3A_321 : i32
      %add3A_323 = arith.constant 0 : i32
      %add3A_324 = arith.addi %add3A_323, %mul3A_322 : i32
      %mul3A_325 = arith.constant 16 : i32
      %mul3A_326 = arith.muli %add3A_324, %mul3A_325 : i32
      %add3A_327 = vector.broadcast %mul3A_326 : i32 to vector<16xi32>
      %add3A_328 = arith.addi %add3A_327, %iota3A : vector<16xi32>
      %mul3A_329 = arith.constant 16 : i32
      %mul3A_330 = arith.muli %add3A_324, %mul3A_329 : i32
      %swap3A_331 = arith.index_cast %mul3A_330 : i32 to index
      %swap3A_332 = tpu.vector_load %arg23[%swap3A_331] {strides = array<i32>} : memref<10240xi32, #tpu.memory_space<vmem>>, vector<16xi32>,
      tpu.vector_store %arg23[%swap3A_331], %add3A_328 {strides = array<i32>} : memref<10240xi32, #tpu.memory_space<vmem>>, vector<16xi32>,
    }
    %scan3A_12 = arith.constant 640 : i32
    %broadcast_in_dim3A_13 = arith.constant 0 : i32
    %broadcast_in_dim3A_14 = vector.broadcast %broadcast_in_dim3A_13 : i32 to vector<16xi32>
    %gather3A = tpu.vector_load_idx %arg26[%broadcast_in_dim3A_14] : memref<32xf32, #tpu.memory_space<vmem>>[vector<16xi32>], vector<16xf32>,
    %broadcast_in_dim3A_15 = arith.constant 1 : i32
    %broadcast_in_dim3A_16 = vector.broadcast %broadcast_in_dim3A_15 : i32 to vector<16xi32>
    %gather3A_17 = tpu.vector_load_idx %arg26[%broadcast_in_dim3A_16] : memref<32xf32, #tpu.memory_space<vmem>>[vector<16xi32>], vector<16xf32>,
    %scan3A_18 = arith.constant 0 : i32
    %scan3A_19 = arith.constant 640 : i32
    %scan3A_20 = arith.addi %scan3A_18, %scan3A_19 : i32
    %scan3A_21 = arith.constant 1 : i32
    scf.for %scan3A_320 = %scan3A_18 to %scan3A_20 step %scan3A_21  : i32 {
      %mul3A_321 = arith.constant 1 : i32
      %mul3A_322 = arith.muli %scan3A_320, %mul3A_321 : i32
      %add3A_323 = arith.constant 0 : i32
      %add3A_324 = arith.addi %add3A_323, %mul3A_322 : i32
      %mul3A_325 = arith.constant 16 : i32
      %mul3A_326 = arith.muli %add3A_324, %mul3A_325 : i32
      %swap3A_327 = arith.index_cast %mul3A_326 : i32 to index
      %swap3A_328 = tpu.vector_load %arg13[%swap3A_327] {strides = array<i32>} : memref<10240xf32, #tpu.memory_space<vmem>>, vector<16xf32>,
      tpu.vector_store %arg13[%swap3A_327], %broadcast_in_dim3A_3 {strides = array<i32>} : memref<10240xf32, #tpu.memory_space<vmem>>, vector<16xf32>,
      %mul3A_329 = arith.constant 16 : i32
      %mul3A_330 = arith.muli %add3A_324, %mul3A_329 : i32
      %swap3A_331 = arith.index_cast %mul3A_330 : i32 to index
      %swap3A_332 = tpu.vector_load %arg14[%swap3A_331] {strides = array<i32>} : memref<10240xf32, #tpu.memory_space<vmem>>, vector<16xf32>,
      tpu.vector_store %arg14[%swap3A_331], %broadcast_in_dim3A_3 {strides = array<i32>} : memref<10240xf32, #tpu.memory_space<vmem>>, vector<16xf32>,
    }
    %scan3A_22 = arith.constant 640 : i32
    "tpu.region"() ({
      %run_scoped3A_320 = tpu.sem_alloc : memref<!tpu.dma_semaphore, #tpu.memory_space<semaphore_mem>>
      %dma_start3A = tpu.memref_slice %arg27[%mul3A_2] : memref<10240xf32, #tpu.memory_space<vmem_shared>> -> memref<640xf32, #tpu.memory_space<vmem_shared>>
      %dma_start3A_321 = tpu.memref_slice %arg27[%mul3A_2] : memref<10240xf32, #tpu.memory_space<vmem_shared>> -> memref<640xf32, #tpu.memory_space<vmem_shared>>
      tpu.enqueue_dma source(%arg22 : memref<640xf32, #tpu.memory_space<vmem>>) target(%dma_start3A_321 : memref<640xf32, #tpu.memory_space<vmem_shared>>) target_semaphore(%run_scoped3A_320 : memref<!tpu.dma_semaphore, #tpu.memory_space<semaphore_mem>>)
      %dma_wait3A = tpu.memref_slice %arg27[%mul3A_2] : memref<10240xf32, #tpu.memory_space<vmem_shared>> -> memref<640xf32, #tpu.memory_space<vmem_shared>>
      %dma_wait3A_322 = tpu.memref_slice %arg27[%mul3A_2] : memref<10240xf32, #tpu.memory_space<vmem_shared>> -> memref<640xf32, #tpu.memory_space<vmem_shared>>
      tpu.wait_dma2 semaphore(%run_scoped3A_320 : memref<!tpu.dma_semaphore, #tpu.memory_space<semaphore_mem>>) src(%arg22 : memref<640xf32, #tpu.memory_space<vmem>>) dst(%dma_wait3A_322 : memref<640xf32, #tpu.memory_space<vmem_shared>>)
      tpu.yield
    }) : () -> ()
    "tpu.region"() ({
      %run_scoped3A_320 = tpu.sem_alloc : memref<!tpu.dma_semaphore, #tpu.memory_space<semaphore_mem>>
      %dma_start3A = tpu.memref_slice %arg28[%mul3A_2] : memref<10240xf32, #tpu.memory_space<vmem_shared>> -> memref<640xf32, #tpu.memory_space<vmem_shared>>
      %dma_start3A_321 = tpu.memref_slice %arg28[%mul3A_2] : memref<10240xf32, #tpu.memory_space<vmem_shared>> -> memref<640xf32, #tpu.memory_space<vmem_shared>>
      tpu.enqueue_dma source(%arg22 : memref<640xf32, #tpu.memory_space<vmem>>) target(%dma_start3A_321 : memref<640xf32, #tpu.memory_space<vmem_shared>>) target_semaphore(%run_scoped3A_320 : memref<!tpu.dma_semaphore, #tpu.memory_space<semaphore_mem>>)
      %dma_wait3A = tpu.memref_slice %arg28[%mul3A_2] : memref<10240xf32, #tpu.memory_space<vmem_shared>> -> memref<640xf32, #tpu.memory_space<vmem_shared>>
      %dma_wait3A_322 = tpu.memref_slice %arg28[%mul3A_2] : memref<10240xf32, #tpu.memory_space<vmem_shared>> -> memref<640xf32, #tpu.memory_space<vmem_shared>>
      tpu.wait_dma2 semaphore(%run_scoped3A_320 : memref<!tpu.dma_semaphore, #tpu.memory_space<semaphore_mem>>) src(%arg22 : memref<640xf32, #tpu.memory_space<vmem>>) dst(%dma_wait3A_322 : memref<640xf32, #tpu.memory_space<vmem_shared>>)
      tpu.yield
    }) : () -> ()
    %scan3A_23 = arith.constant 0 : i32
    %scan3A_24 = arith.constant 39 : i32
    %scan3A_25 = arith.addi %scan3A_23, %scan3A_24 : i32
    %scan3A_26 = arith.constant 1 : i32
    scf.for %scan3A_320 = %scan3A_23 to %scan3A_25 step %scan3A_26  : i32 {
      %mul3A_321 = arith.constant 1 : i32
      %mul3A_322 = arith.muli %scan3A_320, %mul3A_321 : i32
      %add3A_323 = arith.constant 0 : i32
      %add3A_324 = arith.addi %add3A_323, %mul3A_322 : i32
      %mul3A_325 = arith.constant 16 : i32
      %mul3A_326 = arith.muli %add3A_324, %mul3A_325 : i32
      %add3A_327 = arith.constant 0 : i32
      %add3A_328 = arith.addi %mul3A_326, %add3A_327 : i32
      %mul3A_329 = arith.constant 16 : i32
      %mul3A_330 = arith.muli %add3A_328, %mul3A_329 : i32
      %get3A_331 = arith.index_cast %mul3A_330 : i32 to index
      %get3A_332 = tpu.vector_load %arg7[%get3A_331] {strides = array<i32>} : memref<10000xi32, #tpu.memory_space<vmem>>, vector<16xi32>,
      %add3A_333 = arith.constant 1 : i32
      %add3A_334 = arith.addi %mul3A_326, %add3A_333 : i32
      %mul3A_335 = arith.constant 16 : i32
      %mul3A_336 = arith.muli %add3A_334, %mul3A_335 : i32
      %get3A_337 = arith.index_cast %mul3A_336 : i32 to index
      %get3A_338 = tpu.vector_load %arg7[%get3A_337] {strides = array<i32>} : memref<10000xi32, #tpu.memory_space<vmem>>, vector<16xi32>,
      %add3A_339 = arith.constant 2 : i32
      %add3A_340 = arith.addi %mul3A_326, %add3A_339 : i32
      %mul3A_341 = arith.constant 16 : i32
      %mul3A_342 = arith.muli %add3A_340, %mul3A_341 : i32
      %get3A_343 = arith.index_cast %mul3A_342 : i32 to index
      %get3A_344 = tpu.vector_load %arg7[%get3A_343] {strides = array<i32>} : memref<10000xi32, #tpu.memory_space<vmem>>, vector<16xi32>,
      %add3A_345 = arith.constant 3 : i32
      %add3A_346 = arith.addi %mul3A_326, %add3A_345 : i32
      %mul3A_347 = arith.constant 16 : i32
      %mul3A_348 = arith.muli %add3A_346, %mul3A_347 : i32
      %get3A_349 = arith.index_cast %mul3A_348 : i32 to index
      %get3A_350 = tpu.vector_load %arg7[%get3A_349] {strides = array<i32>} : memref<10000xi32, #tpu.memory_space<vmem>>, vector<16xi32>,
      %add3A_351 = arith.constant 4 : i32
      %add3A_352 = arith.addi %mul3A_326, %add3A_351 : i32
      %mul3A_353 = arith.constant 16 : i32
      %mul3A_354 = arith.muli %add3A_352, %mul3A_353 : i32
      %get3A_355 = arith.index_cast %mul3A_354 : i32 to index
      %get3A_356 = tpu.vector_load %arg7[%get3A_355] {strides = array<i32>} : memref<10000xi32, #tpu.memory_space<vmem>>, vector<16xi32>,
      %add3A_357 = arith.constant 5 : i32
      %add3A_358 = arith.addi %mul3A_326, %add3A_357 : i32
      %mul3A_359 = arith.constant 16 : i32
      %mul3A_360 = arith.muli %add3A_358, %mul3A_359 : i32
      %get3A_361 = arith.index_cast %mul3A_360 : i32 to index
      %get3A_362 = tpu.vector_load %arg7[%get3A_361] {strides = array<i32>} : memref<10000xi32, #tpu.memory_space<vmem>>, vector<16xi32>,
      %add3A_363 = arith.constant 6 : i32
      %add3A_364 = arith.addi %mul3A_326, %add3A_363 : i32
      %mul3A_365 = arith.constant 16 : i32
      %mul3A_366 = arith.muli %add3A_364, %mul3A_365 : i32
      %get3A_367 = arith.index_cast %mul3A_366 : i32 to index
      %get3A_368 = tpu.vector_load %arg7[%get3A_367] {strides = array<i32>} : memref<10000xi32, #tpu.memory_space<vmem>>, vector<16xi32>,
      %add3A_369 = arith.constant 7 : i32
      %add3A_370 = arith.addi %mul3A_326, %add3A_369 : i32
      %mul3A_371 = arith.constant 16 : i32
      %mul3A_372 = arith.muli %add3A_370, %mul3A_371 : i32
      %get3A_373 = arith.index_cast %mul3A_372 : i32 to index
      %get3A_374 = tpu.vector_load %arg7[%get3A_373] {strides = array<i32>} : memref<10000xi32, #tpu.memory_space<vmem>>, vector<16xi32>,
      %add3A_375 = arith.constant 8 : i32
      %add3A_376 = arith.addi %mul3A_326, %add3A_375 : i32
      %mul3A_377 = arith.constant 16 : i32
      %mul3A_378 = arith.muli %add3A_376, %mul3A_377 : i32
      %get3A_379 = arith.index_cast %mul3A_378 : i32 to index
      %get3A_380 = tpu.vector_load %arg7[%get3A_379] {strides = array<i32>} : memref<10000xi32, #tpu.memory_space<vmem>>, vector<16xi32>,
      %add3A_381 = arith.constant 9 : i32
      %add3A_382 = arith.addi %mul3A_326, %add3A_381 : i32
      %mul3A_383 = arith.constant 16 : i32
      %mul3A_384 = arith.muli %add3A_382, %mul3A_383 : i32
      %get3A_385 = arith.index_cast %mul3A_384 : i32 to index
      %get3A_386 = tpu.vector_load %arg7[%get3A_385] {strides = array<i32>} : memref<10000xi32, #tpu.memory_space<vmem>>, vector<16xi32>,
      %add3A_387 = arith.constant 10 : i32
      %add3A_388 = arith.addi %mul3A_326, %add3A_387 : i32
      %mul3A_389 = arith.constant 16 : i32
      %mul3A_390 = arith.muli %add3A_388, %mul3A_389 : i32
      %get3A_391 = arith.index_cast %mul3A_390 : i32 to index
      %get3A_392 = tpu.vector_load %arg7[%get3A_391] {strides = array<i32>} : memref<10000xi32, #tpu.memory_space<vmem>>, vector<16xi32>,
      %add3A_393 = arith.constant 11 : i32
      %add3A_394 = arith.addi %mul3A_326, %add3A_393 : i32
      %mul3A_395 = arith.constant 16 : i32
      %mul3A_396 = arith.muli %add3A_394, %mul3A_395 : i32
      %get3A_397 = arith.index_cast %mul3A_396 : i32 to index
      %get3A_398 = tpu.vector_load %arg7[%get3A_397] {strides = array<i32>} : memref<10000xi32, #tpu.memory_space<vmem>>, vector<16xi32>,
      %add3A_399 = arith.constant 12 : i32
      %add3A_400 = arith.addi %mul3A_326, %add3A_399 : i32
      %mul3A_401 = arith.constant 16 : i32
      %mul3A_402 = arith.muli %add3A_400, %mul3A_401 : i32
      %get3A_403 = arith.index_cast %mul3A_402 : i32 to index
      %get3A_404 = tpu.vector_load %arg7[%get3A_403] {strides = array<i32>} : memref<10000xi32, #tpu.memory_space<vmem>>, vector<16xi32>,
      %add3A_405 = arith.constant 13 : i32
      %add3A_406 = arith.addi %mul3A_326, %add3A_405 : i32
      %mul3A_407 = arith.constant 16 : i32
      %mul3A_408 = arith.muli %add3A_406, %mul3A_407 : i32
      %get3A_409 = arith.index_cast %mul3A_408 : i32 to index
      %get3A_410 = tpu.vector_load %arg7[%get3A_409] {strides = array<i32>} : memref<10000xi32, #tpu.memory_space<vmem>>, vector<16xi32>,
      %add3A_411 = arith.constant 14 : i32
      %add3A_412 = arith.addi %mul3A_326, %add3A_411 : i32
      %mul3A_413 = arith.constant 16 : i32
      %mul3A_414 = arith.muli %add3A_412, %mul3A_413 : i32
      %get3A_415 = arith.index_cast %mul3A_414 : i32 to index
      %get3A_416 = tpu.vector_load %arg7[%get3A_415] {strides = array<i32>} : memref<10000xi32, #tpu.memory_space<vmem>>, vector<16xi32>,
      %add3A_417 = arith.constant 15 : i32
      %add3A_418 = arith.addi %mul3A_326, %add3A_417 : i32
      %mul3A_419 = arith.constant 16 : i32
      %mul3A_420 = arith.muli %add3A_418, %mul3A_419 : i32
      %get3A_421 = arith.index_cast %mul3A_420 : i32 to index
      %get3A_422 = tpu.vector_load %arg7[%get3A_421] {strides = array<i32>} : memref<10000xi32, #tpu.memory_space<vmem>>, vector<16xi32>,
      %add3A_423 = arith.constant 0 : i32
      %add3A_424 = arith.addi %mul3A_326, %add3A_423 : i32
      %mul3A_425 = arith.constant 16 : i32
      %mul3A_426 = arith.muli %add3A_424, %mul3A_425 : i32
      %get3A_427 = arith.index_cast %mul3A_426 : i32 to index
      %get3A_428 = tpu.vector_load %arg8[%get3A_427] {strides = array<i32>} : memref<10000xi32, #tpu.memory_space<vmem>>, vector<16xi32>,
      %add3A_429 = arith.constant 1 : i32
      %add3A_430 = arith.addi %mul3A_326, %add3A_429 : i32
      %mul3A_431 = arith.constant 16 : i32
      %mul3A_432 = arith.muli %add3A_430, %mul3A_431 : i32
      %get3A_433 = arith.index_cast %mul3A_432 : i32 to index
      %get3A_434 = tpu.vector_load %arg8[%get3A_433] {strides = array<i32>} : memref<10000xi32, #tpu.memory_space<vmem>>, vector<16xi32>,
      %add3A_435 = arith.constant 2 : i32
      %add3A_436 = arith.addi %mul3A_326, %add3A_435 : i32
      %mul3A_437 = arith.constant 16 : i32
      %mul3A_438 = arith.muli %add3A_436, %mul3A_437 : i32
      %get3A_439 = arith.index_cast %mul3A_438 : i32 to index
      %get3A_440 = tpu.vector_load %arg8[%get3A_439] {strides = array<i32>} : memref<10000xi32, #tpu.memory_space<vmem>>, vector<16xi32>,
      %add3A_441 = arith.constant 3 : i32
      %add3A_442 = arith.addi %mul3A_326, %add3A_441 : i32
      %mul3A_443 = arith.constant 16 : i32
      %mul3A_444 = arith.muli %add3A_442, %mul3A_443 : i32
      %get3A_445 = arith.index_cast %mul3A_444 : i32 to index
      %get3A_446 = tpu.vector_load %arg8[%get3A_445] {strides = array<i32>} : memref<10000xi32, #tpu.memory_space<vmem>>, vector<16xi32>,
      %add3A_447 = arith.constant 4 : i32
      %add3A_448 = arith.addi %mul3A_326, %add3A_447 : i32
      %mul3A_449 = arith.constant 16 : i32
      %mul3A_450 = arith.muli %add3A_448, %mul3A_449 : i32
      %get3A_451 = arith.index_cast %mul3A_450 : i32 to index
      %get3A_452 = tpu.vector_load %arg8[%get3A_451] {strides = array<i32>} : memref<10000xi32, #tpu.memory_space<vmem>>, vector<16xi32>,
      %add3A_453 = arith.constant 5 : i32
      %add3A_454 = arith.addi %mul3A_326, %add3A_453 : i32
      %mul3A_455 = arith.constant 16 : i32
      %mul3A_456 = arith.muli %add3A_454, %mul3A_455 : i32
      %get3A_457 = arith.index_cast %mul3A_456 : i32 to index
      %get3A_458 = tpu.vector_load %arg8[%get3A_457] {strides = array<i32>} : memref<10000xi32, #tpu.memory_space<vmem>>, vector<16xi32>,
      %add3A_459 = arith.constant 6 : i32
      %add3A_460 = arith.addi %mul3A_326, %add3A_459 : i32
      %mul3A_461 = arith.constant 16 : i32
      %mul3A_462 = arith.muli %add3A_460, %mul3A_461 : i32
      %get3A_463 = arith.index_cast %mul3A_462 : i32 to index
      %get3A_464 = tpu.vector_load %arg8[%get3A_463] {strides = array<i32>} : memref<10000xi32, #tpu.memory_space<vmem>>, vector<16xi32>,
      %add3A_465 = arith.constant 7 : i32
      %add3A_466 = arith.addi %mul3A_326, %add3A_465 : i32
      %mul3A_467 = arith.constant 16 : i32
      %mul3A_468 = arith.muli %add3A_466, %mul3A_467 : i32
      %get3A_469 = arith.index_cast %mul3A_468 : i32 to index
      %get3A_470 = tpu.vector_load %arg8[%get3A_469] {strides = array<i32>} : memref<10000xi32, #tpu.memory_space<vmem>>, vector<16xi32>,
      %add3A_471 = arith.constant 8 : i32
      %add3A_472 = arith.addi %mul3A_326, %add3A_471 : i32
      %mul3A_473 = arith.constant 16 : i32
      %mul3A_474 = arith.muli %add3A_472, %mul3A_473 : i32
      %get3A_475 = arith.index_cast %mul3A_474 : i32 to index
      %get3A_476 = tpu.vector_load %arg8[%get3A_475] {strides = array<i32>} : memref<10000xi32, #tpu.memory_space<vmem>>, vector<16xi32>,
      %add3A_477 = arith.constant 9 : i32
      %add3A_478 = arith.addi %mul3A_326, %add3A_477 : i32
      %mul3A_479 = arith.constant 16 : i32
      %mul3A_480 = arith.muli %add3A_478, %mul3A_479 : i32
      %get3A_481 = arith.index_cast %mul3A_480 : i32 to index
      %get3A_482 = tpu.vector_load %arg8[%get3A_481] {strides = array<i32>} : memref<10000xi32, #tpu.memory_space<vmem>>, vector<16xi32>,
      %add3A_483 = arith.constant 10 : i32
      %add3A_484 = arith.addi %mul3A_326, %add3A_483 : i32
      %mul3A_485 = arith.constant 16 : i32
      %mul3A_486 = arith.muli %add3A_484, %mul3A_485 : i32
      %get3A_487 = arith.index_cast %mul3A_486 : i32 to index
      %get3A_488 = tpu.vector_load %arg8[%get3A_487] {strides = array<i32>} : memref<10000xi32, #tpu.memory_space<vmem>>, vector<16xi32>,
      %add3A_489 = arith.constant 11 : i32
      %add3A_490 = arith.addi %mul3A_326, %add3A_489 : i32
      %mul3A_491 = arith.constant 16 : i32
      %mul3A_492 = arith.muli %add3A_490, %mul3A_491 : i32
      %get3A_493 = arith.index_cast %mul3A_492 : i32 to index
      %get3A_494 = tpu.vector_load %arg8[%get3A_493] {strides = array<i32>} : memref<10000xi32, #tpu.memory_space<vmem>>, vector<16xi32>,
      %add3A_495 = arith.constant 12 : i32
      %add3A_496 = arith.addi %mul3A_326, %add3A_495 : i32
      %mul3A_497 = arith.constant 16 : i32
      %mul3A_498 = arith.muli %add3A_496, %mul3A_497 : i32
      %get3A_499 = arith.index_cast %mul3A_498 : i32 to index
      %get3A_500 = tpu.vector_load %arg8[%get3A_499] {strides = array<i32>} : memref<10000xi32, #tpu.memory_space<vmem>>, vector<16xi32>,
      %add3A_501 = arith.constant 13 : i32
      %add3A_502 = arith.addi %mul3A_326, %add3A_501 : i32
      %mul3A_503 = arith.constant 16 : i32
      %mul3A_504 = arith.muli %add3A_502, %mul3A_503 : i32
      %get3A_505 = arith.index_cast %mul3A_504 : i32 to index
      %get3A_506 = tpu.vector_load %arg8[%get3A_505] {strides = array<i32>} : memref<10000xi32, #tpu.memory_space<vmem>>, vector<16xi32>,
      %add3A_507 = arith.constant 14 : i32
      %add3A_508 = arith.addi %mul3A_326, %add3A_507 : i32
      %mul3A_509 = arith.constant 16 : i32
      %mul3A_510 = arith.muli %add3A_508, %mul3A_509 : i32
      %get3A_511 = arith.index_cast %mul3A_510 : i32 to index
      %get3A_512 = tpu.vector_load %arg8[%get3A_511] {strides = array<i32>} : memref<10000xi32, #tpu.memory_space<vmem>>, vector<16xi32>,
      %add3A_513 = arith.constant 15 : i32
      %add3A_514 = arith.addi %mul3A_326, %add3A_513 : i32
      %mul3A_515 = arith.constant 16 : i32
      %mul3A_516 = arith.muli %add3A_514, %mul3A_515 : i32
      %get3A_517 = arith.index_cast %mul3A_516 : i32 to index
      %get3A_518 = tpu.vector_load %arg8[%get3A_517] {strides = array<i32>} : memref<10000xi32, #tpu.memory_space<vmem>>, vector<16xi32>,
      %gather3A_519 = tpu.vector_load_idx %arg11[%get3A_332] : memref<10240xf32, #tpu.memory_space<vmem>>[vector<16xi32>], vector<16xf32>,
      %gather3A_520 = tpu.vector_load_idx %arg11[%get3A_338] : memref<10240xf32, #tpu.memory_space<vmem>>[vector<16xi32>], vector<16xf32>,
      %gather3A_521 = tpu.vector_load_idx %arg11[%get3A_344] : memref<10240xf32, #tpu.memory_space<vmem>>[vector<16xi32>], vector<16xf32>,
      %gather3A_522 = tpu.vector_load_idx %arg11[%get3A_350] : memref<10240xf32, #tpu.memory_space<vmem>>[vector<16xi32>], vector<16xf32>,
      %gather3A_523 = tpu.vector_load_idx %arg11[%get3A_356] : memref<10240xf32, #tpu.memory_space<vmem>>[vector<16xi32>], vector<16xf32>,
      %gather3A_524 = tpu.vector_load_idx %arg11[%get3A_362] : memref<10240xf32, #tpu.memory_space<vmem>>[vector<16xi32>], vector<16xf32>,
      %gather3A_525 = tpu.vector_load_idx %arg11[%get3A_368] : memref<10240xf32, #tpu.memory_space<vmem>>[vector<16xi32>], vector<16xf32>,
      %gather3A_526 = tpu.vector_load_idx %arg11[%get3A_374] : memref<10240xf32, #tpu.memory_space<vmem>>[vector<16xi32>], vector<16xf32>,
      %gather3A_527 = tpu.vector_load_idx %arg11[%get3A_380] : memref<10240xf32, #tpu.memory_space<vmem>>[vector<16xi32>], vector<16xf32>,
      %gather3A_528 = tpu.vector_load_idx %arg11[%get3A_386] : memref<10240xf32, #tpu.memory_space<vmem>>[vector<16xi32>], vector<16xf32>,
      %gather3A_529 = tpu.vector_load_idx %arg11[%get3A_392] : memref<10240xf32, #tpu.memory_space<vmem>>[vector<16xi32>], vector<16xf32>,
      %gather3A_530 = tpu.vector_load_idx %arg11[%get3A_398] : memref<10240xf32, #tpu.memory_space<vmem>>[vector<16xi32>], vector<16xf32>,
      %gather3A_531 = tpu.vector_load_idx %arg11[%get3A_404] : memref<10240xf32, #tpu.memory_space<vmem>>[vector<16xi32>], vector<16xf32>,
      %gather3A_532 = tpu.vector_load_idx %arg11[%get3A_410] : memref<10240xf32, #tpu.memory_space<vmem>>[vector<16xi32>], vector<16xf32>,
      %gather3A_533 = tpu.vector_load_idx %arg11[%get3A_416] : memref<10240xf32, #tpu.memory_space<vmem>>[vector<16xi32>], vector<16xf32>,
      %gather3A_534 = tpu.vector_load_idx %arg11[%get3A_422] : memref<10240xf32, #tpu.memory_space<vmem>>[vector<16xi32>], vector<16xf32>,
      %gather3A_535 = tpu.vector_load_idx %arg11[%get3A_428] : memref<10240xf32, #tpu.memory_space<vmem>>[vector<16xi32>], vector<16xf32>,
      %gather3A_536 = tpu.vector_load_idx %arg11[%get3A_434] : memref<10240xf32, #tpu.memory_space<vmem>>[vector<16xi32>], vector<16xf32>,
      %gather3A_537 = tpu.vector_load_idx %arg11[%get3A_440] : memref<10240xf32, #tpu.memory_space<vmem>>[vector<16xi32>], vector<16xf32>,
      %gather3A_538 = tpu.vector_load_idx %arg11[%get3A_446] : memref<10240xf32, #tpu.memory_space<vmem>>[vector<16xi32>], vector<16xf32>,
      %gather3A_539 = tpu.vector_load_idx %arg11[%get3A_452] : memref<10240xf32, #tpu.memory_space<vmem>>[vector<16xi32>], vector<16xf32>,
      %gather3A_540 = tpu.vector_load_idx %arg11[%get3A_458] : memref<10240xf32, #tpu.memory_space<vmem>>[vector<16xi32>], vector<16xf32>,
      %gather3A_541 = tpu.vector_load_idx %arg11[%get3A_464] : memref<10240xf32, #tpu.memory_space<vmem>>[vector<16xi32>], vector<16xf32>,
      %gather3A_542 = tpu.vector_load_idx %arg11[%get3A_470] : memref<10240xf32, #tpu.memory_space<vmem>>[vector<16xi32>], vector<16xf32>,
      %gather3A_543 = tpu.vector_load_idx %arg11[%get3A_476] : memref<10240xf32, #tpu.memory_space<vmem>>[vector<16xi32>], vector<16xf32>,
      %gather3A_544 = tpu.vector_load_idx %arg11[%get3A_482] : memref<10240xf32, #tpu.memory_space<vmem>>[vector<16xi32>], vector<16xf32>,
      %gather3A_545 = tpu.vector_load_idx %arg11[%get3A_488] : memref<10240xf32, #tpu.memory_space<vmem>>[vector<16xi32>], vector<16xf32>,
      %gather3A_546 = tpu.vector_load_idx %arg11[%get3A_494] : memref<10240xf32, #tpu.memory_space<vmem>>[vector<16xi32>], vector<16xf32>,
      %gather3A_547 = tpu.vector_load_idx %arg11[%get3A_500] : memref<10240xf32, #tpu.memory_space<vmem>>[vector<16xi32>], vector<16xf32>,
      %gather3A_548 = tpu.vector_load_idx %arg11[%get3A_506] : memref<10240xf32, #tpu.memory_space<vmem>>[vector<16xi32>], vector<16xf32>,
      %gather3A_549 = tpu.vector_load_idx %arg11[%get3A_512] : memref<10240xf32, #tpu.memory_space<vmem>>[vector<16xi32>], vector<16xf32>,
      %gather3A_550 = tpu.vector_load_idx %arg11[%get3A_518] : memref<10240xf32, #tpu.memory_space<vmem>>[vector<16xi32>], vector<16xf32>,
      %mul3A_551 = arith.mulf %gather3A, %gather3A_519 : vector<16xf32>
      %mul3A_552 = arith.mulf %gather3A_17, %gather3A_535 : vector<16xf32>
      %add3A_553 = arith.addf %mul3A_551, %mul3A_552 : vector<16xf32>
      %max3A_554 = arith.constant 0.000000e+00 : f32
      %max3A_555 = vector.broadcast %max3A_554 : f32 to vector<16xf32>
      %max3A_556 = arith.maximumf %add3A_553, %max3A_555 : vector<16xf32>
      %min3A_557 = arith.constant 0.000000e+00 : f32
      %min3A_558 = vector.broadcast %min3A_557 : f32 to vector<16xf32>
      %min3A_559 = arith.minimumf %add3A_553, %min3A_558 : vector<16xf32>
      %mul3A_560 = arith.constant 2.000000e-01 : f32
      %mul3A_561 = vector.broadcast %mul3A_560 : f32 to vector<16xf32>
      %mul3A_562 = arith.mulf %mul3A_561, %min3A_559 : vector<16xf32>
      %add3A_563 = arith.addf %max3A_556, %mul3A_562 : vector<16xf32>
      %exp3A_564 = math.exp %add3A_563 : vector<16xf32>
      %mul3A_565 = arith.mulf %gather3A, %gather3A_520 : vector<16xf32>
      %mul3A_566 = arith.mulf %gather3A_17, %gather3A_536 : vector<16xf32>
      %add3A_567 = arith.addf %mul3A_565, %mul3A_566 : vector<16xf32>
      %max3A_568 = arith.constant 0.000000e+00 : f32
      %max3A_569 = vector.broadcast %max3A_568 : f32 to vector<16xf32>
      %max3A_570 = arith.maximumf %add3A_567, %max3A_569 : vector<16xf32>
      %min3A_571 = arith.constant 0.000000e+00 : f32
      %min3A_572 = vector.broadcast %min3A_571 : f32 to vector<16xf32>
      %min3A_573 = arith.minimumf %add3A_567, %min3A_572 : vector<16xf32>
      %mul3A_574 = arith.constant 2.000000e-01 : f32
      %mul3A_575 = vector.broadcast %mul3A_574 : f32 to vector<16xf32>
      %mul3A_576 = arith.mulf %mul3A_575, %min3A_573 : vector<16xf32>
      %add3A_577 = arith.addf %max3A_570, %mul3A_576 : vector<16xf32>
      %exp3A_578 = math.exp %add3A_577 : vector<16xf32>
      %mul3A_579 = arith.mulf %gather3A, %gather3A_521 : vector<16xf32>
      %mul3A_580 = arith.mulf %gather3A_17, %gather3A_537 : vector<16xf32>
      %add3A_581 = arith.addf %mul3A_579, %mul3A_580 : vector<16xf32>
      %max3A_582 = arith.constant 0.000000e+00 : f32
      %max3A_583 = vector.broadcast %max3A_582 : f32 to vector<16xf32>
      %max3A_584 = arith.maximumf %add3A_581, %max3A_583 : vector<16xf32>
      %min3A_585 = arith.constant 0.000000e+00 : f32
      %min3A_586 = vector.broadcast %min3A_585 : f32 to vector<16xf32>
      %min3A_587 = arith.minimumf %add3A_581, %min3A_586 : vector<16xf32>
      %mul3A_588 = arith.constant 2.000000e-01 : f32
      %mul3A_589 = vector.broadcast %mul3A_588 : f32 to vector<16xf32>
      %mul3A_590 = arith.mulf %mul3A_589, %min3A_587 : vector<16xf32>
      %add3A_591 = arith.addf %max3A_584, %mul3A_590 : vector<16xf32>
      %exp3A_592 = math.exp %add3A_591 : vector<16xf32>
      %mul3A_593 = arith.mulf %gather3A, %gather3A_522 : vector<16xf32>
      %mul3A_594 = arith.mulf %gather3A_17, %gather3A_538 : vector<16xf32>
      %add3A_595 = arith.addf %mul3A_593, %mul3A_594 : vector<16xf32>
      %max3A_596 = arith.constant 0.000000e+00 : f32
      %max3A_597 = vector.broadcast %max3A_596 : f32 to vector<16xf32>
      %max3A_598 = arith.maximumf %add3A_595, %max3A_597 : vector<16xf32>
      %min3A_599 = arith.constant 0.000000e+00 : f32
      %min3A_600 = vector.broadcast %min3A_599 : f32 to vector<16xf32>
      %min3A_601 = arith.minimumf %add3A_595, %min3A_600 : vector<16xf32>
      %mul3A_602 = arith.constant 2.000000e-01 : f32
      %mul3A_603 = vector.broadcast %mul3A_602 : f32 to vector<16xf32>
      %mul3A_604 = arith.mulf %mul3A_603, %min3A_601 : vector<16xf32>
      %add3A_605 = arith.addf %max3A_598, %mul3A_604 : vector<16xf32>
      %exp3A_606 = math.exp %add3A_605 : vector<16xf32>
      %mul3A_607 = arith.mulf %gather3A, %gather3A_523 : vector<16xf32>
      %mul3A_608 = arith.mulf %gather3A_17, %gather3A_539 : vector<16xf32>
      %add3A_609 = arith.addf %mul3A_607, %mul3A_608 : vector<16xf32>
      %max3A_610 = arith.constant 0.000000e+00 : f32
      %max3A_611 = vector.broadcast %max3A_610 : f32 to vector<16xf32>
      %max3A_612 = arith.maximumf %add3A_609, %max3A_611 : vector<16xf32>
      %min3A_613 = arith.constant 0.000000e+00 : f32
      %min3A_614 = vector.broadcast %min3A_613 : f32 to vector<16xf32>
      %min3A_615 = arith.minimumf %add3A_609, %min3A_614 : vector<16xf32>
      %mul3A_616 = arith.constant 2.000000e-01 : f32
      %mul3A_617 = vector.broadcast %mul3A_616 : f32 to vector<16xf32>
      %mul3A_618 = arith.mulf %mul3A_617, %min3A_615 : vector<16xf32>
      %add3A_619 = arith.addf %max3A_612, %mul3A_618 : vector<16xf32>
      %exp3A_620 = math.exp %add3A_619 : vector<16xf32>
      %mul3A_621 = arith.mulf %gather3A, %gather3A_524 : vector<16xf32>
      %mul3A_622 = arith.mulf %gather3A_17, %gather3A_540 : vector<16xf32>
      %add3A_623 = arith.addf %mul3A_621, %mul3A_622 : vector<16xf32>
      %max3A_624 = arith.constant 0.000000e+00 : f32
      %max3A_625 = vector.broadcast %max3A_624 : f32 to vector<16xf32>
      %max3A_626 = arith.maximumf %add3A_623, %max3A_625 : vector<16xf32>
      %min3A_627 = arith.constant 0.000000e+00 : f32
      %min3A_628 = vector.broadcast %min3A_627 : f32 to vector<16xf32>
      %min3A_629 = arith.minimumf %add3A_623, %min3A_628 : vector<16xf32>
      %mul3A_630 = arith.constant 2.000000e-01 : f32
      %mul3A_631 = vector.broadcast %mul3A_630 : f32 to vector<16xf32>
      %mul3A_632 = arith.mulf %mul3A_631, %min3A_629 : vector<16xf32>
      %add3A_633 = arith.addf %max3A_626, %mul3A_632 : vector<16xf32>
      %exp3A_634 = math.exp %add3A_633 : vector<16xf32>
      %mul3A_635 = arith.mulf %gather3A, %gather3A_525 : vector<16xf32>
      %mul3A_636 = arith.mulf %gather3A_17, %gather3A_541 : vector<16xf32>
      %add3A_637 = arith.addf %mul3A_635, %mul3A_636 : vector<16xf32>
      %max3A_638 = arith.constant 0.000000e+00 : f32
      %max3A_639 = vector.broadcast %max3A_638 : f32 to vector<16xf32>
      %max3A_640 = arith.maximumf %add3A_637, %max3A_639 : vector<16xf32>
      %min3A_641 = arith.constant 0.000000e+00 : f32
      %min3A_642 = vector.broadcast %min3A_641 : f32 to vector<16xf32>
      %min3A_643 = arith.minimumf %add3A_637, %min3A_642 : vector<16xf32>
      %mul3A_644 = arith.constant 2.000000e-01 : f32
      %mul3A_645 = vector.broadcast %mul3A_644 : f32 to vector<16xf32>
      %mul3A_646 = arith.mulf %mul3A_645, %min3A_643 : vector<16xf32>
      %add3A_647 = arith.addf %max3A_640, %mul3A_646 : vector<16xf32>
      %exp3A_648 = math.exp %add3A_647 : vector<16xf32>
      %mul3A_649 = arith.mulf %gather3A, %gather3A_526 : vector<16xf32>
      %mul3A_650 = arith.mulf %gather3A_17, %gather3A_542 : vector<16xf32>
      %add3A_651 = arith.addf %mul3A_649, %mul3A_650 : vector<16xf32>
      %max3A_652 = arith.constant 0.000000e+00 : f32
      %max3A_653 = vector.broadcast %max3A_652 : f32 to vector<16xf32>
      %max3A_654 = arith.maximumf %add3A_651, %max3A_653 : vector<16xf32>
      %min3A_655 = arith.constant 0.000000e+00 : f32
      %min3A_656 = vector.broadcast %min3A_655 : f32 to vector<16xf32>
      %min3A_657 = arith.minimumf %add3A_651, %min3A_656 : vector<16xf32>
      %mul3A_658 = arith.constant 2.000000e-01 : f32
      %mul3A_659 = vector.broadcast %mul3A_658 : f32 to vector<16xf32>
      %mul3A_660 = arith.mulf %mul3A_659, %min3A_657 : vector<16xf32>
      %add3A_661 = arith.addf %max3A_654, %mul3A_660 : vector<16xf32>
      %exp3A_662 = math.exp %add3A_661 : vector<16xf32>
      %mul3A_663 = arith.mulf %gather3A, %gather3A_527 : vector<16xf32>
      %mul3A_664 = arith.mulf %gather3A_17, %gather3A_543 : vector<16xf32>
      %add3A_665 = arith.addf %mul3A_663, %mul3A_664 : vector<16xf32>
      %max3A_666 = arith.constant 0.000000e+00 : f32
      %max3A_667 = vector.broadcast %max3A_666 : f32 to vector<16xf32>
      %max3A_668 = arith.maximumf %add3A_665, %max3A_667 : vector<16xf32>
      %min3A_669 = arith.constant 0.000000e+00 : f32
      %min3A_670 = vector.broadcast %min3A_669 : f32 to vector<16xf32>
      %min3A_671 = arith.minimumf %add3A_665, %min3A_670 : vector<16xf32>
      %mul3A_672 = arith.constant 2.000000e-01 : f32
      %mul3A_673 = vector.broadcast %mul3A_672 : f32 to vector<16xf32>
      %mul3A_674 = arith.mulf %mul3A_673, %min3A_671 : vector<16xf32>
      %add3A_675 = arith.addf %max3A_668, %mul3A_674 : vector<16xf32>
      %exp3A_676 = math.exp %add3A_675 : vector<16xf32>
      %mul3A_677 = arith.mulf %gather3A, %gather3A_528 : vector<16xf32>
      %mul3A_678 = arith.mulf %gather3A_17, %gather3A_544 : vector<16xf32>
      %add3A_679 = arith.addf %mul3A_677, %mul3A_678 : vector<16xf32>
      %max3A_680 = arith.constant 0.000000e+00 : f32
      %max3A_681 = vector.broadcast %max3A_680 : f32 to vector<16xf32>
      %max3A_682 = arith.maximumf %add3A_679, %max3A_681 : vector<16xf32>
      %min3A_683 = arith.constant 0.000000e+00 : f32
      %min3A_684 = vector.broadcast %min3A_683 : f32 to vector<16xf32>
      %min3A_685 = arith.minimumf %add3A_679, %min3A_684 : vector<16xf32>
      %mul3A_686 = arith.constant 2.000000e-01 : f32
      %mul3A_687 = vector.broadcast %mul3A_686 : f32 to vector<16xf32>
      %mul3A_688 = arith.mulf %mul3A_687, %min3A_685 : vector<16xf32>
      %add3A_689 = arith.addf %max3A_682, %mul3A_688 : vector<16xf32>
      %exp3A_690 = math.exp %add3A_689 : vector<16xf32>
      %mul3A_691 = arith.mulf %gather3A, %gather3A_529 : vector<16xf32>
      %mul3A_692 = arith.mulf %gather3A_17, %gather3A_545 : vector<16xf32>
      %add3A_693 = arith.addf %mul3A_691, %mul3A_692 : vector<16xf32>
      %max3A_694 = arith.constant 0.000000e+00 : f32
      %max3A_695 = vector.broadcast %max3A_694 : f32 to vector<16xf32>
      %max3A_696 = arith.maximumf %add3A_693, %max3A_695 : vector<16xf32>
      %min3A_697 = arith.constant 0.000000e+00 : f32
      %min3A_698 = vector.broadcast %min3A_697 : f32 to vector<16xf32>
      %min3A_699 = arith.minimumf %add3A_693, %min3A_698 : vector<16xf32>
      %mul3A_700 = arith.constant 2.000000e-01 : f32
      %mul3A_701 = vector.broadcast %mul3A_700 : f32 to vector<16xf32>
      %mul3A_702 = arith.mulf %mul3A_701, %min3A_699 : vector<16xf32>
      %add3A_703 = arith.addf %max3A_696, %mul3A_702 : vector<16xf32>
      %exp3A_704 = math.exp %add3A_703 : vector<16xf32>
      %mul3A_705 = arith.mulf %gather3A, %gather3A_530 : vector<16xf32>
      %mul3A_706 = arith.mulf %gather3A_17, %gather3A_546 : vector<16xf32>
      %add3A_707 = arith.addf %mul3A_705, %mul3A_706 : vector<16xf32>
      %max3A_708 = arith.constant 0.000000e+00 : f32
      %max3A_709 = vector.broadcast %max3A_708 : f32 to vector<16xf32>
      %max3A_710 = arith.maximumf %add3A_707, %max3A_709 : vector<16xf32>
      %min3A_711 = arith.constant 0.000000e+00 : f32
      %min3A_712 = vector.broadcast %min3A_711 : f32 to vector<16xf32>
      %min3A_713 = arith.minimumf %add3A_707, %min3A_712 : vector<16xf32>
      %mul3A_714 = arith.constant 2.000000e-01 : f32
      %mul3A_715 = vector.broadcast %mul3A_714 : f32 to vector<16xf32>
      %mul3A_716 = arith.mulf %mul3A_715, %min3A_713 : vector<16xf32>
      %add3A_717 = arith.addf %max3A_710, %mul3A_716 : vector<16xf32>
      %exp3A_718 = math.exp %add3A_717 : vector<16xf32>
      %mul3A_719 = arith.mulf %gather3A, %gather3A_531 : vector<16xf32>
      %mul3A_720 = arith.mulf %gather3A_17, %gather3A_547 : vector<16xf32>
      %add3A_721 = arith.addf %mul3A_719, %mul3A_720 : vector<16xf32>
      %max3A_722 = arith.constant 0.000000e+00 : f32
      %max3A_723 = vector.broadcast %max3A_722 : f32 to vector<16xf32>
      %max3A_724 = arith.maximumf %add3A_721, %max3A_723 : vector<16xf32>
      %min3A_725 = arith.constant 0.000000e+00 : f32
      %min3A_726 = vector.broadcast %min3A_725 : f32 to vector<16xf32>
      %min3A_727 = arith.minimumf %add3A_721, %min3A_726 : vector<16xf32>
      %mul3A_728 = arith.constant 2.000000e-01 : f32
      %mul3A_729 = vector.broadcast %mul3A_728 : f32 to vector<16xf32>
      %mul3A_730 = arith.mulf %mul3A_729, %min3A_727 : vector<16xf32>
      %add3A_731 = arith.addf %max3A_724, %mul3A_730 : vector<16xf32>
      %exp3A_732 = math.exp %add3A_731 : vector<16xf32>
      %mul3A_733 = arith.mulf %gather3A, %gather3A_532 : vector<16xf32>
      %mul3A_734 = arith.mulf %gather3A_17, %gather3A_548 : vector<16xf32>
      %add3A_735 = arith.addf %mul3A_733, %mul3A_734 : vector<16xf32>
      %max3A_736 = arith.constant 0.000000e+00 : f32
      %max3A_737 = vector.broadcast %max3A_736 : f32 to vector<16xf32>
      %max3A_738 = arith.maximumf %add3A_735, %max3A_737 : vector<16xf32>
      %min3A_739 = arith.constant 0.000000e+00 : f32
      %min3A_740 = vector.broadcast %min3A_739 : f32 to vector<16xf32>
      %min3A_741 = arith.minimumf %add3A_735, %min3A_740 : vector<16xf32>
      %mul3A_742 = arith.constant 2.000000e-01 : f32
      %mul3A_743 = vector.broadcast %mul3A_742 : f32 to vector<16xf32>
      %mul3A_744 = arith.mulf %mul3A_743, %min3A_741 : vector<16xf32>
      %add3A_745 = arith.addf %max3A_738, %mul3A_744 : vector<16xf32>
      %exp3A_746 = math.exp %add3A_745 : vector<16xf32>
      %mul3A_747 = arith.mulf %gather3A, %gather3A_533 : vector<16xf32>
      %mul3A_748 = arith.mulf %gather3A_17, %gather3A_549 : vector<16xf32>
      %add3A_749 = arith.addf %mul3A_747, %mul3A_748 : vector<16xf32>
      %max3A_750 = arith.constant 0.000000e+00 : f32
      %max3A_751 = vector.broadcast %max3A_750 : f32 to vector<16xf32>
      %max3A_752 = arith.maximumf %add3A_749, %max3A_751 : vector<16xf32>
      %min3A_753 = arith.constant 0.000000e+00 : f32
      %min3A_754 = vector.broadcast %min3A_753 : f32 to vector<16xf32>
      %min3A_755 = arith.minimumf %add3A_749, %min3A_754 : vector<16xf32>
      %mul3A_756 = arith.constant 2.000000e-01 : f32
      %mul3A_757 = vector.broadcast %mul3A_756 : f32 to vector<16xf32>
      %mul3A_758 = arith.mulf %mul3A_757, %min3A_755 : vector<16xf32>
      %add3A_759 = arith.addf %max3A_752, %mul3A_758 : vector<16xf32>
      %exp3A_760 = math.exp %add3A_759 : vector<16xf32>
      %mul3A_761 = arith.mulf %gather3A, %gather3A_534 : vector<16xf32>
      %mul3A_762 = arith.mulf %gather3A_17, %gather3A_550 : vector<16xf32>
      %add3A_763 = arith.addf %mul3A_761, %mul3A_762 : vector<16xf32>
      %max3A_764 = arith.constant 0.000000e+00 : f32
      %max3A_765 = vector.broadcast %max3A_764 : f32 to vector<16xf32>
      %max3A_766 = arith.maximumf %add3A_763, %max3A_765 : vector<16xf32>
      %min3A_767 = arith.constant 0.000000e+00 : f32
      %min3A_768 = vector.broadcast %min3A_767 : f32 to vector<16xf32>
      %min3A_769 = arith.minimumf %add3A_763, %min3A_768 : vector<16xf32>
      %mul3A_770 = arith.constant 2.000000e-01 : f32
      %mul3A_771 = vector.broadcast %mul3A_770 : f32 to vector<16xf32>
      %mul3A_772 = arith.mulf %mul3A_771, %min3A_769 : vector<16xf32>
      %add3A_773 = arith.addf %max3A_766, %mul3A_772 : vector<16xf32>
      %exp3A_774 = math.exp %add3A_773 : vector<16xf32>
      tpu.vector_store_idx %arg13[%get3A_428], %exp3A_564 {add = true} : memref<10240xf32, #tpu.memory_space<vmem>>[vector<16xi32>], vector<16xf32>,
      %mul3A_775 = arith.mulf %exp3A_564, %gather3A_519 : vector<16xf32>
      tpu.vector_store_idx %arg14[%get3A_428], %mul3A_775 {add = true} : memref<10240xf32, #tpu.memory_space<vmem>>[vector<16xi32>], vector<16xf32>,
      tpu.vector_store_idx %arg13[%get3A_434], %exp3A_578 {add = true} : memref<10240xf32, #tpu.memory_space<vmem>>[vector<16xi32>], vector<16xf32>,
      %mul3A_776 = arith.mulf %exp3A_578, %gather3A_520 : vector<16xf32>
      tpu.vector_store_idx %arg14[%get3A_434], %mul3A_776 {add = true} : memref<10240xf32, #tpu.memory_space<vmem>>[vector<16xi32>], vector<16xf32>,
      tpu.vector_store_idx %arg13[%get3A_440], %exp3A_592 {add = true} : memref<10240xf32, #tpu.memory_space<vmem>>[vector<16xi32>], vector<16xf32>,
      %mul3A_777 = arith.mulf %exp3A_592, %gather3A_521 : vector<16xf32>
      tpu.vector_store_idx %arg14[%get3A_440], %mul3A_777 {add = true} : memref<10240xf32, #tpu.memory_space<vmem>>[vector<16xi32>], vector<16xf32>,
      tpu.vector_store_idx %arg13[%get3A_446], %exp3A_606 {add = true} : memref<10240xf32, #tpu.memory_space<vmem>>[vector<16xi32>], vector<16xf32>,
      %mul3A_778 = arith.mulf %exp3A_606, %gather3A_522 : vector<16xf32>
      tpu.vector_store_idx %arg14[%get3A_446], %mul3A_778 {add = true} : memref<10240xf32, #tpu.memory_space<vmem>>[vector<16xi32>], vector<16xf32>,
      tpu.vector_store_idx %arg13[%get3A_452], %exp3A_620 {add = true} : memref<10240xf32, #tpu.memory_space<vmem>>[vector<16xi32>], vector<16xf32>,
      %mul3A_779 = arith.mulf %exp3A_620, %gather3A_523 : vector<16xf32>
      tpu.vector_store_idx %arg14[%get3A_452], %mul3A_779 {add = true} : memref<10240xf32, #tpu.memory_space<vmem>>[vector<16xi32>], vector<16xf32>,
      tpu.vector_store_idx %arg13[%get3A_458], %exp3A_634 {add = true} : memref<10240xf32, #tpu.memory_space<vmem>>[vector<16xi32>], vector<16xf32>,
      %mul3A_780 = arith.mulf %exp3A_634, %gather3A_524 : vector<16xf32>
      tpu.vector_store_idx %arg14[%get3A_458], %mul3A_780 {add = true} : memref<10240xf32, #tpu.memory_space<vmem>>[vector<16xi32>], vector<16xf32>,
      tpu.vector_store_idx %arg13[%get3A_464], %exp3A_648 {add = true} : memref<10240xf32, #tpu.memory_space<vmem>>[vector<16xi32>], vector<16xf32>,
      %mul3A_781 = arith.mulf %exp3A_648, %gather3A_525 : vector<16xf32>
      tpu.vector_store_idx %arg14[%get3A_464], %mul3A_781 {add = true} : memref<10240xf32, #tpu.memory_space<vmem>>[vector<16xi32>], vector<16xf32>,
      tpu.vector_store_idx %arg13[%get3A_470], %exp3A_662 {add = true} : memref<10240xf32, #tpu.memory_space<vmem>>[vector<16xi32>], vector<16xf32>,
      %mul3A_782 = arith.mulf %exp3A_662, %gather3A_526 : vector<16xf32>
      tpu.vector_store_idx %arg14[%get3A_470], %mul3A_782 {add = true} : memref<10240xf32, #tpu.memory_space<vmem>>[vector<16xi32>], vector<16xf32>,
      tpu.vector_store_idx %arg13[%get3A_476], %exp3A_676 {add = true} : memref<10240xf32, #tpu.memory_space<vmem>>[vector<16xi32>], vector<16xf32>,
      %mul3A_783 = arith.mulf %exp3A_676, %gather3A_527 : vector<16xf32>
      tpu.vector_store_idx %arg14[%get3A_476], %mul3A_783 {add = true} : memref<10240xf32, #tpu.memory_space<vmem>>[vector<16xi32>], vector<16xf32>,
      tpu.vector_store_idx %arg13[%get3A_482], %exp3A_690 {add = true} : memref<10240xf32, #tpu.memory_space<vmem>>[vector<16xi32>], vector<16xf32>,
      %mul3A_784 = arith.mulf %exp3A_690, %gather3A_528 : vector<16xf32>
      tpu.vector_store_idx %arg14[%get3A_482], %mul3A_784 {add = true} : memref<10240xf32, #tpu.memory_space<vmem>>[vector<16xi32>], vector<16xf32>,
      tpu.vector_store_idx %arg13[%get3A_488], %exp3A_704 {add = true} : memref<10240xf32, #tpu.memory_space<vmem>>[vector<16xi32>], vector<16xf32>,
      %mul3A_785 = arith.mulf %exp3A_704, %gather3A_529 : vector<16xf32>
      tpu.vector_store_idx %arg14[%get3A_488], %mul3A_785 {add = true} : memref<10240xf32, #tpu.memory_space<vmem>>[vector<16xi32>], vector<16xf32>,
      tpu.vector_store_idx %arg13[%get3A_494], %exp3A_718 {add = true} : memref<10240xf32, #tpu.memory_space<vmem>>[vector<16xi32>], vector<16xf32>,
      %mul3A_786 = arith.mulf %exp3A_718, %gather3A_530 : vector<16xf32>
      tpu.vector_store_idx %arg14[%get3A_494], %mul3A_786 {add = true} : memref<10240xf32, #tpu.memory_space<vmem>>[vector<16xi32>], vector<16xf32>,
      tpu.vector_store_idx %arg13[%get3A_500], %exp3A_732 {add = true} : memref<10240xf32, #tpu.memory_space<vmem>>[vector<16xi32>], vector<16xf32>,
      %mul3A_787 = arith.mulf %exp3A_732, %gather3A_531 : vector<16xf32>
      tpu.vector_store_idx %arg14[%get3A_500], %mul3A_787 {add = true} : memref<10240xf32, #tpu.memory_space<vmem>>[vector<16xi32>], vector<16xf32>,
      tpu.vector_store_idx %arg13[%get3A_506], %exp3A_746 {add = true} : memref<10240xf32, #tpu.memory_space<vmem>>[vector<16xi32>], vector<16xf32>,
      %mul3A_788 = arith.mulf %exp3A_746, %gather3A_532 : vector<16xf32>
      tpu.vector_store_idx %arg14[%get3A_506], %mul3A_788 {add = true} : memref<10240xf32, #tpu.memory_space<vmem>>[vector<16xi32>], vector<16xf32>,
      tpu.vector_store_idx %arg13[%get3A_512], %exp3A_760 {add = true} : memref<10240xf32, #tpu.memory_space<vmem>>[vector<16xi32>], vector<16xf32>,
      %mul3A_789 = arith.mulf %exp3A_760, %gather3A_533 : vector<16xf32>
      tpu.vector_store_idx %arg14[%get3A_512], %mul3A_789 {add = true} : memref<10240xf32, #tpu.memory_space<vmem>>[vector<16xi32>], vector<16xf32>,
      tpu.vector_store_idx %arg13[%get3A_518], %exp3A_774 {add = true} : memref<10240xf32, #tpu.memory_space<vmem>>[vector<16xi32>], vector<16xf32>,
      %mul3A_790 = arith.mulf %exp3A_774, %gather3A_534 : vector<16xf32>
      tpu.vector_store_idx %arg14[%get3A_518], %mul3A_790 {add = true} : memref<10240xf32, #tpu.memory_space<vmem>>[vector<16xi32>], vector<16xf32>,
    }
    %scan3A_27 = arith.constant 39 : i32
    %get3A = arith.constant 9984 : index
    %get3A_28 = tpu.vector_load %arg7[%get3A] {strides = array<i32>} : memref<10000xi32, #tpu.memory_space<vmem>>, vector<16xi32>,
    %get3A_29 = arith.constant 9984 : index
    %get3A_30 = tpu.vector_load %arg8[%get3A_29] {strides = array<i32>} : memref<10000xi32, #tpu.memory_space<vmem>>, vector<16xi32>,
    %gather3A_31 = tpu.vector_load_idx %arg11[%get3A_28] : memref<10240xf32, #tpu.memory_space<vmem>>[vector<16xi32>], vector<16xf32>,
    %gather3A_32 = tpu.vector_load_idx %arg11[%get3A_30] : memref<10240xf32, #tpu.memory_space<vmem>>[vector<16xi32>], vector<16xf32>,
    %mul3A_33 = arith.mulf %gather3A, %gather3A_31 : vector<16xf32>
    %mul3A_34 = arith.mulf %gather3A_17, %gather3A_32 : vector<16xf32>
    %add3A = arith.addf %mul3A_33, %mul3A_34 : vector<16xf32>
    %max3A = arith.constant 0.000000e+00 : f32
    %max3A_35 = vector.broadcast %max3A : f32 to vector<16xf32>
    %max3A_36 = arith.maximumf %add3A, %max3A_35 : vector<16xf32>
    %min3A = arith.constant 0.000000e+00 : f32
    %min3A_37 = vector.broadcast %min3A : f32 to vector<16xf32>
    %min3A_38 = arith.minimumf %add3A, %min3A_37 : vector<16xf32>
    %mul3A_39 = arith.constant 2.000000e-01 : f32
    %mul3A_40 = vector.broadcast %mul3A_39 : f32 to vector<16xf32>
    %mul3A_41 = arith.mulf %mul3A_40, %min3A_38 : vector<16xf32>
    %add3A_42 = arith.addf %max3A_36, %mul3A_41 : vector<16xf32>
    %exp3A = math.exp %add3A_42 : vector<16xf32>
    tpu.vector_store_idx %arg13[%get3A_30], %exp3A {add = true} : memref<10240xf32, #tpu.memory_space<vmem>>[vector<16xi32>], vector<16xf32>,
    %mul3A_43 = arith.mulf %exp3A, %gather3A_31 : vector<16xf32>
    tpu.vector_store_idx %arg14[%get3A_30], %mul3A_43 {add = true} : memref<10240xf32, #tpu.memory_space<vmem>>[vector<16xi32>], vector<16xf32>,
    %barrier3A = arith.constant 0 : index
    tpu.barrier barrier_id(%barrier3A)
    "tpu.region"() ({
      %run_scoped3A_320 = tpu.sem_alloc : memref<!tpu.dma_semaphore, #tpu.memory_space<semaphore_mem>>
      %dma_start3A = arith.constant 0 : i32
      %dma_start3A_321 = tpu.memref_slice %arg27[%dma_start3A] : memref<10240xf32, #tpu.memory_space<vmem_shared>> -> memref<10240xf32, #tpu.memory_space<vmem_shared>>
      tpu.enqueue_indirect_dma source(%arg13 : memref<10240xf32, #tpu.memory_space<vmem>>) target(%dma_start3A_321 : memref<10240xf32, #tpu.memory_space<vmem_shared>>) offsets(%arg23 : memref<10240xi32, #tpu.memory_space<vmem>>) semaphore(%run_scoped3A_320 : memref<!tpu.dma_semaphore, #tpu.memory_space<semaphore_mem>>) {add = true}
      %dma_wait3A = arith.constant 0 : i32
      %dma_wait3A_322 = tpu.memref_slice %arg27[%dma_wait3A] : memref<10240xf32, #tpu.memory_space<vmem_shared>> -> memref<10240xf32, #tpu.memory_space<vmem_shared>>
      tpu.wait_indirect_dma semaphore(%run_scoped3A_320 : memref<!tpu.dma_semaphore, #tpu.memory_space<semaphore_mem>>) src(%arg13 : memref<10240xf32, #tpu.memory_space<vmem>>) dst(%dma_wait3A_322 : memref<10240xf32, #tpu.memory_space<vmem_shared>>)
      tpu.yield
    }) : () -> ()
    "tpu.region"() ({
      %run_scoped3A_320 = tpu.sem_alloc : memref<!tpu.dma_semaphore, #tpu.memory_space<semaphore_mem>>
      %dma_start3A = arith.constant 0 : i32
      %dma_start3A_321 = tpu.memref_slice %arg28[%dma_start3A] : memref<10240xf32, #tpu.memory_space<vmem_shared>> -> memref<10240xf32, #tpu.memory_space<vmem_shared>>
      tpu.enqueue_indirect_dma source(%arg14 : memref<10240xf32, #tpu.memory_space<vmem>>) target(%dma_start3A_321 : memref<10240xf32, #tpu.memory_space<vmem_shared>>) offsets(%arg23 : memref<10240xi32, #tpu.memory_space<vmem>>) semaphore(%run_scoped3A_320 : memref<!tpu.dma_semaphore, #tpu.memory_space<semaphore_mem>>) {add = true}
      %dma_wait3A = arith.constant 0 : i32
      %dma_wait3A_322 = tpu.memref_slice %arg28[%dma_wait3A] : memref<10240xf32, #tpu.memory_space<vmem_shared>> -> memref<10240xf32, #tpu.memory_space<vmem_shared>>
      tpu.wait_indirect_dma semaphore(%run_scoped3A_320 : memref<!tpu.dma_semaphore, #tpu.memory_space<semaphore_mem>>) src(%arg14 : memref<10240xf32, #tpu.memory_space<vmem>>) dst(%dma_wait3A_322 : memref<10240xf32, #tpu.memory_space<vmem_shared>>)
      tpu.yield
    }) : () -> ()
    %barrier3A_44 = arith.constant 0 : index
    tpu.barrier barrier_id(%barrier3A_44)
    %run_scoped3A = arith.constant 0 : i32
    "tpu.region"() ({
      %run_scoped3A_320 = tpu.sem_alloc : memref<!tpu.dma_semaphore, #tpu.memory_space<semaphore_mem>>
      %dma_start3A = arith.constant 0 : i32
      %dma_start3A_321 = tpu.memref_slice %arg20[%run_scoped3A, %dma_start3A] : memref<8x640xf32, #tpu.memory_space<vmem>> -> memref<1x640xf32, #tpu.memory_space<vmem>>
      %dma_start3A_322 = tpu.memref_squeeze %dma_start3A_321 : memref<1x640xf32, #tpu.memory_space<vmem>> -> memref<640xf32, #tpu.memory_space<vmem>>
      %dma_start3A_323 = tpu.memref_slice %arg27[%mul3A_2] : memref<10240xf32, #tpu.memory_space<vmem_shared>> -> memref<640xf32, #tpu.memory_space<vmem_shared>>
      %dma_start3A_324 = arith.constant 0 : i32
      %dma_start3A_325 = tpu.memref_slice %arg20[%run_scoped3A, %dma_start3A_324] : memref<8x640xf32, #tpu.memory_space<vmem>> -> memref<1x640xf32, #tpu.memory_space<vmem>>
      %dma_start3A_326 = tpu.memref_squeeze %dma_start3A_325 : memref<1x640xf32, #tpu.memory_space<vmem>> -> memref<640xf32, #tpu.memory_space<vmem>>
      %dma_start3A_327 = tpu.memref_slice %arg27[%mul3A_2] : memref<10240xf32, #tpu.memory_space<vmem_shared>> -> memref<640xf32, #tpu.memory_space<vmem_shared>>
      tpu.enqueue_dma source(%dma_start3A_327 : memref<640xf32, #tpu.memory_space<vmem_shared>>) target(%dma_start3A_326 : memref<640xf32, #tpu.memory_space<vmem>>) target_semaphore(%run_scoped3A_320 : memref<!tpu.dma_semaphore, #tpu.memory_space<semaphore_mem>>)
      %dma_wait3A = arith.constant 0 : i32
      %dma_wait3A_328 = tpu.memref_slice %arg20[%run_scoped3A, %dma_wait3A] : memref<8x640xf32, #tpu.memory_space<vmem>> -> memref<1x640xf32, #tpu.memory_space<vmem>>
      %dma_wait3A_329 = tpu.memref_squeeze %dma_wait3A_328 : memref<1x640xf32, #tpu.memory_space<vmem>> -> memref<640xf32, #tpu.memory_space<vmem>>
      %dma_wait3A_330 = tpu.memref_slice %arg27[%mul3A_2] : memref<10240xf32, #tpu.memory_space<vmem_shared>> -> memref<640xf32, #tpu.memory_space<vmem_shared>>
      %dma_wait3A_331 = arith.constant 0 : i32
      %dma_wait3A_332 = tpu.memref_slice %arg20[%run_scoped3A, %dma_wait3A_331] : memref<8x640xf32, #tpu.memory_space<vmem>> -> memref<1x640xf32, #tpu.memory_space<vmem>>
      %dma_wait3A_333 = tpu.memref_squeeze %dma_wait3A_332 : memref<1x640xf32, #tpu.memory_space<vmem>> -> memref<640xf32, #tpu.memory_space<vmem>>
      %dma_wait3A_334 = tpu.memref_slice %arg27[%mul3A_2] : memref<10240xf32, #tpu.memory_space<vmem_shared>> -> memref<640xf32, #tpu.memory_space<vmem_shared>>
      tpu.wait_dma2 semaphore(%run_scoped3A_320 : memref<!tpu.dma_semaphore, #tpu.memory_space<semaphore_mem>>) src(%dma_wait3A_334 : memref<640xf32, #tpu.memory_space<vmem_shared>>) dst(%dma_wait3A_333 : memref<640xf32, #tpu.memory_space<vmem>>)
      tpu.yield
    }) : () -> ()
    %run_scoped3A_45 = arith.constant 1 : i32
    "tpu.region"() ({
      %run_scoped3A_320 = tpu.sem_alloc : memref<!tpu.dma_semaphore, #tpu.memory_space<semaphore_mem>>
      %dma_start3A = arith.constant 0 : i32
      %dma_start3A_321 = tpu.memref_slice %arg20[%run_scoped3A_45, %dma_start3A] : memref<8x640xf32, #tpu.memory_space<vmem>> -> memref<1x640xf32, #tpu.memory_space<vmem>>
      %dma_start3A_322 = tpu.memref_squeeze %dma_start3A_321 : memref<1x640xf32, #tpu.memory_space<vmem>> -> memref<640xf32, #tpu.memory_space<vmem>>
      %dma_start3A_323 = tpu.memref_slice %arg28[%mul3A_2] : memref<10240xf32, #tpu.memory_space<vmem_shared>> -> memref<640xf32, #tpu.memory_space<vmem_shared>>
      %dma_start3A_324 = arith.constant 0 : i32
      %dma_start3A_325 = tpu.memref_slice %arg20[%run_scoped3A_45, %dma_start3A_324] : memref<8x640xf32, #tpu.memory_space<vmem>> -> memref<1x640xf32, #tpu.memory_space<vmem>>
      %dma_start3A_326 = tpu.memref_squeeze %dma_start3A_325 : memref<1x640xf32, #tpu.memory_space<vmem>> -> memref<640xf32, #tpu.memory_space<vmem>>
      %dma_start3A_327 = tpu.memref_slice %arg28[%mul3A_2] : memref<10240xf32, #tpu.memory_space<vmem_shared>> -> memref<640xf32, #tpu.memory_space<vmem_shared>>
      tpu.enqueue_dma source(%dma_start3A_327 : memref<640xf32, #tpu.memory_space<vmem_shared>>) target(%dma_start3A_326 : memref<640xf32, #tpu.memory_space<vmem>>) target_semaphore(%run_scoped3A_320 : memref<!tpu.dma_semaphore, #tpu.memory_space<semaphore_mem>>)
      %dma_wait3A = arith.constant 0 : i32
      %dma_wait3A_328 = tpu.memref_slice %arg20[%run_scoped3A_45, %dma_wait3A] : memref<8x640xf32, #tpu.memory_space<vmem>> -> memref<1x640xf32, #tpu.memory_space<vmem>>
      %dma_wait3A_329 = tpu.memref_squeeze %dma_wait3A_328 : memref<1x640xf32, #tpu.memory_space<vmem>> -> memref<640xf32, #tpu.memory_space<vmem>>
      %dma_wait3A_330 = tpu.memref_slice %arg28[%mul3A_2] : memref<10240xf32, #tpu.memory_space<vmem_shared>> -> memref<640xf32, #tpu.memory_space<vmem_shared>>
      %dma_wait3A_331 = arith.constant 0 : i32
      %dma_wait3A_332 = tpu.memref_slice %arg20[%run_scoped3A_45, %dma_wait3A_331] : memref<8x640xf32, #tpu.memory_space<vmem>> -> memref<1x640xf32, #tpu.memory_space<vmem>>
      %dma_wait3A_333 = tpu.memref_squeeze %dma_wait3A_332 : memref<1x640xf32, #tpu.memory_space<vmem>> -> memref<640xf32, #tpu.memory_space<vmem>>
      %dma_wait3A_334 = tpu.memref_slice %arg28[%mul3A_2] : memref<10240xf32, #tpu.memory_space<vmem_shared>> -> memref<640xf32, #tpu.memory_space<vmem_shared>>
      tpu.wait_dma2 semaphore(%run_scoped3A_320 : memref<!tpu.dma_semaphore, #tpu.memory_space<semaphore_mem>>) src(%dma_wait3A_334 : memref<640xf32, #tpu.memory_space<vmem_shared>>) dst(%dma_wait3A_333 : memref<640xf32, #tpu.memory_space<vmem>>)
      tpu.yield
    }) : () -> ()
    %broadcast_in_dim3A_46 = arith.constant 2 : i32
    %broadcast_in_dim3A_47 = vector.broadcast %broadcast_in_dim3A_46 : i32 to vector<16xi32>
    %gather3A_48 = tpu.vector_load_idx %arg26[%broadcast_in_dim3A_47] : memref<32xf32, #tpu.memory_space<vmem>>[vector<16xi32>], vector<16xf32>,
    %broadcast_in_dim3A_49 = arith.constant 3 : i32
    %broadcast_in_dim3A_50 = vector.broadcast %broadcast_in_dim3A_49 : i32 to vector<16xi32>
    %gather3A_51 = tpu.vector_load_idx %arg26[%broadcast_in_dim3A_50] : memref<32xf32, #tpu.memory_space<vmem>>[vector<16xi32>], vector<16xf32>,
    %broadcast_in_dim3A_52 = arith.constant 4 : i32
    %broadcast_in_dim3A_53 = vector.broadcast %broadcast_in_dim3A_52 : i32 to vector<16xi32>
    %gather3A_54 = tpu.vector_load_idx %arg26[%broadcast_in_dim3A_53] : memref<32xf32, #tpu.memory_space<vmem>>[vector<16xi32>], vector<16xf32>,
    %broadcast_in_dim3A_55 = arith.constant 5 : i32
    %broadcast_in_dim3A_56 = vector.broadcast %broadcast_in_dim3A_55 : i32 to vector<16xi32>
    %gather3A_57 = tpu.vector_load_idx %arg26[%broadcast_in_dim3A_56] : memref<32xf32, #tpu.memory_space<vmem>>[vector<16xi32>], vector<16xf32>,
    %broadcast_in_dim3A_58 = arith.constant 6 : i32
    %broadcast_in_dim3A_59 = vector.broadcast %broadcast_in_dim3A_58 : i32 to vector<16xi32>
    %gather3A_60 = tpu.vector_load_idx %arg26[%broadcast_in_dim3A_59] : memref<32xf32, #tpu.memory_space<vmem>>[vector<16xi32>], vector<16xf32>,
    %broadcast_in_dim3A_61 = arith.constant 7 : i32
    %broadcast_in_dim3A_62 = vector.broadcast %broadcast_in_dim3A_61 : i32 to vector<16xi32>
    %gather3A_63 = tpu.vector_load_idx %arg26[%broadcast_in_dim3A_62] : memref<32xf32, #tpu.memory_space<vmem>>[vector<16xi32>], vector<16xf32>,
    %scan3A_64 = arith.constant 0 : i32
    %scan3A_65 = arith.constant 40 : i32
    %scan3A_66 = arith.addi %scan3A_64, %scan3A_65 : i32
    %scan3A_67 = arith.constant 1 : i32
    scf.for %scan3A_320 = %scan3A_64 to %scan3A_66 step %scan3A_67  : i32 {
      %mul3A_321 = arith.constant 1 : i32
      %mul3A_322 = arith.muli %scan3A_320, %mul3A_321 : i32
      %add3A_323 = arith.constant 0 : i32
      %add3A_324 = arith.addi %add3A_323, %mul3A_322 : i32
      %mul3A_325 = arith.constant 16 : i32
      %mul3A_326 = arith.muli %add3A_324, %mul3A_325 : i32
      %mul3A_327 = arith.constant 16 : i32
      %mul3A_328 = arith.muli %add3A_324, %mul3A_327 : i32
      %add3A_329 = arith.addi %mul3A_2, %mul3A_328 : i32
      %get3A_330 = arith.index_cast %add3A_329 : i32 to index
      %get3A_331 = tpu.vector_load %arg11[%get3A_330] {strides = array<i32>} : memref<10240xf32, #tpu.memory_space<vmem>>, vector<16xf32>,
      %mul3A_332 = arith.mulf %gather3A, %get3A_331 : vector<16xf32>
      %mul3A_333 = arith.mulf %gather3A_17, %get3A_331 : vector<16xf32>
      %add3A_334 = arith.addf %mul3A_332, %mul3A_333 : vector<16xf32>
      %max3A_335 = arith.constant 0.000000e+00 : f32
      %max3A_336 = vector.broadcast %max3A_335 : f32 to vector<16xf32>
      %max3A_337 = arith.maximumf %add3A_334, %max3A_336 : vector<16xf32>
      %min3A_338 = arith.constant 0.000000e+00 : f32
      %min3A_339 = vector.broadcast %min3A_338 : f32 to vector<16xf32>
      %min3A_340 = arith.minimumf %add3A_334, %min3A_339 : vector<16xf32>
      %mul3A_341 = arith.constant 2.000000e-01 : f32
      %mul3A_342 = vector.broadcast %mul3A_341 : f32 to vector<16xf32>
      %mul3A_343 = arith.mulf %mul3A_342, %min3A_340 : vector<16xf32>
      %add3A_344 = arith.addf %max3A_337, %mul3A_343 : vector<16xf32>
      %exp3A_345 = math.exp %add3A_344 : vector<16xf32>
      %get3A_346 = arith.constant 0 : i32
      %get3A_347 = arith.index_cast %get3A_346 : i32 to index
      %get3A_348 = arith.index_cast %mul3A_326 : i32 to index
      %get3A_349 = tpu.vector_load %arg20[%get3A_347, %get3A_348] {strides = array<i32>} : memref<8x640xf32, #tpu.memory_space<vmem>>, vector<16xf32>,
      %add3A_350 = arith.addf %get3A_349, %exp3A_345 : vector<16xf32>
      %get3A_351 = arith.constant 1 : i32
      %get3A_352 = arith.index_cast %get3A_351 : i32 to index
      %get3A_353 = arith.index_cast %mul3A_326 : i32 to index
      %get3A_354 = tpu.vector_load %arg20[%get3A_352, %get3A_353] {strides = array<i32>} : memref<8x640xf32, #tpu.memory_space<vmem>>, vector<16xf32>,
      %mul3A_355 = arith.mulf %exp3A_345, %get3A_331 : vector<16xf32>
      %add3A_356 = arith.addf %get3A_354, %mul3A_355 : vector<16xf32>
      %div3A_357 = arith.divf %add3A_356, %add3A_350 : vector<16xf32>
      %mul3A_358 = arith.mulf %gather3A_48, %div3A_357 : vector<16xf32>
      %add3A_359 = arith.addf %mul3A_358, %gather3A_57 : vector<16xf32>
      %max3A_360 = arith.constant 0.000000e+00 : f32
      %max3A_361 = vector.broadcast %max3A_360 : f32 to vector<16xf32>
      %max3A_362 = arith.maximumf %add3A_359, %max3A_361 : vector<16xf32>
      %swap3A_363 = arith.index_cast %mul3A_326 : i32 to index
      %swap3A_364 = tpu.vector_load %arg17[%swap3A_363] {strides = array<i32>} : memref<640xf32, #tpu.memory_space<vmem>>, vector<16xf32>,
      tpu.vector_store %arg17[%swap3A_363], %max3A_362 {strides = array<i32>} : memref<640xf32, #tpu.memory_space<vmem>>, vector<16xf32>,
      %mul3A_365 = arith.mulf %gather3A_51, %div3A_357 : vector<16xf32>
      %add3A_366 = arith.addf %mul3A_365, %gather3A_60 : vector<16xf32>
      %max3A_367 = arith.constant 0.000000e+00 : f32
      %max3A_368 = vector.broadcast %max3A_367 : f32 to vector<16xf32>
      %max3A_369 = arith.maximumf %add3A_366, %max3A_368 : vector<16xf32>
      %swap3A_370 = arith.index_cast %mul3A_326 : i32 to index
      %swap3A_371 = tpu.vector_load %arg18[%swap3A_370] {strides = array<i32>} : memref<640xf32, #tpu.memory_space<vmem>>, vector<16xf32>,
      tpu.vector_store %arg18[%swap3A_370], %max3A_369 {strides = array<i32>} : memref<640xf32, #tpu.memory_space<vmem>>, vector<16xf32>,
      %mul3A_372 = arith.mulf %gather3A_54, %div3A_357 : vector<16xf32>
      %add3A_373 = arith.addf %mul3A_372, %gather3A_63 : vector<16xf32>
      %max3A_374 = arith.constant 0.000000e+00 : f32
      %max3A_375 = vector.broadcast %max3A_374 : f32 to vector<16xf32>
      %max3A_376 = arith.maximumf %add3A_373, %max3A_375 : vector<16xf32>
      %swap3A_377 = arith.index_cast %mul3A_326 : i32 to index
      %swap3A_378 = tpu.vector_load %arg19[%swap3A_377] {strides = array<i32>} : memref<640xf32, #tpu.memory_space<vmem>>, vector<16xf32>,
      tpu.vector_store %arg19[%swap3A_377], %max3A_376 {strides = array<i32>} : memref<640xf32, #tpu.memory_space<vmem>>, vector<16xf32>,
    }
    %scan3A_68 = arith.constant 40 : i32
    %broadcast_in_dim3A_69 = arith.constant 8 : i32
    %broadcast_in_dim3A_70 = vector.broadcast %broadcast_in_dim3A_69 : i32 to vector<16xi32>
    %gather3A_71 = tpu.vector_load_idx %arg26[%broadcast_in_dim3A_70] : memref<32xf32, #tpu.memory_space<vmem>>[vector<16xi32>], vector<16xf32>,
    %broadcast_in_dim3A_72 = arith.constant 9 : i32
    %broadcast_in_dim3A_73 = vector.broadcast %broadcast_in_dim3A_72 : i32 to vector<16xi32>
    %gather3A_74 = tpu.vector_load_idx %arg26[%broadcast_in_dim3A_73] : memref<32xf32, #tpu.memory_space<vmem>>[vector<16xi32>], vector<16xf32>,
    %broadcast_in_dim3A_75 = arith.constant 10 : i32
    %broadcast_in_dim3A_76 = vector.broadcast %broadcast_in_dim3A_75 : i32 to vector<16xi32>
    %gather3A_77 = tpu.vector_load_idx %arg26[%broadcast_in_dim3A_76] : memref<32xf32, #tpu.memory_space<vmem>>[vector<16xi32>], vector<16xf32>,
    %broadcast_in_dim3A_78 = arith.constant 11 : i32
    %broadcast_in_dim3A_79 = vector.broadcast %broadcast_in_dim3A_78 : i32 to vector<16xi32>
    %gather3A_80 = tpu.vector_load_idx %arg26[%broadcast_in_dim3A_79] : memref<32xf32, #tpu.memory_space<vmem>>[vector<16xi32>], vector<16xf32>,
    %broadcast_in_dim3A_81 = arith.constant 12 : i32
    %broadcast_in_dim3A_82 = vector.broadcast %broadcast_in_dim3A_81 : i32 to vector<16xi32>
    %gather3A_83 = tpu.vector_load_idx %arg26[%broadcast_in_dim3A_82] : memref<32xf32, #tpu.memory_space<vmem>>[vector<16xi32>], vector<16xf32>,
    %broadcast_in_dim3A_84 = arith.constant 13 : i32
    %broadcast_in_dim3A_85 = vector.broadcast %broadcast_in_dim3A_84 : i32 to vector<16xi32>
    %gather3A_86 = tpu.vector_load_idx %arg26[%broadcast_in_dim3A_85] : memref<32xf32, #tpu.memory_space<vmem>>[vector<16xi32>], vector<16xf32>,
    %broadcast_in_dim3A_87 = arith.constant 14 : i32
    %broadcast_in_dim3A_88 = vector.broadcast %broadcast_in_dim3A_87 : i32 to vector<16xi32>
    %gather3A_89 = tpu.vector_load_idx %arg26[%broadcast_in_dim3A_88] : memref<32xf32, #tpu.memory_space<vmem>>[vector<16xi32>], vector<16xf32>,
    %broadcast_in_dim3A_90 = arith.constant 15 : i32
    %broadcast_in_dim3A_91 = vector.broadcast %broadcast_in_dim3A_90 : i32 to vector<16xi32>
    %gather3A_92 = tpu.vector_load_idx %arg26[%broadcast_in_dim3A_91] : memref<32xf32, #tpu.memory_space<vmem>>[vector<16xi32>], vector<16xf32>,
    %broadcast_in_dim3A_93 = arith.constant 16 : i32
    %broadcast_in_dim3A_94 = vector.broadcast %broadcast_in_dim3A_93 : i32 to vector<16xi32>
    %gather3A_95 = tpu.vector_load_idx %arg26[%broadcast_in_dim3A_94] : memref<32xf32, #tpu.memory_space<vmem>>[vector<16xi32>], vector<16xf32>,
    %broadcast_in_dim3A_96 = arith.constant 17 : i32
    %broadcast_in_dim3A_97 = vector.broadcast %broadcast_in_dim3A_96 : i32 to vector<16xi32>
    %gather3A_98 = tpu.vector_load_idx %arg26[%broadcast_in_dim3A_97] : memref<32xf32, #tpu.memory_space<vmem>>[vector<16xi32>], vector<16xf32>,
    %broadcast_in_dim3A_99 = arith.constant 18 : i32
    %broadcast_in_dim3A_100 = vector.broadcast %broadcast_in_dim3A_99 : i32 to vector<16xi32>
    %gather3A_101 = tpu.vector_load_idx %arg26[%broadcast_in_dim3A_100] : memref<32xf32, #tpu.memory_space<vmem>>[vector<16xi32>], vector<16xf32>,
    %broadcast_in_dim3A_102 = arith.constant 19 : i32
    %broadcast_in_dim3A_103 = vector.broadcast %broadcast_in_dim3A_102 : i32 to vector<16xi32>
    %gather3A_104 = tpu.vector_load_idx %arg26[%broadcast_in_dim3A_103] : memref<32xf32, #tpu.memory_space<vmem>>[vector<16xi32>], vector<16xf32>,
    %broadcast_in_dim3A_105 = arith.constant 20 : i32
    %broadcast_in_dim3A_106 = vector.broadcast %broadcast_in_dim3A_105 : i32 to vector<16xi32>
    %gather3A_107 = tpu.vector_load_idx %arg26[%broadcast_in_dim3A_106] : memref<32xf32, #tpu.memory_space<vmem>>[vector<16xi32>], vector<16xf32>,
    %broadcast_in_dim3A_108 = arith.constant 21 : i32
    %broadcast_in_dim3A_109 = vector.broadcast %broadcast_in_dim3A_108 : i32 to vector<16xi32>
    %gather3A_110 = tpu.vector_load_idx %arg26[%broadcast_in_dim3A_109] : memref<32xf32, #tpu.memory_space<vmem>>[vector<16xi32>], vector<16xf32>,
    %broadcast_in_dim3A_111 = arith.constant 22 : i32
    %broadcast_in_dim3A_112 = vector.broadcast %broadcast_in_dim3A_111 : i32 to vector<16xi32>
    %gather3A_113 = tpu.vector_load_idx %arg26[%broadcast_in_dim3A_112] : memref<32xf32, #tpu.memory_space<vmem>>[vector<16xi32>], vector<16xf32>,
    %scan3A_114 = arith.constant 0 : i32
    %scan3A_115 = arith.constant 40 : i32
    %scan3A_116 = arith.addi %scan3A_114, %scan3A_115 : i32
    %scan3A_117 = arith.constant 1 : i32
    scf.for %scan3A_320 = %scan3A_114 to %scan3A_116 step %scan3A_117  : i32 {
      %mul3A_321 = arith.constant 1 : i32
      %mul3A_322 = arith.muli %scan3A_320, %mul3A_321 : i32
      %add3A_323 = arith.constant 0 : i32
      %add3A_324 = arith.addi %add3A_323, %mul3A_322 : i32
      %mul3A_325 = arith.constant 16 : i32
      %mul3A_326 = arith.muli %add3A_324, %mul3A_325 : i32
      %get3A_327 = arith.index_cast %mul3A_326 : i32 to index
      %get3A_328 = tpu.vector_load %arg17[%get3A_327] {strides = array<i32>} : memref<640xf32, #tpu.memory_space<vmem>>, vector<16xf32>,
      %get3A_329 = arith.index_cast %mul3A_326 : i32 to index
      %get3A_330 = tpu.vector_load %arg18[%get3A_329] {strides = array<i32>} : memref<640xf32, #tpu.memory_space<vmem>>, vector<16xf32>,
      %get3A_331 = arith.index_cast %mul3A_326 : i32 to index
      %get3A_332 = tpu.vector_load %arg19[%get3A_331] {strides = array<i32>} : memref<640xf32, #tpu.memory_space<vmem>>, vector<16xf32>,
      %mul3A_333 = arith.mulf %get3A_328, %gather3A_71 : vector<16xf32>
      %mul3A_334 = arith.mulf %get3A_330, %gather3A_80 : vector<16xf32>
      %add3A_335 = arith.addf %mul3A_333, %mul3A_334 : vector<16xf32>
      %mul3A_336 = arith.mulf %get3A_332, %gather3A_89 : vector<16xf32>
      %add3A_337 = arith.addf %add3A_335, %mul3A_336 : vector<16xf32>
      %mul3A_338 = arith.mulf %get3A_328, %gather3A_74 : vector<16xf32>
      %mul3A_339 = arith.mulf %get3A_330, %gather3A_83 : vector<16xf32>
      %add3A_340 = arith.addf %mul3A_338, %mul3A_339 : vector<16xf32>
      %mul3A_341 = arith.mulf %get3A_332, %gather3A_92 : vector<16xf32>
      %add3A_342 = arith.addf %add3A_340, %mul3A_341 : vector<16xf32>
      %mul3A_343 = arith.mulf %get3A_328, %gather3A_77 : vector<16xf32>
      %mul3A_344 = arith.mulf %get3A_330, %gather3A_86 : vector<16xf32>
      %add3A_345 = arith.addf %mul3A_343, %mul3A_344 : vector<16xf32>
      %mul3A_346 = arith.mulf %get3A_332, %gather3A_95 : vector<16xf32>
      %add3A_347 = arith.addf %add3A_345, %mul3A_346 : vector<16xf32>
      %mul3A_348 = arith.mulf %add3A_337, %gather3A_107 : vector<16xf32>
      %mul3A_349 = arith.mulf %add3A_342, %gather3A_110 : vector<16xf32>
      %add3A_350 = arith.addf %mul3A_348, %mul3A_349 : vector<16xf32>
      %mul3A_351 = arith.mulf %add3A_347, %gather3A_113 : vector<16xf32>
      %add3A_352 = arith.addf %add3A_350, %mul3A_351 : vector<16xf32>
      %swap3A_353 = arith.constant 0 : i32
      %swap3A_354 = arith.index_cast %swap3A_353 : i32 to index
      %swap3A_355 = arith.index_cast %mul3A_326 : i32 to index
      %swap3A_356 = tpu.vector_load %arg20[%swap3A_354, %swap3A_355] {strides = array<i32>} : memref<8x640xf32, #tpu.memory_space<vmem>>, vector<16xf32>,
      tpu.vector_store %arg20[%swap3A_354, %swap3A_355], %add3A_352 {strides = array<i32>} : memref<8x640xf32, #tpu.memory_space<vmem>>, vector<16xf32>,
      %swap3A_357 = arith.constant 1 : i32
      %swap3A_358 = arith.index_cast %swap3A_357 : i32 to index
      %swap3A_359 = arith.index_cast %mul3A_326 : i32 to index
      %swap3A_360 = tpu.vector_load %arg20[%swap3A_358, %swap3A_359] {strides = array<i32>} : memref<8x640xf32, #tpu.memory_space<vmem>>, vector<16xf32>,
      tpu.vector_store %arg20[%swap3A_358, %swap3A_359], %add3A_337 {strides = array<i32>} : memref<8x640xf32, #tpu.memory_space<vmem>>, vector<16xf32>,
      %swap3A_361 = arith.constant 2 : i32
      %swap3A_362 = arith.index_cast %swap3A_361 : i32 to index
      %swap3A_363 = arith.index_cast %mul3A_326 : i32 to index
      %swap3A_364 = tpu.vector_load %arg20[%swap3A_362, %swap3A_363] {strides = array<i32>} : memref<8x640xf32, #tpu.memory_space<vmem>>, vector<16xf32>,
      tpu.vector_store %arg20[%swap3A_362, %swap3A_363], %add3A_342 {strides = array<i32>} : memref<8x640xf32, #tpu.memory_space<vmem>>, vector<16xf32>,
      %swap3A_365 = arith.constant 3 : i32
      %swap3A_366 = arith.index_cast %swap3A_365 : i32 to index
      %swap3A_367 = arith.index_cast %mul3A_326 : i32 to index
      %swap3A_368 = tpu.vector_load %arg20[%swap3A_366, %swap3A_367] {strides = array<i32>} : memref<8x640xf32, #tpu.memory_space<vmem>>, vector<16xf32>,
      tpu.vector_store %arg20[%swap3A_366, %swap3A_367], %add3A_347 {strides = array<i32>} : memref<8x640xf32, #tpu.memory_space<vmem>>, vector<16xf32>,
    }
    %scan3A_118 = arith.constant 40 : i32
    %add3A_119 = arith.constant 0 : i32
    %add3A_120 = arith.addi %add3A_119, %mul3A_2 : i32
    %run_scoped3A_121 = arith.constant 0 : i32
    "tpu.region"() ({
      %run_scoped3A_320 = tpu.sem_alloc : memref<!tpu.dma_semaphore, #tpu.memory_space<semaphore_mem>>
      %dma_start3A = arith.constant 0 : i32
      %dma_start3A_321 = tpu.memref_slice %arg20[%run_scoped3A_121, %dma_start3A] : memref<8x640xf32, #tpu.memory_space<vmem>> -> memref<1x640xf32, #tpu.memory_space<vmem>>
      %dma_start3A_322 = tpu.memref_squeeze %dma_start3A_321 : memref<1x640xf32, #tpu.memory_space<vmem>> -> memref<640xf32, #tpu.memory_space<vmem>>
      %dma_start3A_323 = tpu.memref_slice %arg31[%add3A_120] : memref<40960xf32, #tpu.memory_space<vmem_shared>> -> memref<640xf32, #tpu.memory_space<vmem_shared>>
      %dma_start3A_324 = tpu.memref_slice %arg31[%add3A_120] : memref<40960xf32, #tpu.memory_space<vmem_shared>> -> memref<640xf32, #tpu.memory_space<vmem_shared>>
      %dma_start3A_325 = arith.constant 0 : i32
      %dma_start3A_326 = tpu.memref_slice %arg20[%run_scoped3A_121, %dma_start3A_325] : memref<8x640xf32, #tpu.memory_space<vmem>> -> memref<1x640xf32, #tpu.memory_space<vmem>>
      %dma_start3A_327 = tpu.memref_squeeze %dma_start3A_326 : memref<1x640xf32, #tpu.memory_space<vmem>> -> memref<640xf32, #tpu.memory_space<vmem>>
      tpu.enqueue_dma source(%dma_start3A_327 : memref<640xf32, #tpu.memory_space<vmem>>) target(%dma_start3A_324 : memref<640xf32, #tpu.memory_space<vmem_shared>>) target_semaphore(%run_scoped3A_320 : memref<!tpu.dma_semaphore, #tpu.memory_space<semaphore_mem>>)
      %dma_wait3A = arith.constant 0 : i32
      %dma_wait3A_328 = tpu.memref_slice %arg20[%run_scoped3A_121, %dma_wait3A] : memref<8x640xf32, #tpu.memory_space<vmem>> -> memref<1x640xf32, #tpu.memory_space<vmem>>
      %dma_wait3A_329 = tpu.memref_squeeze %dma_wait3A_328 : memref<1x640xf32, #tpu.memory_space<vmem>> -> memref<640xf32, #tpu.memory_space<vmem>>
      %dma_wait3A_330 = tpu.memref_slice %arg31[%add3A_120] : memref<40960xf32, #tpu.memory_space<vmem_shared>> -> memref<640xf32, #tpu.memory_space<vmem_shared>>
      %dma_wait3A_331 = tpu.memref_slice %arg31[%add3A_120] : memref<40960xf32, #tpu.memory_space<vmem_shared>> -> memref<640xf32, #tpu.memory_space<vmem_shared>>
      %dma_wait3A_332 = arith.constant 0 : i32
      %dma_wait3A_333 = tpu.memref_slice %arg20[%run_scoped3A_121, %dma_wait3A_332] : memref<8x640xf32, #tpu.memory_space<vmem>> -> memref<1x640xf32, #tpu.memory_space<vmem>>
      %dma_wait3A_334 = tpu.memref_squeeze %dma_wait3A_333 : memref<1x640xf32, #tpu.memory_space<vmem>> -> memref<640xf32, #tpu.memory_space<vmem>>
      tpu.wait_dma2 semaphore(%run_scoped3A_320 : memref<!tpu.dma_semaphore, #tpu.memory_space<semaphore_mem>>) src(%dma_wait3A_334 : memref<640xf32, #tpu.memory_space<vmem>>) dst(%dma_wait3A_331 : memref<640xf32, #tpu.memory_space<vmem_shared>>)
      tpu.yield
    }) : () -> ()
    %add3A_122 = arith.constant 10240 : i32
    %add3A_123 = arith.addi %add3A_122, %mul3A_2 : i32
    %run_scoped3A_124 = arith.constant 1 : i32
    "tpu.region"() ({
      %run_scoped3A_320 = tpu.sem_alloc : memref<!tpu.dma_semaphore, #tpu.memory_space<semaphore_mem>>
      %dma_start3A = arith.constant 0 : i32
      %dma_start3A_321 = tpu.memref_slice %arg20[%run_scoped3A_124, %dma_start3A] : memref<8x640xf32, #tpu.memory_space<vmem>> -> memref<1x640xf32, #tpu.memory_space<vmem>>
      %dma_start3A_322 = tpu.memref_squeeze %dma_start3A_321 : memref<1x640xf32, #tpu.memory_space<vmem>> -> memref<640xf32, #tpu.memory_space<vmem>>
      %dma_start3A_323 = tpu.memref_slice %arg31[%add3A_123] : memref<40960xf32, #tpu.memory_space<vmem_shared>> -> memref<640xf32, #tpu.memory_space<vmem_shared>>
      %dma_start3A_324 = tpu.memref_slice %arg31[%add3A_123] : memref<40960xf32, #tpu.memory_space<vmem_shared>> -> memref<640xf32, #tpu.memory_space<vmem_shared>>
      %dma_start3A_325 = arith.constant 0 : i32
      %dma_start3A_326 = tpu.memref_slice %arg20[%run_scoped3A_124, %dma_start3A_325] : memref<8x640xf32, #tpu.memory_space<vmem>> -> memref<1x640xf32, #tpu.memory_space<vmem>>
      %dma_start3A_327 = tpu.memref_squeeze %dma_start3A_326 : memref<1x640xf32, #tpu.memory_space<vmem>> -> memref<640xf32, #tpu.memory_space<vmem>>
      tpu.enqueue_dma source(%dma_start3A_327 : memref<640xf32, #tpu.memory_space<vmem>>) target(%dma_start3A_324 : memref<640xf32, #tpu.memory_space<vmem_shared>>) target_semaphore(%run_scoped3A_320 : memref<!tpu.dma_semaphore, #tpu.memory_space<semaphore_mem>>)
      %dma_wait3A = arith.constant 0 : i32
      %dma_wait3A_328 = tpu.memref_slice %arg20[%run_scoped3A_124, %dma_wait3A] : memref<8x640xf32, #tpu.memory_space<vmem>> -> memref<1x640xf32, #tpu.memory_space<vmem>>
      %dma_wait3A_329 = tpu.memref_squeeze %dma_wait3A_328 : memref<1x640xf32, #tpu.memory_space<vmem>> -> memref<640xf32, #tpu.memory_space<vmem>>
      %dma_wait3A_330 = tpu.memref_slice %arg31[%add3A_123] : memref<40960xf32, #tpu.memory_space<vmem_shared>> -> memref<640xf32, #tpu.memory_space<vmem_shared>>
      %dma_wait3A_331 = tpu.memref_slice %arg31[%add3A_123] : memref<40960xf32, #tpu.memory_space<vmem_shared>> -> memref<640xf32, #tpu.memory_space<vmem_shared>>
      %dma_wait3A_332 = arith.constant 0 : i32
      %dma_wait3A_333 = tpu.memref_slice %arg20[%run_scoped3A_124, %dma_wait3A_332] : memref<8x640xf32, #tpu.memory_space<vmem>> -> memref<1x640xf32, #tpu.memory_space<vmem>>
      %dma_wait3A_334 = tpu.memref_squeeze %dma_wait3A_333 : memref<1x640xf32, #tpu.memory_space<vmem>> -> memref<640xf32, #tpu.memory_space<vmem>>
      tpu.wait_dma2 semaphore(%run_scoped3A_320 : memref<!tpu.dma_semaphore, #tpu.memory_space<semaphore_mem>>) src(%dma_wait3A_334 : memref<640xf32, #tpu.memory_space<vmem>>) dst(%dma_wait3A_331 : memref<640xf32, #tpu.memory_space<vmem_shared>>)
      tpu.yield
    }) : () -> ()
    %add3A_125 = arith.constant 20480 : i32
    %add3A_126 = arith.addi %add3A_125, %mul3A_2 : i32
    %run_scoped3A_127 = arith.constant 2 : i32
    "tpu.region"() ({
      %run_scoped3A_320 = tpu.sem_alloc : memref<!tpu.dma_semaphore, #tpu.memory_space<semaphore_mem>>
      %dma_start3A = arith.constant 0 : i32
      %dma_start3A_321 = tpu.memref_slice %arg20[%run_scoped3A_127, %dma_start3A] : memref<8x640xf32, #tpu.memory_space<vmem>> -> memref<1x640xf32, #tpu.memory_space<vmem>>
      %dma_start3A_322 = tpu.memref_squeeze %dma_start3A_321 : memref<1x640xf32, #tpu.memory_space<vmem>> -> memref<640xf32, #tpu.memory_space<vmem>>
      %dma_start3A_323 = tpu.memref_slice %arg31[%add3A_126] : memref<40960xf32, #tpu.memory_space<vmem_shared>> -> memref<640xf32, #tpu.memory_space<vmem_shared>>
      %dma_start3A_324 = tpu.memref_slice %arg31[%add3A_126] : memref<40960xf32, #tpu.memory_space<vmem_shared>> -> memref<640xf32, #tpu.memory_space<vmem_shared>>
      %dma_start3A_325 = arith.constant 0 : i32
      %dma_start3A_326 = tpu.memref_slice %arg20[%run_scoped3A_127, %dma_start3A_325] : memref<8x640xf32, #tpu.memory_space<vmem>> -> memref<1x640xf32, #tpu.memory_space<vmem>>
      %dma_start3A_327 = tpu.memref_squeeze %dma_start3A_326 : memref<1x640xf32, #tpu.memory_space<vmem>> -> memref<640xf32, #tpu.memory_space<vmem>>
      tpu.enqueue_dma source(%dma_start3A_327 : memref<640xf32, #tpu.memory_space<vmem>>) target(%dma_start3A_324 : memref<640xf32, #tpu.memory_space<vmem_shared>>) target_semaphore(%run_scoped3A_320 : memref<!tpu.dma_semaphore, #tpu.memory_space<semaphore_mem>>)
      %dma_wait3A = arith.constant 0 : i32
      %dma_wait3A_328 = tpu.memref_slice %arg20[%run_scoped3A_127, %dma_wait3A] : memref<8x640xf32, #tpu.memory_space<vmem>> -> memref<1x640xf32, #tpu.memory_space<vmem>>
      %dma_wait3A_329 = tpu.memref_squeeze %dma_wait3A_328 : memref<1x640xf32, #tpu.memory_space<vmem>> -> memref<640xf32, #tpu.memory_space<vmem>>
      %dma_wait3A_330 = tpu.memref_slice %arg31[%add3A_126] : memref<40960xf32, #tpu.memory_space<vmem_shared>> -> memref<640xf32, #tpu.memory_space<vmem_shared>>
      %dma_wait3A_331 = tpu.memref_slice %arg31[%add3A_126] : memref<40960xf32, #tpu.memory_space<vmem_shared>> -> memref<640xf32, #tpu.memory_space<vmem_shared>>
      %dma_wait3A_332 = arith.constant 0 : i32
      %dma_wait3A_333 = tpu.memref_slice %arg20[%run_scoped3A_127, %dma_wait3A_332] : memref<8x640xf32, #tpu.memory_space<vmem>> -> memref<1x640xf32, #tpu.memory_space<vmem>>
      %dma_wait3A_334 = tpu.memref_squeeze %dma_wait3A_333 : memref<1x640xf32, #tpu.memory_space<vmem>> -> memref<640xf32, #tpu.memory_space<vmem>>
      tpu.wait_dma2 semaphore(%run_scoped3A_320 : memref<!tpu.dma_semaphore, #tpu.memory_space<semaphore_mem>>) src(%dma_wait3A_334 : memref<640xf32, #tpu.memory_space<vmem>>) dst(%dma_wait3A_331 : memref<640xf32, #tpu.memory_space<vmem_shared>>)
      tpu.yield
    }) : () -> ()
    %add3A_128 = arith.constant 30720 : i32
    %add3A_129 = arith.addi %add3A_128, %mul3A_2 : i32
    %run_scoped3A_130 = arith.constant 3 : i32
    "tpu.region"() ({
      %run_scoped3A_320 = tpu.sem_alloc : memref<!tpu.dma_semaphore, #tpu.memory_space<semaphore_mem>>
      %dma_start3A = arith.constant 0 : i32
      %dma_start3A_321 = tpu.memref_slice %arg20[%run_scoped3A_130, %dma_start3A] : memref<8x640xf32, #tpu.memory_space<vmem>> -> memref<1x640xf32, #tpu.memory_space<vmem>>
      %dma_start3A_322 = tpu.memref_squeeze %dma_start3A_321 : memref<1x640xf32, #tpu.memory_space<vmem>> -> memref<640xf32, #tpu.memory_space<vmem>>
      %dma_start3A_323 = tpu.memref_slice %arg31[%add3A_129] : memref<40960xf32, #tpu.memory_space<vmem_shared>> -> memref<640xf32, #tpu.memory_space<vmem_shared>>
      %dma_start3A_324 = tpu.memref_slice %arg31[%add3A_129] : memref<40960xf32, #tpu.memory_space<vmem_shared>> -> memref<640xf32, #tpu.memory_space<vmem_shared>>
      %dma_start3A_325 = arith.constant 0 : i32
      %dma_start3A_326 = tpu.memref_slice %arg20[%run_scoped3A_130, %dma_start3A_325] : memref<8x640xf32, #tpu.memory_space<vmem>> -> memref<1x640xf32, #tpu.memory_space<vmem>>
      %dma_start3A_327 = tpu.memref_squeeze %dma_start3A_326 : memref<1x640xf32, #tpu.memory_space<vmem>> -> memref<640xf32, #tpu.memory_space<vmem>>
      tpu.enqueue_dma source(%dma_start3A_327 : memref<640xf32, #tpu.memory_space<vmem>>) target(%dma_start3A_324 : memref<640xf32, #tpu.memory_space<vmem_shared>>) target_semaphore(%run_scoped3A_320 : memref<!tpu.dma_semaphore, #tpu.memory_space<semaphore_mem>>)
      %dma_wait3A = arith.constant 0 : i32
      %dma_wait3A_328 = tpu.memref_slice %arg20[%run_scoped3A_130, %dma_wait3A] : memref<8x640xf32, #tpu.memory_space<vmem>> -> memref<1x640xf32, #tpu.memory_space<vmem>>
      %dma_wait3A_329 = tpu.memref_squeeze %dma_wait3A_328 : memref<1x640xf32, #tpu.memory_space<vmem>> -> memref<640xf32, #tpu.memory_space<vmem>>
      %dma_wait3A_330 = tpu.memref_slice %arg31[%add3A_129] : memref<40960xf32, #tpu.memory_space<vmem_shared>> -> memref<640xf32, #tpu.memory_space<vmem_shared>>
      %dma_wait3A_331 = tpu.memref_slice %arg31[%add3A_129] : memref<40960xf32, #tpu.memory_space<vmem_shared>> -> memref<640xf32, #tpu.memory_space<vmem_shared>>
      %dma_wait3A_332 = arith.constant 0 : i32
      %dma_wait3A_333 = tpu.memref_slice %arg20[%run_scoped3A_130, %dma_wait3A_332] : memref<8x640xf32, #tpu.memory_space<vmem>> -> memref<1x640xf32, #tpu.memory_space<vmem>>
      %dma_wait3A_334 = tpu.memref_squeeze %dma_wait3A_333 : memref<1x640xf32, #tpu.memory_space<vmem>> -> memref<640xf32, #tpu.memory_space<vmem>>
      tpu.wait_dma2 semaphore(%run_scoped3A_320 : memref<!tpu.dma_semaphore, #tpu.memory_space<semaphore_mem>>) src(%dma_wait3A_334 : memref<640xf32, #tpu.memory_space<vmem>>) dst(%dma_wait3A_331 : memref<640xf32, #tpu.memory_space<vmem_shared>>)
      tpu.yield
    }) : () -> ()
    %barrier3A_131 = arith.constant 0 : index
    tpu.barrier barrier_id(%barrier3A_131)
    "tpu.region"() ({
      %run_scoped3A_320 = tpu.sem_alloc : memref<!tpu.dma_semaphore, #tpu.memory_space<semaphore_mem>>
      %dma_start3A = arith.constant 0 : i32
      %dma_start3A_321 = tpu.memref_slice %arg31[%dma_start3A] : memref<40960xf32, #tpu.memory_space<vmem_shared>> -> memref<10240xf32, #tpu.memory_space<vmem_shared>>
      %dma_start3A_322 = arith.constant 0 : i32
      %dma_start3A_323 = tpu.memref_slice %arg31[%dma_start3A_322] : memref<40960xf32, #tpu.memory_space<vmem_shared>> -> memref<10240xf32, #tpu.memory_space<vmem_shared>>
      tpu.enqueue_dma source(%dma_start3A_323 : memref<10240xf32, #tpu.memory_space<vmem_shared>>) target(%arg9 : memref<10240xf32, #tpu.memory_space<vmem>>) target_semaphore(%run_scoped3A_320 : memref<!tpu.dma_semaphore, #tpu.memory_space<semaphore_mem>>)
      %dma_wait3A = arith.constant 0 : i32
      %dma_wait3A_324 = tpu.memref_slice %arg31[%dma_wait3A] : memref<40960xf32, #tpu.memory_space<vmem_shared>> -> memref<10240xf32, #tpu.memory_space<vmem_shared>>
      %dma_wait3A_325 = arith.constant 0 : i32
      %dma_wait3A_326 = tpu.memref_slice %arg31[%dma_wait3A_325] : memref<40960xf32, #tpu.memory_space<vmem_shared>> -> memref<10240xf32, #tpu.memory_space<vmem_shared>>
      tpu.wait_dma2 semaphore(%run_scoped3A_320 : memref<!tpu.dma_semaphore, #tpu.memory_space<semaphore_mem>>) src(%dma_wait3A_326 : memref<10240xf32, #tpu.memory_space<vmem_shared>>) dst(%arg9 : memref<10240xf32, #tpu.memory_space<vmem>>)
      tpu.yield
    }) : () -> ()
    "tpu.region"() ({
      %run_scoped3A_320 = tpu.sem_alloc : memref<!tpu.dma_semaphore, #tpu.memory_space<semaphore_mem>>
      %dma_start3A = arith.constant 10240 : i32
      %dma_start3A_321 = tpu.memref_slice %arg31[%dma_start3A] : memref<40960xf32, #tpu.memory_space<vmem_shared>> -> memref<10240xf32, #tpu.memory_space<vmem_shared>>
      %dma_start3A_322 = arith.constant 10240 : i32
      %dma_start3A_323 = tpu.memref_slice %arg31[%dma_start3A_322] : memref<40960xf32, #tpu.memory_space<vmem_shared>> -> memref<10240xf32, #tpu.memory_space<vmem_shared>>
      tpu.enqueue_dma source(%dma_start3A_323 : memref<10240xf32, #tpu.memory_space<vmem_shared>>) target(%arg10 : memref<10240xf32, #tpu.memory_space<vmem>>) target_semaphore(%run_scoped3A_320 : memref<!tpu.dma_semaphore, #tpu.memory_space<semaphore_mem>>)
      %dma_wait3A = arith.constant 10240 : i32
      %dma_wait3A_324 = tpu.memref_slice %arg31[%dma_wait3A] : memref<40960xf32, #tpu.memory_space<vmem_shared>> -> memref<10240xf32, #tpu.memory_space<vmem_shared>>
      %dma_wait3A_325 = arith.constant 10240 : i32
      %dma_wait3A_326 = tpu.memref_slice %arg31[%dma_wait3A_325] : memref<40960xf32, #tpu.memory_space<vmem_shared>> -> memref<10240xf32, #tpu.memory_space<vmem_shared>>
      tpu.wait_dma2 semaphore(%run_scoped3A_320 : memref<!tpu.dma_semaphore, #tpu.memory_space<semaphore_mem>>) src(%dma_wait3A_326 : memref<10240xf32, #tpu.memory_space<vmem_shared>>) dst(%arg10 : memref<10240xf32, #tpu.memory_space<vmem>>)
      tpu.yield
    }) : () -> ()
    "tpu.region"() ({
      %run_scoped3A_320 = tpu.sem_alloc : memref<!tpu.dma_semaphore, #tpu.memory_space<semaphore_mem>>
      %dma_start3A = arith.constant 20480 : i32
      %dma_start3A_321 = tpu.memref_slice %arg31[%dma_start3A] : memref<40960xf32, #tpu.memory_space<vmem_shared>> -> memref<10240xf32, #tpu.memory_space<vmem_shared>>
      %dma_start3A_322 = arith.constant 20480 : i32
      %dma_start3A_323 = tpu.memref_slice %arg31[%dma_start3A_322] : memref<40960xf32, #tpu.memory_space<vmem_shared>> -> memref<10240xf32, #tpu.memory_space<vmem_shared>>
      tpu.enqueue_dma source(%dma_start3A_323 : memref<10240xf32, #tpu.memory_space<vmem_shared>>) target(%arg11 : memref<10240xf32, #tpu.memory_space<vmem>>) target_semaphore(%run_scoped3A_320 : memref<!tpu.dma_semaphore, #tpu.memory_space<semaphore_mem>>)
      %dma_wait3A = arith.constant 20480 : i32
      %dma_wait3A_324 = tpu.memref_slice %arg31[%dma_wait3A] : memref<40960xf32, #tpu.memory_space<vmem_shared>> -> memref<10240xf32, #tpu.memory_space<vmem_shared>>
      %dma_wait3A_325 = arith.constant 20480 : i32
      %dma_wait3A_326 = tpu.memref_slice %arg31[%dma_wait3A_325] : memref<40960xf32, #tpu.memory_space<vmem_shared>> -> memref<10240xf32, #tpu.memory_space<vmem_shared>>
      tpu.wait_dma2 semaphore(%run_scoped3A_320 : memref<!tpu.dma_semaphore, #tpu.memory_space<semaphore_mem>>) src(%dma_wait3A_326 : memref<10240xf32, #tpu.memory_space<vmem_shared>>) dst(%arg11 : memref<10240xf32, #tpu.memory_space<vmem>>)
      tpu.yield
    }) : () -> ()
    "tpu.region"() ({
      %run_scoped3A_320 = tpu.sem_alloc : memref<!tpu.dma_semaphore, #tpu.memory_space<semaphore_mem>>
      %dma_start3A = arith.constant 30720 : i32
      %dma_start3A_321 = tpu.memref_slice %arg31[%dma_start3A] : memref<40960xf32, #tpu.memory_space<vmem_shared>> -> memref<10240xf32, #tpu.memory_space<vmem_shared>>
      %dma_start3A_322 = arith.constant 30720 : i32
      %dma_start3A_323 = tpu.memref_slice %arg31[%dma_start3A_322] : memref<40960xf32, #tpu.memory_space<vmem_shared>> -> memref<10240xf32, #tpu.memory_space<vmem_shared>>
      tpu.enqueue_dma source(%dma_start3A_323 : memref<10240xf32, #tpu.memory_space<vmem_shared>>) target(%arg12 : memref<10240xf32, #tpu.memory_space<vmem>>) target_semaphore(%run_scoped3A_320 : memref<!tpu.dma_semaphore, #tpu.memory_space<semaphore_mem>>)
      %dma_wait3A = arith.constant 30720 : i32
      %dma_wait3A_324 = tpu.memref_slice %arg31[%dma_wait3A] : memref<40960xf32, #tpu.memory_space<vmem_shared>> -> memref<10240xf32, #tpu.memory_space<vmem_shared>>
      %dma_wait3A_325 = arith.constant 30720 : i32
      %dma_wait3A_326 = tpu.memref_slice %arg31[%dma_wait3A_325] : memref<40960xf32, #tpu.memory_space<vmem_shared>> -> memref<10240xf32, #tpu.memory_space<vmem_shared>>
      tpu.wait_dma2 semaphore(%run_scoped3A_320 : memref<!tpu.dma_semaphore, #tpu.memory_space<semaphore_mem>>) src(%dma_wait3A_326 : memref<10240xf32, #tpu.memory_space<vmem_shared>>) dst(%arg12 : memref<10240xf32, #tpu.memory_space<vmem>>)
      tpu.yield
    }) : () -> ()
    %scan3A_132 = arith.constant 0 : i32
    %scan3A_133 = arith.constant 640 : i32
    %scan3A_134 = arith.addi %scan3A_132, %scan3A_133 : i32
    %scan3A_135 = arith.constant 1 : i32
    scf.for %scan3A_320 = %scan3A_132 to %scan3A_134 step %scan3A_135  : i32 {
      %mul3A_321 = arith.constant 1 : i32
      %mul3A_322 = arith.muli %scan3A_320, %mul3A_321 : i32
      %add3A_323 = arith.constant 0 : i32
      %add3A_324 = arith.addi %add3A_323, %mul3A_322 : i32
      %mul3A_325 = arith.constant 16 : i32
      %mul3A_326 = arith.muli %add3A_324, %mul3A_325 : i32
      %swap3A_327 = arith.index_cast %mul3A_326 : i32 to index
      %swap3A_328 = tpu.vector_load %arg13[%swap3A_327] {strides = array<i32>} : memref<10240xf32, #tpu.memory_space<vmem>>, vector<16xf32>,
      tpu.vector_store %arg13[%swap3A_327], %broadcast_in_dim3A_3 {strides = array<i32>} : memref<10240xf32, #tpu.memory_space<vmem>>, vector<16xf32>,
      %mul3A_329 = arith.constant 16 : i32
      %mul3A_330 = arith.muli %add3A_324, %mul3A_329 : i32
      %swap3A_331 = arith.index_cast %mul3A_330 : i32 to index
      %swap3A_332 = tpu.vector_load %arg14[%swap3A_331] {strides = array<i32>} : memref<10240xf32, #tpu.memory_space<vmem>>, vector<16xf32>,
      tpu.vector_store %arg14[%swap3A_331], %broadcast_in_dim3A_3 {strides = array<i32>} : memref<10240xf32, #tpu.memory_space<vmem>>, vector<16xf32>,
      %mul3A_333 = arith.constant 16 : i32
      %mul3A_334 = arith.muli %add3A_324, %mul3A_333 : i32
      %swap3A_335 = arith.index_cast %mul3A_334 : i32 to index
      %swap3A_336 = tpu.vector_load %arg15[%swap3A_335] {strides = array<i32>} : memref<10240xf32, #tpu.memory_space<vmem>>, vector<16xf32>,
      tpu.vector_store %arg15[%swap3A_335], %broadcast_in_dim3A_3 {strides = array<i32>} : memref<10240xf32, #tpu.memory_space<vmem>>, vector<16xf32>,
      %mul3A_337 = arith.constant 16 : i32
      %mul3A_338 = arith.muli %add3A_324, %mul3A_337 : i32
      %swap3A_339 = arith.index_cast %mul3A_338 : i32 to index
      %swap3A_340 = tpu.vector_load %arg16[%swap3A_339] {strides = array<i32>} : memref<10240xf32, #tpu.memory_space<vmem>>, vector<16xf32>,
      tpu.vector_store %arg16[%swap3A_339], %broadcast_in_dim3A_3 {strides = array<i32>} : memref<10240xf32, #tpu.memory_space<vmem>>, vector<16xf32>,
    }
    %scan3A_136 = arith.constant 640 : i32
    "tpu.region"() ({
      %run_scoped3A_320 = tpu.sem_alloc : memref<!tpu.dma_semaphore, #tpu.memory_space<semaphore_mem>>
      %dma_start3A = tpu.memref_slice %arg27[%mul3A_2] : memref<10240xf32, #tpu.memory_space<vmem_shared>> -> memref<640xf32, #tpu.memory_space<vmem_shared>>
      %dma_start3A_321 = tpu.memref_slice %arg27[%mul3A_2] : memref<10240xf32, #tpu.memory_space<vmem_shared>> -> memref<640xf32, #tpu.memory_space<vmem_shared>>
      tpu.enqueue_dma source(%arg22 : memref<640xf32, #tpu.memory_space<vmem>>) target(%dma_start3A_321 : memref<640xf32, #tpu.memory_space<vmem_shared>>) target_semaphore(%run_scoped3A_320 : memref<!tpu.dma_semaphore, #tpu.memory_space<semaphore_mem>>)
      %dma_wait3A = tpu.memref_slice %arg27[%mul3A_2] : memref<10240xf32, #tpu.memory_space<vmem_shared>> -> memref<640xf32, #tpu.memory_space<vmem_shared>>
      %dma_wait3A_322 = tpu.memref_slice %arg27[%mul3A_2] : memref<10240xf32, #tpu.memory_space<vmem_shared>> -> memref<640xf32, #tpu.memory_space<vmem_shared>>
      tpu.wait_dma2 semaphore(%run_scoped3A_320 : memref<!tpu.dma_semaphore, #tpu.memory_space<semaphore_mem>>) src(%arg22 : memref<640xf32, #tpu.memory_space<vmem>>) dst(%dma_wait3A_322 : memref<640xf32, #tpu.memory_space<vmem_shared>>)
      tpu.yield
    }) : () -> ()
    "tpu.region"() ({
      %run_scoped3A_320 = tpu.sem_alloc : memref<!tpu.dma_semaphore, #tpu.memory_space<semaphore_mem>>
      %dma_start3A = tpu.memref_slice %arg28[%mul3A_2] : memref<10240xf32, #tpu.memory_space<vmem_shared>> -> memref<640xf32, #tpu.memory_space<vmem_shared>>
      %dma_start3A_321 = tpu.memref_slice %arg28[%mul3A_2] : memref<10240xf32, #tpu.memory_space<vmem_shared>> -> memref<640xf32, #tpu.memory_space<vmem_shared>>
      tpu.enqueue_dma source(%arg22 : memref<640xf32, #tpu.memory_space<vmem>>) target(%dma_start3A_321 : memref<640xf32, #tpu.memory_space<vmem_shared>>) target_semaphore(%run_scoped3A_320 : memref<!tpu.dma_semaphore, #tpu.memory_space<semaphore_mem>>)
      %dma_wait3A = tpu.memref_slice %arg28[%mul3A_2] : memref<10240xf32, #tpu.memory_space<vmem_shared>> -> memref<640xf32, #tpu.memory_space<vmem_shared>>
      %dma_wait3A_322 = tpu.memref_slice %arg28[%mul3A_2] : memref<10240xf32, #tpu.memory_space<vmem_shared>> -> memref<640xf32, #tpu.memory_space<vmem_shared>>
      tpu.wait_dma2 semaphore(%run_scoped3A_320 : memref<!tpu.dma_semaphore, #tpu.memory_space<semaphore_mem>>) src(%arg22 : memref<640xf32, #tpu.memory_space<vmem>>) dst(%dma_wait3A_322 : memref<640xf32, #tpu.memory_space<vmem_shared>>)
      tpu.yield
    }) : () -> ()
    "tpu.region"() ({
      %run_scoped3A_320 = tpu.sem_alloc : memref<!tpu.dma_semaphore, #tpu.memory_space<semaphore_mem>>
      %dma_start3A = tpu.memref_slice %arg29[%mul3A_2] : memref<10240xf32, #tpu.memory_space<vmem_shared>> -> memref<640xf32, #tpu.memory_space<vmem_shared>>
      %dma_start3A_321 = tpu.memref_slice %arg29[%mul3A_2] : memref<10240xf32, #tpu.memory_space<vmem_shared>> -> memref<640xf32, #tpu.memory_space<vmem_shared>>
      tpu.enqueue_dma source(%arg22 : memref<640xf32, #tpu.memory_space<vmem>>) target(%dma_start3A_321 : memref<640xf32, #tpu.memory_space<vmem_shared>>) target_semaphore(%run_scoped3A_320 : memref<!tpu.dma_semaphore, #tpu.memory_space<semaphore_mem>>)
      %dma_wait3A = tpu.memref_slice %arg29[%mul3A_2] : memref<10240xf32, #tpu.memory_space<vmem_shared>> -> memref<640xf32, #tpu.memory_space<vmem_shared>>
      %dma_wait3A_322 = tpu.memref_slice %arg29[%mul3A_2] : memref<10240xf32, #tpu.memory_space<vmem_shared>> -> memref<640xf32, #tpu.memory_space<vmem_shared>>
      tpu.wait_dma2 semaphore(%run_scoped3A_320 : memref<!tpu.dma_semaphore, #tpu.memory_space<semaphore_mem>>) src(%arg22 : memref<640xf32, #tpu.memory_space<vmem>>) dst(%dma_wait3A_322 : memref<640xf32, #tpu.memory_space<vmem_shared>>)
      tpu.yield
    }) : () -> ()
    "tpu.region"() ({
      %run_scoped3A_320 = tpu.sem_alloc : memref<!tpu.dma_semaphore, #tpu.memory_space<semaphore_mem>>
      %dma_start3A = tpu.memref_slice %arg30[%mul3A_2] : memref<10240xf32, #tpu.memory_space<vmem_shared>> -> memref<640xf32, #tpu.memory_space<vmem_shared>>
      %dma_start3A_321 = tpu.memref_slice %arg30[%mul3A_2] : memref<10240xf32, #tpu.memory_space<vmem_shared>> -> memref<640xf32, #tpu.memory_space<vmem_shared>>
      tpu.enqueue_dma source(%arg22 : memref<640xf32, #tpu.memory_space<vmem>>) target(%dma_start3A_321 : memref<640xf32, #tpu.memory_space<vmem_shared>>) target_semaphore(%run_scoped3A_320 : memref<!tpu.dma_semaphore, #tpu.memory_space<semaphore_mem>>)
      %dma_wait3A = tpu.memref_slice %arg30[%mul3A_2] : memref<10240xf32, #tpu.memory_space<vmem_shared>> -> memref<640xf32, #tpu.memory_space<vmem_shared>>
      %dma_wait3A_322 = tpu.memref_slice %arg30[%mul3A_2] : memref<10240xf32, #tpu.memory_space<vmem_shared>> -> memref<640xf32, #tpu.memory_space<vmem_shared>>
      tpu.wait_dma2 semaphore(%run_scoped3A_320 : memref<!tpu.dma_semaphore, #tpu.memory_space<semaphore_mem>>) src(%arg22 : memref<640xf32, #tpu.memory_space<vmem>>) dst(%dma_wait3A_322 : memref<640xf32, #tpu.memory_space<vmem_shared>>)
      tpu.yield
    }) : () -> ()
    %scan3A_137 = arith.constant 0 : i32
    %scan3A_138 = arith.constant 39 : i32
    %scan3A_139 = arith.addi %scan3A_137, %scan3A_138 : i32
    %scan3A_140 = arith.constant 1 : i32
    scf.for %scan3A_320 = %scan3A_137 to %scan3A_139 step %scan3A_140  : i32 {
      %mul3A_321 = arith.constant 1 : i32
      %mul3A_322 = arith.muli %scan3A_320, %mul3A_321 : i32
      %add3A_323 = arith.constant 0 : i32
      %add3A_324 = arith.addi %add3A_323, %mul3A_322 : i32
      %mul3A_325 = arith.constant 16 : i32
      %mul3A_326 = arith.muli %add3A_324, %mul3A_325 : i32
      %add3A_327 = arith.constant 0 : i32
      %add3A_328 = arith.addi %mul3A_326, %add3A_327 : i32
      %mul3A_329 = arith.constant 16 : i32
      %mul3A_330 = arith.muli %add3A_328, %mul3A_329 : i32
      %get3A_331 = arith.index_cast %mul3A_330 : i32 to index
      %get3A_332 = tpu.vector_load %arg7[%get3A_331] {strides = array<i32>} : memref<10000xi32, #tpu.memory_space<vmem>>, vector<16xi32>,
      %add3A_333 = arith.constant 1 : i32
      %add3A_334 = arith.addi %mul3A_326, %add3A_333 : i32
      %mul3A_335 = arith.constant 16 : i32
      %mul3A_336 = arith.muli %add3A_334, %mul3A_335 : i32
      %get3A_337 = arith.index_cast %mul3A_336 : i32 to index
      %get3A_338 = tpu.vector_load %arg7[%get3A_337] {strides = array<i32>} : memref<10000xi32, #tpu.memory_space<vmem>>, vector<16xi32>,
      %add3A_339 = arith.constant 2 : i32
      %add3A_340 = arith.addi %mul3A_326, %add3A_339 : i32
      %mul3A_341 = arith.constant 16 : i32
      %mul3A_342 = arith.muli %add3A_340, %mul3A_341 : i32
      %get3A_343 = arith.index_cast %mul3A_342 : i32 to index
      %get3A_344 = tpu.vector_load %arg7[%get3A_343] {strides = array<i32>} : memref<10000xi32, #tpu.memory_space<vmem>>, vector<16xi32>,
      %add3A_345 = arith.constant 3 : i32
      %add3A_346 = arith.addi %mul3A_326, %add3A_345 : i32
      %mul3A_347 = arith.constant 16 : i32
      %mul3A_348 = arith.muli %add3A_346, %mul3A_347 : i32
      %get3A_349 = arith.index_cast %mul3A_348 : i32 to index
      %get3A_350 = tpu.vector_load %arg7[%get3A_349] {strides = array<i32>} : memref<10000xi32, #tpu.memory_space<vmem>>, vector<16xi32>,
      %add3A_351 = arith.constant 4 : i32
      %add3A_352 = arith.addi %mul3A_326, %add3A_351 : i32
      %mul3A_353 = arith.constant 16 : i32
      %mul3A_354 = arith.muli %add3A_352, %mul3A_353 : i32
      %get3A_355 = arith.index_cast %mul3A_354 : i32 to index
      %get3A_356 = tpu.vector_load %arg7[%get3A_355] {strides = array<i32>} : memref<10000xi32, #tpu.memory_space<vmem>>, vector<16xi32>,
      %add3A_357 = arith.constant 5 : i32
      %add3A_358 = arith.addi %mul3A_326, %add3A_357 : i32
      %mul3A_359 = arith.constant 16 : i32
      %mul3A_360 = arith.muli %add3A_358, %mul3A_359 : i32
      %get3A_361 = arith.index_cast %mul3A_360 : i32 to index
      %get3A_362 = tpu.vector_load %arg7[%get3A_361] {strides = array<i32>} : memref<10000xi32, #tpu.memory_space<vmem>>, vector<16xi32>,
      %add3A_363 = arith.constant 6 : i32
      %add3A_364 = arith.addi %mul3A_326, %add3A_363 : i32
      %mul3A_365 = arith.constant 16 : i32
      %mul3A_366 = arith.muli %add3A_364, %mul3A_365 : i32
      %get3A_367 = arith.index_cast %mul3A_366 : i32 to index
      %get3A_368 = tpu.vector_load %arg7[%get3A_367] {strides = array<i32>} : memref<10000xi32, #tpu.memory_space<vmem>>, vector<16xi32>,
      %add3A_369 = arith.constant 7 : i32
      %add3A_370 = arith.addi %mul3A_326, %add3A_369 : i32
      %mul3A_371 = arith.constant 16 : i32
      %mul3A_372 = arith.muli %add3A_370, %mul3A_371 : i32
      %get3A_373 = arith.index_cast %mul3A_372 : i32 to index
      %get3A_374 = tpu.vector_load %arg7[%get3A_373] {strides = array<i32>} : memref<10000xi32, #tpu.memory_space<vmem>>, vector<16xi32>,
      %add3A_375 = arith.constant 8 : i32
      %add3A_376 = arith.addi %mul3A_326, %add3A_375 : i32
      %mul3A_377 = arith.constant 16 : i32
      %mul3A_378 = arith.muli %add3A_376, %mul3A_377 : i32
      %get3A_379 = arith.index_cast %mul3A_378 : i32 to index
      %get3A_380 = tpu.vector_load %arg7[%get3A_379] {strides = array<i32>} : memref<10000xi32, #tpu.memory_space<vmem>>, vector<16xi32>,
      %add3A_381 = arith.constant 9 : i32
      %add3A_382 = arith.addi %mul3A_326, %add3A_381 : i32
      %mul3A_383 = arith.constant 16 : i32
      %mul3A_384 = arith.muli %add3A_382, %mul3A_383 : i32
      %get3A_385 = arith.index_cast %mul3A_384 : i32 to index
      %get3A_386 = tpu.vector_load %arg7[%get3A_385] {strides = array<i32>} : memref<10000xi32, #tpu.memory_space<vmem>>, vector<16xi32>,
      %add3A_387 = arith.constant 10 : i32
      %add3A_388 = arith.addi %mul3A_326, %add3A_387 : i32
      %mul3A_389 = arith.constant 16 : i32
      %mul3A_390 = arith.muli %add3A_388, %mul3A_389 : i32
      %get3A_391 = arith.index_cast %mul3A_390 : i32 to index
      %get3A_392 = tpu.vector_load %arg7[%get3A_391] {strides = array<i32>} : memref<10000xi32, #tpu.memory_space<vmem>>, vector<16xi32>,
      %add3A_393 = arith.constant 11 : i32
      %add3A_394 = arith.addi %mul3A_326, %add3A_393 : i32
      %mul3A_395 = arith.constant 16 : i32
      %mul3A_396 = arith.muli %add3A_394, %mul3A_395 : i32
      %get3A_397 = arith.index_cast %mul3A_396 : i32 to index
      %get3A_398 = tpu.vector_load %arg7[%get3A_397] {strides = array<i32>} : memref<10000xi32, #tpu.memory_space<vmem>>, vector<16xi32>,
      %add3A_399 = arith.constant 12 : i32
      %add3A_400 = arith.addi %mul3A_326, %add3A_399 : i32
      %mul3A_401 = arith.constant 16 : i32
      %mul3A_402 = arith.muli %add3A_400, %mul3A_401 : i32
      %get3A_403 = arith.index_cast %mul3A_402 : i32 to index
      %get3A_404 = tpu.vector_load %arg7[%get3A_403] {strides = array<i32>} : memref<10000xi32, #tpu.memory_space<vmem>>, vector<16xi32>,
      %add3A_405 = arith.constant 13 : i32
      %add3A_406 = arith.addi %mul3A_326, %add3A_405 : i32
      %mul3A_407 = arith.constant 16 : i32
      %mul3A_408 = arith.muli %add3A_406, %mul3A_407 : i32
      %get3A_409 = arith.index_cast %mul3A_408 : i32 to index
      %get3A_410 = tpu.vector_load %arg7[%get3A_409] {strides = array<i32>} : memref<10000xi32, #tpu.memory_space<vmem>>, vector<16xi32>,
      %add3A_411 = arith.constant 14 : i32
      %add3A_412 = arith.addi %mul3A_326, %add3A_411 : i32
      %mul3A_413 = arith.constant 16 : i32
      %mul3A_414 = arith.muli %add3A_412, %mul3A_413 : i32
      %get3A_415 = arith.index_cast %mul3A_414 : i32 to index
      %get3A_416 = tpu.vector_load %arg7[%get3A_415] {strides = array<i32>} : memref<10000xi32, #tpu.memory_space<vmem>>, vector<16xi32>,
      %add3A_417 = arith.constant 15 : i32
      %add3A_418 = arith.addi %mul3A_326, %add3A_417 : i32
      %mul3A_419 = arith.constant 16 : i32
      %mul3A_420 = arith.muli %add3A_418, %mul3A_419 : i32
      %get3A_421 = arith.index_cast %mul3A_420 : i32 to index
      %get3A_422 = tpu.vector_load %arg7[%get3A_421] {strides = array<i32>} : memref<10000xi32, #tpu.memory_space<vmem>>, vector<16xi32>,
      %add3A_423 = arith.constant 0 : i32
      %add3A_424 = arith.addi %mul3A_326, %add3A_423 : i32
      %mul3A_425 = arith.constant 16 : i32
      %mul3A_426 = arith.muli %add3A_424, %mul3A_425 : i32
      %get3A_427 = arith.index_cast %mul3A_426 : i32 to index
      %get3A_428 = tpu.vector_load %arg8[%get3A_427] {strides = array<i32>} : memref<10000xi32, #tpu.memory_space<vmem>>, vector<16xi32>,
      %add3A_429 = arith.constant 1 : i32
      %add3A_430 = arith.addi %mul3A_326, %add3A_429 : i32
      %mul3A_431 = arith.constant 16 : i32
      %mul3A_432 = arith.muli %add3A_430, %mul3A_431 : i32
      %get3A_433 = arith.index_cast %mul3A_432 : i32 to index
      %get3A_434 = tpu.vector_load %arg8[%get3A_433] {strides = array<i32>} : memref<10000xi32, #tpu.memory_space<vmem>>, vector<16xi32>,
      %add3A_435 = arith.constant 2 : i32
      %add3A_436 = arith.addi %mul3A_326, %add3A_435 : i32
      %mul3A_437 = arith.constant 16 : i32
      %mul3A_438 = arith.muli %add3A_436, %mul3A_437 : i32
      %get3A_439 = arith.index_cast %mul3A_438 : i32 to index
      %get3A_440 = tpu.vector_load %arg8[%get3A_439] {strides = array<i32>} : memref<10000xi32, #tpu.memory_space<vmem>>, vector<16xi32>,
      %add3A_441 = arith.constant 3 : i32
      %add3A_442 = arith.addi %mul3A_326, %add3A_441 : i32
      %mul3A_443 = arith.constant 16 : i32
      %mul3A_444 = arith.muli %add3A_442, %mul3A_443 : i32
      %get3A_445 = arith.index_cast %mul3A_444 : i32 to index
      %get3A_446 = tpu.vector_load %arg8[%get3A_445] {strides = array<i32>} : memref<10000xi32, #tpu.memory_space<vmem>>, vector<16xi32>,
      %add3A_447 = arith.constant 4 : i32
      %add3A_448 = arith.addi %mul3A_326, %add3A_447 : i32
      %mul3A_449 = arith.constant 16 : i32
      %mul3A_450 = arith.muli %add3A_448, %mul3A_449 : i32
      %get3A_451 = arith.index_cast %mul3A_450 : i32 to index
      %get3A_452 = tpu.vector_load %arg8[%get3A_451] {strides = array<i32>} : memref<10000xi32, #tpu.memory_space<vmem>>, vector<16xi32>,
      %add3A_453 = arith.constant 5 : i32
      %add3A_454 = arith.addi %mul3A_326, %add3A_453 : i32
      %mul3A_455 = arith.constant 16 : i32
      %mul3A_456 = arith.muli %add3A_454, %mul3A_455 : i32
      %get3A_457 = arith.index_cast %mul3A_456 : i32 to index
      %get3A_458 = tpu.vector_load %arg8[%get3A_457] {strides = array<i32>} : memref<10000xi32, #tpu.memory_space<vmem>>, vector<16xi32>,
      %add3A_459 = arith.constant 6 : i32
      %add3A_460 = arith.addi %mul3A_326, %add3A_459 : i32
      %mul3A_461 = arith.constant 16 : i32
      %mul3A_462 = arith.muli %add3A_460, %mul3A_461 : i32
      %get3A_463 = arith.index_cast %mul3A_462 : i32 to index
      %get3A_464 = tpu.vector_load %arg8[%get3A_463] {strides = array<i32>} : memref<10000xi32, #tpu.memory_space<vmem>>, vector<16xi32>,
      %add3A_465 = arith.constant 7 : i32
      %add3A_466 = arith.addi %mul3A_326, %add3A_465 : i32
      %mul3A_467 = arith.constant 16 : i32
      %mul3A_468 = arith.muli %add3A_466, %mul3A_467 : i32
      %get3A_469 = arith.index_cast %mul3A_468 : i32 to index
      %get3A_470 = tpu.vector_load %arg8[%get3A_469] {strides = array<i32>} : memref<10000xi32, #tpu.memory_space<vmem>>, vector<16xi32>,
      %add3A_471 = arith.constant 8 : i32
      %add3A_472 = arith.addi %mul3A_326, %add3A_471 : i32
      %mul3A_473 = arith.constant 16 : i32
      %mul3A_474 = arith.muli %add3A_472, %mul3A_473 : i32
      %get3A_475 = arith.index_cast %mul3A_474 : i32 to index
      %get3A_476 = tpu.vector_load %arg8[%get3A_475] {strides = array<i32>} : memref<10000xi32, #tpu.memory_space<vmem>>, vector<16xi32>,
      %add3A_477 = arith.constant 9 : i32
      %add3A_478 = arith.addi %mul3A_326, %add3A_477 : i32
      %mul3A_479 = arith.constant 16 : i32
      %mul3A_480 = arith.muli %add3A_478, %mul3A_479 : i32
      %get3A_481 = arith.index_cast %mul3A_480 : i32 to index
      %get3A_482 = tpu.vector_load %arg8[%get3A_481] {strides = array<i32>} : memref<10000xi32, #tpu.memory_space<vmem>>, vector<16xi32>,
      %add3A_483 = arith.constant 10 : i32
      %add3A_484 = arith.addi %mul3A_326, %add3A_483 : i32
      %mul3A_485 = arith.constant 16 : i32
      %mul3A_486 = arith.muli %add3A_484, %mul3A_485 : i32
      %get3A_487 = arith.index_cast %mul3A_486 : i32 to index
      %get3A_488 = tpu.vector_load %arg8[%get3A_487] {strides = array<i32>} : memref<10000xi32, #tpu.memory_space<vmem>>, vector<16xi32>,
      %add3A_489 = arith.constant 11 : i32
      %add3A_490 = arith.addi %mul3A_326, %add3A_489 : i32
      %mul3A_491 = arith.constant 16 : i32
      %mul3A_492 = arith.muli %add3A_490, %mul3A_491 : i32
      %get3A_493 = arith.index_cast %mul3A_492 : i32 to index
      %get3A_494 = tpu.vector_load %arg8[%get3A_493] {strides = array<i32>} : memref<10000xi32, #tpu.memory_space<vmem>>, vector<16xi32>,
      %add3A_495 = arith.constant 12 : i32
      %add3A_496 = arith.addi %mul3A_326, %add3A_495 : i32
      %mul3A_497 = arith.constant 16 : i32
      %mul3A_498 = arith.muli %add3A_496, %mul3A_497 : i32
      %get3A_499 = arith.index_cast %mul3A_498 : i32 to index
      %get3A_500 = tpu.vector_load %arg8[%get3A_499] {strides = array<i32>} : memref<10000xi32, #tpu.memory_space<vmem>>, vector<16xi32>,
      %add3A_501 = arith.constant 13 : i32
      %add3A_502 = arith.addi %mul3A_326, %add3A_501 : i32
      %mul3A_503 = arith.constant 16 : i32
      %mul3A_504 = arith.muli %add3A_502, %mul3A_503 : i32
      %get3A_505 = arith.index_cast %mul3A_504 : i32 to index
      %get3A_506 = tpu.vector_load %arg8[%get3A_505] {strides = array<i32>} : memref<10000xi32, #tpu.memory_space<vmem>>, vector<16xi32>,
      %add3A_507 = arith.constant 14 : i32
      %add3A_508 = arith.addi %mul3A_326, %add3A_507 : i32
      %mul3A_509 = arith.constant 16 : i32
      %mul3A_510 = arith.muli %add3A_508, %mul3A_509 : i32
      %get3A_511 = arith.index_cast %mul3A_510 : i32 to index
      %get3A_512 = tpu.vector_load %arg8[%get3A_511] {strides = array<i32>} : memref<10000xi32, #tpu.memory_space<vmem>>, vector<16xi32>,
      %add3A_513 = arith.constant 15 : i32
      %add3A_514 = arith.addi %mul3A_326, %add3A_513 : i32
      %mul3A_515 = arith.constant 16 : i32
      %mul3A_516 = arith.muli %add3A_514, %mul3A_515 : i32
      %get3A_517 = arith.index_cast %mul3A_516 : i32 to index
      %get3A_518 = tpu.vector_load %arg8[%get3A_517] {strides = array<i32>} : memref<10000xi32, #tpu.memory_space<vmem>>, vector<16xi32>,
      %gather3A_519 = tpu.vector_load_idx %arg9[%get3A_428] : memref<10240xf32, #tpu.memory_space<vmem>>[vector<16xi32>], vector<16xf32>,
      %gather3A_520 = tpu.vector_load_idx %arg9[%get3A_434] : memref<10240xf32, #tpu.memory_space<vmem>>[vector<16xi32>], vector<16xf32>,
      %gather3A_521 = tpu.vector_load_idx %arg9[%get3A_440] : memref<10240xf32, #tpu.memory_space<vmem>>[vector<16xi32>], vector<16xf32>,
      %gather3A_522 = tpu.vector_load_idx %arg9[%get3A_446] : memref<10240xf32, #tpu.memory_space<vmem>>[vector<16xi32>], vector<16xf32>,
      %gather3A_523 = tpu.vector_load_idx %arg9[%get3A_452] : memref<10240xf32, #tpu.memory_space<vmem>>[vector<16xi32>], vector<16xf32>,
      %gather3A_524 = tpu.vector_load_idx %arg9[%get3A_458] : memref<10240xf32, #tpu.memory_space<vmem>>[vector<16xi32>], vector<16xf32>,
      %gather3A_525 = tpu.vector_load_idx %arg9[%get3A_464] : memref<10240xf32, #tpu.memory_space<vmem>>[vector<16xi32>], vector<16xf32>,
      %gather3A_526 = tpu.vector_load_idx %arg9[%get3A_470] : memref<10240xf32, #tpu.memory_space<vmem>>[vector<16xi32>], vector<16xf32>,
      %gather3A_527 = tpu.vector_load_idx %arg9[%get3A_476] : memref<10240xf32, #tpu.memory_space<vmem>>[vector<16xi32>], vector<16xf32>,
      %gather3A_528 = tpu.vector_load_idx %arg9[%get3A_482] : memref<10240xf32, #tpu.memory_space<vmem>>[vector<16xi32>], vector<16xf32>,
      %gather3A_529 = tpu.vector_load_idx %arg9[%get3A_488] : memref<10240xf32, #tpu.memory_space<vmem>>[vector<16xi32>], vector<16xf32>,
      %gather3A_530 = tpu.vector_load_idx %arg9[%get3A_494] : memref<10240xf32, #tpu.memory_space<vmem>>[vector<16xi32>], vector<16xf32>,
      %gather3A_531 = tpu.vector_load_idx %arg9[%get3A_500] : memref<10240xf32, #tpu.memory_space<vmem>>[vector<16xi32>], vector<16xf32>,
      %gather3A_532 = tpu.vector_load_idx %arg9[%get3A_506] : memref<10240xf32, #tpu.memory_space<vmem>>[vector<16xi32>], vector<16xf32>,
      %gather3A_533 = tpu.vector_load_idx %arg9[%get3A_512] : memref<10240xf32, #tpu.memory_space<vmem>>[vector<16xi32>], vector<16xf32>,
      %gather3A_534 = tpu.vector_load_idx %arg9[%get3A_518] : memref<10240xf32, #tpu.memory_space<vmem>>[vector<16xi32>], vector<16xf32>,
      %gather3A_535 = tpu.vector_load_idx %arg10[%get3A_332] : memref<10240xf32, #tpu.memory_space<vmem>>[vector<16xi32>], vector<16xf32>,
      %gather3A_536 = tpu.vector_load_idx %arg10[%get3A_338] : memref<10240xf32, #tpu.memory_space<vmem>>[vector<16xi32>], vector<16xf32>,
      %gather3A_537 = tpu.vector_load_idx %arg10[%get3A_344] : memref<10240xf32, #tpu.memory_space<vmem>>[vector<16xi32>], vector<16xf32>,
      %gather3A_538 = tpu.vector_load_idx %arg10[%get3A_350] : memref<10240xf32, #tpu.memory_space<vmem>>[vector<16xi32>], vector<16xf32>,
      %gather3A_539 = tpu.vector_load_idx %arg10[%get3A_356] : memref<10240xf32, #tpu.memory_space<vmem>>[vector<16xi32>], vector<16xf32>,
      %gather3A_540 = tpu.vector_load_idx %arg10[%get3A_362] : memref<10240xf32, #tpu.memory_space<vmem>>[vector<16xi32>], vector<16xf32>,
      %gather3A_541 = tpu.vector_load_idx %arg10[%get3A_368] : memref<10240xf32, #tpu.memory_space<vmem>>[vector<16xi32>], vector<16xf32>,
      %gather3A_542 = tpu.vector_load_idx %arg10[%get3A_374] : memref<10240xf32, #tpu.memory_space<vmem>>[vector<16xi32>], vector<16xf32>,
      %gather3A_543 = tpu.vector_load_idx %arg10[%get3A_380] : memref<10240xf32, #tpu.memory_space<vmem>>[vector<16xi32>], vector<16xf32>,
      %gather3A_544 = tpu.vector_load_idx %arg10[%get3A_386] : memref<10240xf32, #tpu.memory_space<vmem>>[vector<16xi32>], vector<16xf32>,
      %gather3A_545 = tpu.vector_load_idx %arg10[%get3A_392] : memref<10240xf32, #tpu.memory_space<vmem>>[vector<16xi32>], vector<16xf32>,
      %gather3A_546 = tpu.vector_load_idx %arg10[%get3A_398] : memref<10240xf32, #tpu.memory_space<vmem>>[vector<16xi32>], vector<16xf32>,
      %gather3A_547 = tpu.vector_load_idx %arg10[%get3A_404] : memref<10240xf32, #tpu.memory_space<vmem>>[vector<16xi32>], vector<16xf32>,
      %gather3A_548 = tpu.vector_load_idx %arg10[%get3A_410] : memref<10240xf32, #tpu.memory_space<vmem>>[vector<16xi32>], vector<16xf32>,
      %gather3A_549 = tpu.vector_load_idx %arg10[%get3A_416] : memref<10240xf32, #tpu.memory_space<vmem>>[vector<16xi32>], vector<16xf32>,
      %gather3A_550 = tpu.vector_load_idx %arg10[%get3A_422] : memref<10240xf32, #tpu.memory_space<vmem>>[vector<16xi32>], vector<16xf32>,
      %gather3A_551 = tpu.vector_load_idx %arg11[%get3A_332] : memref<10240xf32, #tpu.memory_space<vmem>>[vector<16xi32>], vector<16xf32>,
      %gather3A_552 = tpu.vector_load_idx %arg11[%get3A_338] : memref<10240xf32, #tpu.memory_space<vmem>>[vector<16xi32>], vector<16xf32>,
      %gather3A_553 = tpu.vector_load_idx %arg11[%get3A_344] : memref<10240xf32, #tpu.memory_space<vmem>>[vector<16xi32>], vector<16xf32>,
      %gather3A_554 = tpu.vector_load_idx %arg11[%get3A_350] : memref<10240xf32, #tpu.memory_space<vmem>>[vector<16xi32>], vector<16xf32>,
      %gather3A_555 = tpu.vector_load_idx %arg11[%get3A_356] : memref<10240xf32, #tpu.memory_space<vmem>>[vector<16xi32>], vector<16xf32>,
      %gather3A_556 = tpu.vector_load_idx %arg11[%get3A_362] : memref<10240xf32, #tpu.memory_space<vmem>>[vector<16xi32>], vector<16xf32>,
      %gather3A_557 = tpu.vector_load_idx %arg11[%get3A_368] : memref<10240xf32, #tpu.memory_space<vmem>>[vector<16xi32>], vector<16xf32>,
      %gather3A_558 = tpu.vector_load_idx %arg11[%get3A_374] : memref<10240xf32, #tpu.memory_space<vmem>>[vector<16xi32>], vector<16xf32>,
      %gather3A_559 = tpu.vector_load_idx %arg11[%get3A_380] : memref<10240xf32, #tpu.memory_space<vmem>>[vector<16xi32>], vector<16xf32>,
      %gather3A_560 = tpu.vector_load_idx %arg11[%get3A_386] : memref<10240xf32, #tpu.memory_space<vmem>>[vector<16xi32>], vector<16xf32>,
      %gather3A_561 = tpu.vector_load_idx %arg11[%get3A_392] : memref<10240xf32, #tpu.memory_space<vmem>>[vector<16xi32>], vector<16xf32>,
      %gather3A_562 = tpu.vector_load_idx %arg11[%get3A_398] : memref<10240xf32, #tpu.memory_space<vmem>>[vector<16xi32>], vector<16xf32>,
      %gather3A_563 = tpu.vector_load_idx %arg11[%get3A_404] : memref<10240xf32, #tpu.memory_space<vmem>>[vector<16xi32>], vector<16xf32>,
      %gather3A_564 = tpu.vector_load_idx %arg11[%get3A_410] : memref<10240xf32, #tpu.memory_space<vmem>>[vector<16xi32>], vector<16xf32>,
      %gather3A_565 = tpu.vector_load_idx %arg11[%get3A_416] : memref<10240xf32, #tpu.memory_space<vmem>>[vector<16xi32>], vector<16xf32>,
      %gather3A_566 = tpu.vector_load_idx %arg11[%get3A_422] : memref<10240xf32, #tpu.memory_space<vmem>>[vector<16xi32>], vector<16xf32>,
      %gather3A_567 = tpu.vector_load_idx %arg12[%get3A_332] : memref<10240xf32, #tpu.memory_space<vmem>>[vector<16xi32>], vector<16xf32>,
      %gather3A_568 = tpu.vector_load_idx %arg12[%get3A_338] : memref<10240xf32, #tpu.memory_space<vmem>>[vector<16xi32>], vector<16xf32>,
      %gather3A_569 = tpu.vector_load_idx %arg12[%get3A_344] : memref<10240xf32, #tpu.memory_space<vmem>>[vector<16xi32>], vector<16xf32>,
      %gather3A_570 = tpu.vector_load_idx %arg12[%get3A_350] : memref<10240xf32, #tpu.memory_space<vmem>>[vector<16xi32>], vector<16xf32>,
      %gather3A_571 = tpu.vector_load_idx %arg12[%get3A_356] : memref<10240xf32, #tpu.memory_space<vmem>>[vector<16xi32>], vector<16xf32>,
      %gather3A_572 = tpu.vector_load_idx %arg12[%get3A_362] : memref<10240xf32, #tpu.memory_space<vmem>>[vector<16xi32>], vector<16xf32>,
      %gather3A_573 = tpu.vector_load_idx %arg12[%get3A_368] : memref<10240xf32, #tpu.memory_space<vmem>>[vector<16xi32>], vector<16xf32>,
      %gather3A_574 = tpu.vector_load_idx %arg12[%get3A_374] : memref<10240xf32, #tpu.memory_space<vmem>>[vector<16xi32>], vector<16xf32>,
      %gather3A_575 = tpu.vector_load_idx %arg12[%get3A_380] : memref<10240xf32, #tpu.memory_space<vmem>>[vector<16xi32>], vector<16xf32>,
      %gather3A_576 = tpu.vector_load_idx %arg12[%get3A_386] : memref<10240xf32, #tpu.memory_space<vmem>>[vector<16xi32>], vector<16xf32>,
      %gather3A_577 = tpu.vector_load_idx %arg12[%get3A_392] : memref<10240xf32, #tpu.memory_space<vmem>>[vector<16xi32>], vector<16xf32>,
      %gather3A_578 = tpu.vector_load_idx %arg12[%get3A_398] : memref<10240xf32, #tpu.memory_space<vmem>>[vector<16xi32>], vector<16xf32>,
      %gather3A_579 = tpu.vector_load_idx %arg12[%get3A_404] : memref<10240xf32, #tpu.memory_space<vmem>>[vector<16xi32>], vector<16xf32>,
      %gather3A_580 = tpu.vector_load_idx %arg12[%get3A_410] : memref<10240xf32, #tpu.memory_space<vmem>>[vector<16xi32>], vector<16xf32>,
      %gather3A_581 = tpu.vector_load_idx %arg12[%get3A_416] : memref<10240xf32, #tpu.memory_space<vmem>>[vector<16xi32>], vector<16xf32>,
      %gather3A_582 = tpu.vector_load_idx %arg12[%get3A_422] : memref<10240xf32, #tpu.memory_space<vmem>>[vector<16xi32>], vector<16xf32>,
      %mul3A_583 = arith.mulf %gather3A_535, %gather3A_98 : vector<16xf32>
      %mul3A_584 = arith.mulf %gather3A_551, %gather3A_101 : vector<16xf32>
      %add3A_585 = arith.addf %mul3A_583, %mul3A_584 : vector<16xf32>
      %mul3A_586 = arith.mulf %gather3A_567, %gather3A_104 : vector<16xf32>
      %add3A_587 = arith.addf %add3A_585, %mul3A_586 : vector<16xf32>
      %mul3A_588 = arith.mulf %gather3A_536, %gather3A_98 : vector<16xf32>
      %mul3A_589 = arith.mulf %gather3A_552, %gather3A_101 : vector<16xf32>
      %add3A_590 = arith.addf %mul3A_588, %mul3A_589 : vector<16xf32>
      %mul3A_591 = arith.mulf %gather3A_568, %gather3A_104 : vector<16xf32>
      %add3A_592 = arith.addf %add3A_590, %mul3A_591 : vector<16xf32>
      %mul3A_593 = arith.mulf %gather3A_537, %gather3A_98 : vector<16xf32>
      %mul3A_594 = arith.mulf %gather3A_553, %gather3A_101 : vector<16xf32>
      %add3A_595 = arith.addf %mul3A_593, %mul3A_594 : vector<16xf32>
      %mul3A_596 = arith.mulf %gather3A_569, %gather3A_104 : vector<16xf32>
      %add3A_597 = arith.addf %add3A_595, %mul3A_596 : vector<16xf32>
      %mul3A_598 = arith.mulf %gather3A_538, %gather3A_98 : vector<16xf32>
      %mul3A_599 = arith.mulf %gather3A_554, %gather3A_101 : vector<16xf32>
      %add3A_600 = arith.addf %mul3A_598, %mul3A_599 : vector<16xf32>
      %mul3A_601 = arith.mulf %gather3A_570, %gather3A_104 : vector<16xf32>
      %add3A_602 = arith.addf %add3A_600, %mul3A_601 : vector<16xf32>
      %mul3A_603 = arith.mulf %gather3A_539, %gather3A_98 : vector<16xf32>
      %mul3A_604 = arith.mulf %gather3A_555, %gather3A_101 : vector<16xf32>
      %add3A_605 = arith.addf %mul3A_603, %mul3A_604 : vector<16xf32>
      %mul3A_606 = arith.mulf %gather3A_571, %gather3A_104 : vector<16xf32>
      %add3A_607 = arith.addf %add3A_605, %mul3A_606 : vector<16xf32>
      %mul3A_608 = arith.mulf %gather3A_540, %gather3A_98 : vector<16xf32>
      %mul3A_609 = arith.mulf %gather3A_556, %gather3A_101 : vector<16xf32>
      %add3A_610 = arith.addf %mul3A_608, %mul3A_609 : vector<16xf32>
      %mul3A_611 = arith.mulf %gather3A_572, %gather3A_104 : vector<16xf32>
      %add3A_612 = arith.addf %add3A_610, %mul3A_611 : vector<16xf32>
      %mul3A_613 = arith.mulf %gather3A_541, %gather3A_98 : vector<16xf32>
      %mul3A_614 = arith.mulf %gather3A_557, %gather3A_101 : vector<16xf32>
      %add3A_615 = arith.addf %mul3A_613, %mul3A_614 : vector<16xf32>
      %mul3A_616 = arith.mulf %gather3A_573, %gather3A_104 : vector<16xf32>
      %add3A_617 = arith.addf %add3A_615, %mul3A_616 : vector<16xf32>
      %mul3A_618 = arith.mulf %gather3A_542, %gather3A_98 : vector<16xf32>
      %mul3A_619 = arith.mulf %gather3A_558, %gather3A_101 : vector<16xf32>
      %add3A_620 = arith.addf %mul3A_618, %mul3A_619 : vector<16xf32>
      %mul3A_621 = arith.mulf %gather3A_574, %gather3A_104 : vector<16xf32>
      %add3A_622 = arith.addf %add3A_620, %mul3A_621 : vector<16xf32>
      %mul3A_623 = arith.mulf %gather3A_543, %gather3A_98 : vector<16xf32>
      %mul3A_624 = arith.mulf %gather3A_559, %gather3A_101 : vector<16xf32>
      %add3A_625 = arith.addf %mul3A_623, %mul3A_624 : vector<16xf32>
      %mul3A_626 = arith.mulf %gather3A_575, %gather3A_104 : vector<16xf32>
      %add3A_627 = arith.addf %add3A_625, %mul3A_626 : vector<16xf32>
      %mul3A_628 = arith.mulf %gather3A_544, %gather3A_98 : vector<16xf32>
      %mul3A_629 = arith.mulf %gather3A_560, %gather3A_101 : vector<16xf32>
      %add3A_630 = arith.addf %mul3A_628, %mul3A_629 : vector<16xf32>
      %mul3A_631 = arith.mulf %gather3A_576, %gather3A_104 : vector<16xf32>
      %add3A_632 = arith.addf %add3A_630, %mul3A_631 : vector<16xf32>
      %mul3A_633 = arith.mulf %gather3A_545, %gather3A_98 : vector<16xf32>
      %mul3A_634 = arith.mulf %gather3A_561, %gather3A_101 : vector<16xf32>
      %add3A_635 = arith.addf %mul3A_633, %mul3A_634 : vector<16xf32>
      %mul3A_636 = arith.mulf %gather3A_577, %gather3A_104 : vector<16xf32>
      %add3A_637 = arith.addf %add3A_635, %mul3A_636 : vector<16xf32>
      %mul3A_638 = arith.mulf %gather3A_546, %gather3A_98 : vector<16xf32>
      %mul3A_639 = arith.mulf %gather3A_562, %gather3A_101 : vector<16xf32>
      %add3A_640 = arith.addf %mul3A_638, %mul3A_639 : vector<16xf32>
      %mul3A_641 = arith.mulf %gather3A_578, %gather3A_104 : vector<16xf32>
      %add3A_642 = arith.addf %add3A_640, %mul3A_641 : vector<16xf32>
      %mul3A_643 = arith.mulf %gather3A_547, %gather3A_98 : vector<16xf32>
      %mul3A_644 = arith.mulf %gather3A_563, %gather3A_101 : vector<16xf32>
      %add3A_645 = arith.addf %mul3A_643, %mul3A_644 : vector<16xf32>
      %mul3A_646 = arith.mulf %gather3A_579, %gather3A_104 : vector<16xf32>
      %add3A_647 = arith.addf %add3A_645, %mul3A_646 : vector<16xf32>
      %mul3A_648 = arith.mulf %gather3A_548, %gather3A_98 : vector<16xf32>
      %mul3A_649 = arith.mulf %gather3A_564, %gather3A_101 : vector<16xf32>
      %add3A_650 = arith.addf %mul3A_648, %mul3A_649 : vector<16xf32>
      %mul3A_651 = arith.mulf %gather3A_580, %gather3A_104 : vector<16xf32>
      %add3A_652 = arith.addf %add3A_650, %mul3A_651 : vector<16xf32>
      %mul3A_653 = arith.mulf %gather3A_549, %gather3A_98 : vector<16xf32>
      %mul3A_654 = arith.mulf %gather3A_565, %gather3A_101 : vector<16xf32>
      %add3A_655 = arith.addf %mul3A_653, %mul3A_654 : vector<16xf32>
      %mul3A_656 = arith.mulf %gather3A_581, %gather3A_104 : vector<16xf32>
      %add3A_657 = arith.addf %add3A_655, %mul3A_656 : vector<16xf32>
      %mul3A_658 = arith.mulf %gather3A_550, %gather3A_98 : vector<16xf32>
      %mul3A_659 = arith.mulf %gather3A_566, %gather3A_101 : vector<16xf32>
      %add3A_660 = arith.addf %mul3A_658, %mul3A_659 : vector<16xf32>
      %mul3A_661 = arith.mulf %gather3A_582, %gather3A_104 : vector<16xf32>
      %add3A_662 = arith.addf %add3A_660, %mul3A_661 : vector<16xf32>
      %add3A_663 = arith.addf %add3A_587, %gather3A_519 : vector<16xf32>
      %max3A_664 = arith.constant 0.000000e+00 : f32
      %max3A_665 = vector.broadcast %max3A_664 : f32 to vector<16xf32>
      %max3A_666 = arith.maximumf %add3A_663, %max3A_665 : vector<16xf32>
      %min3A_667 = arith.constant 0.000000e+00 : f32
      %min3A_668 = vector.broadcast %min3A_667 : f32 to vector<16xf32>
      %min3A_669 = arith.minimumf %add3A_663, %min3A_668 : vector<16xf32>
      %mul3A_670 = arith.constant 2.000000e-01 : f32
      %mul3A_671 = vector.broadcast %mul3A_670 : f32 to vector<16xf32>
      %mul3A_672 = arith.mulf %mul3A_671, %min3A_669 : vector<16xf32>
      %add3A_673 = arith.addf %max3A_666, %mul3A_672 : vector<16xf32>
      %exp3A_674 = math.exp %add3A_673 : vector<16xf32>
      %add3A_675 = arith.addf %add3A_592, %gather3A_520 : vector<16xf32>
      %max3A_676 = arith.constant 0.000000e+00 : f32
      %max3A_677 = vector.broadcast %max3A_676 : f32 to vector<16xf32>
      %max3A_678 = arith.maximumf %add3A_675, %max3A_677 : vector<16xf32>
      %min3A_679 = arith.constant 0.000000e+00 : f32
      %min3A_680 = vector.broadcast %min3A_679 : f32 to vector<16xf32>
      %min3A_681 = arith.minimumf %add3A_675, %min3A_680 : vector<16xf32>
      %mul3A_682 = arith.constant 2.000000e-01 : f32
      %mul3A_683 = vector.broadcast %mul3A_682 : f32 to vector<16xf32>
      %mul3A_684 = arith.mulf %mul3A_683, %min3A_681 : vector<16xf32>
      %add3A_685 = arith.addf %max3A_678, %mul3A_684 : vector<16xf32>
      %exp3A_686 = math.exp %add3A_685 : vector<16xf32>
      %add3A_687 = arith.addf %add3A_597, %gather3A_521 : vector<16xf32>
      %max3A_688 = arith.constant 0.000000e+00 : f32
      %max3A_689 = vector.broadcast %max3A_688 : f32 to vector<16xf32>
      %max3A_690 = arith.maximumf %add3A_687, %max3A_689 : vector<16xf32>
      %min3A_691 = arith.constant 0.000000e+00 : f32
      %min3A_692 = vector.broadcast %min3A_691 : f32 to vector<16xf32>
      %min3A_693 = arith.minimumf %add3A_687, %min3A_692 : vector<16xf32>
      %mul3A_694 = arith.constant 2.000000e-01 : f32
      %mul3A_695 = vector.broadcast %mul3A_694 : f32 to vector<16xf32>
      %mul3A_696 = arith.mulf %mul3A_695, %min3A_693 : vector<16xf32>
      %add3A_697 = arith.addf %max3A_690, %mul3A_696 : vector<16xf32>
      %exp3A_698 = math.exp %add3A_697 : vector<16xf32>
      %add3A_699 = arith.addf %add3A_602, %gather3A_522 : vector<16xf32>
      %max3A_700 = arith.constant 0.000000e+00 : f32
      %max3A_701 = vector.broadcast %max3A_700 : f32 to vector<16xf32>
      %max3A_702 = arith.maximumf %add3A_699, %max3A_701 : vector<16xf32>
      %min3A_703 = arith.constant 0.000000e+00 : f32
      %min3A_704 = vector.broadcast %min3A_703 : f32 to vector<16xf32>
      %min3A_705 = arith.minimumf %add3A_699, %min3A_704 : vector<16xf32>
      %mul3A_706 = arith.constant 2.000000e-01 : f32
      %mul3A_707 = vector.broadcast %mul3A_706 : f32 to vector<16xf32>
      %mul3A_708 = arith.mulf %mul3A_707, %min3A_705 : vector<16xf32>
      %add3A_709 = arith.addf %max3A_702, %mul3A_708 : vector<16xf32>
      %exp3A_710 = math.exp %add3A_709 : vector<16xf32>
      %add3A_711 = arith.addf %add3A_607, %gather3A_523 : vector<16xf32>
      %max3A_712 = arith.constant 0.000000e+00 : f32
      %max3A_713 = vector.broadcast %max3A_712 : f32 to vector<16xf32>
      %max3A_714 = arith.maximumf %add3A_711, %max3A_713 : vector<16xf32>
      %min3A_715 = arith.constant 0.000000e+00 : f32
      %min3A_716 = vector.broadcast %min3A_715 : f32 to vector<16xf32>
      %min3A_717 = arith.minimumf %add3A_711, %min3A_716 : vector<16xf32>
      %mul3A_718 = arith.constant 2.000000e-01 : f32
      %mul3A_719 = vector.broadcast %mul3A_718 : f32 to vector<16xf32>
      %mul3A_720 = arith.mulf %mul3A_719, %min3A_717 : vector<16xf32>
      %add3A_721 = arith.addf %max3A_714, %mul3A_720 : vector<16xf32>
      %exp3A_722 = math.exp %add3A_721 : vector<16xf32>
      %add3A_723 = arith.addf %add3A_612, %gather3A_524 : vector<16xf32>
      %max3A_724 = arith.constant 0.000000e+00 : f32
      %max3A_725 = vector.broadcast %max3A_724 : f32 to vector<16xf32>
      %max3A_726 = arith.maximumf %add3A_723, %max3A_725 : vector<16xf32>
      %min3A_727 = arith.constant 0.000000e+00 : f32
      %min3A_728 = vector.broadcast %min3A_727 : f32 to vector<16xf32>
      %min3A_729 = arith.minimumf %add3A_723, %min3A_728 : vector<16xf32>
      %mul3A_730 = arith.constant 2.000000e-01 : f32
      %mul3A_731 = vector.broadcast %mul3A_730 : f32 to vector<16xf32>
      %mul3A_732 = arith.mulf %mul3A_731, %min3A_729 : vector<16xf32>
      %add3A_733 = arith.addf %max3A_726, %mul3A_732 : vector<16xf32>
      %exp3A_734 = math.exp %add3A_733 : vector<16xf32>
      %add3A_735 = arith.addf %add3A_617, %gather3A_525 : vector<16xf32>
      %max3A_736 = arith.constant 0.000000e+00 : f32
      %max3A_737 = vector.broadcast %max3A_736 : f32 to vector<16xf32>
      %max3A_738 = arith.maximumf %add3A_735, %max3A_737 : vector<16xf32>
      %min3A_739 = arith.constant 0.000000e+00 : f32
      %min3A_740 = vector.broadcast %min3A_739 : f32 to vector<16xf32>
      %min3A_741 = arith.minimumf %add3A_735, %min3A_740 : vector<16xf32>
      %mul3A_742 = arith.constant 2.000000e-01 : f32
      %mul3A_743 = vector.broadcast %mul3A_742 : f32 to vector<16xf32>
      %mul3A_744 = arith.mulf %mul3A_743, %min3A_741 : vector<16xf32>
      %add3A_745 = arith.addf %max3A_738, %mul3A_744 : vector<16xf32>
      %exp3A_746 = math.exp %add3A_745 : vector<16xf32>
      %add3A_747 = arith.addf %add3A_622, %gather3A_526 : vector<16xf32>
      %max3A_748 = arith.constant 0.000000e+00 : f32
      %max3A_749 = vector.broadcast %max3A_748 : f32 to vector<16xf32>
      %max3A_750 = arith.maximumf %add3A_747, %max3A_749 : vector<16xf32>
      %min3A_751 = arith.constant 0.000000e+00 : f32
      %min3A_752 = vector.broadcast %min3A_751 : f32 to vector<16xf32>
      %min3A_753 = arith.minimumf %add3A_747, %min3A_752 : vector<16xf32>
      %mul3A_754 = arith.constant 2.000000e-01 : f32
      %mul3A_755 = vector.broadcast %mul3A_754 : f32 to vector<16xf32>
      %mul3A_756 = arith.mulf %mul3A_755, %min3A_753 : vector<16xf32>
      %add3A_757 = arith.addf %max3A_750, %mul3A_756 : vector<16xf32>
      %exp3A_758 = math.exp %add3A_757 : vector<16xf32>
      %add3A_759 = arith.addf %add3A_627, %gather3A_527 : vector<16xf32>
      %max3A_760 = arith.constant 0.000000e+00 : f32
      %max3A_761 = vector.broadcast %max3A_760 : f32 to vector<16xf32>
      %max3A_762 = arith.maximumf %add3A_759, %max3A_761 : vector<16xf32>
      %min3A_763 = arith.constant 0.000000e+00 : f32
      %min3A_764 = vector.broadcast %min3A_763 : f32 to vector<16xf32>
      %min3A_765 = arith.minimumf %add3A_759, %min3A_764 : vector<16xf32>
      %mul3A_766 = arith.constant 2.000000e-01 : f32
      %mul3A_767 = vector.broadcast %mul3A_766 : f32 to vector<16xf32>
      %mul3A_768 = arith.mulf %mul3A_767, %min3A_765 : vector<16xf32>
      %add3A_769 = arith.addf %max3A_762, %mul3A_768 : vector<16xf32>
      %exp3A_770 = math.exp %add3A_769 : vector<16xf32>
      %add3A_771 = arith.addf %add3A_632, %gather3A_528 : vector<16xf32>
      %max3A_772 = arith.constant 0.000000e+00 : f32
      %max3A_773 = vector.broadcast %max3A_772 : f32 to vector<16xf32>
      %max3A_774 = arith.maximumf %add3A_771, %max3A_773 : vector<16xf32>
      %min3A_775 = arith.constant 0.000000e+00 : f32
      %min3A_776 = vector.broadcast %min3A_775 : f32 to vector<16xf32>
      %min3A_777 = arith.minimumf %add3A_771, %min3A_776 : vector<16xf32>
      %mul3A_778 = arith.constant 2.000000e-01 : f32
      %mul3A_779 = vector.broadcast %mul3A_778 : f32 to vector<16xf32>
      %mul3A_780 = arith.mulf %mul3A_779, %min3A_777 : vector<16xf32>
      %add3A_781 = arith.addf %max3A_774, %mul3A_780 : vector<16xf32>
      %exp3A_782 = math.exp %add3A_781 : vector<16xf32>
      %add3A_783 = arith.addf %add3A_637, %gather3A_529 : vector<16xf32>
      %max3A_784 = arith.constant 0.000000e+00 : f32
      %max3A_785 = vector.broadcast %max3A_784 : f32 to vector<16xf32>
      %max3A_786 = arith.maximumf %add3A_783, %max3A_785 : vector<16xf32>
      %min3A_787 = arith.constant 0.000000e+00 : f32
      %min3A_788 = vector.broadcast %min3A_787 : f32 to vector<16xf32>
      %min3A_789 = arith.minimumf %add3A_783, %min3A_788 : vector<16xf32>
      %mul3A_790 = arith.constant 2.000000e-01 : f32
      %mul3A_791 = vector.broadcast %mul3A_790 : f32 to vector<16xf32>
      %mul3A_792 = arith.mulf %mul3A_791, %min3A_789 : vector<16xf32>
      %add3A_793 = arith.addf %max3A_786, %mul3A_792 : vector<16xf32>
      %exp3A_794 = math.exp %add3A_793 : vector<16xf32>
      %add3A_795 = arith.addf %add3A_642, %gather3A_530 : vector<16xf32>
      %max3A_796 = arith.constant 0.000000e+00 : f32
      %max3A_797 = vector.broadcast %max3A_796 : f32 to vector<16xf32>
      %max3A_798 = arith.maximumf %add3A_795, %max3A_797 : vector<16xf32>
      %min3A_799 = arith.constant 0.000000e+00 : f32
      %min3A_800 = vector.broadcast %min3A_799 : f32 to vector<16xf32>
      %min3A_801 = arith.minimumf %add3A_795, %min3A_800 : vector<16xf32>
      %mul3A_802 = arith.constant 2.000000e-01 : f32
      %mul3A_803 = vector.broadcast %mul3A_802 : f32 to vector<16xf32>
      %mul3A_804 = arith.mulf %mul3A_803, %min3A_801 : vector<16xf32>
      %add3A_805 = arith.addf %max3A_798, %mul3A_804 : vector<16xf32>
      %exp3A_806 = math.exp %add3A_805 : vector<16xf32>
      %add3A_807 = arith.addf %add3A_647, %gather3A_531 : vector<16xf32>
      %max3A_808 = arith.constant 0.000000e+00 : f32
      %max3A_809 = vector.broadcast %max3A_808 : f32 to vector<16xf32>
      %max3A_810 = arith.maximumf %add3A_807, %max3A_809 : vector<16xf32>
      %min3A_811 = arith.constant 0.000000e+00 : f32
      %min3A_812 = vector.broadcast %min3A_811 : f32 to vector<16xf32>
      %min3A_813 = arith.minimumf %add3A_807, %min3A_812 : vector<16xf32>
      %mul3A_814 = arith.constant 2.000000e-01 : f32
      %mul3A_815 = vector.broadcast %mul3A_814 : f32 to vector<16xf32>
      %mul3A_816 = arith.mulf %mul3A_815, %min3A_813 : vector<16xf32>
      %add3A_817 = arith.addf %max3A_810, %mul3A_816 : vector<16xf32>
      %exp3A_818 = math.exp %add3A_817 : vector<16xf32>
      %add3A_819 = arith.addf %add3A_652, %gather3A_532 : vector<16xf32>
      %max3A_820 = arith.constant 0.000000e+00 : f32
      %max3A_821 = vector.broadcast %max3A_820 : f32 to vector<16xf32>
      %max3A_822 = arith.maximumf %add3A_819, %max3A_821 : vector<16xf32>
      %min3A_823 = arith.constant 0.000000e+00 : f32
      %min3A_824 = vector.broadcast %min3A_823 : f32 to vector<16xf32>
      %min3A_825 = arith.minimumf %add3A_819, %min3A_824 : vector<16xf32>
      %mul3A_826 = arith.constant 2.000000e-01 : f32
      %mul3A_827 = vector.broadcast %mul3A_826 : f32 to vector<16xf32>
      %mul3A_828 = arith.mulf %mul3A_827, %min3A_825 : vector<16xf32>
      %add3A_829 = arith.addf %max3A_822, %mul3A_828 : vector<16xf32>
      %exp3A_830 = math.exp %add3A_829 : vector<16xf32>
      %add3A_831 = arith.addf %add3A_657, %gather3A_533 : vector<16xf32>
      %max3A_832 = arith.constant 0.000000e+00 : f32
      %max3A_833 = vector.broadcast %max3A_832 : f32 to vector<16xf32>
      %max3A_834 = arith.maximumf %add3A_831, %max3A_833 : vector<16xf32>
      %min3A_835 = arith.constant 0.000000e+00 : f32
      %min3A_836 = vector.broadcast %min3A_835 : f32 to vector<16xf32>
      %min3A_837 = arith.minimumf %add3A_831, %min3A_836 : vector<16xf32>
      %mul3A_838 = arith.constant 2.000000e-01 : f32
      %mul3A_839 = vector.broadcast %mul3A_838 : f32 to vector<16xf32>
      %mul3A_840 = arith.mulf %mul3A_839, %min3A_837 : vector<16xf32>
      %add3A_841 = arith.addf %max3A_834, %mul3A_840 : vector<16xf32>
      %exp3A_842 = math.exp %add3A_841 : vector<16xf32>
      %add3A_843 = arith.addf %add3A_662, %gather3A_534 : vector<16xf32>
      %max3A_844 = arith.constant 0.000000e+00 : f32
      %max3A_845 = vector.broadcast %max3A_844 : f32 to vector<16xf32>
      %max3A_846 = arith.maximumf %add3A_843, %max3A_845 : vector<16xf32>
      %min3A_847 = arith.constant 0.000000e+00 : f32
      %min3A_848 = vector.broadcast %min3A_847 : f32 to vector<16xf32>
      %min3A_849 = arith.minimumf %add3A_843, %min3A_848 : vector<16xf32>
      %mul3A_850 = arith.constant 2.000000e-01 : f32
      %mul3A_851 = vector.broadcast %mul3A_850 : f32 to vector<16xf32>
      %mul3A_852 = arith.mulf %mul3A_851, %min3A_849 : vector<16xf32>
      %add3A_853 = arith.addf %max3A_846, %mul3A_852 : vector<16xf32>
      %exp3A_854 = math.exp %add3A_853 : vector<16xf32>
      tpu.vector_store_idx %arg13[%get3A_428], %exp3A_674 {add = true} : memref<10240xf32, #tpu.memory_space<vmem>>[vector<16xi32>], vector<16xf32>,
      %mul3A_855 = arith.mulf %exp3A_674, %gather3A_535 : vector<16xf32>
      tpu.vector_store_idx %arg14[%get3A_428], %mul3A_855 {add = true} : memref<10240xf32, #tpu.memory_space<vmem>>[vector<16xi32>], vector<16xf32>,
      %mul3A_856 = arith.mulf %exp3A_674, %gather3A_551 : vector<16xf32>
      tpu.vector_store_idx %arg15[%get3A_428], %mul3A_856 {add = true} : memref<10240xf32, #tpu.memory_space<vmem>>[vector<16xi32>], vector<16xf32>,
      %mul3A_857 = arith.mulf %exp3A_674, %gather3A_567 : vector<16xf32>
      tpu.vector_store_idx %arg16[%get3A_428], %mul3A_857 {add = true} : memref<10240xf32, #tpu.memory_space<vmem>>[vector<16xi32>], vector<16xf32>,
      tpu.vector_store_idx %arg13[%get3A_434], %exp3A_686 {add = true} : memref<10240xf32, #tpu.memory_space<vmem>>[vector<16xi32>], vector<16xf32>,
      %mul3A_858 = arith.mulf %exp3A_686, %gather3A_536 : vector<16xf32>
      tpu.vector_store_idx %arg14[%get3A_434], %mul3A_858 {add = true} : memref<10240xf32, #tpu.memory_space<vmem>>[vector<16xi32>], vector<16xf32>,
      %mul3A_859 = arith.mulf %exp3A_686, %gather3A_552 : vector<16xf32>
      tpu.vector_store_idx %arg15[%get3A_434], %mul3A_859 {add = true} : memref<10240xf32, #tpu.memory_space<vmem>>[vector<16xi32>], vector<16xf32>,
      %mul3A_860 = arith.mulf %exp3A_686, %gather3A_568 : vector<16xf32>
      tpu.vector_store_idx %arg16[%get3A_434], %mul3A_860 {add = true} : memref<10240xf32, #tpu.memory_space<vmem>>[vector<16xi32>], vector<16xf32>,
      tpu.vector_store_idx %arg13[%get3A_440], %exp3A_698 {add = true} : memref<10240xf32, #tpu.memory_space<vmem>>[vector<16xi32>], vector<16xf32>,
      %mul3A_861 = arith.mulf %exp3A_698, %gather3A_537 : vector<16xf32>
      tpu.vector_store_idx %arg14[%get3A_440], %mul3A_861 {add = true} : memref<10240xf32, #tpu.memory_space<vmem>>[vector<16xi32>], vector<16xf32>,
      %mul3A_862 = arith.mulf %exp3A_698, %gather3A_553 : vector<16xf32>
      tpu.vector_store_idx %arg15[%get3A_440], %mul3A_862 {add = true} : memref<10240xf32, #tpu.memory_space<vmem>>[vector<16xi32>], vector<16xf32>,
      %mul3A_863 = arith.mulf %exp3A_698, %gather3A_569 : vector<16xf32>
      tpu.vector_store_idx %arg16[%get3A_440], %mul3A_863 {add = true} : memref<10240xf32, #tpu.memory_space<vmem>>[vector<16xi32>], vector<16xf32>,
      tpu.vector_store_idx %arg13[%get3A_446], %exp3A_710 {add = true} : memref<10240xf32, #tpu.memory_space<vmem>>[vector<16xi32>], vector<16xf32>,
      %mul3A_864 = arith.mulf %exp3A_710, %gather3A_538 : vector<16xf32>
      tpu.vector_store_idx %arg14[%get3A_446], %mul3A_864 {add = true} : memref<10240xf32, #tpu.memory_space<vmem>>[vector<16xi32>], vector<16xf32>,
      %mul3A_865 = arith.mulf %exp3A_710, %gather3A_554 : vector<16xf32>
      tpu.vector_store_idx %arg15[%get3A_446], %mul3A_865 {add = true} : memref<10240xf32, #tpu.memory_space<vmem>>[vector<16xi32>], vector<16xf32>,
      %mul3A_866 = arith.mulf %exp3A_710, %gather3A_570 : vector<16xf32>
      tpu.vector_store_idx %arg16[%get3A_446], %mul3A_866 {add = true} : memref<10240xf32, #tpu.memory_space<vmem>>[vector<16xi32>], vector<16xf32>,
      tpu.vector_store_idx %arg13[%get3A_452], %exp3A_722 {add = true} : memref<10240xf32, #tpu.memory_space<vmem>>[vector<16xi32>], vector<16xf32>,
      %mul3A_867 = arith.mulf %exp3A_722, %gather3A_539 : vector<16xf32>
      tpu.vector_store_idx %arg14[%get3A_452], %mul3A_867 {add = true} : memref<10240xf32, #tpu.memory_space<vmem>>[vector<16xi32>], vector<16xf32>,
      %mul3A_868 = arith.mulf %exp3A_722, %gather3A_555 : vector<16xf32>
      tpu.vector_store_idx %arg15[%get3A_452], %mul3A_868 {add = true} : memref<10240xf32, #tpu.memory_space<vmem>>[vector<16xi32>], vector<16xf32>,
      %mul3A_869 = arith.mulf %exp3A_722, %gather3A_571 : vector<16xf32>
      tpu.vector_store_idx %arg16[%get3A_452], %mul3A_869 {add = true} : memref<10240xf32, #tpu.memory_space<vmem>>[vector<16xi32>], vector<16xf32>,
      tpu.vector_store_idx %arg13[%get3A_458], %exp3A_734 {add = true} : memref<10240xf32, #tpu.memory_space<vmem>>[vector<16xi32>], vector<16xf32>,
      %mul3A_870 = arith.mulf %exp3A_734, %gather3A_540 : vector<16xf32>
      tpu.vector_store_idx %arg14[%get3A_458], %mul3A_870 {add = true} : memref<10240xf32, #tpu.memory_space<vmem>>[vector<16xi32>], vector<16xf32>,
      %mul3A_871 = arith.mulf %exp3A_734, %gather3A_556 : vector<16xf32>
      tpu.vector_store_idx %arg15[%get3A_458], %mul3A_871 {add = true} : memref<10240xf32, #tpu.memory_space<vmem>>[vector<16xi32>], vector<16xf32>,
      %mul3A_872 = arith.mulf %exp3A_734, %gather3A_572 : vector<16xf32>
      tpu.vector_store_idx %arg16[%get3A_458], %mul3A_872 {add = true} : memref<10240xf32, #tpu.memory_space<vmem>>[vector<16xi32>], vector<16xf32>,
      tpu.vector_store_idx %arg13[%get3A_464], %exp3A_746 {add = true} : memref<10240xf32, #tpu.memory_space<vmem>>[vector<16xi32>], vector<16xf32>,
      %mul3A_873 = arith.mulf %exp3A_746, %gather3A_541 : vector<16xf32>
      tpu.vector_store_idx %arg14[%get3A_464], %mul3A_873 {add = true} : memref<10240xf32, #tpu.memory_space<vmem>>[vector<16xi32>], vector<16xf32>,
      %mul3A_874 = arith.mulf %exp3A_746, %gather3A_557 : vector<16xf32>
      tpu.vector_store_idx %arg15[%get3A_464], %mul3A_874 {add = true} : memref<10240xf32, #tpu.memory_space<vmem>>[vector<16xi32>], vector<16xf32>,
      %mul3A_875 = arith.mulf %exp3A_746, %gather3A_573 : vector<16xf32>
      tpu.vector_store_idx %arg16[%get3A_464], %mul3A_875 {add = true} : memref<10240xf32, #tpu.memory_space<vmem>>[vector<16xi32>], vector<16xf32>,
      tpu.vector_store_idx %arg13[%get3A_470], %exp3A_758 {add = true} : memref<10240xf32, #tpu.memory_space<vmem>>[vector<16xi32>], vector<16xf32>,
      %mul3A_876 = arith.mulf %exp3A_758, %gather3A_542 : vector<16xf32>
      tpu.vector_store_idx %arg14[%get3A_470], %mul3A_876 {add = true} : memref<10240xf32, #tpu.memory_space<vmem>>[vector<16xi32>], vector<16xf32>,
      %mul3A_877 = arith.mulf %exp3A_758, %gather3A_558 : vector<16xf32>
      tpu.vector_store_idx %arg15[%get3A_470], %mul3A_877 {add = true} : memref<10240xf32, #tpu.memory_space<vmem>>[vector<16xi32>], vector<16xf32>,
      %mul3A_878 = arith.mulf %exp3A_758, %gather3A_574 : vector<16xf32>
      tpu.vector_store_idx %arg16[%get3A_470], %mul3A_878 {add = true} : memref<10240xf32, #tpu.memory_space<vmem>>[vector<16xi32>], vector<16xf32>,
      tpu.vector_store_idx %arg13[%get3A_476], %exp3A_770 {add = true} : memref<10240xf32, #tpu.memory_space<vmem>>[vector<16xi32>], vector<16xf32>,
      %mul3A_879 = arith.mulf %exp3A_770, %gather3A_543 : vector<16xf32>
      tpu.vector_store_idx %arg14[%get3A_476], %mul3A_879 {add = true} : memref<10240xf32, #tpu.memory_space<vmem>>[vector<16xi32>], vector<16xf32>,
      %mul3A_880 = arith.mulf %exp3A_770, %gather3A_559 : vector<16xf32>
      tpu.vector_store_idx %arg15[%get3A_476], %mul3A_880 {add = true} : memref<10240xf32, #tpu.memory_space<vmem>>[vector<16xi32>], vector<16xf32>,
      %mul3A_881 = arith.mulf %exp3A_770, %gather3A_575 : vector<16xf32>
      tpu.vector_store_idx %arg16[%get3A_476], %mul3A_881 {add = true} : memref<10240xf32, #tpu.memory_space<vmem>>[vector<16xi32>], vector<16xf32>,
      tpu.vector_store_idx %arg13[%get3A_482], %exp3A_782 {add = true} : memref<10240xf32, #tpu.memory_space<vmem>>[vector<16xi32>], vector<16xf32>,
      %mul3A_882 = arith.mulf %exp3A_782, %gather3A_544 : vector<16xf32>
      tpu.vector_store_idx %arg14[%get3A_482], %mul3A_882 {add = true} : memref<10240xf32, #tpu.memory_space<vmem>>[vector<16xi32>], vector<16xf32>,
      %mul3A_883 = arith.mulf %exp3A_782, %gather3A_560 : vector<16xf32>
      tpu.vector_store_idx %arg15[%get3A_482], %mul3A_883 {add = true} : memref<10240xf32, #tpu.memory_space<vmem>>[vector<16xi32>], vector<16xf32>,
      %mul3A_884 = arith.mulf %exp3A_782, %gather3A_576 : vector<16xf32>
      tpu.vector_store_idx %arg16[%get3A_482], %mul3A_884 {add = true} : memref<10240xf32, #tpu.memory_space<vmem>>[vector<16xi32>], vector<16xf32>,
      tpu.vector_store_idx %arg13[%get3A_488], %exp3A_794 {add = true} : memref<10240xf32, #tpu.memory_space<vmem>>[vector<16xi32>], vector<16xf32>,
      %mul3A_885 = arith.mulf %exp3A_794, %gather3A_545 : vector<16xf32>
      tpu.vector_store_idx %arg14[%get3A_488], %mul3A_885 {add = true} : memref<10240xf32, #tpu.memory_space<vmem>>[vector<16xi32>], vector<16xf32>,
      %mul3A_886 = arith.mulf %exp3A_794, %gather3A_561 : vector<16xf32>
      tpu.vector_store_idx %arg15[%get3A_488], %mul3A_886 {add = true} : memref<10240xf32, #tpu.memory_space<vmem>>[vector<16xi32>], vector<16xf32>,
      %mul3A_887 = arith.mulf %exp3A_794, %gather3A_577 : vector<16xf32>
      tpu.vector_store_idx %arg16[%get3A_488], %mul3A_887 {add = true} : memref<10240xf32, #tpu.memory_space<vmem>>[vector<16xi32>], vector<16xf32>,
      tpu.vector_store_idx %arg13[%get3A_494], %exp3A_806 {add = true} : memref<10240xf32, #tpu.memory_space<vmem>>[vector<16xi32>], vector<16xf32>,
      %mul3A_888 = arith.mulf %exp3A_806, %gather3A_546 : vector<16xf32>
      tpu.vector_store_idx %arg14[%get3A_494], %mul3A_888 {add = true} : memref<10240xf32, #tpu.memory_space<vmem>>[vector<16xi32>], vector<16xf32>,
      %mul3A_889 = arith.mulf %exp3A_806, %gather3A_562 : vector<16xf32>
      tpu.vector_store_idx %arg15[%get3A_494], %mul3A_889 {add = true} : memref<10240xf32, #tpu.memory_space<vmem>>[vector<16xi32>], vector<16xf32>,
      %mul3A_890 = arith.mulf %exp3A_806, %gather3A_578 : vector<16xf32>
      tpu.vector_store_idx %arg16[%get3A_494], %mul3A_890 {add = true} : memref<10240xf32, #tpu.memory_space<vmem>>[vector<16xi32>], vector<16xf32>,
      tpu.vector_store_idx %arg13[%get3A_500], %exp3A_818 {add = true} : memref<10240xf32, #tpu.memory_space<vmem>>[vector<16xi32>], vector<16xf32>,
      %mul3A_891 = arith.mulf %exp3A_818, %gather3A_547 : vector<16xf32>
      tpu.vector_store_idx %arg14[%get3A_500], %mul3A_891 {add = true} : memref<10240xf32, #tpu.memory_space<vmem>>[vector<16xi32>], vector<16xf32>,
      %mul3A_892 = arith.mulf %exp3A_818, %gather3A_563 : vector<16xf32>
      tpu.vector_store_idx %arg15[%get3A_500], %mul3A_892 {add = true} : memref<10240xf32, #tpu.memory_space<vmem>>[vector<16xi32>], vector<16xf32>,
      %mul3A_893 = arith.mulf %exp3A_818, %gather3A_579 : vector<16xf32>
      tpu.vector_store_idx %arg16[%get3A_500], %mul3A_893 {add = true} : memref<10240xf32, #tpu.memory_space<vmem>>[vector<16xi32>], vector<16xf32>,
      tpu.vector_store_idx %arg13[%get3A_506], %exp3A_830 {add = true} : memref<10240xf32, #tpu.memory_space<vmem>>[vector<16xi32>], vector<16xf32>,
      %mul3A_894 = arith.mulf %exp3A_830, %gather3A_548 : vector<16xf32>
      tpu.vector_store_idx %arg14[%get3A_506], %mul3A_894 {add = true} : memref<10240xf32, #tpu.memory_space<vmem>>[vector<16xi32>], vector<16xf32>,
      %mul3A_895 = arith.mulf %exp3A_830, %gather3A_564 : vector<16xf32>
      tpu.vector_store_idx %arg15[%get3A_506], %mul3A_895 {add = true} : memref<10240xf32, #tpu.memory_space<vmem>>[vector<16xi32>], vector<16xf32>,
      %mul3A_896 = arith.mulf %exp3A_830, %gather3A_580 : vector<16xf32>
      tpu.vector_store_idx %arg16[%get3A_506], %mul3A_896 {add = true} : memref<10240xf32, #tpu.memory_space<vmem>>[vector<16xi32>], vector<16xf32>,
      tpu.vector_store_idx %arg13[%get3A_512], %exp3A_842 {add = true} : memref<10240xf32, #tpu.memory_space<vmem>>[vector<16xi32>], vector<16xf32>,
      %mul3A_897 = arith.mulf %exp3A_842, %gather3A_549 : vector<16xf32>
      tpu.vector_store_idx %arg14[%get3A_512], %mul3A_897 {add = true} : memref<10240xf32, #tpu.memory_space<vmem>>[vector<16xi32>], vector<16xf32>,
      %mul3A_898 = arith.mulf %exp3A_842, %gather3A_565 : vector<16xf32>
      tpu.vector_store_idx %arg15[%get3A_512], %mul3A_898 {add = true} : memref<10240xf32, #tpu.memory_space<vmem>>[vector<16xi32>], vector<16xf32>,
      %mul3A_899 = arith.mulf %exp3A_842, %gather3A_581 : vector<16xf32>
      tpu.vector_store_idx %arg16[%get3A_512], %mul3A_899 {add = true} : memref<10240xf32, #tpu.memory_space<vmem>>[vector<16xi32>], vector<16xf32>,
      tpu.vector_store_idx %arg13[%get3A_518], %exp3A_854 {add = true} : memref<10240xf32, #tpu.memory_space<vmem>>[vector<16xi32>], vector<16xf32>,
      %mul3A_900 = arith.mulf %exp3A_854, %gather3A_550 : vector<16xf32>
      tpu.vector_store_idx %arg14[%get3A_518], %mul3A_900 {add = true} : memref<10240xf32, #tpu.memory_space<vmem>>[vector<16xi32>], vector<16xf32>,
      %mul3A_901 = arith.mulf %exp3A_854, %gather3A_566 : vector<16xf32>
      tpu.vector_store_idx %arg15[%get3A_518], %mul3A_901 {add = true} : memref<10240xf32, #tpu.memory_space<vmem>>[vector<16xi32>], vector<16xf32>,
      %mul3A_902 = arith.mulf %exp3A_854, %gather3A_582 : vector<16xf32>
      tpu.vector_store_idx %arg16[%get3A_518], %mul3A_902 {add = true} : memref<10240xf32, #tpu.memory_space<vmem>>[vector<16xi32>], vector<16xf32>,
    }
    %scan3A_141 = arith.constant 39 : i32
    %get3A_142 = arith.constant 9984 : index
    %get3A_143 = tpu.vector_load %arg7[%get3A_142] {strides = array<i32>} : memref<10000xi32, #tpu.memory_space<vmem>>, vector<16xi32>,
    %get3A_144 = arith.constant 9984 : index
    %get3A_145 = tpu.vector_load %arg8[%get3A_144] {strides = array<i32>} : memref<10000xi32, #tpu.memory_space<vmem>>, vector<16xi32>,
    %gather3A_146 = tpu.vector_load_idx %arg9[%get3A_145] : memref<10240xf32, #tpu.memory_space<vmem>>[vector<16xi32>], vector<16xf32>,
    %gather3A_147 = tpu.vector_load_idx %arg10[%get3A_143] : memref<10240xf32, #tpu.memory_space<vmem>>[vector<16xi32>], vector<16xf32>,
    %gather3A_148 = tpu.vector_load_idx %arg11[%get3A_143] : memref<10240xf32, #tpu.memory_space<vmem>>[vector<16xi32>], vector<16xf32>,
    %gather3A_149 = tpu.vector_load_idx %arg12[%get3A_143] : memref<10240xf32, #tpu.memory_space<vmem>>[vector<16xi32>], vector<16xf32>,
    %mul3A_150 = arith.mulf %gather3A_147, %gather3A_98 : vector<16xf32>
    %mul3A_151 = arith.mulf %gather3A_148, %gather3A_101 : vector<16xf32>
    %add3A_152 = arith.addf %mul3A_150, %mul3A_151 : vector<16xf32>
    %mul3A_153 = arith.mulf %gather3A_149, %gather3A_104 : vector<16xf32>
    %add3A_154 = arith.addf %add3A_152, %mul3A_153 : vector<16xf32>
    %add3A_155 = arith.addf %add3A_154, %gather3A_146 : vector<16xf32>
    %max3A_156 = arith.constant 0.000000e+00 : f32
    %max3A_157 = vector.broadcast %max3A_156 : f32 to vector<16xf32>
    %max3A_158 = arith.maximumf %add3A_155, %max3A_157 : vector<16xf32>
    %min3A_159 = arith.constant 0.000000e+00 : f32
    %min3A_160 = vector.broadcast %min3A_159 : f32 to vector<16xf32>
    %min3A_161 = arith.minimumf %add3A_155, %min3A_160 : vector<16xf32>
    %mul3A_162 = arith.constant 2.000000e-01 : f32
    %mul3A_163 = vector.broadcast %mul3A_162 : f32 to vector<16xf32>
    %mul3A_164 = arith.mulf %mul3A_163, %min3A_161 : vector<16xf32>
    %add3A_165 = arith.addf %max3A_158, %mul3A_164 : vector<16xf32>
    %exp3A_166 = math.exp %add3A_165 : vector<16xf32>
    tpu.vector_store_idx %arg13[%get3A_145], %exp3A_166 {add = true} : memref<10240xf32, #tpu.memory_space<vmem>>[vector<16xi32>], vector<16xf32>,
    %mul3A_167 = arith.mulf %exp3A_166, %gather3A_147 : vector<16xf32>
    tpu.vector_store_idx %arg14[%get3A_145], %mul3A_167 {add = true} : memref<10240xf32, #tpu.memory_space<vmem>>[vector<16xi32>], vector<16xf32>,
    %mul3A_168 = arith.mulf %exp3A_166, %gather3A_148 : vector<16xf32>
    tpu.vector_store_idx %arg15[%get3A_145], %mul3A_168 {add = true} : memref<10240xf32, #tpu.memory_space<vmem>>[vector<16xi32>], vector<16xf32>,
    %mul3A_169 = arith.mulf %exp3A_166, %gather3A_149 : vector<16xf32>
    tpu.vector_store_idx %arg16[%get3A_145], %mul3A_169 {add = true} : memref<10240xf32, #tpu.memory_space<vmem>>[vector<16xi32>], vector<16xf32>,
    %barrier3A_170 = arith.constant 0 : index
    tpu.barrier barrier_id(%barrier3A_170)
    "tpu.region"() ({
      %run_scoped3A_320 = tpu.sem_alloc : memref<!tpu.dma_semaphore, #tpu.memory_space<semaphore_mem>>
      %dma_start3A = arith.constant 0 : i32
      %dma_start3A_321 = tpu.memref_slice %arg27[%dma_start3A] : memref<10240xf32, #tpu.memory_space<vmem_shared>> -> memref<10240xf32, #tpu.memory_space<vmem_shared>>
      tpu.enqueue_indirect_dma source(%arg13 : memref<10240xf32, #tpu.memory_space<vmem>>) target(%dma_start3A_321 : memref<10240xf32, #tpu.memory_space<vmem_shared>>) offsets(%arg23 : memref<10240xi32, #tpu.memory_space<vmem>>) semaphore(%run_scoped3A_320 : memref<!tpu.dma_semaphore, #tpu.memory_space<semaphore_mem>>) {add = true}
      %dma_wait3A = arith.constant 0 : i32
      %dma_wait3A_322 = tpu.memref_slice %arg27[%dma_wait3A] : memref<10240xf32, #tpu.memory_space<vmem_shared>> -> memref<10240xf32, #tpu.memory_space<vmem_shared>>
      tpu.wait_indirect_dma semaphore(%run_scoped3A_320 : memref<!tpu.dma_semaphore, #tpu.memory_space<semaphore_mem>>) src(%arg13 : memref<10240xf32, #tpu.memory_space<vmem>>) dst(%dma_wait3A_322 : memref<10240xf32, #tpu.memory_space<vmem_shared>>)
      tpu.yield
    }) : () -> ()
    "tpu.region"() ({
      %run_scoped3A_320 = tpu.sem_alloc : memref<!tpu.dma_semaphore, #tpu.memory_space<semaphore_mem>>
      %dma_start3A = arith.constant 0 : i32
      %dma_start3A_321 = tpu.memref_slice %arg28[%dma_start3A] : memref<10240xf32, #tpu.memory_space<vmem_shared>> -> memref<10240xf32, #tpu.memory_space<vmem_shared>>
      tpu.enqueue_indirect_dma source(%arg14 : memref<10240xf32, #tpu.memory_space<vmem>>) target(%dma_start3A_321 : memref<10240xf32, #tpu.memory_space<vmem_shared>>) offsets(%arg23 : memref<10240xi32, #tpu.memory_space<vmem>>) semaphore(%run_scoped3A_320 : memref<!tpu.dma_semaphore, #tpu.memory_space<semaphore_mem>>) {add = true}
      %dma_wait3A = arith.constant 0 : i32
      %dma_wait3A_322 = tpu.memref_slice %arg28[%dma_wait3A] : memref<10240xf32, #tpu.memory_space<vmem_shared>> -> memref<10240xf32, #tpu.memory_space<vmem_shared>>
      tpu.wait_indirect_dma semaphore(%run_scoped3A_320 : memref<!tpu.dma_semaphore, #tpu.memory_space<semaphore_mem>>) src(%arg14 : memref<10240xf32, #tpu.memory_space<vmem>>) dst(%dma_wait3A_322 : memref<10240xf32, #tpu.memory_space<vmem_shared>>)
      tpu.yield
    }) : () -> ()
    "tpu.region"() ({
      %run_scoped3A_320 = tpu.sem_alloc : memref<!tpu.dma_semaphore, #tpu.memory_space<semaphore_mem>>
      %dma_start3A = arith.constant 0 : i32
      %dma_start3A_321 = tpu.memref_slice %arg29[%dma_start3A] : memref<10240xf32, #tpu.memory_space<vmem_shared>> -> memref<10240xf32, #tpu.memory_space<vmem_shared>>
      tpu.enqueue_indirect_dma source(%arg15 : memref<10240xf32, #tpu.memory_space<vmem>>) target(%dma_start3A_321 : memref<10240xf32, #tpu.memory_space<vmem_shared>>) offsets(%arg23 : memref<10240xi32, #tpu.memory_space<vmem>>) semaphore(%run_scoped3A_320 : memref<!tpu.dma_semaphore, #tpu.memory_space<semaphore_mem>>) {add = true}
      %dma_wait3A = arith.constant 0 : i32
      %dma_wait3A_322 = tpu.memref_slice %arg29[%dma_wait3A] : memref<10240xf32, #tpu.memory_space<vmem_shared>> -> memref<10240xf32, #tpu.memory_space<vmem_shared>>
      tpu.wait_indirect_dma semaphore(%run_scoped3A_320 : memref<!tpu.dma_semaphore, #tpu.memory_space<semaphore_mem>>) src(%arg15 : memref<10240xf32, #tpu.memory_space<vmem>>) dst(%dma_wait3A_322 : memref<10240xf32, #tpu.memory_space<vmem_shared>>)
      tpu.yield
    }) : () -> ()
    "tpu.region"() ({
      %run_scoped3A_320 = tpu.sem_alloc : memref<!tpu.dma_semaphore, #tpu.memory_space<semaphore_mem>>
      %dma_start3A = arith.constant 0 : i32
      %dma_start3A_321 = tpu.memref_slice %arg30[%dma_start3A] : memref<10240xf32, #tpu.memory_space<vmem_shared>> -> memref<10240xf32, #tpu.memory_space<vmem_shared>>
      tpu.enqueue_indirect_dma source(%arg16 : memref<10240xf32, #tpu.memory_space<vmem>>) target(%dma_start3A_321 : memref<10240xf32, #tpu.memory_space<vmem_shared>>) offsets(%arg23 : memref<10240xi32, #tpu.memory_space<vmem>>) semaphore(%run_scoped3A_320 : memref<!tpu.dma_semaphore, #tpu.memory_space<semaphore_mem>>) {add = true}
      %dma_wait3A = arith.constant 0 : i32
      %dma_wait3A_322 = tpu.memref_slice %arg30[%dma_wait3A] : memref<10240xf32, #tpu.memory_space<vmem_shared>> -> memref<10240xf32, #tpu.memory_space<vmem_shared>>
      tpu.wait_indirect_dma semaphore(%run_scoped3A_320 : memref<!tpu.dma_semaphore, #tpu.memory_space<semaphore_mem>>) src(%arg16 : memref<10240xf32, #tpu.memory_space<vmem>>) dst(%dma_wait3A_322 : memref<10240xf32, #tpu.memory_space<vmem_shared>>)
      tpu.yield
    }) : () -> ()
    %barrier3A_171 = arith.constant 0 : index
    tpu.barrier barrier_id(%barrier3A_171)
    %run_scoped3A_172 = arith.constant 0 : i32
    "tpu.region"() ({
      %run_scoped3A_320 = tpu.sem_alloc : memref<!tpu.dma_semaphore, #tpu.memory_space<semaphore_mem>>
      %dma_start3A = arith.constant 0 : i32
      %dma_start3A_321 = tpu.memref_slice %arg20[%run_scoped3A_172, %dma_start3A] : memref<8x640xf32, #tpu.memory_space<vmem>> -> memref<1x640xf32, #tpu.memory_space<vmem>>
      %dma_start3A_322 = tpu.memref_squeeze %dma_start3A_321 : memref<1x640xf32, #tpu.memory_space<vmem>> -> memref<640xf32, #tpu.memory_space<vmem>>
      %dma_start3A_323 = tpu.memref_slice %arg27[%mul3A_2] : memref<10240xf32, #tpu.memory_space<vmem_shared>> -> memref<640xf32, #tpu.memory_space<vmem_shared>>
      %dma_start3A_324 = arith.constant 0 : i32
      %dma_start3A_325 = tpu.memref_slice %arg20[%run_scoped3A_172, %dma_start3A_324] : memref<8x640xf32, #tpu.memory_space<vmem>> -> memref<1x640xf32, #tpu.memory_space<vmem>>
      %dma_start3A_326 = tpu.memref_squeeze %dma_start3A_325 : memref<1x640xf32, #tpu.memory_space<vmem>> -> memref<640xf32, #tpu.memory_space<vmem>>
      %dma_start3A_327 = tpu.memref_slice %arg27[%mul3A_2] : memref<10240xf32, #tpu.memory_space<vmem_shared>> -> memref<640xf32, #tpu.memory_space<vmem_shared>>
      tpu.enqueue_dma source(%dma_start3A_327 : memref<640xf32, #tpu.memory_space<vmem_shared>>) target(%dma_start3A_326 : memref<640xf32, #tpu.memory_space<vmem>>) target_semaphore(%run_scoped3A_320 : memref<!tpu.dma_semaphore, #tpu.memory_space<semaphore_mem>>)
      %dma_wait3A = arith.constant 0 : i32
      %dma_wait3A_328 = tpu.memref_slice %arg20[%run_scoped3A_172, %dma_wait3A] : memref<8x640xf32, #tpu.memory_space<vmem>> -> memref<1x640xf32, #tpu.memory_space<vmem>>
      %dma_wait3A_329 = tpu.memref_squeeze %dma_wait3A_328 : memref<1x640xf32, #tpu.memory_space<vmem>> -> memref<640xf32, #tpu.memory_space<vmem>>
      %dma_wait3A_330 = tpu.memref_slice %arg27[%mul3A_2] : memref<10240xf32, #tpu.memory_space<vmem_shared>> -> memref<640xf32, #tpu.memory_space<vmem_shared>>
      %dma_wait3A_331 = arith.constant 0 : i32
      %dma_wait3A_332 = tpu.memref_slice %arg20[%run_scoped3A_172, %dma_wait3A_331] : memref<8x640xf32, #tpu.memory_space<vmem>> -> memref<1x640xf32, #tpu.memory_space<vmem>>
      %dma_wait3A_333 = tpu.memref_squeeze %dma_wait3A_332 : memref<1x640xf32, #tpu.memory_space<vmem>> -> memref<640xf32, #tpu.memory_space<vmem>>
      %dma_wait3A_334 = tpu.memref_slice %arg27[%mul3A_2] : memref<10240xf32, #tpu.memory_space<vmem_shared>> -> memref<640xf32, #tpu.memory_space<vmem_shared>>
      tpu.wait_dma2 semaphore(%run_scoped3A_320 : memref<!tpu.dma_semaphore, #tpu.memory_space<semaphore_mem>>) src(%dma_wait3A_334 : memref<640xf32, #tpu.memory_space<vmem_shared>>) dst(%dma_wait3A_333 : memref<640xf32, #tpu.memory_space<vmem>>)
      tpu.yield
    }) : () -> ()
    %run_scoped3A_173 = arith.constant 1 : i32
    "tpu.region"() ({
      %run_scoped3A_320 = tpu.sem_alloc : memref<!tpu.dma_semaphore, #tpu.memory_space<semaphore_mem>>
      %dma_start3A = arith.constant 0 : i32
      %dma_start3A_321 = tpu.memref_slice %arg20[%run_scoped3A_173, %dma_start3A] : memref<8x640xf32, #tpu.memory_space<vmem>> -> memref<1x640xf32, #tpu.memory_space<vmem>>
      %dma_start3A_322 = tpu.memref_squeeze %dma_start3A_321 : memref<1x640xf32, #tpu.memory_space<vmem>> -> memref<640xf32, #tpu.memory_space<vmem>>
      %dma_start3A_323 = tpu.memref_slice %arg28[%mul3A_2] : memref<10240xf32, #tpu.memory_space<vmem_shared>> -> memref<640xf32, #tpu.memory_space<vmem_shared>>
      %dma_start3A_324 = arith.constant 0 : i32
      %dma_start3A_325 = tpu.memref_slice %arg20[%run_scoped3A_173, %dma_start3A_324] : memref<8x640xf32, #tpu.memory_space<vmem>> -> memref<1x640xf32, #tpu.memory_space<vmem>>
      %dma_start3A_326 = tpu.memref_squeeze %dma_start3A_325 : memref<1x640xf32, #tpu.memory_space<vmem>> -> memref<640xf32, #tpu.memory_space<vmem>>
      %dma_start3A_327 = tpu.memref_slice %arg28[%mul3A_2] : memref<10240xf32, #tpu.memory_space<vmem_shared>> -> memref<640xf32, #tpu.memory_space<vmem_shared>>
      tpu.enqueue_dma source(%dma_start3A_327 : memref<640xf32, #tpu.memory_space<vmem_shared>>) target(%dma_start3A_326 : memref<640xf32, #tpu.memory_space<vmem>>) target_semaphore(%run_scoped3A_320 : memref<!tpu.dma_semaphore, #tpu.memory_space<semaphore_mem>>)
      %dma_wait3A = arith.constant 0 : i32
      %dma_wait3A_328 = tpu.memref_slice %arg20[%run_scoped3A_173, %dma_wait3A] : memref<8x640xf32, #tpu.memory_space<vmem>> -> memref<1x640xf32, #tpu.memory_space<vmem>>
      %dma_wait3A_329 = tpu.memref_squeeze %dma_wait3A_328 : memref<1x640xf32, #tpu.memory_space<vmem>> -> memref<640xf32, #tpu.memory_space<vmem>>
      %dma_wait3A_330 = tpu.memref_slice %arg28[%mul3A_2] : memref<10240xf32, #tpu.memory_space<vmem_shared>> -> memref<640xf32, #tpu.memory_space<vmem_shared>>
      %dma_wait3A_331 = arith.constant 0 : i32
      %dma_wait3A_332 = tpu.memref_slice %arg20[%run_scoped3A_173, %dma_wait3A_331] : memref<8x640xf32, #tpu.memory_space<vmem>> -> memref<1x640xf32, #tpu.memory_space<vmem>>
      %dma_wait3A_333 = tpu.memref_squeeze %dma_wait3A_332 : memref<1x640xf32, #tpu.memory_space<vmem>> -> memref<640xf32, #tpu.memory_space<vmem>>
      %dma_wait3A_334 = tpu.memref_slice %arg28[%mul3A_2] : memref<10240xf32, #tpu.memory_space<vmem_shared>> -> memref<640xf32, #tpu.memory_space<vmem_shared>>
      tpu.wait_dma2 semaphore(%run_scoped3A_320 : memref<!tpu.dma_semaphore, #tpu.memory_space<semaphore_mem>>) src(%dma_wait3A_334 : memref<640xf32, #tpu.memory_space<vmem_shared>>) dst(%dma_wait3A_333 : memref<640xf32, #tpu.memory_space<vmem>>)
      tpu.yield
    }) : () -> ()
    %run_scoped3A_174 = arith.constant 2 : i32
    "tpu.region"() ({
      %run_scoped3A_320 = tpu.sem_alloc : memref<!tpu.dma_semaphore, #tpu.memory_space<semaphore_mem>>
      %dma_start3A = arith.constant 0 : i32
      %dma_start3A_321 = tpu.memref_slice %arg20[%run_scoped3A_174, %dma_start3A] : memref<8x640xf32, #tpu.memory_space<vmem>> -> memref<1x640xf32, #tpu.memory_space<vmem>>
      %dma_start3A_322 = tpu.memref_squeeze %dma_start3A_321 : memref<1x640xf32, #tpu.memory_space<vmem>> -> memref<640xf32, #tpu.memory_space<vmem>>
      %dma_start3A_323 = tpu.memref_slice %arg29[%mul3A_2] : memref<10240xf32, #tpu.memory_space<vmem_shared>> -> memref<640xf32, #tpu.memory_space<vmem_shared>>
      %dma_start3A_324 = arith.constant 0 : i32
      %dma_start3A_325 = tpu.memref_slice %arg20[%run_scoped3A_174, %dma_start3A_324] : memref<8x640xf32, #tpu.memory_space<vmem>> -> memref<1x640xf32, #tpu.memory_space<vmem>>
      %dma_start3A_326 = tpu.memref_squeeze %dma_start3A_325 : memref<1x640xf32, #tpu.memory_space<vmem>> -> memref<640xf32, #tpu.memory_space<vmem>>
      %dma_start3A_327 = tpu.memref_slice %arg29[%mul3A_2] : memref<10240xf32, #tpu.memory_space<vmem_shared>> -> memref<640xf32, #tpu.memory_space<vmem_shared>>
      tpu.enqueue_dma source(%dma_start3A_327 : memref<640xf32, #tpu.memory_space<vmem_shared>>) target(%dma_start3A_326 : memref<640xf32, #tpu.memory_space<vmem>>) target_semaphore(%run_scoped3A_320 : memref<!tpu.dma_semaphore, #tpu.memory_space<semaphore_mem>>)
      %dma_wait3A = arith.constant 0 : i32
      %dma_wait3A_328 = tpu.memref_slice %arg20[%run_scoped3A_174, %dma_wait3A] : memref<8x640xf32, #tpu.memory_space<vmem>> -> memref<1x640xf32, #tpu.memory_space<vmem>>
      %dma_wait3A_329 = tpu.memref_squeeze %dma_wait3A_328 : memref<1x640xf32, #tpu.memory_space<vmem>> -> memref<640xf32, #tpu.memory_space<vmem>>
      %dma_wait3A_330 = tpu.memref_slice %arg29[%mul3A_2] : memref<10240xf32, #tpu.memory_space<vmem_shared>> -> memref<640xf32, #tpu.memory_space<vmem_shared>>
      %dma_wait3A_331 = arith.constant 0 : i32
      %dma_wait3A_332 = tpu.memref_slice %arg20[%run_scoped3A_174, %dma_wait3A_331] : memref<8x640xf32, #tpu.memory_space<vmem>> -> memref<1x640xf32, #tpu.memory_space<vmem>>
      %dma_wait3A_333 = tpu.memref_squeeze %dma_wait3A_332 : memref<1x640xf32, #tpu.memory_space<vmem>> -> memref<640xf32, #tpu.memory_space<vmem>>
      %dma_wait3A_334 = tpu.memref_slice %arg29[%mul3A_2] : memref<10240xf32, #tpu.memory_space<vmem_shared>> -> memref<640xf32, #tpu.memory_space<vmem_shared>>
      tpu.wait_dma2 semaphore(%run_scoped3A_320 : memref<!tpu.dma_semaphore, #tpu.memory_space<semaphore_mem>>) src(%dma_wait3A_334 : memref<640xf32, #tpu.memory_space<vmem_shared>>) dst(%dma_wait3A_333 : memref<640xf32, #tpu.memory_space<vmem>>)
      tpu.yield
    }) : () -> ()
    %run_scoped3A_175 = arith.constant 3 : i32
    "tpu.region"() ({
      %run_scoped3A_320 = tpu.sem_alloc : memref<!tpu.dma_semaphore, #tpu.memory_space<semaphore_mem>>
      %dma_start3A = arith.constant 0 : i32
      %dma_start3A_321 = tpu.memref_slice %arg20[%run_scoped3A_175, %dma_start3A] : memref<8x640xf32, #tpu.memory_space<vmem>> -> memref<1x640xf32, #tpu.memory_space<vmem>>
      %dma_start3A_322 = tpu.memref_squeeze %dma_start3A_321 : memref<1x640xf32, #tpu.memory_space<vmem>> -> memref<640xf32, #tpu.memory_space<vmem>>
      %dma_start3A_323 = tpu.memref_slice %arg30[%mul3A_2] : memref<10240xf32, #tpu.memory_space<vmem_shared>> -> memref<640xf32, #tpu.memory_space<vmem_shared>>
      %dma_start3A_324 = arith.constant 0 : i32
      %dma_start3A_325 = tpu.memref_slice %arg20[%run_scoped3A_175, %dma_start3A_324] : memref<8x640xf32, #tpu.memory_space<vmem>> -> memref<1x640xf32, #tpu.memory_space<vmem>>
      %dma_start3A_326 = tpu.memref_squeeze %dma_start3A_325 : memref<1x640xf32, #tpu.memory_space<vmem>> -> memref<640xf32, #tpu.memory_space<vmem>>
      %dma_start3A_327 = tpu.memref_slice %arg30[%mul3A_2] : memref<10240xf32, #tpu.memory_space<vmem_shared>> -> memref<640xf32, #tpu.memory_space<vmem_shared>>
      tpu.enqueue_dma source(%dma_start3A_327 : memref<640xf32, #tpu.memory_space<vmem_shared>>) target(%dma_start3A_326 : memref<640xf32, #tpu.memory_space<vmem>>) target_semaphore(%run_scoped3A_320 : memref<!tpu.dma_semaphore, #tpu.memory_space<semaphore_mem>>)
      %dma_wait3A = arith.constant 0 : i32
      %dma_wait3A_328 = tpu.memref_slice %arg20[%run_scoped3A_175, %dma_wait3A] : memref<8x640xf32, #tpu.memory_space<vmem>> -> memref<1x640xf32, #tpu.memory_space<vmem>>
      %dma_wait3A_329 = tpu.memref_squeeze %dma_wait3A_328 : memref<1x640xf32, #tpu.memory_space<vmem>> -> memref<640xf32, #tpu.memory_space<vmem>>
      %dma_wait3A_330 = tpu.memref_slice %arg30[%mul3A_2] : memref<10240xf32, #tpu.memory_space<vmem_shared>> -> memref<640xf32, #tpu.memory_space<vmem_shared>>
      %dma_wait3A_331 = arith.constant 0 : i32
      %dma_wait3A_332 = tpu.memref_slice %arg20[%run_scoped3A_175, %dma_wait3A_331] : memref<8x640xf32, #tpu.memory_space<vmem>> -> memref<1x640xf32, #tpu.memory_space<vmem>>
      %dma_wait3A_333 = tpu.memref_squeeze %dma_wait3A_332 : memref<1x640xf32, #tpu.memory_space<vmem>> -> memref<640xf32, #tpu.memory_space<vmem>>
      %dma_wait3A_334 = tpu.memref_slice %arg30[%mul3A_2] : memref<10240xf32, #tpu.memory_space<vmem_shared>> -> memref<640xf32, #tpu.memory_space<vmem_shared>>
      tpu.wait_dma2 semaphore(%run_scoped3A_320 : memref<!tpu.dma_semaphore, #tpu.memory_space<semaphore_mem>>) src(%dma_wait3A_334 : memref<640xf32, #tpu.memory_space<vmem_shared>>) dst(%dma_wait3A_333 : memref<640xf32, #tpu.memory_space<vmem>>)
      tpu.yield
    }) : () -> ()
    %broadcast_in_dim3A_176 = arith.constant 23 : i32
    %broadcast_in_dim3A_177 = vector.broadcast %broadcast_in_dim3A_176 : i32 to vector<16xi32>
    %gather3A_178 = tpu.vector_load_idx %arg26[%broadcast_in_dim3A_177] : memref<32xf32, #tpu.memory_space<vmem>>[vector<16xi32>], vector<16xf32>,
    %broadcast_in_dim3A_179 = arith.constant 24 : i32
    %broadcast_in_dim3A_180 = vector.broadcast %broadcast_in_dim3A_179 : i32 to vector<16xi32>
    %gather3A_181 = tpu.vector_load_idx %arg26[%broadcast_in_dim3A_180] : memref<32xf32, #tpu.memory_space<vmem>>[vector<16xi32>], vector<16xf32>,
    %broadcast_in_dim3A_182 = arith.constant 25 : i32
    %broadcast_in_dim3A_183 = vector.broadcast %broadcast_in_dim3A_182 : i32 to vector<16xi32>
    %gather3A_184 = tpu.vector_load_idx %arg26[%broadcast_in_dim3A_183] : memref<32xf32, #tpu.memory_space<vmem>>[vector<16xi32>], vector<16xf32>,
    %scan3A_185 = arith.constant 0 : i32
    %scan3A_186 = arith.constant 40 : i32
    %scan3A_187 = arith.addi %scan3A_185, %scan3A_186 : i32
    %scan3A_188 = arith.constant 1 : i32
    scf.for %scan3A_320 = %scan3A_185 to %scan3A_187 step %scan3A_188  : i32 {
      %mul3A_321 = arith.constant 1 : i32
      %mul3A_322 = arith.muli %scan3A_320, %mul3A_321 : i32
      %add3A_323 = arith.constant 0 : i32
      %add3A_324 = arith.addi %add3A_323, %mul3A_322 : i32
      %mul3A_325 = arith.constant 16 : i32
      %mul3A_326 = arith.muli %add3A_324, %mul3A_325 : i32
      %mul3A_327 = arith.constant 16 : i32
      %mul3A_328 = arith.muli %add3A_324, %mul3A_327 : i32
      %add3A_329 = arith.addi %mul3A_2, %mul3A_328 : i32
      %get3A_330 = arith.index_cast %add3A_329 : i32 to index
      %get3A_331 = tpu.vector_load %arg9[%get3A_330] {strides = array<i32>} : memref<10240xf32, #tpu.memory_space<vmem>>, vector<16xf32>,
      %get3A_332 = arith.index_cast %add3A_329 : i32 to index
      %get3A_333 = tpu.vector_load %arg10[%get3A_332] {strides = array<i32>} : memref<10240xf32, #tpu.memory_space<vmem>>, vector<16xf32>,
      %get3A_334 = arith.index_cast %add3A_329 : i32 to index
      %get3A_335 = tpu.vector_load %arg11[%get3A_334] {strides = array<i32>} : memref<10240xf32, #tpu.memory_space<vmem>>, vector<16xf32>,
      %get3A_336 = arith.index_cast %add3A_329 : i32 to index
      %get3A_337 = tpu.vector_load %arg12[%get3A_336] {strides = array<i32>} : memref<10240xf32, #tpu.memory_space<vmem>>, vector<16xf32>,
      %mul3A_338 = arith.mulf %get3A_333, %gather3A_98 : vector<16xf32>
      %mul3A_339 = arith.mulf %get3A_335, %gather3A_101 : vector<16xf32>
      %add3A_340 = arith.addf %mul3A_338, %mul3A_339 : vector<16xf32>
      %mul3A_341 = arith.mulf %get3A_337, %gather3A_104 : vector<16xf32>
      %add3A_342 = arith.addf %add3A_340, %mul3A_341 : vector<16xf32>
      %add3A_343 = arith.addf %add3A_342, %get3A_331 : vector<16xf32>
      %max3A_344 = arith.constant 0.000000e+00 : f32
      %max3A_345 = vector.broadcast %max3A_344 : f32 to vector<16xf32>
      %max3A_346 = arith.maximumf %add3A_343, %max3A_345 : vector<16xf32>
      %min3A_347 = arith.constant 0.000000e+00 : f32
      %min3A_348 = vector.broadcast %min3A_347 : f32 to vector<16xf32>
      %min3A_349 = arith.minimumf %add3A_343, %min3A_348 : vector<16xf32>
      %mul3A_350 = arith.constant 2.000000e-01 : f32
      %mul3A_351 = vector.broadcast %mul3A_350 : f32 to vector<16xf32>
      %mul3A_352 = arith.mulf %mul3A_351, %min3A_349 : vector<16xf32>
      %add3A_353 = arith.addf %max3A_346, %mul3A_352 : vector<16xf32>
      %exp3A_354 = math.exp %add3A_353 : vector<16xf32>
      %get3A_355 = arith.constant 0 : i32
      %get3A_356 = arith.index_cast %get3A_355 : i32 to index
      %get3A_357 = arith.index_cast %mul3A_326 : i32 to index
      %get3A_358 = tpu.vector_load %arg20[%get3A_356, %get3A_357] {strides = array<i32>} : memref<8x640xf32, #tpu.memory_space<vmem>>, vector<16xf32>,
      %add3A_359 = arith.addf %get3A_358, %exp3A_354 : vector<16xf32>
      %get3A_360 = arith.constant 1 : i32
      %get3A_361 = arith.index_cast %get3A_360 : i32 to index
      %get3A_362 = arith.index_cast %mul3A_326 : i32 to index
      %get3A_363 = tpu.vector_load %arg20[%get3A_361, %get3A_362] {strides = array<i32>} : memref<8x640xf32, #tpu.memory_space<vmem>>, vector<16xf32>,
      %mul3A_364 = arith.mulf %exp3A_354, %get3A_333 : vector<16xf32>
      %add3A_365 = arith.addf %get3A_363, %mul3A_364 : vector<16xf32>
      %div3A_366 = arith.divf %add3A_365, %add3A_359 : vector<16xf32>
      %add3A_367 = arith.addf %div3A_366, %gather3A_178 : vector<16xf32>
      %max3A_368 = arith.constant 0.000000e+00 : f32
      %max3A_369 = vector.broadcast %max3A_368 : f32 to vector<16xf32>
      %max3A_370 = arith.maximumf %add3A_367, %max3A_369 : vector<16xf32>
      %swap3A_371 = arith.index_cast %mul3A_326 : i32 to index
      %swap3A_372 = tpu.vector_load %arg17[%swap3A_371] {strides = array<i32>} : memref<640xf32, #tpu.memory_space<vmem>>, vector<16xf32>,
      tpu.vector_store %arg17[%swap3A_371], %max3A_370 {strides = array<i32>} : memref<640xf32, #tpu.memory_space<vmem>>, vector<16xf32>,
      %get3A_373 = arith.constant 2 : i32
      %get3A_374 = arith.index_cast %get3A_373 : i32 to index
      %get3A_375 = arith.index_cast %mul3A_326 : i32 to index
      %get3A_376 = tpu.vector_load %arg20[%get3A_374, %get3A_375] {strides = array<i32>} : memref<8x640xf32, #tpu.memory_space<vmem>>, vector<16xf32>,
      %mul3A_377 = arith.mulf %exp3A_354, %get3A_335 : vector<16xf32>
      %add3A_378 = arith.addf %get3A_376, %mul3A_377 : vector<16xf32>
      %div3A_379 = arith.divf %add3A_378, %add3A_359 : vector<16xf32>
      %add3A_380 = arith.addf %div3A_379, %gather3A_181 : vector<16xf32>
      %max3A_381 = arith.constant 0.000000e+00 : f32
      %max3A_382 = vector.broadcast %max3A_381 : f32 to vector<16xf32>
      %max3A_383 = arith.maximumf %add3A_380, %max3A_382 : vector<16xf32>
      %swap3A_384 = arith.index_cast %mul3A_326 : i32 to index
      %swap3A_385 = tpu.vector_load %arg18[%swap3A_384] {strides = array<i32>} : memref<640xf32, #tpu.memory_space<vmem>>, vector<16xf32>,
      tpu.vector_store %arg18[%swap3A_384], %max3A_383 {strides = array<i32>} : memref<640xf32, #tpu.memory_space<vmem>>, vector<16xf32>,
      %get3A_386 = arith.constant 3 : i32
      %get3A_387 = arith.index_cast %get3A_386 : i32 to index
      %get3A_388 = arith.index_cast %mul3A_326 : i32 to index
      %get3A_389 = tpu.vector_load %arg20[%get3A_387, %get3A_388] {strides = array<i32>} : memref<8x640xf32, #tpu.memory_space<vmem>>, vector<16xf32>,
      %mul3A_390 = arith.mulf %exp3A_354, %get3A_337 : vector<16xf32>
      %add3A_391 = arith.addf %get3A_389, %mul3A_390 : vector<16xf32>
      %div3A_392 = arith.divf %add3A_391, %add3A_359 : vector<16xf32>
      %add3A_393 = arith.addf %div3A_392, %gather3A_184 : vector<16xf32>
      %max3A_394 = arith.constant 0.000000e+00 : f32
      %max3A_395 = vector.broadcast %max3A_394 : f32 to vector<16xf32>
      %max3A_396 = arith.maximumf %add3A_393, %max3A_395 : vector<16xf32>
      %swap3A_397 = arith.index_cast %mul3A_326 : i32 to index
      %swap3A_398 = tpu.vector_load %arg19[%swap3A_397] {strides = array<i32>} : memref<640xf32, #tpu.memory_space<vmem>>, vector<16xf32>,
      tpu.vector_store %arg19[%swap3A_397], %max3A_396 {strides = array<i32>} : memref<640xf32, #tpu.memory_space<vmem>>, vector<16xf32>,
    }
    %scan3A_189 = arith.constant 40 : i32
    %broadcast_in_dim3A_190 = arith.constant 26 : i32
    %broadcast_in_dim3A_191 = vector.broadcast %broadcast_in_dim3A_190 : i32 to vector<16xi32>
    %gather3A_192 = tpu.vector_load_idx %arg26[%broadcast_in_dim3A_191] : memref<32xf32, #tpu.memory_space<vmem>>[vector<16xi32>], vector<16xf32>,
    %broadcast_in_dim3A_193 = arith.constant 27 : i32
    %broadcast_in_dim3A_194 = vector.broadcast %broadcast_in_dim3A_193 : i32 to vector<16xi32>
    %gather3A_195 = tpu.vector_load_idx %arg26[%broadcast_in_dim3A_194] : memref<32xf32, #tpu.memory_space<vmem>>[vector<16xi32>], vector<16xf32>,
    %broadcast_in_dim3A_196 = arith.constant 28 : i32
    %broadcast_in_dim3A_197 = vector.broadcast %broadcast_in_dim3A_196 : i32 to vector<16xi32>
    %gather3A_198 = tpu.vector_load_idx %arg26[%broadcast_in_dim3A_197] : memref<32xf32, #tpu.memory_space<vmem>>[vector<16xi32>], vector<16xf32>,
    %scan3A_199 = arith.constant 0 : i32
    %scan3A_200 = arith.constant 40 : i32
    %scan3A_201 = arith.addi %scan3A_199, %scan3A_200 : i32
    %scan3A_202 = arith.constant 1 : i32
    scf.for %scan3A_320 = %scan3A_199 to %scan3A_201 step %scan3A_202  : i32 {
      %mul3A_321 = arith.constant 1 : i32
      %mul3A_322 = arith.muli %scan3A_320, %mul3A_321 : i32
      %add3A_323 = arith.constant 0 : i32
      %add3A_324 = arith.addi %add3A_323, %mul3A_322 : i32
      %mul3A_325 = arith.constant 16 : i32
      %mul3A_326 = arith.muli %add3A_324, %mul3A_325 : i32
      %get3A_327 = arith.index_cast %mul3A_326 : i32 to index
      %get3A_328 = tpu.vector_load %arg17[%get3A_327] {strides = array<i32>} : memref<640xf32, #tpu.memory_space<vmem>>, vector<16xf32>,
      %mul3A_329 = arith.mulf %get3A_328, %gather3A_192 : vector<16xf32>
      %get3A_330 = arith.index_cast %mul3A_326 : i32 to index
      %get3A_331 = tpu.vector_load %arg18[%get3A_330] {strides = array<i32>} : memref<640xf32, #tpu.memory_space<vmem>>, vector<16xf32>,
      %mul3A_332 = arith.mulf %get3A_331, %gather3A_195 : vector<16xf32>
      %add3A_333 = arith.addf %mul3A_329, %mul3A_332 : vector<16xf32>
      %get3A_334 = arith.index_cast %mul3A_326 : i32 to index
      %get3A_335 = tpu.vector_load %arg19[%get3A_334] {strides = array<i32>} : memref<640xf32, #tpu.memory_space<vmem>>, vector<16xf32>,
      %mul3A_336 = arith.mulf %get3A_335, %gather3A_198 : vector<16xf32>
      %add3A_337 = arith.addf %add3A_333, %mul3A_336 : vector<16xf32>
      %swap3A_338 = arith.constant 0 : i32
      %swap3A_339 = arith.index_cast %swap3A_338 : i32 to index
      %swap3A_340 = arith.index_cast %mul3A_326 : i32 to index
      %swap3A_341 = tpu.vector_load %arg20[%swap3A_339, %swap3A_340] {strides = array<i32>} : memref<8x640xf32, #tpu.memory_space<vmem>>, vector<16xf32>,
      tpu.vector_store %arg20[%swap3A_339, %swap3A_340], %add3A_337 {strides = array<i32>} : memref<8x640xf32, #tpu.memory_space<vmem>>, vector<16xf32>,
    }
    %scan3A_203 = arith.constant 40 : i32
    %run_scoped3A_204 = arith.constant 0 : i32
    "tpu.region"() ({
      %run_scoped3A_320 = tpu.sem_alloc : memref<!tpu.dma_semaphore, #tpu.memory_space<semaphore_mem>>
      %dma_start3A = arith.constant 0 : i32
      %dma_start3A_321 = tpu.memref_slice %arg20[%run_scoped3A_204, %dma_start3A] : memref<8x640xf32, #tpu.memory_space<vmem>> -> memref<1x640xf32, #tpu.memory_space<vmem>>
      %dma_start3A_322 = tpu.memref_squeeze %dma_start3A_321 : memref<1x640xf32, #tpu.memory_space<vmem>> -> memref<640xf32, #tpu.memory_space<vmem>>
      %dma_start3A_323 = tpu.memref_slice %arg31[%mul3A_2] : memref<40960xf32, #tpu.memory_space<vmem_shared>> -> memref<640xf32, #tpu.memory_space<vmem_shared>>
      %dma_start3A_324 = tpu.memref_slice %arg31[%mul3A_2] : memref<40960xf32, #tpu.memory_space<vmem_shared>> -> memref<640xf32, #tpu.memory_space<vmem_shared>>
      %dma_start3A_325 = arith.constant 0 : i32
      %dma_start3A_326 = tpu.memref_slice %arg20[%run_scoped3A_204, %dma_start3A_325] : memref<8x640xf32, #tpu.memory_space<vmem>> -> memref<1x640xf32, #tpu.memory_space<vmem>>
      %dma_start3A_327 = tpu.memref_squeeze %dma_start3A_326 : memref<1x640xf32, #tpu.memory_space<vmem>> -> memref<640xf32, #tpu.memory_space<vmem>>
      tpu.enqueue_dma source(%dma_start3A_327 : memref<640xf32, #tpu.memory_space<vmem>>) target(%dma_start3A_324 : memref<640xf32, #tpu.memory_space<vmem_shared>>) target_semaphore(%run_scoped3A_320 : memref<!tpu.dma_semaphore, #tpu.memory_space<semaphore_mem>>)
      %dma_wait3A = arith.constant 0 : i32
      %dma_wait3A_328 = tpu.memref_slice %arg20[%run_scoped3A_204, %dma_wait3A] : memref<8x640xf32, #tpu.memory_space<vmem>> -> memref<1x640xf32, #tpu.memory_space<vmem>>
      %dma_wait3A_329 = tpu.memref_squeeze %dma_wait3A_328 : memref<1x640xf32, #tpu.memory_space<vmem>> -> memref<640xf32, #tpu.memory_space<vmem>>
      %dma_wait3A_330 = tpu.memref_slice %arg31[%mul3A_2] : memref<40960xf32, #tpu.memory_space<vmem_shared>> -> memref<640xf32, #tpu.memory_space<vmem_shared>>
      %dma_wait3A_331 = tpu.memref_slice %arg31[%mul3A_2] : memref<40960xf32, #tpu.memory_space<vmem_shared>> -> memref<640xf32, #tpu.memory_space<vmem_shared>>
      %dma_wait3A_332 = arith.constant 0 : i32
      %dma_wait3A_333 = tpu.memref_slice %arg20[%run_scoped3A_204, %dma_wait3A_332] : memref<8x640xf32, #tpu.memory_space<vmem>> -> memref<1x640xf32, #tpu.memory_space<vmem>>
      %dma_wait3A_334 = tpu.memref_squeeze %dma_wait3A_333 : memref<1x640xf32, #tpu.memory_space<vmem>> -> memref<640xf32, #tpu.memory_space<vmem>>
      tpu.wait_dma2 semaphore(%run_scoped3A_320 : memref<!tpu.dma_semaphore, #tpu.memory_space<semaphore_mem>>) src(%dma_wait3A_334 : memref<640xf32, #tpu.memory_space<vmem>>) dst(%dma_wait3A_331 : memref<640xf32, #tpu.memory_space<vmem_shared>>)
      tpu.yield
    }) : () -> ()
    %barrier3A_205 = arith.constant 0 : index
    tpu.barrier barrier_id(%barrier3A_205)
    "tpu.region"() ({
      %run_scoped3A_320 = tpu.sem_alloc : memref<!tpu.dma_semaphore, #tpu.memory_space<semaphore_mem>>
      %dma_start3A = arith.constant 0 : i32
      %dma_start3A_321 = tpu.memref_slice %arg31[%dma_start3A] : memref<40960xf32, #tpu.memory_space<vmem_shared>> -> memref<10240xf32, #tpu.memory_space<vmem_shared>>
      %dma_start3A_322 = arith.constant 0 : i32
      %dma_start3A_323 = tpu.memref_slice %arg31[%dma_start3A_322] : memref<40960xf32, #tpu.memory_space<vmem_shared>> -> memref<10240xf32, #tpu.memory_space<vmem_shared>>
      tpu.enqueue_dma source(%dma_start3A_323 : memref<10240xf32, #tpu.memory_space<vmem_shared>>) target(%arg9 : memref<10240xf32, #tpu.memory_space<vmem>>) target_semaphore(%run_scoped3A_320 : memref<!tpu.dma_semaphore, #tpu.memory_space<semaphore_mem>>)
      %dma_wait3A = arith.constant 0 : i32
      %dma_wait3A_324 = tpu.memref_slice %arg31[%dma_wait3A] : memref<40960xf32, #tpu.memory_space<vmem_shared>> -> memref<10240xf32, #tpu.memory_space<vmem_shared>>
      %dma_wait3A_325 = arith.constant 0 : i32
      %dma_wait3A_326 = tpu.memref_slice %arg31[%dma_wait3A_325] : memref<40960xf32, #tpu.memory_space<vmem_shared>> -> memref<10240xf32, #tpu.memory_space<vmem_shared>>
      tpu.wait_dma2 semaphore(%run_scoped3A_320 : memref<!tpu.dma_semaphore, #tpu.memory_space<semaphore_mem>>) src(%dma_wait3A_326 : memref<10240xf32, #tpu.memory_space<vmem_shared>>) dst(%arg9 : memref<10240xf32, #tpu.memory_space<vmem>>)
      tpu.yield
    }) : () -> ()
    %broadcast_in_dim3A_206 = arith.constant 29 : i32
    %broadcast_in_dim3A_207 = vector.broadcast %broadcast_in_dim3A_206 : i32 to vector<16xi32>
    %gather3A_208 = tpu.vector_load_idx %arg26[%broadcast_in_dim3A_207] : memref<32xf32, #tpu.memory_space<vmem>>[vector<16xi32>], vector<16xf32>,
    %broadcast_in_dim3A_209 = arith.constant 30 : i32
    %broadcast_in_dim3A_210 = vector.broadcast %broadcast_in_dim3A_209 : i32 to vector<16xi32>
    %gather3A_211 = tpu.vector_load_idx %arg26[%broadcast_in_dim3A_210] : memref<32xf32, #tpu.memory_space<vmem>>[vector<16xi32>], vector<16xf32>,
    %broadcast_in_dim3A_212 = arith.constant 31 : i32
    %broadcast_in_dim3A_213 = vector.broadcast %broadcast_in_dim3A_212 : i32 to vector<16xi32>
    %gather3A_214 = tpu.vector_load_idx %arg26[%broadcast_in_dim3A_213] : memref<32xf32, #tpu.memory_space<vmem>>[vector<16xi32>], vector<16xf32>,
    %scan3A_215 = arith.constant 0 : i32
    %scan3A_216 = arith.constant 640 : i32
    %scan3A_217 = arith.addi %scan3A_215, %scan3A_216 : i32
    %scan3A_218 = arith.constant 1 : i32
    scf.for %scan3A_320 = %scan3A_215 to %scan3A_217 step %scan3A_218  : i32 {
      %mul3A_321 = arith.constant 1 : i32
      %mul3A_322 = arith.muli %scan3A_320, %mul3A_321 : i32
      %add3A_323 = arith.constant 0 : i32
      %add3A_324 = arith.addi %add3A_323, %mul3A_322 : i32
      %mul3A_325 = arith.constant 16 : i32
      %mul3A_326 = arith.muli %add3A_324, %mul3A_325 : i32
      %swap3A_327 = arith.index_cast %mul3A_326 : i32 to index
      %swap3A_328 = tpu.vector_load %arg13[%swap3A_327] {strides = array<i32>} : memref<10240xf32, #tpu.memory_space<vmem>>, vector<16xf32>,
      tpu.vector_store %arg13[%swap3A_327], %broadcast_in_dim3A_3 {strides = array<i32>} : memref<10240xf32, #tpu.memory_space<vmem>>, vector<16xf32>,
      %mul3A_329 = arith.constant 16 : i32
      %mul3A_330 = arith.muli %add3A_324, %mul3A_329 : i32
      %swap3A_331 = arith.index_cast %mul3A_330 : i32 to index
      %swap3A_332 = tpu.vector_load %arg14[%swap3A_331] {strides = array<i32>} : memref<10240xf32, #tpu.memory_space<vmem>>, vector<16xf32>,
      tpu.vector_store %arg14[%swap3A_331], %broadcast_in_dim3A_3 {strides = array<i32>} : memref<10240xf32, #tpu.memory_space<vmem>>, vector<16xf32>,
    }
    %scan3A_219 = arith.constant 640 : i32
    "tpu.region"() ({
      %run_scoped3A_320 = tpu.sem_alloc : memref<!tpu.dma_semaphore, #tpu.memory_space<semaphore_mem>>
      %dma_start3A = tpu.memref_slice %arg27[%mul3A_2] : memref<10240xf32, #tpu.memory_space<vmem_shared>> -> memref<640xf32, #tpu.memory_space<vmem_shared>>
      %dma_start3A_321 = tpu.memref_slice %arg27[%mul3A_2] : memref<10240xf32, #tpu.memory_space<vmem_shared>> -> memref<640xf32, #tpu.memory_space<vmem_shared>>
      tpu.enqueue_dma source(%arg22 : memref<640xf32, #tpu.memory_space<vmem>>) target(%dma_start3A_321 : memref<640xf32, #tpu.memory_space<vmem_shared>>) target_semaphore(%run_scoped3A_320 : memref<!tpu.dma_semaphore, #tpu.memory_space<semaphore_mem>>)
      %dma_wait3A = tpu.memref_slice %arg27[%mul3A_2] : memref<10240xf32, #tpu.memory_space<vmem_shared>> -> memref<640xf32, #tpu.memory_space<vmem_shared>>
      %dma_wait3A_322 = tpu.memref_slice %arg27[%mul3A_2] : memref<10240xf32, #tpu.memory_space<vmem_shared>> -> memref<640xf32, #tpu.memory_space<vmem_shared>>
      tpu.wait_dma2 semaphore(%run_scoped3A_320 : memref<!tpu.dma_semaphore, #tpu.memory_space<semaphore_mem>>) src(%arg22 : memref<640xf32, #tpu.memory_space<vmem>>) dst(%dma_wait3A_322 : memref<640xf32, #tpu.memory_space<vmem_shared>>)
      tpu.yield
    }) : () -> ()
    "tpu.region"() ({
      %run_scoped3A_320 = tpu.sem_alloc : memref<!tpu.dma_semaphore, #tpu.memory_space<semaphore_mem>>
      %dma_start3A = tpu.memref_slice %arg28[%mul3A_2] : memref<10240xf32, #tpu.memory_space<vmem_shared>> -> memref<640xf32, #tpu.memory_space<vmem_shared>>
      %dma_start3A_321 = tpu.memref_slice %arg28[%mul3A_2] : memref<10240xf32, #tpu.memory_space<vmem_shared>> -> memref<640xf32, #tpu.memory_space<vmem_shared>>
      tpu.enqueue_dma source(%arg22 : memref<640xf32, #tpu.memory_space<vmem>>) target(%dma_start3A_321 : memref<640xf32, #tpu.memory_space<vmem_shared>>) target_semaphore(%run_scoped3A_320 : memref<!tpu.dma_semaphore, #tpu.memory_space<semaphore_mem>>)
      %dma_wait3A = tpu.memref_slice %arg28[%mul3A_2] : memref<10240xf32, #tpu.memory_space<vmem_shared>> -> memref<640xf32, #tpu.memory_space<vmem_shared>>
      %dma_wait3A_322 = tpu.memref_slice %arg28[%mul3A_2] : memref<10240xf32, #tpu.memory_space<vmem_shared>> -> memref<640xf32, #tpu.memory_space<vmem_shared>>
      tpu.wait_dma2 semaphore(%run_scoped3A_320 : memref<!tpu.dma_semaphore, #tpu.memory_space<semaphore_mem>>) src(%arg22 : memref<640xf32, #tpu.memory_space<vmem>>) dst(%dma_wait3A_322 : memref<640xf32, #tpu.memory_space<vmem_shared>>)
      tpu.yield
    }) : () -> ()
    %scan3A_220 = arith.constant 0 : i32
    %scan3A_221 = arith.constant 39 : i32
    %scan3A_222 = arith.addi %scan3A_220, %scan3A_221 : i32
    %scan3A_223 = arith.constant 1 : i32
    scf.for %scan3A_320 = %scan3A_220 to %scan3A_222 step %scan3A_223  : i32 {
      %mul3A_321 = arith.constant 1 : i32
      %mul3A_322 = arith.muli %scan3A_320, %mul3A_321 : i32
      %add3A_323 = arith.constant 0 : i32
      %add3A_324 = arith.addi %add3A_323, %mul3A_322 : i32
      %mul3A_325 = arith.constant 16 : i32
      %mul3A_326 = arith.muli %add3A_324, %mul3A_325 : i32
      %add3A_327 = arith.constant 0 : i32
      %add3A_328 = arith.addi %mul3A_326, %add3A_327 : i32
      %mul3A_329 = arith.constant 16 : i32
      %mul3A_330 = arith.muli %add3A_328, %mul3A_329 : i32
      %get3A_331 = arith.index_cast %mul3A_330 : i32 to index
      %get3A_332 = tpu.vector_load %arg7[%get3A_331] {strides = array<i32>} : memref<10000xi32, #tpu.memory_space<vmem>>, vector<16xi32>,
      %add3A_333 = arith.constant 1 : i32
      %add3A_334 = arith.addi %mul3A_326, %add3A_333 : i32
      %mul3A_335 = arith.constant 16 : i32
      %mul3A_336 = arith.muli %add3A_334, %mul3A_335 : i32
      %get3A_337 = arith.index_cast %mul3A_336 : i32 to index
      %get3A_338 = tpu.vector_load %arg7[%get3A_337] {strides = array<i32>} : memref<10000xi32, #tpu.memory_space<vmem>>, vector<16xi32>,
      %add3A_339 = arith.constant 2 : i32
      %add3A_340 = arith.addi %mul3A_326, %add3A_339 : i32
      %mul3A_341 = arith.constant 16 : i32
      %mul3A_342 = arith.muli %add3A_340, %mul3A_341 : i32
      %get3A_343 = arith.index_cast %mul3A_342 : i32 to index
      %get3A_344 = tpu.vector_load %arg7[%get3A_343] {strides = array<i32>} : memref<10000xi32, #tpu.memory_space<vmem>>, vector<16xi32>,
      %add3A_345 = arith.constant 3 : i32
      %add3A_346 = arith.addi %mul3A_326, %add3A_345 : i32
      %mul3A_347 = arith.constant 16 : i32
      %mul3A_348 = arith.muli %add3A_346, %mul3A_347 : i32
      %get3A_349 = arith.index_cast %mul3A_348 : i32 to index
      %get3A_350 = tpu.vector_load %arg7[%get3A_349] {strides = array<i32>} : memref<10000xi32, #tpu.memory_space<vmem>>, vector<16xi32>,
      %add3A_351 = arith.constant 4 : i32
      %add3A_352 = arith.addi %mul3A_326, %add3A_351 : i32
      %mul3A_353 = arith.constant 16 : i32
      %mul3A_354 = arith.muli %add3A_352, %mul3A_353 : i32
      %get3A_355 = arith.index_cast %mul3A_354 : i32 to index
      %get3A_356 = tpu.vector_load %arg7[%get3A_355] {strides = array<i32>} : memref<10000xi32, #tpu.memory_space<vmem>>, vector<16xi32>,
      %add3A_357 = arith.constant 5 : i32
      %add3A_358 = arith.addi %mul3A_326, %add3A_357 : i32
      %mul3A_359 = arith.constant 16 : i32
      %mul3A_360 = arith.muli %add3A_358, %mul3A_359 : i32
      %get3A_361 = arith.index_cast %mul3A_360 : i32 to index
      %get3A_362 = tpu.vector_load %arg7[%get3A_361] {strides = array<i32>} : memref<10000xi32, #tpu.memory_space<vmem>>, vector<16xi32>,
      %add3A_363 = arith.constant 6 : i32
      %add3A_364 = arith.addi %mul3A_326, %add3A_363 : i32
      %mul3A_365 = arith.constant 16 : i32
      %mul3A_366 = arith.muli %add3A_364, %mul3A_365 : i32
      %get3A_367 = arith.index_cast %mul3A_366 : i32 to index
      %get3A_368 = tpu.vector_load %arg7[%get3A_367] {strides = array<i32>} : memref<10000xi32, #tpu.memory_space<vmem>>, vector<16xi32>,
      %add3A_369 = arith.constant 7 : i32
      %add3A_370 = arith.addi %mul3A_326, %add3A_369 : i32
      %mul3A_371 = arith.constant 16 : i32
      %mul3A_372 = arith.muli %add3A_370, %mul3A_371 : i32
      %get3A_373 = arith.index_cast %mul3A_372 : i32 to index
      %get3A_374 = tpu.vector_load %arg7[%get3A_373] {strides = array<i32>} : memref<10000xi32, #tpu.memory_space<vmem>>, vector<16xi32>,
      %add3A_375 = arith.constant 8 : i32
      %add3A_376 = arith.addi %mul3A_326, %add3A_375 : i32
      %mul3A_377 = arith.constant 16 : i32
      %mul3A_378 = arith.muli %add3A_376, %mul3A_377 : i32
      %get3A_379 = arith.index_cast %mul3A_378 : i32 to index
      %get3A_380 = tpu.vector_load %arg7[%get3A_379] {strides = array<i32>} : memref<10000xi32, #tpu.memory_space<vmem>>, vector<16xi32>,
      %add3A_381 = arith.constant 9 : i32
      %add3A_382 = arith.addi %mul3A_326, %add3A_381 : i32
      %mul3A_383 = arith.constant 16 : i32
      %mul3A_384 = arith.muli %add3A_382, %mul3A_383 : i32
      %get3A_385 = arith.index_cast %mul3A_384 : i32 to index
      %get3A_386 = tpu.vector_load %arg7[%get3A_385] {strides = array<i32>} : memref<10000xi32, #tpu.memory_space<vmem>>, vector<16xi32>,
      %add3A_387 = arith.constant 10 : i32
      %add3A_388 = arith.addi %mul3A_326, %add3A_387 : i32
      %mul3A_389 = arith.constant 16 : i32
      %mul3A_390 = arith.muli %add3A_388, %mul3A_389 : i32
      %get3A_391 = arith.index_cast %mul3A_390 : i32 to index
      %get3A_392 = tpu.vector_load %arg7[%get3A_391] {strides = array<i32>} : memref<10000xi32, #tpu.memory_space<vmem>>, vector<16xi32>,
      %add3A_393 = arith.constant 11 : i32
      %add3A_394 = arith.addi %mul3A_326, %add3A_393 : i32
      %mul3A_395 = arith.constant 16 : i32
      %mul3A_396 = arith.muli %add3A_394, %mul3A_395 : i32
      %get3A_397 = arith.index_cast %mul3A_396 : i32 to index
      %get3A_398 = tpu.vector_load %arg7[%get3A_397] {strides = array<i32>} : memref<10000xi32, #tpu.memory_space<vmem>>, vector<16xi32>,
      %add3A_399 = arith.constant 12 : i32
      %add3A_400 = arith.addi %mul3A_326, %add3A_399 : i32
      %mul3A_401 = arith.constant 16 : i32
      %mul3A_402 = arith.muli %add3A_400, %mul3A_401 : i32
      %get3A_403 = arith.index_cast %mul3A_402 : i32 to index
      %get3A_404 = tpu.vector_load %arg7[%get3A_403] {strides = array<i32>} : memref<10000xi32, #tpu.memory_space<vmem>>, vector<16xi32>,
      %add3A_405 = arith.constant 13 : i32
      %add3A_406 = arith.addi %mul3A_326, %add3A_405 : i32
      %mul3A_407 = arith.constant 16 : i32
      %mul3A_408 = arith.muli %add3A_406, %mul3A_407 : i32
      %get3A_409 = arith.index_cast %mul3A_408 : i32 to index
      %get3A_410 = tpu.vector_load %arg7[%get3A_409] {strides = array<i32>} : memref<10000xi32, #tpu.memory_space<vmem>>, vector<16xi32>,
      %add3A_411 = arith.constant 14 : i32
      %add3A_412 = arith.addi %mul3A_326, %add3A_411 : i32
      %mul3A_413 = arith.constant 16 : i32
      %mul3A_414 = arith.muli %add3A_412, %mul3A_413 : i32
      %get3A_415 = arith.index_cast %mul3A_414 : i32 to index
      %get3A_416 = tpu.vector_load %arg7[%get3A_415] {strides = array<i32>} : memref<10000xi32, #tpu.memory_space<vmem>>, vector<16xi32>,
      %add3A_417 = arith.constant 15 : i32
      %add3A_418 = arith.addi %mul3A_326, %add3A_417 : i32
      %mul3A_419 = arith.constant 16 : i32
      %mul3A_420 = arith.muli %add3A_418, %mul3A_419 : i32
      %get3A_421 = arith.index_cast %mul3A_420 : i32 to index
      %get3A_422 = tpu.vector_load %arg7[%get3A_421] {strides = array<i32>} : memref<10000xi32, #tpu.memory_space<vmem>>, vector<16xi32>,
      %add3A_423 = arith.constant 0 : i32
      %add3A_424 = arith.addi %mul3A_326, %add3A_423 : i32
      %mul3A_425 = arith.constant 16 : i32
      %mul3A_426 = arith.muli %add3A_424, %mul3A_425 : i32
      %get3A_427 = arith.index_cast %mul3A_426 : i32 to index
      %get3A_428 = tpu.vector_load %arg8[%get3A_427] {strides = array<i32>} : memref<10000xi32, #tpu.memory_space<vmem>>, vector<16xi32>,
      %add3A_429 = arith.constant 1 : i32
      %add3A_430 = arith.addi %mul3A_326, %add3A_429 : i32
      %mul3A_431 = arith.constant 16 : i32
      %mul3A_432 = arith.muli %add3A_430, %mul3A_431 : i32
      %get3A_433 = arith.index_cast %mul3A_432 : i32 to index
      %get3A_434 = tpu.vector_load %arg8[%get3A_433] {strides = array<i32>} : memref<10000xi32, #tpu.memory_space<vmem>>, vector<16xi32>,
      %add3A_435 = arith.constant 2 : i32
      %add3A_436 = arith.addi %mul3A_326, %add3A_435 : i32
      %mul3A_437 = arith.constant 16 : i32
      %mul3A_438 = arith.muli %add3A_436, %mul3A_437 : i32
      %get3A_439 = arith.index_cast %mul3A_438 : i32 to index
      %get3A_440 = tpu.vector_load %arg8[%get3A_439] {strides = array<i32>} : memref<10000xi32, #tpu.memory_space<vmem>>, vector<16xi32>,
      %add3A_441 = arith.constant 3 : i32
      %add3A_442 = arith.addi %mul3A_326, %add3A_441 : i32
      %mul3A_443 = arith.constant 16 : i32
      %mul3A_444 = arith.muli %add3A_442, %mul3A_443 : i32
      %get3A_445 = arith.index_cast %mul3A_444 : i32 to index
      %get3A_446 = tpu.vector_load %arg8[%get3A_445] {strides = array<i32>} : memref<10000xi32, #tpu.memory_space<vmem>>, vector<16xi32>,
      %add3A_447 = arith.constant 4 : i32
      %add3A_448 = arith.addi %mul3A_326, %add3A_447 : i32
      %mul3A_449 = arith.constant 16 : i32
      %mul3A_450 = arith.muli %add3A_448, %mul3A_449 : i32
      %get3A_451 = arith.index_cast %mul3A_450 : i32 to index
      %get3A_452 = tpu.vector_load %arg8[%get3A_451] {strides = array<i32>} : memref<10000xi32, #tpu.memory_space<vmem>>, vector<16xi32>,
      %add3A_453 = arith.constant 5 : i32
      %add3A_454 = arith.addi %mul3A_326, %add3A_453 : i32
      %mul3A_455 = arith.constant 16 : i32
      %mul3A_456 = arith.muli %add3A_454, %mul3A_455 : i32
      %get3A_457 = arith.index_cast %mul3A_456 : i32 to index
      %get3A_458 = tpu.vector_load %arg8[%get3A_457] {strides = array<i32>} : memref<10000xi32, #tpu.memory_space<vmem>>, vector<16xi32>,
      %add3A_459 = arith.constant 6 : i32
      %add3A_460 = arith.addi %mul3A_326, %add3A_459 : i32
      %mul3A_461 = arith.constant 16 : i32
      %mul3A_462 = arith.muli %add3A_460, %mul3A_461 : i32
      %get3A_463 = arith.index_cast %mul3A_462 : i32 to index
      %get3A_464 = tpu.vector_load %arg8[%get3A_463] {strides = array<i32>} : memref<10000xi32, #tpu.memory_space<vmem>>, vector<16xi32>,
      %add3A_465 = arith.constant 7 : i32
      %add3A_466 = arith.addi %mul3A_326, %add3A_465 : i32
      %mul3A_467 = arith.constant 16 : i32
      %mul3A_468 = arith.muli %add3A_466, %mul3A_467 : i32
      %get3A_469 = arith.index_cast %mul3A_468 : i32 to index
      %get3A_470 = tpu.vector_load %arg8[%get3A_469] {strides = array<i32>} : memref<10000xi32, #tpu.memory_space<vmem>>, vector<16xi32>,
      %add3A_471 = arith.constant 8 : i32
      %add3A_472 = arith.addi %mul3A_326, %add3A_471 : i32
      %mul3A_473 = arith.constant 16 : i32
      %mul3A_474 = arith.muli %add3A_472, %mul3A_473 : i32
      %get3A_475 = arith.index_cast %mul3A_474 : i32 to index
      %get3A_476 = tpu.vector_load %arg8[%get3A_475] {strides = array<i32>} : memref<10000xi32, #tpu.memory_space<vmem>>, vector<16xi32>,
      %add3A_477 = arith.constant 9 : i32
      %add3A_478 = arith.addi %mul3A_326, %add3A_477 : i32
      %mul3A_479 = arith.constant 16 : i32
      %mul3A_480 = arith.muli %add3A_478, %mul3A_479 : i32
      %get3A_481 = arith.index_cast %mul3A_480 : i32 to index
      %get3A_482 = tpu.vector_load %arg8[%get3A_481] {strides = array<i32>} : memref<10000xi32, #tpu.memory_space<vmem>>, vector<16xi32>,
      %add3A_483 = arith.constant 10 : i32
      %add3A_484 = arith.addi %mul3A_326, %add3A_483 : i32
      %mul3A_485 = arith.constant 16 : i32
      %mul3A_486 = arith.muli %add3A_484, %mul3A_485 : i32
      %get3A_487 = arith.index_cast %mul3A_486 : i32 to index
      %get3A_488 = tpu.vector_load %arg8[%get3A_487] {strides = array<i32>} : memref<10000xi32, #tpu.memory_space<vmem>>, vector<16xi32>,
      %add3A_489 = arith.constant 11 : i32
      %add3A_490 = arith.addi %mul3A_326, %add3A_489 : i32
      %mul3A_491 = arith.constant 16 : i32
      %mul3A_492 = arith.muli %add3A_490, %mul3A_491 : i32
      %get3A_493 = arith.index_cast %mul3A_492 : i32 to index
      %get3A_494 = tpu.vector_load %arg8[%get3A_493] {strides = array<i32>} : memref<10000xi32, #tpu.memory_space<vmem>>, vector<16xi32>,
      %add3A_495 = arith.constant 12 : i32
      %add3A_496 = arith.addi %mul3A_326, %add3A_495 : i32
      %mul3A_497 = arith.constant 16 : i32
      %mul3A_498 = arith.muli %add3A_496, %mul3A_497 : i32
      %get3A_499 = arith.index_cast %mul3A_498 : i32 to index
      %get3A_500 = tpu.vector_load %arg8[%get3A_499] {strides = array<i32>} : memref<10000xi32, #tpu.memory_space<vmem>>, vector<16xi32>,
      %add3A_501 = arith.constant 13 : i32
      %add3A_502 = arith.addi %mul3A_326, %add3A_501 : i32
      %mul3A_503 = arith.constant 16 : i32
      %mul3A_504 = arith.muli %add3A_502, %mul3A_503 : i32
      %get3A_505 = arith.index_cast %mul3A_504 : i32 to index
      %get3A_506 = tpu.vector_load %arg8[%get3A_505] {strides = array<i32>} : memref<10000xi32, #tpu.memory_space<vmem>>, vector<16xi32>,
      %add3A_507 = arith.constant 14 : i32
      %add3A_508 = arith.addi %mul3A_326, %add3A_507 : i32
      %mul3A_509 = arith.constant 16 : i32
      %mul3A_510 = arith.muli %add3A_508, %mul3A_509 : i32
      %get3A_511 = arith.index_cast %mul3A_510 : i32 to index
      %get3A_512 = tpu.vector_load %arg8[%get3A_511] {strides = array<i32>} : memref<10000xi32, #tpu.memory_space<vmem>>, vector<16xi32>,
      %add3A_513 = arith.constant 15 : i32
      %add3A_514 = arith.addi %mul3A_326, %add3A_513 : i32
      %mul3A_515 = arith.constant 16 : i32
      %mul3A_516 = arith.muli %add3A_514, %mul3A_515 : i32
      %get3A_517 = arith.index_cast %mul3A_516 : i32 to index
      %get3A_518 = tpu.vector_load %arg8[%get3A_517] {strides = array<i32>} : memref<10000xi32, #tpu.memory_space<vmem>>, vector<16xi32>,
      %gather3A_519 = tpu.vector_load_idx %arg9[%get3A_332] : memref<10240xf32, #tpu.memory_space<vmem>>[vector<16xi32>], vector<16xf32>,
      %gather3A_520 = tpu.vector_load_idx %arg9[%get3A_338] : memref<10240xf32, #tpu.memory_space<vmem>>[vector<16xi32>], vector<16xf32>,
      %gather3A_521 = tpu.vector_load_idx %arg9[%get3A_344] : memref<10240xf32, #tpu.memory_space<vmem>>[vector<16xi32>], vector<16xf32>,
      %gather3A_522 = tpu.vector_load_idx %arg9[%get3A_350] : memref<10240xf32, #tpu.memory_space<vmem>>[vector<16xi32>], vector<16xf32>,
      %gather3A_523 = tpu.vector_load_idx %arg9[%get3A_356] : memref<10240xf32, #tpu.memory_space<vmem>>[vector<16xi32>], vector<16xf32>,
      %gather3A_524 = tpu.vector_load_idx %arg9[%get3A_362] : memref<10240xf32, #tpu.memory_space<vmem>>[vector<16xi32>], vector<16xf32>,
      %gather3A_525 = tpu.vector_load_idx %arg9[%get3A_368] : memref<10240xf32, #tpu.memory_space<vmem>>[vector<16xi32>], vector<16xf32>,
      %gather3A_526 = tpu.vector_load_idx %arg9[%get3A_374] : memref<10240xf32, #tpu.memory_space<vmem>>[vector<16xi32>], vector<16xf32>,
      %gather3A_527 = tpu.vector_load_idx %arg9[%get3A_380] : memref<10240xf32, #tpu.memory_space<vmem>>[vector<16xi32>], vector<16xf32>,
      %gather3A_528 = tpu.vector_load_idx %arg9[%get3A_386] : memref<10240xf32, #tpu.memory_space<vmem>>[vector<16xi32>], vector<16xf32>,
      %gather3A_529 = tpu.vector_load_idx %arg9[%get3A_392] : memref<10240xf32, #tpu.memory_space<vmem>>[vector<16xi32>], vector<16xf32>,
      %gather3A_530 = tpu.vector_load_idx %arg9[%get3A_398] : memref<10240xf32, #tpu.memory_space<vmem>>[vector<16xi32>], vector<16xf32>,
      %gather3A_531 = tpu.vector_load_idx %arg9[%get3A_404] : memref<10240xf32, #tpu.memory_space<vmem>>[vector<16xi32>], vector<16xf32>,
      %gather3A_532 = tpu.vector_load_idx %arg9[%get3A_410] : memref<10240xf32, #tpu.memory_space<vmem>>[vector<16xi32>], vector<16xf32>,
      %gather3A_533 = tpu.vector_load_idx %arg9[%get3A_416] : memref<10240xf32, #tpu.memory_space<vmem>>[vector<16xi32>], vector<16xf32>,
      %gather3A_534 = tpu.vector_load_idx %arg9[%get3A_422] : memref<10240xf32, #tpu.memory_space<vmem>>[vector<16xi32>], vector<16xf32>,
      %gather3A_535 = tpu.vector_load_idx %arg9[%get3A_428] : memref<10240xf32, #tpu.memory_space<vmem>>[vector<16xi32>], vector<16xf32>,
      %gather3A_536 = tpu.vector_load_idx %arg9[%get3A_434] : memref<10240xf32, #tpu.memory_space<vmem>>[vector<16xi32>], vector<16xf32>,
      %gather3A_537 = tpu.vector_load_idx %arg9[%get3A_440] : memref<10240xf32, #tpu.memory_space<vmem>>[vector<16xi32>], vector<16xf32>,
      %gather3A_538 = tpu.vector_load_idx %arg9[%get3A_446] : memref<10240xf32, #tpu.memory_space<vmem>>[vector<16xi32>], vector<16xf32>,
      %gather3A_539 = tpu.vector_load_idx %arg9[%get3A_452] : memref<10240xf32, #tpu.memory_space<vmem>>[vector<16xi32>], vector<16xf32>,
      %gather3A_540 = tpu.vector_load_idx %arg9[%get3A_458] : memref<10240xf32, #tpu.memory_space<vmem>>[vector<16xi32>], vector<16xf32>,
      %gather3A_541 = tpu.vector_load_idx %arg9[%get3A_464] : memref<10240xf32, #tpu.memory_space<vmem>>[vector<16xi32>], vector<16xf32>,
      %gather3A_542 = tpu.vector_load_idx %arg9[%get3A_470] : memref<10240xf32, #tpu.memory_space<vmem>>[vector<16xi32>], vector<16xf32>,
      %gather3A_543 = tpu.vector_load_idx %arg9[%get3A_476] : memref<10240xf32, #tpu.memory_space<vmem>>[vector<16xi32>], vector<16xf32>,
      %gather3A_544 = tpu.vector_load_idx %arg9[%get3A_482] : memref<10240xf32, #tpu.memory_space<vmem>>[vector<16xi32>], vector<16xf32>,
      %gather3A_545 = tpu.vector_load_idx %arg9[%get3A_488] : memref<10240xf32, #tpu.memory_space<vmem>>[vector<16xi32>], vector<16xf32>,
      %gather3A_546 = tpu.vector_load_idx %arg9[%get3A_494] : memref<10240xf32, #tpu.memory_space<vmem>>[vector<16xi32>], vector<16xf32>,
      %gather3A_547 = tpu.vector_load_idx %arg9[%get3A_500] : memref<10240xf32, #tpu.memory_space<vmem>>[vector<16xi32>], vector<16xf32>,
      %gather3A_548 = tpu.vector_load_idx %arg9[%get3A_506] : memref<10240xf32, #tpu.memory_space<vmem>>[vector<16xi32>], vector<16xf32>,
      %gather3A_549 = tpu.vector_load_idx %arg9[%get3A_512] : memref<10240xf32, #tpu.memory_space<vmem>>[vector<16xi32>], vector<16xf32>,
      %gather3A_550 = tpu.vector_load_idx %arg9[%get3A_518] : memref<10240xf32, #tpu.memory_space<vmem>>[vector<16xi32>], vector<16xf32>,
      %mul3A_551 = arith.mulf %gather3A_208, %gather3A_519 : vector<16xf32>
      %mul3A_552 = arith.mulf %gather3A_211, %gather3A_535 : vector<16xf32>
      %add3A_553 = arith.addf %mul3A_551, %mul3A_552 : vector<16xf32>
      %max3A_554 = arith.constant 0.000000e+00 : f32
      %max3A_555 = vector.broadcast %max3A_554 : f32 to vector<16xf32>
      %max3A_556 = arith.maximumf %add3A_553, %max3A_555 : vector<16xf32>
      %min3A_557 = arith.constant 0.000000e+00 : f32
      %min3A_558 = vector.broadcast %min3A_557 : f32 to vector<16xf32>
      %min3A_559 = arith.minimumf %add3A_553, %min3A_558 : vector<16xf32>
      %mul3A_560 = arith.constant 2.000000e-01 : f32
      %mul3A_561 = vector.broadcast %mul3A_560 : f32 to vector<16xf32>
      %mul3A_562 = arith.mulf %mul3A_561, %min3A_559 : vector<16xf32>
      %add3A_563 = arith.addf %max3A_556, %mul3A_562 : vector<16xf32>
      %exp3A_564 = math.exp %add3A_563 : vector<16xf32>
      %mul3A_565 = arith.mulf %gather3A_208, %gather3A_520 : vector<16xf32>
      %mul3A_566 = arith.mulf %gather3A_211, %gather3A_536 : vector<16xf32>
      %add3A_567 = arith.addf %mul3A_565, %mul3A_566 : vector<16xf32>
      %max3A_568 = arith.constant 0.000000e+00 : f32
      %max3A_569 = vector.broadcast %max3A_568 : f32 to vector<16xf32>
      %max3A_570 = arith.maximumf %add3A_567, %max3A_569 : vector<16xf32>
      %min3A_571 = arith.constant 0.000000e+00 : f32
      %min3A_572 = vector.broadcast %min3A_571 : f32 to vector<16xf32>
      %min3A_573 = arith.minimumf %add3A_567, %min3A_572 : vector<16xf32>
      %mul3A_574 = arith.constant 2.000000e-01 : f32
      %mul3A_575 = vector.broadcast %mul3A_574 : f32 to vector<16xf32>
      %mul3A_576 = arith.mulf %mul3A_575, %min3A_573 : vector<16xf32>
      %add3A_577 = arith.addf %max3A_570, %mul3A_576 : vector<16xf32>
      %exp3A_578 = math.exp %add3A_577 : vector<16xf32>
      %mul3A_579 = arith.mulf %gather3A_208, %gather3A_521 : vector<16xf32>
      %mul3A_580 = arith.mulf %gather3A_211, %gather3A_537 : vector<16xf32>
      %add3A_581 = arith.addf %mul3A_579, %mul3A_580 : vector<16xf32>
      %max3A_582 = arith.constant 0.000000e+00 : f32
      %max3A_583 = vector.broadcast %max3A_582 : f32 to vector<16xf32>
      %max3A_584 = arith.maximumf %add3A_581, %max3A_583 : vector<16xf32>
      %min3A_585 = arith.constant 0.000000e+00 : f32
      %min3A_586 = vector.broadcast %min3A_585 : f32 to vector<16xf32>
      %min3A_587 = arith.minimumf %add3A_581, %min3A_586 : vector<16xf32>
      %mul3A_588 = arith.constant 2.000000e-01 : f32
      %mul3A_589 = vector.broadcast %mul3A_588 : f32 to vector<16xf32>
      %mul3A_590 = arith.mulf %mul3A_589, %min3A_587 : vector<16xf32>
      %add3A_591 = arith.addf %max3A_584, %mul3A_590 : vector<16xf32>
      %exp3A_592 = math.exp %add3A_591 : vector<16xf32>
      %mul3A_593 = arith.mulf %gather3A_208, %gather3A_522 : vector<16xf32>
      %mul3A_594 = arith.mulf %gather3A_211, %gather3A_538 : vector<16xf32>
      %add3A_595 = arith.addf %mul3A_593, %mul3A_594 : vector<16xf32>
      %max3A_596 = arith.constant 0.000000e+00 : f32
      %max3A_597 = vector.broadcast %max3A_596 : f32 to vector<16xf32>
      %max3A_598 = arith.maximumf %add3A_595, %max3A_597 : vector<16xf32>
      %min3A_599 = arith.constant 0.000000e+00 : f32
      %min3A_600 = vector.broadcast %min3A_599 : f32 to vector<16xf32>
      %min3A_601 = arith.minimumf %add3A_595, %min3A_600 : vector<16xf32>
      %mul3A_602 = arith.constant 2.000000e-01 : f32
      %mul3A_603 = vector.broadcast %mul3A_602 : f32 to vector<16xf32>
      %mul3A_604 = arith.mulf %mul3A_603, %min3A_601 : vector<16xf32>
      %add3A_605 = arith.addf %max3A_598, %mul3A_604 : vector<16xf32>
      %exp3A_606 = math.exp %add3A_605 : vector<16xf32>
      %mul3A_607 = arith.mulf %gather3A_208, %gather3A_523 : vector<16xf32>
      %mul3A_608 = arith.mulf %gather3A_211, %gather3A_539 : vector<16xf32>
      %add3A_609 = arith.addf %mul3A_607, %mul3A_608 : vector<16xf32>
      %max3A_610 = arith.constant 0.000000e+00 : f32
      %max3A_611 = vector.broadcast %max3A_610 : f32 to vector<16xf32>
      %max3A_612 = arith.maximumf %add3A_609, %max3A_611 : vector<16xf32>
      %min3A_613 = arith.constant 0.000000e+00 : f32
      %min3A_614 = vector.broadcast %min3A_613 : f32 to vector<16xf32>
      %min3A_615 = arith.minimumf %add3A_609, %min3A_614 : vector<16xf32>
      %mul3A_616 = arith.constant 2.000000e-01 : f32
      %mul3A_617 = vector.broadcast %mul3A_616 : f32 to vector<16xf32>
      %mul3A_618 = arith.mulf %mul3A_617, %min3A_615 : vector<16xf32>
      %add3A_619 = arith.addf %max3A_612, %mul3A_618 : vector<16xf32>
      %exp3A_620 = math.exp %add3A_619 : vector<16xf32>
      %mul3A_621 = arith.mulf %gather3A_208, %gather3A_524 : vector<16xf32>
      %mul3A_622 = arith.mulf %gather3A_211, %gather3A_540 : vector<16xf32>
      %add3A_623 = arith.addf %mul3A_621, %mul3A_622 : vector<16xf32>
      %max3A_624 = arith.constant 0.000000e+00 : f32
      %max3A_625 = vector.broadcast %max3A_624 : f32 to vector<16xf32>
      %max3A_626 = arith.maximumf %add3A_623, %max3A_625 : vector<16xf32>
      %min3A_627 = arith.constant 0.000000e+00 : f32
      %min3A_628 = vector.broadcast %min3A_627 : f32 to vector<16xf32>
      %min3A_629 = arith.minimumf %add3A_623, %min3A_628 : vector<16xf32>
      %mul3A_630 = arith.constant 2.000000e-01 : f32
      %mul3A_631 = vector.broadcast %mul3A_630 : f32 to vector<16xf32>
      %mul3A_632 = arith.mulf %mul3A_631, %min3A_629 : vector<16xf32>
      %add3A_633 = arith.addf %max3A_626, %mul3A_632 : vector<16xf32>
      %exp3A_634 = math.exp %add3A_633 : vector<16xf32>
      %mul3A_635 = arith.mulf %gather3A_208, %gather3A_525 : vector<16xf32>
      %mul3A_636 = arith.mulf %gather3A_211, %gather3A_541 : vector<16xf32>
      %add3A_637 = arith.addf %mul3A_635, %mul3A_636 : vector<16xf32>
      %max3A_638 = arith.constant 0.000000e+00 : f32
      %max3A_639 = vector.broadcast %max3A_638 : f32 to vector<16xf32>
      %max3A_640 = arith.maximumf %add3A_637, %max3A_639 : vector<16xf32>
      %min3A_641 = arith.constant 0.000000e+00 : f32
      %min3A_642 = vector.broadcast %min3A_641 : f32 to vector<16xf32>
      %min3A_643 = arith.minimumf %add3A_637, %min3A_642 : vector<16xf32>
      %mul3A_644 = arith.constant 2.000000e-01 : f32
      %mul3A_645 = vector.broadcast %mul3A_644 : f32 to vector<16xf32>
      %mul3A_646 = arith.mulf %mul3A_645, %min3A_643 : vector<16xf32>
      %add3A_647 = arith.addf %max3A_640, %mul3A_646 : vector<16xf32>
      %exp3A_648 = math.exp %add3A_647 : vector<16xf32>
      %mul3A_649 = arith.mulf %gather3A_208, %gather3A_526 : vector<16xf32>
      %mul3A_650 = arith.mulf %gather3A_211, %gather3A_542 : vector<16xf32>
      %add3A_651 = arith.addf %mul3A_649, %mul3A_650 : vector<16xf32>
      %max3A_652 = arith.constant 0.000000e+00 : f32
      %max3A_653 = vector.broadcast %max3A_652 : f32 to vector<16xf32>
      %max3A_654 = arith.maximumf %add3A_651, %max3A_653 : vector<16xf32>
      %min3A_655 = arith.constant 0.000000e+00 : f32
      %min3A_656 = vector.broadcast %min3A_655 : f32 to vector<16xf32>
      %min3A_657 = arith.minimumf %add3A_651, %min3A_656 : vector<16xf32>
      %mul3A_658 = arith.constant 2.000000e-01 : f32
      %mul3A_659 = vector.broadcast %mul3A_658 : f32 to vector<16xf32>
      %mul3A_660 = arith.mulf %mul3A_659, %min3A_657 : vector<16xf32>
      %add3A_661 = arith.addf %max3A_654, %mul3A_660 : vector<16xf32>
      %exp3A_662 = math.exp %add3A_661 : vector<16xf32>
      %mul3A_663 = arith.mulf %gather3A_208, %gather3A_527 : vector<16xf32>
      %mul3A_664 = arith.mulf %gather3A_211, %gather3A_543 : vector<16xf32>
      %add3A_665 = arith.addf %mul3A_663, %mul3A_664 : vector<16xf32>
      %max3A_666 = arith.constant 0.000000e+00 : f32
      %max3A_667 = vector.broadcast %max3A_666 : f32 to vector<16xf32>
      %max3A_668 = arith.maximumf %add3A_665, %max3A_667 : vector<16xf32>
      %min3A_669 = arith.constant 0.000000e+00 : f32
      %min3A_670 = vector.broadcast %min3A_669 : f32 to vector<16xf32>
      %min3A_671 = arith.minimumf %add3A_665, %min3A_670 : vector<16xf32>
      %mul3A_672 = arith.constant 2.000000e-01 : f32
      %mul3A_673 = vector.broadcast %mul3A_672 : f32 to vector<16xf32>
      %mul3A_674 = arith.mulf %mul3A_673, %min3A_671 : vector<16xf32>
      %add3A_675 = arith.addf %max3A_668, %mul3A_674 : vector<16xf32>
      %exp3A_676 = math.exp %add3A_675 : vector<16xf32>
      %mul3A_677 = arith.mulf %gather3A_208, %gather3A_528 : vector<16xf32>
      %mul3A_678 = arith.mulf %gather3A_211, %gather3A_544 : vector<16xf32>
      %add3A_679 = arith.addf %mul3A_677, %mul3A_678 : vector<16xf32>
      %max3A_680 = arith.constant 0.000000e+00 : f32
      %max3A_681 = vector.broadcast %max3A_680 : f32 to vector<16xf32>
      %max3A_682 = arith.maximumf %add3A_679, %max3A_681 : vector<16xf32>
      %min3A_683 = arith.constant 0.000000e+00 : f32
      %min3A_684 = vector.broadcast %min3A_683 : f32 to vector<16xf32>
      %min3A_685 = arith.minimumf %add3A_679, %min3A_684 : vector<16xf32>
      %mul3A_686 = arith.constant 2.000000e-01 : f32
      %mul3A_687 = vector.broadcast %mul3A_686 : f32 to vector<16xf32>
      %mul3A_688 = arith.mulf %mul3A_687, %min3A_685 : vector<16xf32>
      %add3A_689 = arith.addf %max3A_682, %mul3A_688 : vector<16xf32>
      %exp3A_690 = math.exp %add3A_689 : vector<16xf32>
      %mul3A_691 = arith.mulf %gather3A_208, %gather3A_529 : vector<16xf32>
      %mul3A_692 = arith.mulf %gather3A_211, %gather3A_545 : vector<16xf32>
      %add3A_693 = arith.addf %mul3A_691, %mul3A_692 : vector<16xf32>
      %max3A_694 = arith.constant 0.000000e+00 : f32
      %max3A_695 = vector.broadcast %max3A_694 : f32 to vector<16xf32>
      %max3A_696 = arith.maximumf %add3A_693, %max3A_695 : vector<16xf32>
      %min3A_697 = arith.constant 0.000000e+00 : f32
      %min3A_698 = vector.broadcast %min3A_697 : f32 to vector<16xf32>
      %min3A_699 = arith.minimumf %add3A_693, %min3A_698 : vector<16xf32>
      %mul3A_700 = arith.constant 2.000000e-01 : f32
      %mul3A_701 = vector.broadcast %mul3A_700 : f32 to vector<16xf32>
      %mul3A_702 = arith.mulf %mul3A_701, %min3A_699 : vector<16xf32>
      %add3A_703 = arith.addf %max3A_696, %mul3A_702 : vector<16xf32>
      %exp3A_704 = math.exp %add3A_703 : vector<16xf32>
      %mul3A_705 = arith.mulf %gather3A_208, %gather3A_530 : vector<16xf32>
      %mul3A_706 = arith.mulf %gather3A_211, %gather3A_546 : vector<16xf32>
      %add3A_707 = arith.addf %mul3A_705, %mul3A_706 : vector<16xf32>
      %max3A_708 = arith.constant 0.000000e+00 : f32
      %max3A_709 = vector.broadcast %max3A_708 : f32 to vector<16xf32>
      %max3A_710 = arith.maximumf %add3A_707, %max3A_709 : vector<16xf32>
      %min3A_711 = arith.constant 0.000000e+00 : f32
      %min3A_712 = vector.broadcast %min3A_711 : f32 to vector<16xf32>
      %min3A_713 = arith.minimumf %add3A_707, %min3A_712 : vector<16xf32>
      %mul3A_714 = arith.constant 2.000000e-01 : f32
      %mul3A_715 = vector.broadcast %mul3A_714 : f32 to vector<16xf32>
      %mul3A_716 = arith.mulf %mul3A_715, %min3A_713 : vector<16xf32>
      %add3A_717 = arith.addf %max3A_710, %mul3A_716 : vector<16xf32>
      %exp3A_718 = math.exp %add3A_717 : vector<16xf32>
      %mul3A_719 = arith.mulf %gather3A_208, %gather3A_531 : vector<16xf32>
      %mul3A_720 = arith.mulf %gather3A_211, %gather3A_547 : vector<16xf32>
      %add3A_721 = arith.addf %mul3A_719, %mul3A_720 : vector<16xf32>
      %max3A_722 = arith.constant 0.000000e+00 : f32
      %max3A_723 = vector.broadcast %max3A_722 : f32 to vector<16xf32>
      %max3A_724 = arith.maximumf %add3A_721, %max3A_723 : vector<16xf32>
      %min3A_725 = arith.constant 0.000000e+00 : f32
      %min3A_726 = vector.broadcast %min3A_725 : f32 to vector<16xf32>
      %min3A_727 = arith.minimumf %add3A_721, %min3A_726 : vector<16xf32>
      %mul3A_728 = arith.constant 2.000000e-01 : f32
      %mul3A_729 = vector.broadcast %mul3A_728 : f32 to vector<16xf32>
      %mul3A_730 = arith.mulf %mul3A_729, %min3A_727 : vector<16xf32>
      %add3A_731 = arith.addf %max3A_724, %mul3A_730 : vector<16xf32>
      %exp3A_732 = math.exp %add3A_731 : vector<16xf32>
      %mul3A_733 = arith.mulf %gather3A_208, %gather3A_532 : vector<16xf32>
      %mul3A_734 = arith.mulf %gather3A_211, %gather3A_548 : vector<16xf32>
      %add3A_735 = arith.addf %mul3A_733, %mul3A_734 : vector<16xf32>
      %max3A_736 = arith.constant 0.000000e+00 : f32
      %max3A_737 = vector.broadcast %max3A_736 : f32 to vector<16xf32>
      %max3A_738 = arith.maximumf %add3A_735, %max3A_737 : vector<16xf32>
      %min3A_739 = arith.constant 0.000000e+00 : f32
      %min3A_740 = vector.broadcast %min3A_739 : f32 to vector<16xf32>
      %min3A_741 = arith.minimumf %add3A_735, %min3A_740 : vector<16xf32>
      %mul3A_742 = arith.constant 2.000000e-01 : f32
      %mul3A_743 = vector.broadcast %mul3A_742 : f32 to vector<16xf32>
      %mul3A_744 = arith.mulf %mul3A_743, %min3A_741 : vector<16xf32>
      %add3A_745 = arith.addf %max3A_738, %mul3A_744 : vector<16xf32>
      %exp3A_746 = math.exp %add3A_745 : vector<16xf32>
      %mul3A_747 = arith.mulf %gather3A_208, %gather3A_533 : vector<16xf32>
      %mul3A_748 = arith.mulf %gather3A_211, %gather3A_549 : vector<16xf32>
      %add3A_749 = arith.addf %mul3A_747, %mul3A_748 : vector<16xf32>
      %max3A_750 = arith.constant 0.000000e+00 : f32
      %max3A_751 = vector.broadcast %max3A_750 : f32 to vector<16xf32>
      %max3A_752 = arith.maximumf %add3A_749, %max3A_751 : vector<16xf32>
      %min3A_753 = arith.constant 0.000000e+00 : f32
      %min3A_754 = vector.broadcast %min3A_753 : f32 to vector<16xf32>
      %min3A_755 = arith.minimumf %add3A_749, %min3A_754 : vector<16xf32>
      %mul3A_756 = arith.constant 2.000000e-01 : f32
      %mul3A_757 = vector.broadcast %mul3A_756 : f32 to vector<16xf32>
      %mul3A_758 = arith.mulf %mul3A_757, %min3A_755 : vector<16xf32>
      %add3A_759 = arith.addf %max3A_752, %mul3A_758 : vector<16xf32>
      %exp3A_760 = math.exp %add3A_759 : vector<16xf32>
      %mul3A_761 = arith.mulf %gather3A_208, %gather3A_534 : vector<16xf32>
      %mul3A_762 = arith.mulf %gather3A_211, %gather3A_550 : vector<16xf32>
      %add3A_763 = arith.addf %mul3A_761, %mul3A_762 : vector<16xf32>
      %max3A_764 = arith.constant 0.000000e+00 : f32
      %max3A_765 = vector.broadcast %max3A_764 : f32 to vector<16xf32>
      %max3A_766 = arith.maximumf %add3A_763, %max3A_765 : vector<16xf32>
      %min3A_767 = arith.constant 0.000000e+00 : f32
      %min3A_768 = vector.broadcast %min3A_767 : f32 to vector<16xf32>
      %min3A_769 = arith.minimumf %add3A_763, %min3A_768 : vector<16xf32>
      %mul3A_770 = arith.constant 2.000000e-01 : f32
      %mul3A_771 = vector.broadcast %mul3A_770 : f32 to vector<16xf32>
      %mul3A_772 = arith.mulf %mul3A_771, %min3A_769 : vector<16xf32>
      %add3A_773 = arith.addf %max3A_766, %mul3A_772 : vector<16xf32>
      %exp3A_774 = math.exp %add3A_773 : vector<16xf32>
      tpu.vector_store_idx %arg13[%get3A_428], %exp3A_564 {add = true} : memref<10240xf32, #tpu.memory_space<vmem>>[vector<16xi32>], vector<16xf32>,
      %mul3A_775 = arith.mulf %exp3A_564, %gather3A_519 : vector<16xf32>
      tpu.vector_store_idx %arg14[%get3A_428], %mul3A_775 {add = true} : memref<10240xf32, #tpu.memory_space<vmem>>[vector<16xi32>], vector<16xf32>,
      tpu.vector_store_idx %arg13[%get3A_434], %exp3A_578 {add = true} : memref<10240xf32, #tpu.memory_space<vmem>>[vector<16xi32>], vector<16xf32>,
      %mul3A_776 = arith.mulf %exp3A_578, %gather3A_520 : vector<16xf32>
      tpu.vector_store_idx %arg14[%get3A_434], %mul3A_776 {add = true} : memref<10240xf32, #tpu.memory_space<vmem>>[vector<16xi32>], vector<16xf32>,
      tpu.vector_store_idx %arg13[%get3A_440], %exp3A_592 {add = true} : memref<10240xf32, #tpu.memory_space<vmem>>[vector<16xi32>], vector<16xf32>,
      %mul3A_777 = arith.mulf %exp3A_592, %gather3A_521 : vector<16xf32>
      tpu.vector_store_idx %arg14[%get3A_440], %mul3A_777 {add = true} : memref<10240xf32, #tpu.memory_space<vmem>>[vector<16xi32>], vector<16xf32>,
      tpu.vector_store_idx %arg13[%get3A_446], %exp3A_606 {add = true} : memref<10240xf32, #tpu.memory_space<vmem>>[vector<16xi32>], vector<16xf32>,
      %mul3A_778 = arith.mulf %exp3A_606, %gather3A_522 : vector<16xf32>
      tpu.vector_store_idx %arg14[%get3A_446], %mul3A_778 {add = true} : memref<10240xf32, #tpu.memory_space<vmem>>[vector<16xi32>], vector<16xf32>,
      tpu.vector_store_idx %arg13[%get3A_452], %exp3A_620 {add = true} : memref<10240xf32, #tpu.memory_space<vmem>>[vector<16xi32>], vector<16xf32>,
      %mul3A_779 = arith.mulf %exp3A_620, %gather3A_523 : vector<16xf32>
      tpu.vector_store_idx %arg14[%get3A_452], %mul3A_779 {add = true} : memref<10240xf32, #tpu.memory_space<vmem>>[vector<16xi32>], vector<16xf32>,
      tpu.vector_store_idx %arg13[%get3A_458], %exp3A_634 {add = true} : memref<10240xf32, #tpu.memory_space<vmem>>[vector<16xi32>], vector<16xf32>,
      %mul3A_780 = arith.mulf %exp3A_634, %gather3A_524 : vector<16xf32>
      tpu.vector_store_idx %arg14[%get3A_458], %mul3A_780 {add = true} : memref<10240xf32, #tpu.memory_space<vmem>>[vector<16xi32>], vector<16xf32>,
      tpu.vector_store_idx %arg13[%get3A_464], %exp3A_648 {add = true} : memref<10240xf32, #tpu.memory_space<vmem>>[vector<16xi32>], vector<16xf32>,
      %mul3A_781 = arith.mulf %exp3A_648, %gather3A_525 : vector<16xf32>
      tpu.vector_store_idx %arg14[%get3A_464], %mul3A_781 {add = true} : memref<10240xf32, #tpu.memory_space<vmem>>[vector<16xi32>], vector<16xf32>,
      tpu.vector_store_idx %arg13[%get3A_470], %exp3A_662 {add = true} : memref<10240xf32, #tpu.memory_space<vmem>>[vector<16xi32>], vector<16xf32>,
      %mul3A_782 = arith.mulf %exp3A_662, %gather3A_526 : vector<16xf32>
      tpu.vector_store_idx %arg14[%get3A_470], %mul3A_782 {add = true} : memref<10240xf32, #tpu.memory_space<vmem>>[vector<16xi32>], vector<16xf32>,
      tpu.vector_store_idx %arg13[%get3A_476], %exp3A_676 {add = true} : memref<10240xf32, #tpu.memory_space<vmem>>[vector<16xi32>], vector<16xf32>,
      %mul3A_783 = arith.mulf %exp3A_676, %gather3A_527 : vector<16xf32>
      tpu.vector_store_idx %arg14[%get3A_476], %mul3A_783 {add = true} : memref<10240xf32, #tpu.memory_space<vmem>>[vector<16xi32>], vector<16xf32>,
      tpu.vector_store_idx %arg13[%get3A_482], %exp3A_690 {add = true} : memref<10240xf32, #tpu.memory_space<vmem>>[vector<16xi32>], vector<16xf32>,
      %mul3A_784 = arith.mulf %exp3A_690, %gather3A_528 : vector<16xf32>
      tpu.vector_store_idx %arg14[%get3A_482], %mul3A_784 {add = true} : memref<10240xf32, #tpu.memory_space<vmem>>[vector<16xi32>], vector<16xf32>,
      tpu.vector_store_idx %arg13[%get3A_488], %exp3A_704 {add = true} : memref<10240xf32, #tpu.memory_space<vmem>>[vector<16xi32>], vector<16xf32>,
      %mul3A_785 = arith.mulf %exp3A_704, %gather3A_529 : vector<16xf32>
      tpu.vector_store_idx %arg14[%get3A_488], %mul3A_785 {add = true} : memref<10240xf32, #tpu.memory_space<vmem>>[vector<16xi32>], vector<16xf32>,
      tpu.vector_store_idx %arg13[%get3A_494], %exp3A_718 {add = true} : memref<10240xf32, #tpu.memory_space<vmem>>[vector<16xi32>], vector<16xf32>,
      %mul3A_786 = arith.mulf %exp3A_718, %gather3A_530 : vector<16xf32>
      tpu.vector_store_idx %arg14[%get3A_494], %mul3A_786 {add = true} : memref<10240xf32, #tpu.memory_space<vmem>>[vector<16xi32>], vector<16xf32>,
      tpu.vector_store_idx %arg13[%get3A_500], %exp3A_732 {add = true} : memref<10240xf32, #tpu.memory_space<vmem>>[vector<16xi32>], vector<16xf32>,
      %mul3A_787 = arith.mulf %exp3A_732, %gather3A_531 : vector<16xf32>
      tpu.vector_store_idx %arg14[%get3A_500], %mul3A_787 {add = true} : memref<10240xf32, #tpu.memory_space<vmem>>[vector<16xi32>], vector<16xf32>,
      tpu.vector_store_idx %arg13[%get3A_506], %exp3A_746 {add = true} : memref<10240xf32, #tpu.memory_space<vmem>>[vector<16xi32>], vector<16xf32>,
      %mul3A_788 = arith.mulf %exp3A_746, %gather3A_532 : vector<16xf32>
      tpu.vector_store_idx %arg14[%get3A_506], %mul3A_788 {add = true} : memref<10240xf32, #tpu.memory_space<vmem>>[vector<16xi32>], vector<16xf32>,
      tpu.vector_store_idx %arg13[%get3A_512], %exp3A_760 {add = true} : memref<10240xf32, #tpu.memory_space<vmem>>[vector<16xi32>], vector<16xf32>,
      %mul3A_789 = arith.mulf %exp3A_760, %gather3A_533 : vector<16xf32>
      tpu.vector_store_idx %arg14[%get3A_512], %mul3A_789 {add = true} : memref<10240xf32, #tpu.memory_space<vmem>>[vector<16xi32>], vector<16xf32>,
      tpu.vector_store_idx %arg13[%get3A_518], %exp3A_774 {add = true} : memref<10240xf32, #tpu.memory_space<vmem>>[vector<16xi32>], vector<16xf32>,
      %mul3A_790 = arith.mulf %exp3A_774, %gather3A_534 : vector<16xf32>
      tpu.vector_store_idx %arg14[%get3A_518], %mul3A_790 {add = true} : memref<10240xf32, #tpu.memory_space<vmem>>[vector<16xi32>], vector<16xf32>,
    }
    %scan3A_224 = arith.constant 39 : i32
    %get3A_225 = arith.constant 9984 : index
    %get3A_226 = tpu.vector_load %arg7[%get3A_225] {strides = array<i32>} : memref<10000xi32, #tpu.memory_space<vmem>>, vector<16xi32>,
    %get3A_227 = arith.constant 9984 : index
    %get3A_228 = tpu.vector_load %arg8[%get3A_227] {strides = array<i32>} : memref<10000xi32, #tpu.memory_space<vmem>>, vector<16xi32>,
    %gather3A_229 = tpu.vector_load_idx %arg9[%get3A_226] : memref<10240xf32, #tpu.memory_space<vmem>>[vector<16xi32>], vector<16xf32>,
    %gather3A_230 = tpu.vector_load_idx %arg9[%get3A_228] : memref<10240xf32, #tpu.memory_space<vmem>>[vector<16xi32>], vector<16xf32>,
    %mul3A_231 = arith.mulf %gather3A_208, %gather3A_229 : vector<16xf32>
    %mul3A_232 = arith.mulf %gather3A_211, %gather3A_230 : vector<16xf32>
    %add3A_233 = arith.addf %mul3A_231, %mul3A_232 : vector<16xf32>
    %max3A_234 = arith.constant 0.000000e+00 : f32
    %max3A_235 = vector.broadcast %max3A_234 : f32 to vector<16xf32>
    %max3A_236 = arith.maximumf %add3A_233, %max3A_235 : vector<16xf32>
    %min3A_237 = arith.constant 0.000000e+00 : f32
    %min3A_238 = vector.broadcast %min3A_237 : f32 to vector<16xf32>
    %min3A_239 = arith.minimumf %add3A_233, %min3A_238 : vector<16xf32>
    %mul3A_240 = arith.constant 2.000000e-01 : f32
    %mul3A_241 = vector.broadcast %mul3A_240 : f32 to vector<16xf32>
    %mul3A_242 = arith.mulf %mul3A_241, %min3A_239 : vector<16xf32>
    %add3A_243 = arith.addf %max3A_236, %mul3A_242 : vector<16xf32>
    %exp3A_244 = math.exp %add3A_243 : vector<16xf32>
    tpu.vector_store_idx %arg13[%get3A_228], %exp3A_244 {add = true} : memref<10240xf32, #tpu.memory_space<vmem>>[vector<16xi32>], vector<16xf32>,
    %mul3A_245 = arith.mulf %exp3A_244, %gather3A_229 : vector<16xf32>
    tpu.vector_store_idx %arg14[%get3A_228], %mul3A_245 {add = true} : memref<10240xf32, #tpu.memory_space<vmem>>[vector<16xi32>], vector<16xf32>,
    %barrier3A_246 = arith.constant 0 : index
    tpu.barrier barrier_id(%barrier3A_246)
    "tpu.region"() ({
      %run_scoped3A_320 = tpu.sem_alloc : memref<!tpu.dma_semaphore, #tpu.memory_space<semaphore_mem>>
      %dma_start3A = arith.constant 0 : i32
      %dma_start3A_321 = tpu.memref_slice %arg27[%dma_start3A] : memref<10240xf32, #tpu.memory_space<vmem_shared>> -> memref<10240xf32, #tpu.memory_space<vmem_shared>>
      tpu.enqueue_indirect_dma source(%arg13 : memref<10240xf32, #tpu.memory_space<vmem>>) target(%dma_start3A_321 : memref<10240xf32, #tpu.memory_space<vmem_shared>>) offsets(%arg23 : memref<10240xi32, #tpu.memory_space<vmem>>) semaphore(%run_scoped3A_320 : memref<!tpu.dma_semaphore, #tpu.memory_space<semaphore_mem>>) {add = true}
      %dma_wait3A = arith.constant 0 : i32
      %dma_wait3A_322 = tpu.memref_slice %arg27[%dma_wait3A] : memref<10240xf32, #tpu.memory_space<vmem_shared>> -> memref<10240xf32, #tpu.memory_space<vmem_shared>>
      tpu.wait_indirect_dma semaphore(%run_scoped3A_320 : memref<!tpu.dma_semaphore, #tpu.memory_space<semaphore_mem>>) src(%arg13 : memref<10240xf32, #tpu.memory_space<vmem>>) dst(%dma_wait3A_322 : memref<10240xf32, #tpu.memory_space<vmem_shared>>)
      tpu.yield
    }) : () -> ()
    "tpu.region"() ({
      %run_scoped3A_320 = tpu.sem_alloc : memref<!tpu.dma_semaphore, #tpu.memory_space<semaphore_mem>>
      %dma_start3A = arith.constant 0 : i32
      %dma_start3A_321 = tpu.memref_slice %arg28[%dma_start3A] : memref<10240xf32, #tpu.memory_space<vmem_shared>> -> memref<10240xf32, #tpu.memory_space<vmem_shared>>
      tpu.enqueue_indirect_dma source(%arg14 : memref<10240xf32, #tpu.memory_space<vmem>>) target(%dma_start3A_321 : memref<10240xf32, #tpu.memory_space<vmem_shared>>) offsets(%arg23 : memref<10240xi32, #tpu.memory_space<vmem>>) semaphore(%run_scoped3A_320 : memref<!tpu.dma_semaphore, #tpu.memory_space<semaphore_mem>>) {add = true}
      %dma_wait3A = arith.constant 0 : i32
      %dma_wait3A_322 = tpu.memref_slice %arg28[%dma_wait3A] : memref<10240xf32, #tpu.memory_space<vmem_shared>> -> memref<10240xf32, #tpu.memory_space<vmem_shared>>
      tpu.wait_indirect_dma semaphore(%run_scoped3A_320 : memref<!tpu.dma_semaphore, #tpu.memory_space<semaphore_mem>>) src(%arg14 : memref<10240xf32, #tpu.memory_space<vmem>>) dst(%dma_wait3A_322 : memref<10240xf32, #tpu.memory_space<vmem_shared>>)
      tpu.yield
    }) : () -> ()
    %barrier3A_247 = arith.constant 0 : index
    tpu.barrier barrier_id(%barrier3A_247)
    %run_scoped3A_248 = arith.constant 0 : i32
    "tpu.region"() ({
      %run_scoped3A_320 = tpu.sem_alloc : memref<!tpu.dma_semaphore, #tpu.memory_space<semaphore_mem>>
      %dma_start3A = arith.constant 0 : i32
      %dma_start3A_321 = tpu.memref_slice %arg20[%run_scoped3A_248, %dma_start3A] : memref<8x640xf32, #tpu.memory_space<vmem>> -> memref<1x640xf32, #tpu.memory_space<vmem>>
      %dma_start3A_322 = tpu.memref_squeeze %dma_start3A_321 : memref<1x640xf32, #tpu.memory_space<vmem>> -> memref<640xf32, #tpu.memory_space<vmem>>
      %dma_start3A_323 = tpu.memref_slice %arg27[%mul3A_2] : memref<10240xf32, #tpu.memory_space<vmem_shared>> -> memref<640xf32, #tpu.memory_space<vmem_shared>>
      %dma_start3A_324 = arith.constant 0 : i32
      %dma_start3A_325 = tpu.memref_slice %arg20[%run_scoped3A_248, %dma_start3A_324] : memref<8x640xf32, #tpu.memory_space<vmem>> -> memref<1x640xf32, #tpu.memory_space<vmem>>
      %dma_start3A_326 = tpu.memref_squeeze %dma_start3A_325 : memref<1x640xf32, #tpu.memory_space<vmem>> -> memref<640xf32, #tpu.memory_space<vmem>>
      %dma_start3A_327 = tpu.memref_slice %arg27[%mul3A_2] : memref<10240xf32, #tpu.memory_space<vmem_shared>> -> memref<640xf32, #tpu.memory_space<vmem_shared>>
      tpu.enqueue_dma source(%dma_start3A_327 : memref<640xf32, #tpu.memory_space<vmem_shared>>) target(%dma_start3A_326 : memref<640xf32, #tpu.memory_space<vmem>>) target_semaphore(%run_scoped3A_320 : memref<!tpu.dma_semaphore, #tpu.memory_space<semaphore_mem>>)
      %dma_wait3A = arith.constant 0 : i32
      %dma_wait3A_328 = tpu.memref_slice %arg20[%run_scoped3A_248, %dma_wait3A] : memref<8x640xf32, #tpu.memory_space<vmem>> -> memref<1x640xf32, #tpu.memory_space<vmem>>
      %dma_wait3A_329 = tpu.memref_squeeze %dma_wait3A_328 : memref<1x640xf32, #tpu.memory_space<vmem>> -> memref<640xf32, #tpu.memory_space<vmem>>
      %dma_wait3A_330 = tpu.memref_slice %arg27[%mul3A_2] : memref<10240xf32, #tpu.memory_space<vmem_shared>> -> memref<640xf32, #tpu.memory_space<vmem_shared>>
      %dma_wait3A_331 = arith.constant 0 : i32
      %dma_wait3A_332 = tpu.memref_slice %arg20[%run_scoped3A_248, %dma_wait3A_331] : memref<8x640xf32, #tpu.memory_space<vmem>> -> memref<1x640xf32, #tpu.memory_space<vmem>>
      %dma_wait3A_333 = tpu.memref_squeeze %dma_wait3A_332 : memref<1x640xf32, #tpu.memory_space<vmem>> -> memref<640xf32, #tpu.memory_space<vmem>>
      %dma_wait3A_334 = tpu.memref_slice %arg27[%mul3A_2] : memref<10240xf32, #tpu.memory_space<vmem_shared>> -> memref<640xf32, #tpu.memory_space<vmem_shared>>
      tpu.wait_dma2 semaphore(%run_scoped3A_320 : memref<!tpu.dma_semaphore, #tpu.memory_space<semaphore_mem>>) src(%dma_wait3A_334 : memref<640xf32, #tpu.memory_space<vmem_shared>>) dst(%dma_wait3A_333 : memref<640xf32, #tpu.memory_space<vmem>>)
      tpu.yield
    }) : () -> ()
    %run_scoped3A_249 = arith.constant 1 : i32
    "tpu.region"() ({
      %run_scoped3A_320 = tpu.sem_alloc : memref<!tpu.dma_semaphore, #tpu.memory_space<semaphore_mem>>
      %dma_start3A = arith.constant 0 : i32
      %dma_start3A_321 = tpu.memref_slice %arg20[%run_scoped3A_249, %dma_start3A] : memref<8x640xf32, #tpu.memory_space<vmem>> -> memref<1x640xf32, #tpu.memory_space<vmem>>
      %dma_start3A_322 = tpu.memref_squeeze %dma_start3A_321 : memref<1x640xf32, #tpu.memory_space<vmem>> -> memref<640xf32, #tpu.memory_space<vmem>>
      %dma_start3A_323 = tpu.memref_slice %arg28[%mul3A_2] : memref<10240xf32, #tpu.memory_space<vmem_shared>> -> memref<640xf32, #tpu.memory_space<vmem_shared>>
      %dma_start3A_324 = arith.constant 0 : i32
      %dma_start3A_325 = tpu.memref_slice %arg20[%run_scoped3A_249, %dma_start3A_324] : memref<8x640xf32, #tpu.memory_space<vmem>> -> memref<1x640xf32, #tpu.memory_space<vmem>>
      %dma_start3A_326 = tpu.memref_squeeze %dma_start3A_325 : memref<1x640xf32, #tpu.memory_space<vmem>> -> memref<640xf32, #tpu.memory_space<vmem>>
      %dma_start3A_327 = tpu.memref_slice %arg28[%mul3A_2] : memref<10240xf32, #tpu.memory_space<vmem_shared>> -> memref<640xf32, #tpu.memory_space<vmem_shared>>
      tpu.enqueue_dma source(%dma_start3A_327 : memref<640xf32, #tpu.memory_space<vmem_shared>>) target(%dma_start3A_326 : memref<640xf32, #tpu.memory_space<vmem>>) target_semaphore(%run_scoped3A_320 : memref<!tpu.dma_semaphore, #tpu.memory_space<semaphore_mem>>)
      %dma_wait3A = arith.constant 0 : i32
      %dma_wait3A_328 = tpu.memref_slice %arg20[%run_scoped3A_249, %dma_wait3A] : memref<8x640xf32, #tpu.memory_space<vmem>> -> memref<1x640xf32, #tpu.memory_space<vmem>>
      %dma_wait3A_329 = tpu.memref_squeeze %dma_wait3A_328 : memref<1x640xf32, #tpu.memory_space<vmem>> -> memref<640xf32, #tpu.memory_space<vmem>>
      %dma_wait3A_330 = tpu.memref_slice %arg28[%mul3A_2] : memref<10240xf32, #tpu.memory_space<vmem_shared>> -> memref<640xf32, #tpu.memory_space<vmem_shared>>
      %dma_wait3A_331 = arith.constant 0 : i32
      %dma_wait3A_332 = tpu.memref_slice %arg20[%run_scoped3A_249, %dma_wait3A_331] : memref<8x640xf32, #tpu.memory_space<vmem>> -> memref<1x640xf32, #tpu.memory_space<vmem>>
      %dma_wait3A_333 = tpu.memref_squeeze %dma_wait3A_332 : memref<1x640xf32, #tpu.memory_space<vmem>> -> memref<640xf32, #tpu.memory_space<vmem>>
      %dma_wait3A_334 = tpu.memref_slice %arg28[%mul3A_2] : memref<10240xf32, #tpu.memory_space<vmem_shared>> -> memref<640xf32, #tpu.memory_space<vmem_shared>>
      tpu.wait_dma2 semaphore(%run_scoped3A_320 : memref<!tpu.dma_semaphore, #tpu.memory_space<semaphore_mem>>) src(%dma_wait3A_334 : memref<640xf32, #tpu.memory_space<vmem_shared>>) dst(%dma_wait3A_333 : memref<640xf32, #tpu.memory_space<vmem>>)
      tpu.yield
    }) : () -> ()
    %iota3A_250 = tpu.iota {dimensions = array<i32: 0>} : vector<16xi32>
    %scan3A_251 = arith.constant 0 : i32
    %scan3A_252 = arith.constant 40 : i32
    %scan3A_253 = arith.addi %scan3A_251, %scan3A_252 : i32
    %scan3A_254 = arith.constant 1 : i32
    %scan3A_255 = scf.for %scan3A_320 = %scan3A_251 to %scan3A_253 step %scan3A_254 iter_args(%scan3A_321 = %broadcast_in_dim3A_3) -> (vector<16xf32>)  : i32 {
      %mul3A_322 = arith.constant 1 : i32
      %mul3A_323 = arith.muli %scan3A_320, %mul3A_322 : i32
      %add3A_324 = arith.constant 0 : i32
      %add3A_325 = arith.addi %add3A_324, %mul3A_323 : i32
      %mul3A_326 = arith.constant 16 : i32
      %mul3A_327 = arith.muli %add3A_325, %mul3A_326 : i32
      %mul3A_328 = arith.constant 16 : i32
      %mul3A_329 = arith.muli %add3A_325, %mul3A_328 : i32
      %add3A_330 = arith.addi %mul3A_2, %mul3A_329 : i32
      %get3A_331 = arith.index_cast %add3A_330 : i32 to index
      %get3A_332 = tpu.vector_load %arg9[%get3A_331] {strides = array<i32>} : memref<10240xf32, #tpu.memory_space<vmem>>, vector<16xf32>,
      %mul3A_333 = arith.mulf %gather3A_208, %get3A_332 : vector<16xf32>
      %mul3A_334 = arith.mulf %gather3A_211, %get3A_332 : vector<16xf32>
      %add3A_335 = arith.addf %mul3A_333, %mul3A_334 : vector<16xf32>
      %max3A_336 = arith.constant 0.000000e+00 : f32
      %max3A_337 = vector.broadcast %max3A_336 : f32 to vector<16xf32>
      %max3A_338 = arith.maximumf %add3A_335, %max3A_337 : vector<16xf32>
      %min3A_339 = arith.constant 0.000000e+00 : f32
      %min3A_340 = vector.broadcast %min3A_339 : f32 to vector<16xf32>
      %min3A_341 = arith.minimumf %add3A_335, %min3A_340 : vector<16xf32>
      %mul3A_342 = arith.constant 2.000000e-01 : f32
      %mul3A_343 = vector.broadcast %mul3A_342 : f32 to vector<16xf32>
      %mul3A_344 = arith.mulf %mul3A_343, %min3A_341 : vector<16xf32>
      %add3A_345 = arith.addf %max3A_338, %mul3A_344 : vector<16xf32>
      %exp3A_346 = math.exp %add3A_345 : vector<16xf32>
      %get3A_347 = arith.constant 0 : i32
      %get3A_348 = arith.index_cast %get3A_347 : i32 to index
      %get3A_349 = arith.index_cast %mul3A_327 : i32 to index
      %get3A_350 = tpu.vector_load %arg20[%get3A_348, %get3A_349] {strides = array<i32>} : memref<8x640xf32, #tpu.memory_space<vmem>>, vector<16xf32>,
      %add3A_351 = arith.addf %get3A_350, %exp3A_346 : vector<16xf32>
      %get3A_352 = arith.constant 1 : i32
      %get3A_353 = arith.index_cast %get3A_352 : i32 to index
      %get3A_354 = arith.index_cast %mul3A_327 : i32 to index
      %get3A_355 = tpu.vector_load %arg20[%get3A_353, %get3A_354] {strides = array<i32>} : memref<8x640xf32, #tpu.memory_space<vmem>>, vector<16xf32>,
      %mul3A_356 = arith.mulf %exp3A_346, %get3A_332 : vector<16xf32>
      %add3A_357 = arith.addf %get3A_355, %mul3A_356 : vector<16xf32>
      %div3A_358 = arith.divf %add3A_357, %add3A_351 : vector<16xf32>
      %add3A_359 = arith.addf %div3A_358, %gather3A_214 : vector<16xf32>
      %mul3A_360 = arith.constant 16 : i32
      %mul3A_361 = arith.muli %add3A_325, %mul3A_360 : i32
      %add3A_362 = arith.addi %mul3A_2, %mul3A_361 : i32
      %add3A_363 = vector.broadcast %add3A_362 : i32 to vector<16xi32>
      %add3A_364 = arith.addi %add3A_363, %iota3A_250 : vector<16xi32>
      %lt3A = arith.constant 10000 : i32
      %lt3A_365 = vector.broadcast %lt3A : i32 to vector<16xi32>
      %lt3A_366 = arith.cmpi slt, %add3A_364, %lt3A_365 : vector<16xi32>
      %exp3A_367 = math.exp %add3A_359 : vector<16xf32>
      %jit3A = arith.constant 0.000000e+00 : f32
      %broadcast_in_dim3A_368 = vector.broadcast %jit3A : f32 to vector<16xf32>
      %select_n3A = arith.select %lt3A_366, %exp3A_367, %broadcast_in_dim3A_368 : vector<16xi1>, vector<16xf32>
      %swap3A_369 = arith.index_cast %mul3A_327 : i32 to index
      %swap3A_370 = tpu.vector_load %arg21[%swap3A_369] {strides = array<i32>} : memref<640xf32, #tpu.memory_space<vmem>>, vector<16xf32>,
      tpu.vector_store %arg21[%swap3A_369], %select_n3A {strides = array<i32>} : memref<640xf32, #tpu.memory_space<vmem>>, vector<16xf32>,
      %add3A_371 = arith.addf %scan3A_321, %select_n3A : vector<16xf32>
      scf.yield %add3A_371 : vector<16xf32>
    }
    %scan3A_256 = arith.constant 40 : i32
    %swap3A = arith.constant 0 : index
    %swap3A_257 = tpu.vector_load %arg24[%swap3A] {strides = array<i32>} : memref<16xf32, #tpu.memory_space<vmem>>, vector<16xf32>,
    tpu.vector_store %arg24[%swap3A], %scan3A_255 {strides = array<i32>} : memref<16xf32, #tpu.memory_space<vmem>>, vector<16xf32>,
    %mul3A_258 = arith.constant 16 : i32
    %mul3A_259 = arith.muli %arg1, %mul3A_258 : i32
    "tpu.region"() ({
      %run_scoped3A_320 = tpu.sem_alloc : memref<!tpu.dma_semaphore, #tpu.memory_space<semaphore_mem>>
      %dma_start3A = tpu.memref_slice %arg32[%mul3A_259] : memref<256xf32, #tpu.memory_space<vmem_shared>> -> memref<16xf32, #tpu.memory_space<vmem_shared>>
      %dma_start3A_321 = tpu.memref_slice %arg32[%mul3A_259] : memref<256xf32, #tpu.memory_space<vmem_shared>> -> memref<16xf32, #tpu.memory_space<vmem_shared>>
      tpu.enqueue_dma source(%arg24 : memref<16xf32, #tpu.memory_space<vmem>>) target(%dma_start3A_321 : memref<16xf32, #tpu.memory_space<vmem_shared>>) target_semaphore(%run_scoped3A_320 : memref<!tpu.dma_semaphore, #tpu.memory_space<semaphore_mem>>)
      %dma_wait3A = tpu.memref_slice %arg32[%mul3A_259] : memref<256xf32, #tpu.memory_space<vmem_shared>> -> memref<16xf32, #tpu.memory_space<vmem_shared>>
      %dma_wait3A_322 = tpu.memref_slice %arg32[%mul3A_259] : memref<256xf32, #tpu.memory_space<vmem_shared>> -> memref<16xf32, #tpu.memory_space<vmem_shared>>
      tpu.wait_dma2 semaphore(%run_scoped3A_320 : memref<!tpu.dma_semaphore, #tpu.memory_space<semaphore_mem>>) src(%arg24 : memref<16xf32, #tpu.memory_space<vmem>>) dst(%dma_wait3A_322 : memref<16xf32, #tpu.memory_space<vmem_shared>>)
      tpu.yield
    }) : () -> ()
    %barrier3A_260 = arith.constant 0 : index
    tpu.barrier barrier_id(%barrier3A_260)
    "tpu.region"() ({
      %run_scoped3A_320 = tpu.sem_alloc : memref<!tpu.dma_semaphore, #tpu.memory_space<semaphore_mem>>
      tpu.enqueue_dma source(%arg32 : memref<256xf32, #tpu.memory_space<vmem_shared>>) target(%arg25 : memref<256xf32, #tpu.memory_space<vmem>>) target_semaphore(%run_scoped3A_320 : memref<!tpu.dma_semaphore, #tpu.memory_space<semaphore_mem>>)
      tpu.wait_dma2 semaphore(%run_scoped3A_320 : memref<!tpu.dma_semaphore, #tpu.memory_space<semaphore_mem>>) src(%arg32 : memref<256xf32, #tpu.memory_space<vmem_shared>>) dst(%arg25 : memref<256xf32, #tpu.memory_space<vmem>>)
      tpu.yield
    }) : () -> ()
    %get3A_261 = arith.constant 0 : index
    %get3A_262 = tpu.vector_load %arg25[%get3A_261] {strides = array<i32>} : memref<256xf32, #tpu.memory_space<vmem>>, vector<16xf32>,
    %add3A_263 = arith.addf %broadcast_in_dim3A_3, %get3A_262 : vector<16xf32>
    %get3A_264 = arith.constant 16 : index
    %get3A_265 = tpu.vector_load %arg25[%get3A_264] {strides = array<i32>} : memref<256xf32, #tpu.memory_space<vmem>>, vector<16xf32>,
    %add3A_266 = arith.addf %add3A_263, %get3A_265 : vector<16xf32>
    %get3A_267 = arith.constant 32 : index
    %get3A_268 = tpu.vector_load %arg25[%get3A_267] {strides = array<i32>} : memref<256xf32, #tpu.memory_space<vmem>>, vector<16xf32>,
    %add3A_269 = arith.addf %add3A_266, %get3A_268 : vector<16xf32>
    %get3A_270 = arith.constant 48 : index
    %get3A_271 = tpu.vector_load %arg25[%get3A_270] {strides = array<i32>} : memref<256xf32, #tpu.memory_space<vmem>>, vector<16xf32>,
    %add3A_272 = arith.addf %add3A_269, %get3A_271 : vector<16xf32>
    %get3A_273 = arith.constant 64 : index
    %get3A_274 = tpu.vector_load %arg25[%get3A_273] {strides = array<i32>} : memref<256xf32, #tpu.memory_space<vmem>>, vector<16xf32>,
    %add3A_275 = arith.addf %add3A_272, %get3A_274 : vector<16xf32>
    %get3A_276 = arith.constant 80 : index
    %get3A_277 = tpu.vector_load %arg25[%get3A_276] {strides = array<i32>} : memref<256xf32, #tpu.memory_space<vmem>>, vector<16xf32>,
    %add3A_278 = arith.addf %add3A_275, %get3A_277 : vector<16xf32>
    %get3A_279 = arith.constant 96 : index
    %get3A_280 = tpu.vector_load %arg25[%get3A_279] {strides = array<i32>} : memref<256xf32, #tpu.memory_space<vmem>>, vector<16xf32>,
    %add3A_281 = arith.addf %add3A_278, %get3A_280 : vector<16xf32>
    %get3A_282 = arith.constant 112 : index
    %get3A_283 = tpu.vector_load %arg25[%get3A_282] {strides = array<i32>} : memref<256xf32, #tpu.memory_space<vmem>>, vector<16xf32>,
    %add3A_284 = arith.addf %add3A_281, %get3A_283 : vector<16xf32>
    %get3A_285 = arith.constant 128 : index
    %get3A_286 = tpu.vector_load %arg25[%get3A_285] {strides = array<i32>} : memref<256xf32, #tpu.memory_space<vmem>>, vector<16xf32>,
    %add3A_287 = arith.addf %add3A_284, %get3A_286 : vector<16xf32>
    %get3A_288 = arith.constant 144 : index
    %get3A_289 = tpu.vector_load %arg25[%get3A_288] {strides = array<i32>} : memref<256xf32, #tpu.memory_space<vmem>>, vector<16xf32>,
    %add3A_290 = arith.addf %add3A_287, %get3A_289 : vector<16xf32>
    %get3A_291 = arith.constant 160 : index
    %get3A_292 = tpu.vector_load %arg25[%get3A_291] {strides = array<i32>} : memref<256xf32, #tpu.memory_space<vmem>>, vector<16xf32>,
    %add3A_293 = arith.addf %add3A_290, %get3A_292 : vector<16xf32>
    %get3A_294 = arith.constant 176 : index
    %get3A_295 = tpu.vector_load %arg25[%get3A_294] {strides = array<i32>} : memref<256xf32, #tpu.memory_space<vmem>>, vector<16xf32>,
    %add3A_296 = arith.addf %add3A_293, %get3A_295 : vector<16xf32>
    %get3A_297 = arith.constant 192 : index
    %get3A_298 = tpu.vector_load %arg25[%get3A_297] {strides = array<i32>} : memref<256xf32, #tpu.memory_space<vmem>>, vector<16xf32>,
    %add3A_299 = arith.addf %add3A_296, %get3A_298 : vector<16xf32>
    %get3A_300 = arith.constant 208 : index
    %get3A_301 = tpu.vector_load %arg25[%get3A_300] {strides = array<i32>} : memref<256xf32, #tpu.memory_space<vmem>>, vector<16xf32>,
    %add3A_302 = arith.addf %add3A_299, %get3A_301 : vector<16xf32>
    %get3A_303 = arith.constant 224 : index
    %get3A_304 = tpu.vector_load %arg25[%get3A_303] {strides = array<i32>} : memref<256xf32, #tpu.memory_space<vmem>>, vector<16xf32>,
    %add3A_305 = arith.addf %add3A_302, %get3A_304 : vector<16xf32>
    %get3A_306 = arith.constant 240 : index
    %get3A_307 = tpu.vector_load %arg25[%get3A_306] {strides = array<i32>} : memref<256xf32, #tpu.memory_space<vmem>>, vector<16xf32>,
    %add3A_308 = arith.addf %add3A_305, %get3A_307 : vector<16xf32>
    %reduce_sum3A = arith.constant true
    %reduce_sum3A_309 = vector.broadcast %reduce_sum3A : i1 to vector<16xi1>
    %reduce_sum3A_310 = tpu.scan <sum>, %add3A_308 masked %reduce_sum3A_309 : vector<16xf32>, vector<16xi1> -> vector<16xf32>
    %reduce_sum3A_311 = vector.extract %reduce_sum3A_310[15] : f32 from vector<16xf32>
    %broadcast_in_dim3A_312 = vector.broadcast %reduce_sum3A_311 : f32 to vector<16xf32>
    %broadcast_in_dim3A_313 = arith.constant 1.000000e+00 : f32
    %broadcast_in_dim3A_314 = vector.broadcast %broadcast_in_dim3A_313 : f32 to vector<16xf32>
    %div3A = arith.divf %broadcast_in_dim3A_314, %broadcast_in_dim3A_312 : vector<16xf32>
    %scan3A_315 = arith.constant 0 : i32
    %scan3A_316 = arith.constant 40 : i32
    %scan3A_317 = arith.addi %scan3A_315, %scan3A_316 : i32
    %scan3A_318 = arith.constant 1 : i32
    scf.for %scan3A_320 = %scan3A_315 to %scan3A_317 step %scan3A_318  : i32 {
      %mul3A_321 = arith.constant 1 : i32
      %mul3A_322 = arith.muli %scan3A_320, %mul3A_321 : i32
      %add3A_323 = arith.constant 0 : i32
      %add3A_324 = arith.addi %add3A_323, %mul3A_322 : i32
      %mul3A_325 = arith.constant 16 : i32
      %mul3A_326 = arith.muli %add3A_324, %mul3A_325 : i32
      %get3A_327 = arith.index_cast %mul3A_326 : i32 to index
      %get3A_328 = tpu.vector_load %arg21[%get3A_327] {strides = array<i32>} : memref<640xf32, #tpu.memory_space<vmem>>, vector<16xf32>,
      %mul3A_329 = arith.mulf %get3A_328, %div3A : vector<16xf32>
      %swap3A_330 = arith.index_cast %mul3A_326 : i32 to index
      %swap3A_331 = tpu.vector_load %arg21[%swap3A_330] {strides = array<i32>} : memref<640xf32, #tpu.memory_space<vmem>>, vector<16xf32>,
      tpu.vector_store %arg21[%swap3A_330], %mul3A_329 {strides = array<i32>} : memref<640xf32, #tpu.memory_space<vmem>>, vector<16xf32>,
    }
    %scan3A_319 = arith.constant 40 : i32
    "tpu.region"() ({
      %run_scoped3A_320 = tpu.sem_alloc : memref<!tpu.dma_semaphore, #tpu.memory_space<semaphore_mem>>
      %dma_start3A = tpu.memref_slice %arg6[%mul3A_2] : memref<10240xf32, #tpu.memory_space<hbm>> -> memref<640xf32, #tpu.memory_space<hbm>>
      %dma_start3A_321 = tpu.memref_slice %arg6[%mul3A_2] : memref<10240xf32, #tpu.memory_space<hbm>> -> memref<640xf32, #tpu.memory_space<hbm>>
      tpu.enqueue_dma source(%arg21 : memref<640xf32, #tpu.memory_space<vmem>>) target(%dma_start3A_321 : memref<640xf32, #tpu.memory_space<hbm>>) target_semaphore(%run_scoped3A_320 : memref<!tpu.dma_semaphore, #tpu.memory_space<semaphore_mem>>)
      %dma_wait3A = tpu.memref_slice %arg6[%mul3A_2] : memref<10240xf32, #tpu.memory_space<hbm>> -> memref<640xf32, #tpu.memory_space<hbm>>
      %dma_wait3A_322 = tpu.memref_slice %arg6[%mul3A_2] : memref<10240xf32, #tpu.memory_space<hbm>> -> memref<640xf32, #tpu.memory_space<hbm>>
      tpu.wait_dma2 semaphore(%run_scoped3A_320 : memref<!tpu.dma_semaphore, #tpu.memory_space<semaphore_mem>>) src(%arg21 : memref<640xf32, #tpu.memory_space<vmem>>) dst(%dma_wait3A_322 : memref<640xf32, #tpu.memory_space<hbm>>)
      tpu.yield
    }) : () -> ()
    return
  }
}

</mosaic_0001>

<sc_bundles>
// kernel: kernel.3.cloned.1.call-start
scs
__scs_entry_jumppad:
0x0: {  	(pc) =	sbr.rel $0x88, $3  }
0x1: {  	(tag) =	ssettag $0x0;
	lr =	simm.s32 $0x1  }
0x2: {  	[smem:$0x3F93] =	sst lr;
	_ =	strace $0xD0000000  }
0x3: {  	_ = 	snop  }
0x4: {  	_ = 	snop  }
0x5: {  	_ = 	snop  }
0x6: {  	_ = 	snop  }
0x7: {  	_ = 	snop  }
__scs_overlays_trampoline_lowered:
0x8: {  	[smem:$0x3FA2] =	sst s0  }
0x9: {  	[smem:$0x3FA3] =	sst s1  }
0xa: {  	[smem:$0x3FA4] =	sst s2  }
0xb: {  	[smem:$0x3FA5] =	sst s3  }
0xc: {  	[smem:$0x3FA6] =	sst s4  }
0xd: {  	[smem:$0x3FA7] =	sst s5  }
0xe: {  	[smem:$0x3FA8] =	sst s6  }
0xf: {  	[smem:$0x3FA9] =	sst s7  }
0x10: {  	[smem:$0x3FAA] =	sst s8  }
0x11: {  	[smem:$0x3FAB] =	sst s9;
	s0 =	simm.s32 @!p0 $0x0  }
0x12: {  	s1 =	sld [smem:$0x3F91];
	s0 =	simm.s32 @p0 $0x1  }
0x13: {  	[smem:$0x3FAC] =	sst s0;
	s0 =	simm.s32 @!p1 $0x0  }
0x14: {  	s2 =	sld [smem:$0x3F90];
	s0 =	simm.s32 @p1 $0x1  }
0x15: {  	[smem:$0x3FAD] =	sst s0;
	s0 =	simm.s32 @!p2 $0x0  }
0x16: {  	s3 =	sld [smem:$0x3FDB];
	s0 =	simm.s32 @p2 $0x1  }
0x17: {  	s4 =	simm.s32 $0x1BF5;
	[smem:$0x3FAF] =	sst s0  }
0x18: {  	s0 =	sld [smem:$0x3F92];
	_ =	swait.ge [sflag:s4], $0x0  }
0x19: {  	s7 =	sld [smem:$0x3F93]  }
0x1a: {  	s8 =	sadd.s32 $0xFFFFE003, lr  }
0x1b: {  	s9 =	sadd.s32 $0xFFFFFEF7, lr;
	s5 =	simm.s32 $0xFFFFFFFF;
	p2 =	slt.u32 s8, $0xFFFFF086  }
0x1c: {  	p1 =	slt.u32 s9, $0xF7A;
	s5 =	simm.s32 @!p2 $0x0  }
0x1d: {  	s5 =	simm.s32 @p1 $0x1;
	p0 =	seq.s32 s7, s2  }
0x1e: {  	s7 =	smul.u32 @!p0 $0xF7A, s2;
	p2 =	seq.s32 @!p0 s5, $0x0  }
0x1f: {  	s9 =	smul.u32 $0xF7A, s1;
	s8 =	simm.s32 @!p0 $0x1BF5;
	p2 =	por !p2, p0  }
0x20: {  	[sflag:s8] =	ssyncset.s32 @!p0 $0xFFFFF086;
	s6 =	sadd.s32 @!p0 s3, s7;
	s7 =	simm.s32 @!p0 $0x108  }
0x21: {  	s3 =	sadd.s32 s3, s9;
	s6 =	sadd.s32 @!p0 $0x88, s6;
	s7 =	simm.s32 @p2 $0x1082  }
0x22: {  	[simem:s7], [sflag:s8] =	dma.local @!p0 [hbm:s6], $0xF7A  }
0x23: {  	s9 =	sor.u32 $0xD0000000, s2;
	s6 =	simm.s32 $0x108;
	_ =	swait.ge @!p0 [sflag:s8], $0x0  }
0x24: {  	s3 =	sadd.s32 $0x88, s3;
	s6 =	simm.s32 @!p1 $0x1082;
	[sflag:s4] =	ssyncset.s32 $0xFFFFF086  }
0x25: {  	[simem:s6], [sflag:s4] =	dma.local [hbm:s3], $0xF7A  }
0x26: {  	[smem:$0x3F93] =	sst s1;
	(tag) =	ssettag s2;
	_ =	strace s9  }
0x27: {  	s1 =	sld [smem:$0x3FA3]  }
0x28: {  	s2 =	sld [smem:$0x3FA4]  }
0x29: {  	s4 =	sld [smem:$0x3FA6]  }
0x2a: {  	p0 =	seq.s32 s5, $0x0;
	s5 =	sld [smem:$0x3FA7]  }
0x2b: {  	s6 =	sld [smem:$0x3FA8]  }
0x2c: {  	s7 =	sld [smem:$0x3FA9]  }
0x2d: {  	s3 =	simm.s32 $0x108;
	s8 =	sld [smem:$0x3FAA]  }
0x2e: {  	s3 =	simm.s32 @!p0 $0x1082;
	s9 =	sld [smem:$0x3FAB]  }
0x2f: {  	lr =	sadd.s32 s0, s3;
	s0 =	sld [smem:$0x3FA2]  }
0x30: {  	s3 =	sld [smem:$0x3FA5]  }
0x31: {  	[smem:$0x3FAE] =	sst s10  }
0x32: {  	s10 =	sld [smem:$0x3FAC];
	_ =	sdelay $0x3  }
0x33: {  	p0 =	seq.s32 s10, $0x1;
	s10 =	sld [smem:$0x3FAE];
	_ =	sdelay $0x3  }
0x34: {  	[smem:$0x3FAE] =	sst s10  }
0x35: {  	s10 =	sld [smem:$0x3FAD];
	_ =	sdelay $0x3  }
0x36: {  	p1 =	seq.s32 s10, $0x1;
	s10 =	sld [smem:$0x3FAE];
	_ =	sdelay $0x3  }
0x37: {  	[smem:$0x3FAE] =	sst s10  }
0x38: {  	s10 =	sld [smem:$0x3FAF]  }
0x39: {  	_ = 	snop;
	(pc) =	sbr.ind lr, $3  }
0x3a: {  	_ = 	snop  }
0x3b: {  	_ = 	snop  }
0x3c: {  	p2 =	seq.s32 s10, $0x1;
	s10 =	sld [smem:$0x3FAE]  }
0x3d: {  	_ =	shalt  }
0x3e: {  	_ =	shalt  }
0x3f: {  	_ =	shalt  }
0x40: {  	_ =	shalt  }
0x41: {  	_ =	shalt  }
0x42: {  	_ =	shalt  }
0x43: {  	_ =	shalt  }
0x44: {  	_ =	shalt  }
0x45: {  	_ =	shalt  }
0x46: {  	_ =	shalt  }
0x47: {  	_ =	shalt  }
0x48: {  	_ =	shalt  }
0x49: {  	_ =	shalt  }
0x4a: {  	_ =	shalt  }
0x4b: {  	_ =	shalt  }
0x4c: {  	_ =	shalt  }
0x4d: {  	_ =	shalt  }
0x4e: {  	_ =	shalt  }
0x4f: {  	_ =	shalt  }
0x50: {  	_ =	shalt  }
0x51: {  	_ =	shalt  }
0x52: {  	_ =	shalt  }
0x53: {  	_ =	shalt  }
0x54: {  	_ =	shalt  }
0x55: {  	_ =	shalt  }
0x56: {  	_ =	shalt  }
0x57: {  	_ =	shalt  }
0x58: {  	_ =	shalt  }
0x59: {  	_ =	shalt  }
0x5a: {  	_ =	shalt  }
0x5b: {  	_ =	shalt  }
0x5c: {  	_ =	shalt  }
0x5d: {  	_ =	shalt  }
0x5e: {  	_ =	shalt  }
0x5f: {  	_ =	shalt  }
0x60: {  	_ =	shalt  }
0x61: {  	_ =	shalt  }
0x62: {  	_ =	shalt  }
0x63: {  	_ =	shalt  }
0x64: {  	_ =	shalt  }
0x65: {  	_ =	shalt  }
0x66: {  	_ =	shalt  }
0x67: {  	_ =	shalt  }
0x68: {  	_ =	shalt  }
0x69: {  	_ =	shalt  }
0x6a: {  	_ =	shalt  }
0x6b: {  	_ =	shalt  }
0x6c: {  	_ =	shalt  }
0x6d: {  	_ =	shalt  }
0x6e: {  	_ =	shalt  }
0x6f: {  	_ =	shalt  }
0x70: {  	_ =	shalt  }
0x71: {  	_ =	shalt  }
0x72: {  	_ =	shalt  }
0x73: {  	_ =	shalt  }
0x74: {  	_ =	shalt  }
0x75: {  	_ =	shalt  }
0x76: {  	_ =	shalt  }
0x77: {  	_ =	shalt  }
0x78: {  	_ =	shalt  }
0x79: {  	_ =	shalt  }
0x7a: {  	_ =	shalt  }
0x7b: {  	_ =	shalt  }
0x7c: {  	_ =	shalt  }
0x7d: {  	_ =	shalt  }
0x7e: {  	_ =	shalt  }
0x7f: {  	_ =	shalt  }
0x80: {  	_ =	shalt  }
0x81: {  	_ =	shalt  }
0x82: {  	_ =	shalt  }
0x83: {  	_ =	shalt  }
0x84: {  	_ =	shalt  }
0x85: {  	_ =	shalt  }
0x86: {  	_ =	shalt  }
0x87: {  	_ =	shalt  }
.Lfunc_end0:
.L_simem_size_0:
called_computation_lowered:
.L_overlay_start_0:
0x88: {  	s0 =	sld [smem:$0x3FD9]  }
0x89: {  	s1 =	sld [smem:$0x3FFE];
	_ =	sdelay $0x3  }
0x8a: {  	s0 =	sadd.s32 s1, s0  }
0x8b: {  	[smem:$0x3FBA] =	sst s0  }
0x8c: {  	_ = 	snop  }
0x8d: {  	(tm) =	ssettm $0x1  }
0x8e: {  	s15 =	sld [smem:$0x3FFB];
	_ =	sdelay $0x3  }
0x8f: {  	_ =	strace s15  }
0x90: {  	s0 =	sld [smem:$0x3FFC];
	_ =	sdelay $0x3  }
0x91: {  	_ =	strace s0  }
0x92: {  	s0 =	sld [smem:$0x3FFD];
	_ =	sdelay $0x3  }
0x93: {  	_ =	strace s0  }
0x94: {  	_ =	strace $0x8FFFFFFF  }
0x95: {  	s16 =	sld [smem:$0x3FDB];
	_ =	sdelay $0x1  }
0x96: {  	s17 =	simm.s32 $_scs_section_size  }
0x97: {  	s2 =	simm.s32 $_size__tile_overlayer_lowered;
	s3 =	simm.s32 $_tile_overlayer_lowered  }
0x98: {  	s20 =	simm.s32 $0x1BFF;
	s19 =	sshll.u32 s3, $0x1;
	s0 =	sadd.s32 s17, s16  }
0x99: {  	s4 =	simm.s32 $0x0;
	s18 =	sshll.u32 s2, $0x1;
	s2 =	sadd.s32 s19, s0  }
0x9a: {  	[timem:s4], [sflag:s20] =	dma.local [hbm:s2], s18  }
0x9b: {  	_ =	swait.ge [sflag:s20], s18  }
0x9c: {  	s1 =	ssub.s32 $0x0, s18;
	[sflag:s20] =	ssyncset.done $0x0  }
0x9d: {  	[sflag:s20] =	ssyncadd.s32 s1;
	_ =	sdelay $0x1  }
0x9e: {  	s21 =	simm.s32 $0x1B8B  }
0x9f: {  	_ =	swait.ge [sflag:s21], $0x1  }
0xa0: {  	[sflag:s21] =	ssyncset.done $0x0  }
0xa1: {  	s23 =	simm.s32 $0x1B8E;
	s22 =	sld [smem:$0x3FFE];
	[sflag:s21] =	ssyncadd.s32 $0xFFFFFFFF  }
0xa2: {  	s24 =	simm.s32 $execute0_lowered;
	[smem:$0x3FD2] =	sst s23  }
0xa3: {  	s2 =	sshll.u32 s24, $0x1;
	_ =	strace $0x80000046;
	[dreg:$0x1] =	wrdreg $0xFFFFFFFF  }
0xa4: {  	s25 =	simm.s32 $_size_execute0_lowered;
	s0 =	sadd.s32 s0, s2;
	[dreg:$0x0] =	wrdreg $0x0  }
0xa5: {  	s2 =	sshll.u32 s25, $0x1;
	[dreg:$0x2] =	wrdreg s0  }
0xa6: {  	[dreg:$0x3] =	wrdreg s2  }
0xa7: {  	[dreg:$0x4] =	wrdreg $0xC0  }
0xa8: {  	_ =	task [dreg:s4], $0x5FFFF  }
0xa9: {  	[dreg:$0x1] =	wrdreg $0xFFFFFFFF  }
0xaa: {  	[dreg:$0x0] =	wrdreg $0x60  }
0xab: {  	[dreg:$0x2] =	wrdreg s22  }
0xac: {  	[dreg:$0x3] =	wrdreg $0x1D9800  }
0xad: {  	[dreg:$0x4] =	wrdreg $0x1DC000  }
0xae: {  	[dreg:$0x5] =	wrdreg $0x1E3800  }
0xaf: {  	[dreg:$0x6] =	wrdreg $0x1DE800  }
0xb0: {  	[dreg:$0x7] =	wrdreg $0x1E1000  }
0xb1: {  	[dreg:$0x8] =	wrdreg $0x1ED800  }
0xb2: {  	[dreg:$0x9] =	wrdreg $0x9  }
0xb3: {  	_ =	task.clear_ibuf [dreg:s4], $0xAFFFF;
	_ =	strace $0x90000046  }
0xb4: {  	s26 =	simm.s32 $0x9;
	_ =	strace $0x80000048  }
0xb5: {  	_ =	swait.ge [sflag:s26], $0x1  }
0xb6: {  	[sflag:s26] =	ssyncadd.s32 $0xFFFFFFFF  }
0xb7: {  	_ =	strace $0x90000048  }
0xb8: {  	_ =	sfence  }
0xb9: {  	s28 =	sld [smem:$0x0];
	_ =	sdelay $0x1  }
0xba: {  	s29 =	srdreg.scid  }
0xbb: {  	s30 =	sshll.u32 s29, $0xD;
	s31 =	sshrl.u32 s29, $0x2  }
0xbc: {  	s1 =	sand.u32 $0x1, s29;
	s2 =	sand.u32 $0x4000, s30;
	s0 =	sadd.s32 s31, s28  }
0xbd: {  	s1 =	sor.u32 s2, s1;
	s0 =	sshll.u32 s0, $0x11  }
0xbe: {  	s0 =	sor.u32 s0, s1  }
0xbf: {  	s0 =	sadd.s32 $0x8F2B, s0  }
0xc0: {  	[sflag:s0] =	ssyncadd.remote.s32 $0x1  }
0xc1: {  	_ =	sfence.sel $0xFFFF  }
0xc2: {  	[dreg:$0x0] =	wrdreg $0xFFFFFFFF;
	(pc) =	sbr.abs _section_cstart, $3  }
0xc3: {  	[dreg:$0x1] =	wrdreg $0xFFFFFFFF  }
0xc4: {  	_ =	task.clear_ibuf [dreg:s4], $0x2FFFF;
	_ =	strace $0x9FFFFFFF  }
0xc5: {  	(tm) =	ssettm $0x7FFFFFFF  }
tec
execute0_lowered:
.L_overlay_start_1:
0x0: {  	(tag) =	ssettag $0x1  }
0x1: {  	s0 =	rddreg [dreg:$0x0]  }
0x2: {  	s6 =	rddreg [dreg:$0x1]  }
0x3: {  	s5 =	rddreg [dreg:$0x2]  }
0x4: {  	s9 =	rddreg [dreg:$0x3];
	s7 =	stileid.u32  }
0x5: {  	s26 =	rddreg [dreg:$0x4];
	s2 =	smul.u32 $0x4E2, s7  }
0x6: {  	s25 =	rddreg [dreg:$0x5];
	s1 =	simm.s32 $0x0  }
0x7: {  	[smem:$0x7FF] =	sst s1;
	s2 =	sadd.s32 s0, s2  }
0x8: {  	s24 =	simm.s32 $0x1;
	_ =	strace $0x80000047;
	s3 =	sadd.s32 $0x5000, s2  }
0x9: {  	[tilespmem:s1], [sflag:$0x1] =	stream.linear.gather [hbm4b:s3+s1], $0x2710, $0x38;
	[tilespmem:$0x1ED90] =	vst v63  }
0xa: {  	_ =	swait.ge [sflag:s24], $0x2710  }
0xb: {  	[sflag:s24] =	ssyncset.done $0x0  }
0xc: {  	s4 =	simm.s32 $0x2780;
	[sflag:s24] =	ssyncadd.s32 $0xFFFFD8F0  }
0xd: {  	[tilespmem:s4], [sflag:$0x1] =	stream.linear.gather [hbm4b:s2+s1], $0x2710, $0x38;
	[tilespmem:$0x1ED90] =	vst v63  }
0xe: {  	_ =	swait.ge [sflag:s24], $0x2710  }
0xf: {  	[sflag:s24] =	ssyncset.done $0x0  }
0x10: {  	s29 =	simm.s32 $0x9F00;
	s28 =	sadd.s32 $0xA000, s0;
	[sflag:s24] =	ssyncadd.s32 $0xFFFFD8F0  }
0x11: {  	[tilespmem:s29], [sflag:$0x1] =	stream.linear.gather [hbm4b:s28+s1], $0x2800, $0x38;
	[tilespmem:$0x1ED90] =	vst v63  }
0x12: {  	_ =	swait.ge [sflag:s24], $0x2800  }
0x13: {  	[sflag:s24] =	ssyncset.done $0x0  }
0x14: {  	s31 =	simm.s32 $0x1D900;
	s30 =	sadd.s32 $0xA800, s0;
	[sflag:s24] =	ssyncadd.s32 $0xFFFFD800  }
0x15: {  	[tilespmem:s31], [sflag:$0x1] =	stream.linear.gather [hbm4b:s30+s1], $0x80, $0x38;
	[tilespmem:$0x1ED90] =	vst v63  }
0x16: {  	_ =	swait.ge [sflag:s24], $0x80  }
0x17: {  	[sflag:s24] =	ssyncset.done $0x0  }
0x18: {  	v1 =	vimm.f32 $0.0e+00;
	[sflag:s24] =	ssyncadd.s32 $0xFFFFFF80  }
0x19: {  	[tilespmem:$0x1AD00] =	vst v1  }
0x1a: {  	[tilespmem:$0x1AD10] =	vst v1  }
0x1b: {  	[tilespmem:$0x1AD20] =	vst v1  }
0x1c: {  	[tilespmem:$0x1AD30] =	vst v1  }
0x1d: {  	[tilespmem:$0x1AD40] =	vst v1  }
0x1e: {  	[tilespmem:$0x1AD50] =	vst v1  }
0x1f: {  	[tilespmem:$0x1AD60] =	vst v1  }
0x20: {  	[tilespmem:$0x1AD70] =	vst v1  }
0x21: {  	[tilespmem:$0x1AD80] =	vst v1  }
0x22: {  	[tilespmem:$0x1AD90] =	vst v1  }
0x23: {  	[tilespmem:$0x1ADA0] =	vst v1  }
0x24: {  	[tilespmem:$0x1ADB0] =	vst v1  }
0x25: {  	[tilespmem:$0x1ADC0] =	vst v1  }
0x26: {  	[tilespmem:$0x1ADD0] =	vst v1  }
0x27: {  	[tilespmem:$0x1ADE0] =	vst v1  }
0x28: {  	[tilespmem:$0x1ADF0] =	vst v1  }
0x29: {  	[tilespmem:$0x1AE00] =	vst v1  }
0x2a: {  	[tilespmem:$0x1AE10] =	vst v1  }
0x2b: {  	[tilespmem:$0x1AE20] =	vst v1  }
0x2c: {  	[tilespmem:$0x1AE30] =	vst v1  }
0x2d: {  	[tilespmem:$0x1AE40] =	vst v1  }
0x2e: {  	[tilespmem:$0x1AE50] =	vst v1  }
0x2f: {  	[tilespmem:$0x1AE60] =	vst v1  }
0x30: {  	[tilespmem:$0x1AE70] =	vst v1  }
0x31: {  	[tilespmem:$0x1AE80] =	vst v1  }
0x32: {  	[tilespmem:$0x1AE90] =	vst v1  }
0x33: {  	[tilespmem:$0x1AEA0] =	vst v1  }
0x34: {  	[tilespmem:$0x1AEB0] =	vst v1  }
0x35: {  	[tilespmem:$0x1AEC0] =	vst v1  }
0x36: {  	[tilespmem:$0x1AED0] =	vst v1  }
0x37: {  	[tilespmem:$0x1AEE0] =	vst v1  }
0x38: {  	[tilespmem:$0x1AEF0] =	vst v1  }
0x39: {  	[tilespmem:$0x1AF00] =	vst v1  }
0x3a: {  	[tilespmem:$0x1AF10] =	vst v1  }
0x3b: {  	[tilespmem:$0x1AF20] =	vst v1  }
0x3c: {  	[tilespmem:$0x1AF30] =	vst v1  }
0x3d: {  	[tilespmem:$0x1AF40] =	vst v1  }
0x3e: {  	[tilespmem:$0x1AF50] =	vst v1  }
0x3f: {  	v0 =	vlaneseq.u32;
	[tilespmem:$0x1AF60] =	vst v1  }
0x40: {  	s0 =	sadd.s32 $0xAA00, s0;
	s2 =	simm.s32 $0x1AF80;
	[tilespmem:$0x1AF70] =	vst v1;
	v1 =	vor.u32 s1, v0  }
0x41: {  	[dreg:$0x8] =	wrdreg s0;
	s0 =	simm.s32 $0x10;
	[tilespmem:s2+$0x0] =	vst v1  }
.LBB2_1:
0x42: {  	p0 =	sne.s32 s0, $0x27F0  }
.Ltmp0:
0x43: {  	_ = 	snop;
	(pc) =	sbr.rel @p0 .LBB2_1-.Ltmp0, $3  }
0x44: {  	_ =	sdelay $0x1  }
0x45: {  	v1 =	vor.u32 s0, v0;
	s0 =	sadd.s32 $0x10, s0;
	s2 =	sadd.s32 $0x10, s2  }
0x46: {  	[tilespmem:s2+$0x0] =	vst v1  }
0x47: {  	v1 =	vimm.s32 $0x1;
	_ =	sdelay $0x2  }
0x48: {  	s0 =	simm.s32 $0x1D900  }
0x49: {  	v0 =	vld.msk [tilespmem:s0+$0x0], $0xffff  }
0x4a: {  	v1 =	vld.idx.msk [tilespmem:v1+s0+$0x0], $0xffff;
	_ =	sdelay $0x3  }
0x4b: {  	v2 =	vimm.f32 $0.0e+00;
	s1 =	simm.s32 $0x0;
	s0 =	simm.s32 $0x40  }
.LBB2_3:
0x4c: {  	p0 =	sne.s32 s0, $0x9FC0;
	[tilespmem:s1+$0xEF00] =	vst v2;
	s2 =	smov.u32 s0;
	s0 =	sadd.s32 $0x40, s0  }
.Ltmp1:
0x4d: {  	[tilespmem:s1+$0x11700] =	vst v2;
	(pc) =	sbr.rel @p0 .LBB2_3-.Ltmp1, $2  }
0x4e: {  	_ =	sdelay $0x2  }
0x4f: {  	s1 =	sshra.s32 s2, $0x2  }
0x50: {  	s4 =	smul.u32 $0x280, s7  }
0x51: {  	[tilespmem:s1+$0xEF00] =	vst v2  }
0x52: {  	[tilespmem:s1+$0x11700] =	vst v2;
	s0 =	simm.s32 $0x1AD00;
	s30 =	simm.s32 $0x1;
	s8 =	sadd.s32 s4, s6  }
0x53: {  	[spmem:s8] =	stream.linear.scatter [tilespmem:s0], [sflag:$0x1], $0x280, $0x38;
	[tilespmem:$0x1ED90] =	vst v63  }
0x54: {  	_ =	swait.ge [sflag:s30], $0x280  }
0x55: {  	[sflag:s30] =	ssyncset.done $0x0  }
0x56: {  	s7 =	sadd.s32 s4, s5;
	[sflag:s30] =	ssyncadd.s32 $0xFFFFFD80  }
0x57: {  	[spmem:s7] =	stream.linear.scatter [tilespmem:s0], [sflag:$0x1], $0x280, $0x38;
	[tilespmem:$0x1ED90] =	vst v63  }
0x58: {  	_ =	swait.ge [sflag:s30], $0x280  }
0x59: {  	[sflag:s30] =	ssyncset.done $0x0  }
0x5a: {  	s31 =	simm.s32 $0x0;
	[sflag:s30] =	ssyncadd.s32 $0xFFFFFD80  }
0x5b: {  	v9 =	vld [tilespmem:s31+$0x80]  }
0x5c: {  	v3 =	vld [tilespmem:s31+$0x2800]  }
0x5d: {  	v16 =	vld [tilespmem:s31+$0x70]  }
0x5e: {  	v8 =	vld [tilespmem:s31+$0x60]  }
0x5f: {  	v2 =	vld [tilespmem:s31+$0x2820]  }
0x60: {  	v11 =	vld [tilespmem:s31+$0x50]  }
0x61: {  	v6 =	vld [tilespmem:s31+$0x27D0]  }
0x62: {  	v5 =	vld [tilespmem:s31+$0x27E0]  }
0x63: {  	v12 =	vld [tilespmem:s31+$0x40]  }
0x64: {  	v4 =	vld [tilespmem:s31+$0x27F0]  }
0x65: {  	v13 =	vld [tilespmem:s31+$0x20]  }
0x66: {  	v7 =	vld [tilespmem:s31+$0x27C0]  }
0x67: {  	v10 =	vld [tilespmem:s31+$0x27A0]  }
0x68: {  	v15 =	vld [tilespmem:s31+$0x30]  }
0x69: {  	v14 =	vld [tilespmem:s31+$0x2790]  }
0x6a: {  	v19 =	vld [tilespmem:s31+$0x10]  }
0x6b: {  	v20 =	vld [tilespmem:s31+$0x0]  }
0x6c: {  	s10 =	simm.s32 $0x9F00;
	v21 =	vld [tilespmem:s31+$0x2780]  }
0x6d: {  	v17 =	vld.idx.msk [tilespmem:v6+s10+$0x0], $0xffff  }
0x6e: {  	v18 =	vld.idx.msk [tilespmem:v13+s10+$0x0], $0xffff  }
0x6f: {  	v22 =	vld.idx.msk [tilespmem:v10+s10+$0x0], $0xffff  }
0x70: {  	v13 =	vld.idx.msk [tilespmem:v15+s10+$0x0], $0xffff  }
0x71: {  	v15 =	vld.idx.msk [tilespmem:v12+s10+$0x0], $0xffff  }
0x72: {  	v23 =	vld.idx.msk [tilespmem:v7+s10+$0x0], $0xffff  }
0x73: {  	v29 =	vld.idx.msk [tilespmem:v19+s10+$0x0], $0xffff  }
0x74: {  	v19 =	vld.idx.msk [tilespmem:v14+s10+$0x0], $0xffff  }
0x75: {  	v35 =	vld.idx.msk [tilespmem:v20+s10+$0x0], $0xffff  }
0x76: {  	v26 =	vld.idx.msk [tilespmem:v11+s10+$0x0], $0xffff  }
0x77: {  	v24 =	vld.idx.msk [tilespmem:v5+s10+$0x0], $0xffff;
	v12 =	vmul.f32 v18, v0;
	v20 =	vmul.f32 v22, v1  }
0x78: {  	v31 =	vld [tilespmem:s31+$0x90];
	v25 =	vmul.f32 v13, v0;
	v27 =	vmul.f32 v15, v0  }
0x79: {  	v22 =	vld.idx.msk [tilespmem:v21+s10+$0x0], $0xffff;
	v28 =	vmul.f32 v29, v0;
	v19 =	vmul.f32 v19, v1  }
0x7a: {  	v43 =	vld [tilespmem:s31+$0xC0];
	v32 =	vmul.f32 v35, v0;
	v23 =	vmul.f32 v23, v1  }
0x7b: {  	v17 =	vmul.f32 v17, v1;
	v20 =	vadd.f32 v20, v12;
	v12 =	vld.idx.msk [tilespmem:v8+s10+$0x0], $0xffff;
	v19 =	vadd.f32 v19, v28  }
0x7c: {  	v37 =	vld.idx.msk [tilespmem:v3+s10+$0x0], $0xffff;
	v24 =	vmul.f32 v24, v1;
	v36 =	vmul.f32 v26, v0;
	v27 =	vadd.f32 v23, v27  }
0x7d: {  	v8 =	vld [tilespmem:s31+$0x2810];
	v11 =	vmin.f32 v20, $0.0e+00;
	v20 =	vmax.f32 v20, $0.0e+00;
	v23 =	vmin.f32 v19, $0.0e+00  }
0x7e: {  	v28 =	vld [tilespmem:s31+$0xA0];
	v38 =	vmin.f32 v27, $0.0e+00;
	v30 =	vmul.f32 $2.000000030e-01, v11;
	v33 =	vmul.f32 v22, v1  }
0x7f: {  	v27 =	vmax.f32 v27, $0.0e+00;
	v22 =	vld.idx.msk [tilespmem:v16+s10+$0x0], $0xffff;
	v16 =	vmax.f32 v19, $0.0e+00;
	v19 =	vmul.f32 $2.000000030e-01, v23  }
0x80: {  	v23 =	vld.idx.msk [tilespmem:v9+s10+$0x0], $0xffff;
	v20 =	vadd.f32 v30, v20;
	v34 =	vmul.f32 v12, v0;
	v32 =	vadd.f32 v33, v32  }
0x81: {  	v11 =	vld [tilespmem:s31+$0x27B0];
	v38 =	vmul.f32 $2.000000030e-01, v38;
	v9 =	vadd.f32 v19, v16;
	v16 =	vadd.f32 v17, v36  }
0x82: {  	v30 =	vld.idx.msk [tilespmem:v4+s10+$0x0], $0xffff;
	v53 =	vadd.f32 v24, v34;
	v19 =	vmax.f32 v32, $0.0e+00;
	v20 =	vmul.f32 $1.442695020e+00, v20  }
0x83: {  	v24 =	vld.idx.msk [tilespmem:v31+s10+$0x0], $0xffff;
	v31 =	vmul.f32 $1.442695020e+00, v9;
	v9 =	vmin.f32 v16, $0.0e+00;
	v32 =	vmin.f32 v32, $0.0e+00  }
0x84: {  	v61 =	vld [tilespmem:s31+$0xE0];
	v27 =	vadd.f32 v38, v27;
	v39 =	vmul.f32 $2.000000030e-01, v9;
	v32 =	vmul.f32 $2.000000030e-01, v32  }
0x85: {  	v16 =	vmax.f32 v16, $0.0e+00;
	v17 =	vld.idx.msk [tilespmem:v8+s10+$0x0], $0xffff;
	v41 =	vmul.f32 v23, v0;
	v54 =	vmul.f32 v22, v0  }
0x86: {  	v34 =	vmin.f32 v53, $0.0e+00;
	(erf) = vpow2.f32 v20;
	v20 =	vld.idx.msk [tilespmem:v28+s10+$0x0], $0xffff;
	v28 =	vmul.f32 v37, v1  }
0x87: {  	v62 =	vld [tilespmem:s31+$0xD0];
	v33 =	vmax.f32 v53, $0.0e+00;
	v34 =	vmul.f32 $2.000000030e-01, v34;
	v16 =	vadd.f32 v39, v16  }
0x88: {  	v55 =	vld.idx.msk [tilespmem:v2+s10+$0x0], $0xffff;
	v30 =	vmul.f32 v30, v1;
	v19 =	vadd.f32 v32, v19;
	v28 =	vadd.f32 v28, v41  }
0x89: {  	v40 =	vld.idx.msk [tilespmem:v11+s10+$0x0], $0xffff;
	v33 =	vadd.f32 v34, v33;
	v16 =	vmul.f32 $1.442695020e+00, v16;
	v57 =	vmul.f32 v24, v0  }
0x8a: {  	v9 =	vld [tilespmem:s31+$0x2870];
	v56 =	vadd.f32 v30, v54;
	v58 =	vmul.f32 $1.442695020e+00, v19;
	v42 =	vmul.f32 v17, v1  }
0x8b: {  	v19 =	vld [tilespmem:s31+$0x2850];
	v30 =	vmin.f32 v28, $0.0e+00;
	v28 =	vmax.f32 v28, $0.0e+00;
	(erf) = vpow2.f32 v16  }
0x8c: {  	v17 =	vld [tilespmem:s31+$0x2840];
	v59 =	vmin.f32 v56, $0.0e+00;
	v44 =	vmul.f32 $2.000000030e-01, v30;
	v45 =	vmul.f32 v20, v0  }
0x8d: {  	v16 =	vld [tilespmem:s31+$0x2860];
	(erf) = vpow2.f32 v58;
	v60 =	vmul.f32 $2.000000030e-01, v59;
	v63 =	vadd.f32 v42, v57  }
0x8e: {  	v46 =	vld [tilespmem:s31+$0xB0];
	v58 =	vmul.f32 $1.442695020e+00, v27;
	v40 =	vmul.f32 v40, v1;
	v28 =	vadd.f32 v44, v28  }
0x8f: {  	v36 =	vld [tilespmem:s31+$0xF0];
	(erf) = vpow2.f32 v31;
	v31 =	vmul.f32 v55, v1;
	v52 =	vmin.f32 v63, $0.0e+00  }
0x90: {  	v27 =	vld.idx.msk [tilespmem:v61+s10+$0x0], $0xffff;
	v40 =	vadd.f32 v40, v25;
	v25 =	vmax.f32 v56, $0.0e+00;
	v28 =	vmul.f32 $1.442695020e+00, v28  }
0x91: {  	v34 =	vmul.f32 $1.442695020e+00, v33;
	v55 =	vmul.f32 $2.000000030e-01, v52;
	v50 =	vadd.f32 v60, v25;
	v25 =	vld [tilespmem:s31+$0x2830]  }
0x92: {  	v30 =	vld.idx.msk [tilespmem:v9+s10+$0x0], $0xffff;
	v31 =	vadd.f32 v31, v45;
	v51 =	vmin.f32 v40, $0.0e+00;
	(erf) = vpow2.f32 v28  }
0x93: {  	v28 =	vmax.f32 v63, $0.0e+00;
	v39 =	vld.idx.msk [tilespmem:v19+s10+$0x0], $0xffff;
	v53 =	vmul.f32 $2.000000030e-01, v51;
	v47 =	vmul.f32 $1.442695020e+00, v50  }
0x94: {  	v54 =	vmax.f32 v40, $0.0e+00;
	v59 =	vmin.f32 v31, $0.0e+00;
	v48 =	vld.idx.msk [tilespmem:v17+s10+$0x0], $0xffff;
	v28 =	vadd.f32 v55, v28  }
0x95: {  	v37 =	vpop (erf);
	v45 =	vmul.f32 v27, v0;
	v56 =	vld.idx.msk [tilespmem:v16+s10+$0x0], $0xffff;
	v57 =	vadd.f32 v53, v54;
	(erf) = vpow2.f32 v47  }
0x96: {  	v61 =	vmul.f32 $1.442695020e+00, v28;
	v28 =	vld.idx.msk [tilespmem:v62+s10+$0x0], $0xffff;
	v62 =	vmul.f32 $2.000000030e-01, v59  }
0x97: {  	v63 =	vmax.f32 v31, $0.0e+00;
	v31 =	vld.idx.msk [tilespmem:v46+s10+$0x0], $0xffff;
	v32 =	vpop (erf);
	(erf) = vpow2.f32 v58;
	v60 =	vmul.f32 $1.442695020e+00, v57  }
0x98: {  	v33 =	vmul.f32 v32, v26;
	v26 =	vld.idx.msk [tilespmem:v36+s10+$0x0], $0xffff;
	v49 =	vpop (erf);
	(erf) = vpow2.f32 v61  }
0x99: {  	v42 =	vpop (erf);
	v36 =	vadd.f32 v62, v63;
	v44 =	vmul.f32 v49, v35;
	v40 =	vld.idx.msk [tilespmem:v25+s10+$0x0], $0xffff;
	(erf) = vpow2.f32 v60  }
0x9a: {  	s11 =	simm.s32 $0xEF00;
	v38 =	vmul.f32 v48, v1;
	v41 =	vmul.f32 v42, v29;
	v29 =	vld.idx.msk [tilespmem:v43+s10+$0x0], $0xffff  }
0x9b: {  	s12 =	simm.s32 $0x11700;
	s0 =	simm.s32 $0x400;
	v43 =	vmul.f32 v56, v1;
	[tilespmem:v21+s11+$0x0] =	vst.idx.add.f32.msk $0xffff, v49;
	v36 =	vmul.f32 $1.442695020e+00, v36;
	v35 =	vpop (erf)  }
.LBB2_5:
0x9c: {  	p0 =	sne.s32 s0, $0x9800;
	v46 =	vmul.f32 v28, v0;
	v39 =	vmul.f32 v39, v1;
	[tilespmem:v21+s12+$0x0] =	vst.idx.add.f32.msk $0xffff, v44;
	s1 =	smov.u32 s0;
	s0 =	sadd.s32 $0x400, s0  }
0x9d: {  	v21 =	vadd.f32 v43, v45;
	[tilespmem:v14+s11+$0x0] =	vst.idx.add.f32.msk $0xffff, v42;
	v42 =	vmul.f32 v37, v18;
	(erf) = vpow2.f32 v34  }
0x9e: {  	v34 =	vmul.f32 v31, v0;
	v43 =	vmul.f32 v40, v1;
	[tilespmem:v14+s12+$0x0] =	vst.idx.add.f32.msk $0xffff, v41;
	v14 =	vpop (erf)  }
0x9f: {  	v39 =	vadd.f32 v39, v46;
	v41 =	vmin.f32 v21, $0.0e+00;
	[tilespmem:v10+s11+$0x0] =	vst.idx.add.f32.msk $0xffff, v37;
	v22 =	vmul.f32 v14, v22  }
0xa0: {  	v34 =	vadd.f32 v43, v34;
	v43 =	vmul.f32 $2.000000030e-01, v41;
	[tilespmem:v10+s12+$0x0] =	vst.idx.add.f32.msk $0xffff, v42;
	v10 =	vmul.f32 v35, v23;
	v18 =	vpop (erf)  }
0xa1: {  	v21 =	vmax.f32 v21, $0.0e+00;
	v23 =	vmax.f32 v39, $0.0e+00;
	v15 =	vmul.f32 v18, v15;
	v40 =	vpop (erf)  }
0xa2: {  	v41 =	vmin.f32 v34, $0.0e+00;
	v21 =	vadd.f32 v43, v21;
	v24 =	vmul.f32 v40, v24;
	v37 =	vpop (erf)  }
0xa3: {  	v39 =	vmin.f32 v39, $0.0e+00;
	v41 =	vmul.f32 $2.000000030e-01, v41;
	[tilespmem:v11+s11+$0x0] =	vst.idx.add.f32.msk $0xffff, v37;
	v13 =	vmul.f32 v37, v13  }
0xa4: {  	v34 =	vmax.f32 v34, $0.0e+00;
	v37 =	vmul.f32 v29, v0;
	v21 =	vmul.f32 $1.442695020e+00, v21  }
0xa5: {  	v30 =	vmul.f32 v30, v1;
	v39 =	vmul.f32 $2.000000030e-01, v39;
	v34 =	vadd.f32 v41, v34;
	[tilespmem:v11+s12+$0x0] =	vst.idx.add.f32.msk $0xffff, v13  }
0xa6: {  	v11 =	vadd.f32 v38, v37;
	v13 =	vmul.f32 v26, v0;
	[tilespmem:v7+s11+$0x0] =	vst.idx.add.f32.msk $0xffff, v18;
	v18 =	vpop (erf);
	(erf) = vpow2.f32 v36  }
0xa7: {  	v23 =	vadd.f32 v39, v23;
	v34 =	vmul.f32 $1.442695020e+00, v34;
	[tilespmem:v7+s12+$0x0] =	vst.idx.add.f32.msk $0xffff, v15;
	v7 =	vmul.f32 v18, v12  }
0xa8: {  	v12 =	vmin.f32 v11, $0.0e+00;
	v13 =	vadd.f32 v30, v13;
	[tilespmem:v6+s11+$0x0] =	vst.idx.add.f32.msk $0xffff, v32  }
0xa9: {  	v11 =	vmax.f32 v11, $0.0e+00;
	v12 =	vmul.f32 $2.000000030e-01, v12;
	[tilespmem:v6+s12+$0x0] =	vst.idx.add.f32.msk $0xffff, v33;
	(erf) = vpow2.f32 v34  }
0xaa: {  	v6 =	vmin.f32 v13, $0.0e+00;
	[tilespmem:v5+s11+$0x0] =	vst.idx.add.f32.msk $0xffff, v18  }
0xab: {  	v11 =	vadd.f32 v12, v11;
	v12 =	vmul.f32 $1.442695020e+00, v23;
	v6 =	vmul.f32 $2.000000030e-01, v6;
	[tilespmem:v5+s12+$0x0] =	vst.idx.add.f32.msk $0xffff, v7  }
0xac: {  	v5 =	vmax.f32 v13, $0.0e+00;
	[tilespmem:v4+s11+$0x0] =	vst.idx.add.f32.msk $0xffff, v14  }
0xad: {  	v7 =	vmul.f32 $1.442695020e+00, v11;
	v5 =	vadd.f32 v6, v5;
	[tilespmem:v4+s12+$0x0] =	vst.idx.add.f32.msk $0xffff, v22;
	(erf) = vpow2.f32 v12  }
0xae: {  	[tilespmem:v3+s11+$0x0] =	vst.idx.add.f32.msk $0xffff, v35;
	(erf) = vpow2.f32 v21  }
0xaf: {  	v4 =	vmul.f32 $1.442695020e+00, v5;
	[tilespmem:v3+s12+$0x0] =	vst.idx.add.f32.msk $0xffff, v10;
	v3 =	vpop (erf);
	(erf) = vpow2.f32 v7  }
0xb0: {  	[tilespmem:v8+s11+$0x0] =	vst.idx.add.f32.msk $0xffff, v40  }
0xb1: {  	v5 =	vmul.f32 v3, v20;
	[tilespmem:v8+s12+$0x0] =	vst.idx.add.f32.msk $0xffff, v24;
	(erf) = vpow2.f32 v4  }
0xb2: {  	[tilespmem:v2+s11+$0x0] =	vst.idx.add.f32.msk $0xffff, v3;
	v3 =	vpop (erf)  }
0xb3: {  	[tilespmem:v2+s12+$0x0] =	vst.idx.add.f32.msk $0xffff, v5;
	v4 =	vmul.f32 v3, v31  }
0xb4: {  	[tilespmem:v25+s11+$0x0] =	vst.idx.add.f32.msk $0xffff, v3  }
0xb5: {  	[tilespmem:v25+s12+$0x0] =	vst.idx.add.f32.msk $0xffff, v4  }
0xb6: {  	v2 =	vpop (erf)  }
0xb7: {  	v3 =	vmul.f32 v2, v28;
	v4 =	vpop (erf)  }
0xb8: {  	v5 =	vpop (erf)  }
0xb9: {  	v6 =	vmul.f32 v4, v27;
	[tilespmem:v17+s11+$0x0] =	vst.idx.add.f32.msk $0xffff, v5;
	v5 =	vmul.f32 v5, v29  }
0xba: {  	v7 =	vpop (erf)  }
0xbb: {  	[tilespmem:v17+s12+$0x0] =	vst.idx.add.f32.msk $0xffff, v5;
	v5 =	vmul.f32 v7, v26  }
0xbc: {  	[tilespmem:v19+s11+$0x0] =	vst.idx.add.f32.msk $0xffff, v2  }
0xbd: {  	[tilespmem:v19+s12+$0x0] =	vst.idx.add.f32.msk $0xffff, v3  }
0xbe: {  	[tilespmem:v16+s11+$0x0] =	vst.idx.add.f32.msk $0xffff, v4  }
0xbf: {  	[tilespmem:v16+s12+$0x0] =	vst.idx.add.f32.msk $0xffff, v6  }
0xc0: {  	[tilespmem:v9+s11+$0x0] =	vst.idx.add.f32.msk $0xffff, v7  }
0xc1: {  	[tilespmem:v9+s12+$0x0] =	vst.idx.add.f32.msk $0xffff, v5;
	_ =	sdelay $0x1  }
0xc2: {  	s1 =	sshra.s32 s1, $0x2  }
0xc3: {  	v9 =	vld [tilespmem:s1+$0x80]  }
0xc4: {  	v3 =	vld [tilespmem:s1+$0x2800]  }
0xc5: {  	v16 =	vld [tilespmem:s1+$0x70]  }
0xc6: {  	v8 =	vld [tilespmem:s1+$0x60]  }
0xc7: {  	v2 =	vld [tilespmem:s1+$0x2820]  }
0xc8: {  	v12 =	vld [tilespmem:s1+$0x50]  }
0xc9: {  	v6 =	vld [tilespmem:s1+$0x27D0]  }
0xca: {  	v5 =	vld [tilespmem:s1+$0x27E0]  }
0xcb: {  	v15 =	vld [tilespmem:s1+$0x40]  }
0xcc: {  	v4 =	vld [tilespmem:s1+$0x27F0]  }
0xcd: {  	v7 =	vld [tilespmem:s1+$0x27C0]  }
0xce: {  	v13 =	vld [tilespmem:s1+$0x20]  }
0xcf: {  	v10 =	vld [tilespmem:s1+$0x27A0]  }
0xd0: {  	v17 =	vld [tilespmem:s1+$0x30]  }
0xd1: {  	v19 =	vld.idx.msk [tilespmem:v6+s10+$0x0], $0xffff  }
0xd2: {  	v14 =	vld [tilespmem:s1+$0x2790]  }
0xd3: {  	v11 =	vld [tilespmem:s1+$0x27B0]  }
0xd4: {  	v20 =	vld [tilespmem:s1+$0x10]  }
0xd5: {  	v22 =	vld [tilespmem:s1+$0x0]  }
0xd6: {  	v18 =	vld.idx.msk [tilespmem:v13+s10+$0x0], $0xffff  }
0xd7: {  	v21 =	vld [tilespmem:s1+$0x2780]  }
0xd8: {  	v23 =	vld.idx.msk [tilespmem:v10+s10+$0x0], $0xffff  }
0xd9: {  	v13 =	vld.idx.msk [tilespmem:v17+s10+$0x0], $0xffff  }
0xda: {  	v15 =	vld.idx.msk [tilespmem:v15+s10+$0x0], $0xffff  }
0xdb: {  	v17 =	vld.idx.msk [tilespmem:v7+s10+$0x0], $0xffff  }
0xdc: {  	v36 =	vld.idx.msk [tilespmem:v20+s10+$0x0], $0xffff  }
0xdd: {  	v24 =	vmul.f32 v18, v0;
	v20 =	vld.idx.msk [tilespmem:v14+s10+$0x0], $0xffff  }
0xde: {  	v35 =	vld.idx.msk [tilespmem:v22+s10+$0x0], $0xffff;
	v22 =	vmul.f32 v23, v1  }
0xdf: {  	v25 =	vmul.f32 v13, v0;
	v23 =	vld.idx.msk [tilespmem:v21+s10+$0x0], $0xffff  }
0xe0: {  	v27 =	vld.idx.msk [tilespmem:v12+s10+$0x0], $0xffff;
	v22 =	vadd.f32 v22, v24;
	v24 =	vmul.f32 v15, v0  }
0xe1: {  	v26 =	vld.idx.msk [tilespmem:v5+s10+$0x0], $0xffff  }
0xe2: {  	v28 =	vmul.f32 v36, v0;
	v12 =	vld.idx.msk [tilespmem:v8+s10+$0x0], $0xffff;
	v29 =	vmin.f32 v22, $0.0e+00  }
0xe3: {  	v20 =	vmul.f32 v20, v1;
	v8 =	vld [tilespmem:s1+$0x2810];
	v29 =	vmul.f32 $2.000000030e-01, v29  }
0xe4: {  	v17 =	vmul.f32 v17, v1;
	v22 =	vmax.f32 v22, $0.0e+00;
	v31 =	vmul.f32 v35, v0;
	v30 =	vld [tilespmem:s1+$0x90]  }
0xe5: {  	v19 =	vmul.f32 v19, v1;
	v33 =	vmul.f32 v23, v1;
	v20 =	vadd.f32 v20, v28;
	v32 =	vld [tilespmem:s1+$0xA0]  }
0xe6: {  	v17 =	vadd.f32 v17, v24;
	v29 =	vadd.f32 v29, v22;
	v28 =	vld.idx.msk [tilespmem:v4+s10+$0x0], $0xffff  }
0xe7: {  	v24 =	vmul.f32 v26, v1;
	v22 =	vld.idx.msk [tilespmem:v16+s10+$0x0], $0xffff;
	v16 =	vmax.f32 v20, $0.0e+00;
	v20 =	vmin.f32 v20, $0.0e+00  }
0xe8: {  	v34 =	vmin.f32 v17, $0.0e+00;
	v37 =	vmul.f32 v12, v0;
	v26 =	vld.idx.msk [tilespmem:v3+s10+$0x0], $0xffff;
	v20 =	vmul.f32 $2.000000030e-01, v20  }
0xe9: {  	v23 =	vld.idx.msk [tilespmem:v9+s10+$0x0], $0xffff;
	v9 =	vadd.f32 v33, v31;
	v31 =	vmul.f32 $2.000000030e-01, v34;
	v33 =	vmul.f32 v27, v0  }
0xea: {  	v16 =	vadd.f32 v20, v16;
	v20 =	vadd.f32 v24, v37  }
0xeb: {  	v34 =	vld.idx.msk [tilespmem:v8+s10+$0x0], $0xffff;
	v37 =	vmax.f32 v9, $0.0e+00;
	v38 =	vmin.f32 v9, $0.0e+00;
	v19 =	vadd.f32 v19, v33  }
0xec: {  	v29 =	vmul.f32 $1.442695020e+00, v29;
	v28 =	vmul.f32 v28, v1;
	v24 =	vld.idx.msk [tilespmem:v30+s10+$0x0], $0xffff;
	v9 =	vmin.f32 v20, $0.0e+00  }
0xed: {  	v39 =	vmul.f32 $1.442695020e+00, v16;
	v33 =	vld [tilespmem:s1+$0xF0];
	v16 =	vmin.f32 v19, $0.0e+00;
	v30 =	vmul.f32 $2.000000030e-01, v9  }
0xee: {  	v19 =	vmax.f32 v19, $0.0e+00;
	v9 =	vld [tilespmem:s1+$0x2870];
	v16 =	vmul.f32 $2.000000030e-01, v16;
	(erf) = vpow2.f32 v29  }
0xef: {  	v38 =	vmul.f32 $2.000000030e-01, v38;
	v40 =	vmax.f32 v20, $0.0e+00;
	v41 =	vmul.f32 v23, v0;
	v29 =	vld.idx.msk [tilespmem:v11+s10+$0x0], $0xffff  }
0xf0: {  	v20 =	vld.idx.msk [tilespmem:v32+s10+$0x0], $0xffff;
	v32 =	vmax.f32 v17, $0.0e+00;
	v16 =	vadd.f32 v16, v19;
	v17 =	vmul.f32 v26, v1  }
0xf1: {  	v19 =	vadd.f32 v30, v40;
	v30 =	vmul.f32 v22, v0;
	v40 =	vmul.f32 v34, v1;
	v26 =	vld.idx.msk [tilespmem:v2+s10+$0x0], $0xffff  }
0xf2: {  	v37 =	vadd.f32 v38, v37;
	v43 =	vld [tilespmem:s1+$0xC0];
	v38 =	vmul.f32 $1.442695020e+00, v16;
	v41 =	vadd.f32 v17, v41  }
0xf3: {  	v42 =	vmul.f32 v24, v0;
	v34 =	vmul.f32 $1.442695020e+00, v19;
	v28 =	vadd.f32 v28, v30;
	v17 =	vld [tilespmem:s1+$0x2840]  }
0xf4: {  	v47 =	vmul.f32 $1.442695020e+00, v37;
	v16 =	vld [tilespmem:s1+$0x2860];
	v30 =	vmin.f32 v41, $0.0e+00;
	(erf) = vpow2.f32 v38  }
0xf5: {  	v29 =	vmul.f32 v29, v1;
	v38 =	vmin.f32 v28, $0.0e+00;
	v19 =	vld [tilespmem:s1+$0x2850];
	v44 =	vmul.f32 $2.000000030e-01, v30  }
0xf6: {  	v41 =	vmax.f32 v41, $0.0e+00;
	v45 =	vmul.f32 v20, v0;
	v30 =	vld.idx.msk [tilespmem:v9+s10+$0x0], $0xffff;
	(erf) = vpow2.f32 v47  }
0xf7: {  	v28 =	vmax.f32 v28, $0.0e+00;
	v38 =	vmul.f32 $2.000000030e-01, v38;
	v29 =	vadd.f32 v29, v25;
	v46 =	vld [tilespmem:s1+$0xE0];
	v37 =	vpop (erf)  }
0xf8: {  	v40 =	vadd.f32 v40, v42;
	v26 =	vmul.f32 v26, v1;
	v41 =	vadd.f32 v44, v41;
	v47 =	vld [tilespmem:s1+$0xD0]  }
0xf9: {  	v28 =	vadd.f32 v38, v28;
	v42 =	vmax.f32 v29, $0.0e+00;
	v25 =	vld [tilespmem:s1+$0x2830];
	(erf) = vpow2.f32 v39  }
0xfa: {  	v29 =	vmin.f32 v29, $0.0e+00;
	v39 =	vmul.f32 $1.442695020e+00, v41;
	v41 =	vmin.f32 v40, $0.0e+00;
	v38 =	vld [tilespmem:s1+$0xB0]  }
0xfb: {  	v45 =	vadd.f32 v26, v45;
	v29 =	vmul.f32 $2.000000030e-01, v29;
	v28 =	vmul.f32 $1.442695020e+00, v28;
	v44 =	vld.idx.msk [tilespmem:v17+s10+$0x0], $0xffff  }
0xfc: {  	v31 =	vadd.f32 v31, v32;
	v41 =	vmul.f32 $2.000000030e-01, v41;
	v48 =	vld.idx.msk [tilespmem:v16+s10+$0x0], $0xffff;
	(erf) = vpow2.f32 v39  }
0xfd: {  	v40 =	vmax.f32 v40, $0.0e+00;
	v49 =	vmin.f32 v45, $0.0e+00;
	v39 =	vld.idx.msk [tilespmem:v19+s10+$0x0], $0xffff;
	v32 =	vpop (erf)  }
0xfe: {  	v29 =	vadd.f32 v29, v42;
	v40 =	vadd.f32 v41, v40;
	v26 =	vld.idx.msk [tilespmem:v33+s10+$0x0], $0xffff;
	v33 =	vmul.f32 v32, v27  }
0xff: {  	v31 =	vmul.f32 $1.442695020e+00, v31;
	v27 =	vld.idx.msk [tilespmem:v46+s10+$0x0], $0xffff;
	v46 =	vpop (erf);
	(erf) = vpow2.f32 v28  }
0x100: {  	v28 =	vld.idx.msk [tilespmem:v47+s10+$0x0], $0xffff;
	v47 =	vmul.f32 $1.442695020e+00, v29;
	v29 =	vmul.f32 $1.442695020e+00, v40  }
.Ltmp2:
0x101: {  	v41 =	vmul.f32 $2.000000030e-01, v49;
	v40 =	vld.idx.msk [tilespmem:v25+s10+$0x0], $0xffff;
	(erf) = vpow2.f32 v31;
	(pc) =	sbr.rel @p0 .LBB2_5-.Ltmp2, $4  }
0x102: {  	v45 =	vmax.f32 v45, $0.0e+00;
	v31 =	vld.idx.msk [tilespmem:v38+s10+$0x0], $0xffff;
	v38 =	vmul.f32 v44, v1;
	v42 =	vpop (erf);
	(erf) = vpow2.f32 v29  }
0x103: {  	v45 =	vadd.f32 v41, v45;
	v29 =	vld.idx.msk [tilespmem:v43+s10+$0x0], $0xffff;
	v41 =	vmul.f32 v42, v36;
	(erf) = vpow2.f32 v47  }
0x104: {  	v44 =	vmul.f32 v46, v35;
	v43 =	vmul.f32 v48, v1;
	[tilespmem:v21+s11+$0x0] =	vst.idx.add.f32.msk $0xffff, v46  }
0x105: {  	v36 =	vmul.f32 $1.442695020e+00, v45;
	v45 =	vmul.f32 v27, v0;
	v35 =	vpop (erf)  }
0x106: {  	_ =	sdelay $0x1  }
0x107: {  	v46 =	vmul.f32 v28, v0;
	v39 =	vmul.f32 v39, v1  }
0x108: {  	v40 =	vmul.f32 v40, v1;
	v18 =	vmul.f32 v37, v18  }
0x109: {  	[tilespmem:v21+s12+$0x0] =	vst.idx.add.f32.msk $0xffff, v44;
	v30 =	vmul.f32 v30, v1;
	v54 =	vmul.f32 v31, v0  }
0x10a: {  	(erf) = vpow2.f32 v34;
	v52 =	vmul.f32 v26, v0;
	v43 =	vadd.f32 v43, v45;
	[tilespmem:v14+s11+$0x0] =	vst.idx.add.f32.msk $0xffff, v42;
	v21 =	vpop (erf)  }
0x10b: {  	v55 =	vadd.f32 v39, v46;
	v59 =	vmul.f32 v29, v0;
	v40 =	vadd.f32 v40, v54;
	v57 =	vpop (erf)  }
0x10c: {  	[tilespmem:v14+s12+$0x0] =	vst.idx.add.f32.msk $0xffff, v41;
	(erf) = vpow2.f32 v36;
	v56 =	vmin.f32 v43, $0.0e+00;
	v43 =	vmax.f32 v43, $0.0e+00;
	v61 =	vpop (erf)  }
0x10d: {  	[tilespmem:v10+s11+$0x0] =	vst.idx.add.f32.msk $0xffff, v37;
	v39 =	vmul.f32 $2.000000030e-01, v56;
	v34 =	vmin.f32 v55, $0.0e+00;
	v62 =	vmin.f32 v40, $0.0e+00;
	v63 =	vpop (erf)  }
0x10e: {  	v38 =	vadd.f32 v38, v59;
	[tilespmem:v10+s12+$0x0] =	vst.idx.add.f32.msk $0xffff, v18;
	v41 =	vmul.f32 $2.000000030e-01, v62;
	v45 =	vmul.f32 v63, v13  }
0x10f: {  	v58 =	vmax.f32 v55, $0.0e+00;
	v46 =	vmax.f32 v40, $0.0e+00;
	v47 =	vmul.f32 $2.000000030e-01, v34;
	[tilespmem:v11+s11+$0x0] =	vst.idx.add.f32.msk $0xffff, v63  }
0x110: {  	v60 =	vmul.f32 v57, v15;
	v49 =	vmin.f32 v38, $0.0e+00;
	v13 =	vadd.f32 v41, v46;
	[tilespmem:v11+s12+$0x0] =	vst.idx.add.f32.msk $0xffff, v45  }
0x111: {  	v39 =	vadd.f32 v39, v43;
	v50 =	vadd.f32 v47, v58;
	v51 =	vmul.f32 $2.000000030e-01, v49;
	[tilespmem:v7+s11+$0x0] =	vst.idx.add.f32.msk $0xffff, v57  }
0x112: {  	v56 =	vadd.f32 v30, v52;
	v53 =	vmax.f32 v38, $0.0e+00;
	v13 =	vmul.f32 $1.442695020e+00, v13;
	[tilespmem:v7+s12+$0x0] =	vst.idx.add.f32.msk $0xffff, v60  }
0x113: {  	v48 =	vmul.f32 $1.442695020e+00, v39;
	v54 =	vpop (erf);
	v10 =	vmul.f32 $1.442695020e+00, v50;
	v7 =	vadd.f32 v51, v53;
	[tilespmem:v6+s11+$0x0] =	vst.idx.add.f32.msk $0xffff, v32  }
0x114: {  	v55 =	vmul.f32 v54, v12;
	(erf) = vpow2.f32 v13;
	[tilespmem:v6+s12+$0x0] =	vst.idx.add.f32.msk $0xffff, v33  }
0x115: {  	v57 =	vmin.f32 v56, $0.0e+00;
	v6 =	vmul.f32 $1.442695020e+00, v7;
	(erf) = vpow2.f32 v10;
	[tilespmem:v5+s11+$0x0] =	vst.idx.add.f32.msk $0xffff, v54  }
0x116: {  	v7 =	vmul.f32 v21, v22;
	v10 =	vmul.f32 $2.000000030e-01, v57;
	[tilespmem:v5+s12+$0x0] =	vst.idx.add.f32.msk $0xffff, v55  }
0x117: {  	(erf) = vpow2.f32 v48;
	v5 =	vmax.f32 v56, $0.0e+00;
	[tilespmem:v4+s11+$0x0] =	vst.idx.add.f32.msk $0xffff, v21  }
0x118: {  	(erf) = vpow2.f32 v6;
	v6 =	vmul.f32 v35, v23;
	v5 =	vadd.f32 v10, v5;
	[tilespmem:v4+s12+$0x0] =	vst.idx.add.f32.msk $0xffff, v7  }
0x119: {  	[tilespmem:v3+s11+$0x0] =	vst.idx.add.f32.msk $0xffff, v35  }
0x11a: {  	v4 =	vmul.f32 v61, v24;
	v5 =	vmul.f32 $1.442695020e+00, v5;
	[tilespmem:v3+s12+$0x0] =	vst.idx.add.f32.msk $0xffff, v6  }
0x11b: {  	v3 =	vpop (erf);
	[tilespmem:v8+s11+$0x0] =	vst.idx.add.f32.msk $0xffff, v61  }
0x11c: {  	[tilespmem:v8+s12+$0x0] =	vst.idx.add.f32.msk $0xffff, v4;
	v4 =	vmul.f32 v3, v20;
	_ =	sdelay $0x1  }
0x11d: {  	(erf) = vpow2.f32 v5;
	v5 =	vpop (erf)  }
0x11e: {  	[tilespmem:v2+s11+$0x0] =	vst.idx.add.f32.msk $0xffff, v3;
	v3 =	vpop (erf)  }
0x11f: {  	[tilespmem:v2+s12+$0x0] =	vst.idx.add.f32.msk $0xffff, v4;
	v2 =	vmul.f32 v5, v31;
	v4 =	vpop (erf)  }
0x120: {  	[tilespmem:v25+s11+$0x0] =	vst.idx.add.f32.msk $0xffff, v5;
	v5 =	vpop (erf)  }
0x121: {  	[tilespmem:v25+s12+$0x0] =	vst.idx.add.f32.msk $0xffff, v2;
	v2 =	vmul.f32 v5, v29  }
0x122: {  	[tilespmem:v17+s11+$0x0] =	vst.idx.add.f32.msk $0xffff, v5  }
0x123: {  	v5 =	vmul.f32 v3, v28;
	[tilespmem:v17+s12+$0x0] =	vst.idx.add.f32.msk $0xffff, v2  }
0x124: {  	[tilespmem:v19+s11+$0x0] =	vst.idx.add.f32.msk $0xffff, v3  }
0x125: {  	v2 =	vmul.f32 v4, v27;
	[tilespmem:v19+s12+$0x0] =	vst.idx.add.f32.msk $0xffff, v5  }
0x126: {  	v3 =	vpop (erf);
	[tilespmem:v16+s11+$0x0] =	vst.idx.add.f32.msk $0xffff, v4  }
0x127: {  	v4 =	vmul.f32 v3, v26;
	[tilespmem:v16+s12+$0x0] =	vst.idx.add.f32.msk $0xffff, v2  }
0x128: {  	[tilespmem:v9+s11+$0x0] =	vst.idx.add.f32.msk $0xffff, v3  }
0x129: {  	[tilespmem:v9+s12+$0x0] =	vst.idx.add.f32.msk $0xffff, v4  }
0x12a: {  	v2 =	vld [tilespmem:$0x2700]  }
0x12b: {  	v3 =	vld [tilespmem:$0x4E80];
	_ =	sdelay $0x5  }
0x12c: {  	s0 =	simm.s32 $0x9F00  }
0x12d: {  	v2 =	vld.idx.msk [tilespmem:v2+s0+$0x0], $0xffff  }
0x12e: {  	v4 =	vld.idx.msk [tilespmem:v3+s0+$0x0], $0xffff;
	_ =	sdelay $0x4  }
0x12f: {  	v5 =	vmul.f32 v2, v0;
	v4 =	vmul.f32 v4, v1;
	_ =	sdelay $0x1  }
0x130: {  	v4 =	vadd.f32 v4, v5;
	_ =	sdelay $0x1  }
0x131: {  	v5 =	vmin.f32 v4, $0.0e+00  }
0x132: {  	v5 =	vmul.f32 $2.000000030e-01, v5  }
0x133: {  	v4 =	vmax.f32 v4, $0.0e+00  }
0x134: {  	v4 =	vadd.f32 v5, v4;
	_ =	sdelay $0x1  }
0x135: {  	v4 =	vmul.f32 $1.442695020e+00, v4;
	_ =	sdelay $0x1  }
0x136: {  	(erf) = vpow2.f32 v4;
	_ =	sdelay $0x8  }
0x137: {  	v4 =	vpop (erf)  }
0x138: {  	s31 =	simm.s32 $0xEF00;
	v2 =	vmul.f32 v4, v2  }
0x139: {  	s1 =	simm.s32 $0x11700;
	[tilespmem:v3+s31+$0x0] =	vst.idx.add.f32.msk $0xffff, v4  }
0x13a: {  	[tilespmem:v3+s1+$0x0] =	vst.idx.add.f32.msk $0xffff, v2  }
0x13b: {  	s2 =	simm.s32 $0x2800;
	s3 =	simm.s32 $0x1AF80;
	[bflag:$0x0] =	sbarrier.arrive $0xFFFF  }
0x13c: {  	[spmem:s6] =	stream.indirect.scatter.add.f32 [tilespmem:s31], [sflag:$0x1], $0x1, s3, s2, $0xb8;
	[tilespmem:$0x1ED90] =	vst v63  }
0x13d: {  	s6 =	simm.s32 $0x1  }
0x13e: {  	_ =	swait.ge [sflag:s6], $0x2800  }
0x13f: {  	[sflag:s6] =	ssyncset.done $0x0  }
0x140: {  	[sflag:s6] =	ssyncadd.s32 $0xFFFFD800  }
0x141: {  	[spmem:s5] =	stream.indirect.scatter.add.f32 [tilespmem:s1], [sflag:$0x1], $0x1, s3, s2, $0xb8;
	[tilespmem:$0x1ED90] =	vst v63  }
0x142: {  	_ =	swait.ge [sflag:s6], $0x2800  }
0x143: {  	[sflag:s6] =	ssyncset.done $0x0  }
0x144: {  	[sflag:s6] =	ssyncadd.s32 $0xFFFFD800  }
0x145: {  	s13 =	simm.s32 $0x19680;
	[bflag:$0x0] =	sbarrier.arrive $0xFFFF  }
0x146: {  	[tilespmem:s13], [sflag:$0x1] =	stream.linear.gather [spmem:s8], $0x80, $0x38;
	[tilespmem:$0x1ED90] =	vst v63  }
0x147: {  	s10 =	sadd.s32 $0x80, s8;
	s14 =	simm.s32 $0x19A80  }
0x148: {  	[tilespmem:s14], [sflag:$0x1] =	stream.linear.gather [spmem:s10], $0x80, $0x38;
	[tilespmem:$0x1ED90] =	vst v63  }
0x149: {  	s15 =	simm.s32 $0x19E80;
	s11 =	sadd.s32 $0x100, s8  }
0x14a: {  	[tilespmem:s15], [sflag:$0x1] =	stream.linear.gather [spmem:s11], $0x80, $0x38;
	[tilespmem:$0x1ED90] =	vst v63  }
0x14b: {  	s16 =	simm.s32 $0x1A280;
	s12 =	sadd.s32 $0x180, s8  }
0x14c: {  	[tilespmem:s16], [sflag:$0x1] =	stream.linear.gather [spmem:s12], $0x80, $0x38;
	[tilespmem:$0x1ED90] =	vst v63  }
0x14d: {  	s17 =	simm.s32 $0x1A680;
	s13 =	sadd.s32 $0x200, s8  }
0x14e: {  	[tilespmem:s17], [sflag:$0x1] =	stream.linear.gather [spmem:s13], $0x80, $0x38;
	[tilespmem:$0x1ED90] =	vst v63  }
0x14f: {  	_ =	swait.ge [sflag:s6], $0x280  }
0x150: {  	[sflag:s6] =	ssyncset.done $0x0  }
0x151: {  	s18 =	simm.s32 $0x19700;
	[sflag:s6] =	ssyncadd.s32 $0xFFFFFD80  }
0x152: {  	[tilespmem:s18], [sflag:$0x1] =	stream.linear.gather [spmem:s7], $0x80, $0x38;
	[tilespmem:$0x1ED90] =	vst v63  }
0x153: {  	s19 =	simm.s32 $0x19B00;
	s14 =	sadd.s32 $0x80, s7  }
0x154: {  	[tilespmem:s19], [sflag:$0x1] =	stream.linear.gather [spmem:s14], $0x80, $0x38;
	[tilespmem:$0x1ED90] =	vst v63  }
0x155: {  	s20 =	simm.s32 $0x19F00;
	s15 =	sadd.s32 $0x100, s7  }
0x156: {  	[tilespmem:s20], [sflag:$0x1] =	stream.linear.gather [spmem:s15], $0x80, $0x38;
	[tilespmem:$0x1ED90] =	vst v63  }
0x157: {  	s21 =	simm.s32 $0x1A300;
	s16 =	sadd.s32 $0x180, s7  }
0x158: {  	[tilespmem:s21], [sflag:$0x1] =	stream.linear.gather [spmem:s16], $0x80, $0x38;
	[tilespmem:$0x1ED90] =	vst v63  }
0x159: {  	s22 =	simm.s32 $0x1A700;
	s17 =	sadd.s32 $0x200, s7  }
0x15a: {  	[tilespmem:s22], [sflag:$0x1] =	stream.linear.gather [spmem:s17], $0x80, $0x38;
	[tilespmem:$0x1ED90] =	vst v63  }
0x15b: {  	s23 =	simm.s32 $0x0;
	s24 =	sadd.s32 $0x0, s4;
	_ =	swait.ge [sflag:s6], $0x280  }
0x15c: {  	s28 =	sand.u32 $0x70, s23;
	s2 =	sand.u32 $0x7F80, s24;
	[sflag:s6] =	ssyncset.done $0x0  }
0x15d: {  	s29 =	sor.u32 s28, s2;
	[sflag:s6] =	ssyncadd.s32 $0xFFFFFD80  }
0x15e: {  	v3 =	vld [tilespmem:s29+$0x9F00];
	_ =	sdelay $0x4  }
0x15f: {  	v2 =	vmul.f32 v3, v0;
	v4 =	vmul.f32 v3, v1;
	_ =	sdelay $0x1  }
0x160: {  	v2 =	vadd.f32 v4, v2;
	_ =	sdelay $0x1  }
0x161: {  	v4 =	vmin.f32 v2, $0.0e+00  }
0x162: {  	v4 =	vmul.f32 $2.000000030e-01, v4  }
0x163: {  	v2 =	vmax.f32 v2, $0.0e+00  }
0x164: {  	v2 =	vadd.f32 v4, v2;
	_ =	sdelay $0x1  }
0x165: {  	v2 =	vmul.f32 $1.442695020e+00, v2;
	_ =	sdelay $0x1  }
0x166: {  	(erf) = vpow2.f32 v2;
	_ =	sdelay $0x2  }
0x167: {  	s30 =	sand.u32 $0x1C00, s23  }
0x168: {  	s0 =	sor.u32 s28, s30  }
0x169: {  	v2 =	vld [tilespmem:s0+$0x19680];
	_ =	sdelay $0x3  }
0x16a: {  	v4 =	vpop (erf)  }
0x16b: {  	v2 =	vadd.f32 v4, v2;
	_ =	sdelay $0x1  }
0x16c: {  	(erf) = vrcp.f32 v2  }
0x16d: {  	v5 =	vimm.s32 $0x3  }
0x16e: {  	s0 =	sadd.s32 $0x19680, s0;
	v2 =	vimm.s32 $0x2  }
0x16f: {  	v6 =	vimm.s32 $0x4;
	v7 =	vld [tilespmem:s0+$0x80]  }
0x170: {  	v8 =	vimm.s32 $0x5  }
0x171: {  	v58 =	vimm.s32 $0x6;
	s31 =	simm.s32 $0x1D900  }
0x172: {  	v59 =	vimm.s32 $0x7;
	v60 =	vmul.f32 v4, v3;
	v4 =	vld.idx.msk [tilespmem:v5+s31+$0x0], $0xffff  }
0x173: {  	v2 =	vld.idx.msk [tilespmem:v2+s31+$0x0], $0xffff  }
0x174: {  	v3 =	vld.idx.msk [tilespmem:v6+s31+$0x0], $0xffff;
	v5 =	vadd.f32 v60, v7  }
0x175: {  	v6 =	vld.idx.msk [tilespmem:v8+s31+$0x0], $0xffff;
	v8 =	vpop (erf)  }
0x176: {  	v7 =	vld.idx.msk [tilespmem:v58+s31+$0x0], $0xffff;
	v8 =	vmul.f32 v8, v5  }
0x177: {  	v5 =	vld.idx.msk [tilespmem:v59+s31+$0x0], $0xffff  }
0x178: {  	v61 =	vmul.f32 v8, v2  }
0x179: {  	v62 =	vmul.f32 v8, v4  }
0x17a: {  	v8 =	vmul.f32 v8, v3;
	v9 =	vadd.f32 v61, v6  }
0x17b: {  	v10 =	vadd.f32 v62, v7  }
0x17c: {  	s1 =	simm.s32 $0x19180;
	s2 =	simm.s32 $0x18F00;
	v8 =	vadd.f32 v8, v5;
	v9 =	vmax.f32 v9, $0.0e+00  }
0x17d: {  	s3 =	simm.s32 $0x80;
	s18 =	simm.s32 $0x10;
	s19 =	sadd.s32 $0x10, s4;
	v63 =	vmax.f32 v10, $0.0e+00;
	[tilespmem:s2+$0x0] =	vst v9  }
0x17e: {  	s20 =	sand.u32 $0x7F80, s19;
	s19 =	sand.u32 $0x70, s18;
	s0 =	simm.s32 $0x19400;
	v8 =	vmax.f32 v8, $0.0e+00;
	[tilespmem:s1+$0x0] =	vst v63  }
0x17f: {  	s18 =	simm.s32 $0x20;
	s21 =	sor.u32 s19, s20;
	s20 =	sand.u32 $0x1C00, s3;
	[tilespmem:s0+$0x0] =	vst v8  }
.LBB2_7:
0x180: {  	p0 =	sne.s32 s18, $0x270;
	v8 =	vld [tilespmem:s21+$0x9F00];
	s19 =	sor.u32 s19, s20  }
0x181: {  	s20 =	sadd.s32 $0x19680, s19;
	v9 =	vld [tilespmem:s19+$0x19680]  }
0x182: {  	v10 =	vld [tilespmem:s20+$0x80];
	_ =	sdelay $0x2  }
0x183: {  	v11 =	vmul.f32 v8, v0;
	v12 =	vmul.f32 v8, v1;
	_ =	sdelay $0x1  }
0x184: {  	v11 =	vadd.f32 v12, v11;
	_ =	sdelay $0x1  }
0x185: {  	v12 =	vmin.f32 v11, $0.0e+00  }
0x186: {  	v12 =	vmul.f32 $2.000000030e-01, v12  }
0x187: {  	v11 =	vmax.f32 v11, $0.0e+00  }
0x188: {  	v11 =	vadd.f32 v12, v11;
	_ =	sdelay $0x1  }
0x189: {  	v11 =	vmul.f32 $1.442695020e+00, v11;
	_ =	sdelay $0x1  }
0x18a: {  	(erf) = vpow2.f32 v11;
	_ =	sdelay $0x8  }
0x18b: {  	v11 =	vpop (erf)  }
0x18c: {  	v9 =	vadd.f32 v11, v9;
	_ =	sdelay $0x1  }
0x18d: {  	(erf) = vrcp.f32 v9;
	_ =	sdelay $0x5  }
0x18e: {  	v8 =	vmul.f32 v11, v8;
	_ =	sdelay $0x1  }
0x18f: {  	v8 =	vadd.f32 v8, v10  }
0x190: {  	v9 =	vpop (erf)  }
0x191: {  	v8 =	vmul.f32 v9, v8;
	_ =	sdelay $0x1  }
0x192: {  	v9 =	vmul.f32 v8, v2  }
0x193: {  	v10 =	vmul.f32 v8, v4  }
0x194: {  	v8 =	vmul.f32 v8, v3;
	v9 =	vadd.f32 v9, v6  }
.Ltmp3:
0x195: {  	v10 =	vadd.f32 v10, v7;
	(pc) =	sbr.rel @p0 .LBB2_7-.Ltmp3, $4  }
0x196: {  	s2 =	sadd.s32 $0x10, s2;
	v8 =	vadd.f32 v8, v5;
	v9 =	vmax.f32 v9, $0.0e+00  }
0x197: {  	s3 =	sadd.s32 $0x80, s3;
	s1 =	sadd.s32 $0x10, s1;
	s19 =	sadd.s32 s18, s4;
	[tilespmem:s2+$0x0] =	vst v9;
	v9 =	vmax.f32 v10, $0.0e+00  }
0x198: {  	s0 =	sadd.s32 $0x10, s0;
	s20 =	sand.u32 $0x7F80, s19;
	s19 =	sand.u32 $0x70, s18;
	v8 =	vmax.f32 v8, $0.0e+00;
	[tilespmem:s1+$0x0] =	vst v9  }
0x199: {  	s18 =	sadd.s32 $0x10, s18;
	s21 =	sor.u32 s19, s20;
	s20 =	sand.u32 $0x1C00, s3;
	[tilespmem:s0+$0x0] =	vst v8  }
0x19a: {  	v8 =	vld [tilespmem:s21+$0x9F00];
	_ =	sdelay $0x4  }
0x19b: {  	v0 =	vmul.f32 v8, v0;
	v1 =	vmul.f32 v8, v1;
	_ =	sdelay $0x1  }
0x19c: {  	v0 =	vadd.f32 v1, v0;
	_ =	sdelay $0x1  }
0x19d: {  	v1 =	vmin.f32 v0, $0.0e+00  }
0x19e: {  	v1 =	vmul.f32 $2.000000030e-01, v1  }
0x19f: {  	v0 =	vmax.f32 v0, $0.0e+00  }
0x1a0: {  	v0 =	vadd.f32 v1, v0;
	_ =	sdelay $0x1  }
0x1a1: {  	v0 =	vmul.f32 $1.442695020e+00, v0;
	_ =	sdelay $0x1  }
0x1a2: {  	(erf) = vpow2.f32 v0;
	_ =	sdelay $0x3  }
0x1a3: {  	s3 =	sor.u32 s19, s20  }
0x1a4: {  	v0 =	vld [tilespmem:s3+$0x19680];
	_ =	sdelay $0x3  }
0x1a5: {  	v1 =	vpop (erf)  }
0x1a6: {  	v0 =	vadd.f32 v1, v0;
	_ =	sdelay $0x1  }
0x1a7: {  	(erf) = vrcp.f32 v0;
	_ =	sdelay $0x1  }
0x1a8: {  	s3 =	sadd.s32 $0x19680, s3  }
0x1a9: {  	v0 =	vld [tilespmem:s3+$0x80];
	_ =	sdelay $0x1  }
0x1aa: {  	v1 =	vmul.f32 v1, v8;
	_ =	sdelay $0x2  }
0x1ab: {  	v0 =	vadd.f32 v1, v0  }
0x1ac: {  	v1 =	vpop (erf)  }
0x1ad: {  	v0 =	vmul.f32 v1, v0;
	_ =	sdelay $0x1  }
0x1ae: {  	v1 =	vmul.f32 v0, v2  }
0x1af: {  	v2 =	vmul.f32 v0, v4  }
0x1b0: {  	v0 =	vmul.f32 v0, v3;
	v1 =	vadd.f32 v1, v6  }
0x1b1: {  	v3 =	vimm.s32 $0x8;
	v2 =	vadd.f32 v2, v7  }
0x1b2: {  	s2 =	sadd.s32 $0x10, s2;
	v4 =	vimm.s32 $0x9;
	v0 =	vadd.f32 v0, v5;
	v1 =	vmax.f32 v1, $0.0e+00  }
0x1b3: {  	s1 =	sadd.s32 $0x10, s1;
	v8 =	vimm.s32 $0xD;
	[tilespmem:s2+$0x0] =	vst v1;
	v1 =	vmax.f32 v2, $0.0e+00  }
0x1b4: {  	s0 =	sadd.s32 $0x10, s0;
	v0 =	vmax.f32 v0, $0.0e+00;
	[tilespmem:s1+$0x0] =	vst v1  }
0x1b5: {  	s29 =	simm.s32 $0x1D900;
	v1 =	vimm.s32 $0xB;
	[tilespmem:s0+$0x0] =	vst v0  }
0x1b6: {  	v0 =	vimm.s32 $0xC;
	v3 =	vld.idx.msk [tilespmem:v3+s29+$0x0], $0xffff  }
0x1b7: {  	v4 =	vld.idx.msk [tilespmem:v4+s29+$0x0], $0xffff  }
0x1b8: {  	v2 =	vimm.s32 $0xA;
	s1 =	simm.s32 $0x18F00;
	v8 =	vld.idx.msk [tilespmem:v8+s29+$0x0], $0xffff  }
0x1b9: {  	v14 =	vld [tilespmem:s1+$0x0]  }
0x1ba: {  	v6 =	vld.idx.msk [tilespmem:v1+s29+$0x0], $0xffff;
	v1 =	vimm.s32 $0xE  }
0x1bb: {  	s30 =	simm.s32 $0x19400;
	v7 =	vld.idx.msk [tilespmem:v0+s29+$0x0], $0xffff;
	v0 =	vimm.s32 $0xF  }
0x1bc: {  	v15 =	vld [tilespmem:s30+$0x0]  }
0x1bd: {  	s0 =	simm.s32 $0x19180;
	v5 =	vld.idx.msk [tilespmem:v2+s29+$0x0], $0xffff  }
0x1be: {  	v11 =	vimm.s32 $0x10;
	v2 =	vld [tilespmem:s0+$0x0]  }
0x1bf: {  	v9 =	vld.idx.msk [tilespmem:v1+s29+$0x0], $0xffff;
	v1 =	vimm.s32 $0x14  }
0x1c0: {  	v10 =	vld.idx.msk [tilespmem:v0+s29+$0x0], $0xffff;
	v0 =	vimm.s32 $0x15;
	_ =	sdelay $0x1  }
0x1c1: {  	v17 =	vimm.s32 $0x16  }
0x1c2: {  	v16 =	vimm.s32 $0x11;
	v11 =	vld.idx.msk [tilespmem:v11+s29+$0x0], $0xffff;
	v20 =	vmul.f32 v14, v3;
	v19 =	vmul.f32 v2, v6  }
0x1c3: {  	v18 =	vimm.s32 $0x12;
	v22 =	vmul.f32 v14, v4;
	v12 =	vld.idx.msk [tilespmem:v1+s29+$0x0], $0xffff;
	v1 =	vmul.f32 v2, v7  }
0x1c4: {  	v19 =	vadd.f32 v19, v20;
	v2 =	vmul.f32 v2, v8;
	v60 =	vmul.f32 v15, v9;
	v13 =	vld.idx.msk [tilespmem:v0+s29+$0x0], $0xffff  }
0x1c5: {  	v0 =	vmul.f32 v14, v5;
	v61 =	vmul.f32 v15, v10;
	v1 =	vadd.f32 v1, v22  }
0x1c6: {  	v21 =	vimm.s32 $0x13;
	v14 =	vld.idx.msk [tilespmem:v17+s29+$0x0], $0xffff;
	v17 =	vadd.f32 v60, v19  }
0x1c7: {  	s2 =	simm.s32 $0x0;
	v15 =	vmul.f32 v15, v11;
	v2 =	vadd.f32 v2, v0;
	v62 =	vadd.f32 v61, v1  }
0x1c8: {  	s18 =	sand.u32 $0x70, s2;
	s31 =	sand.u32 $0x1C00, s2  }
0x1c9: {  	s19 =	sor.u32 s18, s31;
	v44 =	vld.idx.msk [tilespmem:v16+s29+$0x0], $0xffff;
	v15 =	vadd.f32 v15, v2;
	v16 =	vmul.f32 v17, v12;
	v63 =	vmul.f32 v62, v13  }
0x1ca: {  	s18 =	sadd.s32 $0x19680, s19;
	v1 =	vld.idx.msk [tilespmem:v18+s29+$0x0], $0xffff  }
0x1cb: {  	v2 =	vld.idx.msk [tilespmem:v21+s29+$0x0], $0xffff;
	[tilespmem:s18+$0x80] =	vst v17;
	v17 =	vmul.f32 v15, v14;
	v16 =	vadd.f32 v63, v16  }
0x1cc: {  	[tilespmem:s18+$0x100] =	vst v62  }
0x1cd: {  	s3 =	simm.s32 $0x10;
	[tilespmem:s18+$0x180] =	vst v15;
	s18 =	simm.s32 $0x19410;
	v15 =	vadd.f32 v16, v17  }
.LBB2_9:
0x1ce: {  	s2 =	sadd.s32 $0x80, s2;
	s1 =	sadd.s32 $0x10, s1;
	s0 =	sadd.s32 $0x10, s0  }
0x1cf: {  	p0 =	sne.s32 s3, $0x270;
	[tilespmem:s19+$0x19680] =	vst v15;
	s19 =	smov.u32 s3;
	s3 =	sadd.s32 $0x10, s3  }
0x1d0: {  	v15 =	vld [tilespmem:s0+$0x0]  }
0x1d1: {  	v16 =	vld [tilespmem:s1+$0x0];
	_ =	sdelay $0x1  }
0x1d2: {  	v17 =	vld [tilespmem:s18+$0x0];
	_ =	sdelay $0x1  }
0x1d3: {  	v18 =	vmul.f32 v15, v6;
	v19 =	vmul.f32 v15, v7  }
0x1d4: {  	v20 =	vmul.f32 v16, v3;
	v21 =	vmul.f32 v16, v4  }
0x1d5: {  	v15 =	vmul.f32 v15, v8;
	v16 =	vmul.f32 v16, v5  }
0x1d6: {  	v18 =	vadd.f32 v18, v20;
	v20 =	vmul.f32 v17, v9;
	v19 =	vadd.f32 v19, v21  }
0x1d7: {  	s20 =	sand.u32 $0x1C00, s2;
	s19 =	sand.u32 $0x70, s19;
	v21 =	vmul.f32 v17, v10;
	v15 =	vadd.f32 v15, v16;
	v16 =	vmul.f32 v17, v11  }
0x1d8: {  	s19 =	sor.u32 s19, s20;
	v17 =	vadd.f32 v20, v18  }
0x1d9: {  	s20 =	sadd.s32 $0x19680, s19;
	v18 =	vadd.f32 v21, v19;
	v15 =	vadd.f32 v16, v15  }
0x1da: {  	v16 =	vmul.f32 v17, v12;
	[tilespmem:s20+$0x80] =	vst v17  }
.Ltmp4:
0x1db: {  	v17 =	vmul.f32 v18, v13;
	[tilespmem:s20+$0x100] =	vst v18;
	(pc) =	sbr.rel @p0 .LBB2_9-.Ltmp4, $3  }
0x1dc: {  	v18 =	vmul.f32 v15, v14;
	[tilespmem:s20+$0x180] =	vst v15  }
0x1dd: {  	v15 =	vadd.f32 v17, v16;
	_ =	sdelay $0x1  }
0x1de: {  	s18 =	sadd.s32 $0x10, s18;
	v15 =	vadd.f32 v15, v18  }
0x1df: {  	_ = 	snop  }
0x1e0: {  	s20 =	sadd.s32 s4, s9;
	s0 =	simm.s32 $0x19680;
	[tilespmem:s19+$0x19680] =	vst v15  }
0x1e1: {  	[spmem:s20] =	stream.linear.scatter [tilespmem:s0], [sflag:$0x1], $0x80, $0x38;
	[tilespmem:$0x1ED90] =	vst v63  }
0x1e2: {  	s23 =	simm.s32 $0x19A80;
	s21 =	sadd.s32 $0x80, s20  }
0x1e3: {  	[spmem:s21] =	stream.linear.scatter [tilespmem:s23], [sflag:$0x1], $0x80, $0x38;
	[tilespmem:$0x1ED90] =	vst v63  }
0x1e4: {  	s24 =	simm.s32 $0x19E80;
	s22 =	sadd.s32 $0x100, s20  }
0x1e5: {  	[spmem:s22] =	stream.linear.scatter [tilespmem:s24], [sflag:$0x1], $0x80, $0x38;
	[tilespmem:$0x1ED90] =	vst v63  }
0x1e6: {  	s28 =	simm.s32 $0x1A280;
	s23 =	sadd.s32 $0x180, s20  }
0x1e7: {  	[spmem:s23] =	stream.linear.scatter [tilespmem:s28], [sflag:$0x1], $0x80, $0x38;
	[tilespmem:$0x1ED90] =	vst v63  }
0x1e8: {  	s29 =	simm.s32 $0x1A680;
	s0 =	simm.s32 $0x1;
	s24 =	sadd.s32 $0x200, s20  }
0x1e9: {  	[spmem:s24] =	stream.linear.scatter [tilespmem:s29], [sflag:$0x1], $0x80, $0x38;
	[tilespmem:$0x1ED90] =	vst v63  }
0x1ea: {  	_ =	swait.ge [sflag:s0], $0x280  }
0x1eb: {  	[sflag:s0] =	ssyncset.done $0x0  }
0x1ec: {  	s2 =	simm.s32 $0x19700;
	s1 =	sadd.s32 $0x2800, s20;
	[sflag:s0] =	ssyncadd.s32 $0xFFFFFD80  }
0x1ed: {  	[spmem:s1] =	stream.linear.scatter [tilespmem:s2], [sflag:$0x1], $0x80, $0x38;
	[tilespmem:$0x1ED90] =	vst v63  }
0x1ee: {  	s31 =	simm.s32 $0x19B00;
	s30 =	sadd.s32 $0x2880, s20  }
0x1ef: {  	[spmem:s30] =	stream.linear.scatter [tilespmem:s31], [sflag:$0x1], $0x80, $0x38;
	[tilespmem:$0x1ED90] =	vst v63  }
0x1f0: {  	s6 =	smov.u32 s5;
	s5 =	simm.s32 $0x19F00;
	s3 =	sadd.s32 $0x2900, s20  }
0x1f1: {  	[spmem:s3] =	stream.linear.scatter [tilespmem:s5], [sflag:$0x1], $0x80, $0x38;
	[tilespmem:$0x1ED90] =	vst v63  }
0x1f2: {  	s18 =	sadd.s32 $0x2980, s20;
	s19 =	simm.s32 $0x1A300  }
0x1f3: {  	[spmem:s18] =	stream.linear.scatter [tilespmem:s19], [sflag:$0x1], $0x80, $0x38;
	[tilespmem:$0x1ED90] =	vst v63  }
0x1f4: {  	s28 =	sadd.s32 $0x2A00, s20;
	s29 =	simm.s32 $0x1A700  }
0x1f5: {  	[spmem:s28] =	stream.linear.scatter [tilespmem:s29], [sflag:$0x1], $0x80, $0x38;
	[tilespmem:$0x1ED90] =	vst v63  }
0x1f6: {  	_ =	swait.ge [sflag:s0], $0x280  }
0x1f7: {  	[sflag:s0] =	ssyncset.done $0x0  }
0x1f8: {  	s30 =	sadd.s32 $0x5000, s20;
	s31 =	simm.s32 $0x19780;
	[sflag:s0] =	ssyncadd.s32 $0xFFFFFD80  }
0x1f9: {  	[spmem:s30] =	stream.linear.scatter [tilespmem:s31], [sflag:$0x1], $0x80, $0x38;
	[tilespmem:$0x1ED90] =	vst v63  }
0x1fa: {  	s3 =	sadd.s32 $0x5080, s20;
	s5 =	simm.s32 $0x19B80  }
0x1fb: {  	[spmem:s3] =	stream.linear.scatter [tilespmem:s5], [sflag:$0x1], $0x80, $0x38;
	[tilespmem:$0x1ED90] =	vst v63  }
0x1fc: {  	s18 =	sadd.s32 $0x5100, s20;
	s19 =	simm.s32 $0x19F80  }
0x1fd: {  	[spmem:s18] =	stream.linear.scatter [tilespmem:s19], [sflag:$0x1], $0x80, $0x38;
	[tilespmem:$0x1ED90] =	vst v63  }
0x1fe: {  	s28 =	sadd.s32 $0x5180, s20;
	s29 =	simm.s32 $0x1A380  }
0x1ff: {  	[spmem:s28] =	stream.linear.scatter [tilespmem:s29], [sflag:$0x1], $0x80, $0x38;
	[tilespmem:$0x1ED90] =	vst v63  }
0x200: {  	s30 =	sadd.s32 $0x5200, s20;
	s31 =	simm.s32 $0x1A780  }
0x201: {  	[spmem:s30] =	stream.linear.scatter [tilespmem:s31], [sflag:$0x1], $0x80, $0x38;
	[tilespmem:$0x1ED90] =	vst v63  }
0x202: {  	_ =	swait.ge [sflag:s0], $0x280  }
0x203: {  	[sflag:s0] =	ssyncset.done $0x0  }
0x204: {  	s3 =	sadd.s32 $0x7800, s20;
	s5 =	simm.s32 $0x19800;
	[sflag:s0] =	ssyncadd.s32 $0xFFFFFD80  }
0x205: {  	[spmem:s3] =	stream.linear.scatter [tilespmem:s5], [sflag:$0x1], $0x80, $0x38;
	[tilespmem:$0x1ED90] =	vst v63  }
0x206: {  	s18 =	sadd.s32 $0x7880, s20;
	s19 =	simm.s32 $0x19C00  }
0x207: {  	[spmem:s18] =	stream.linear.scatter [tilespmem:s19], [sflag:$0x1], $0x80, $0x38;
	[tilespmem:$0x1ED90] =	vst v63  }
0x208: {  	s28 =	sadd.s32 $0x7900, s20;
	s29 =	simm.s32 $0x1A000  }
0x209: {  	[spmem:s28] =	stream.linear.scatter [tilespmem:s29], [sflag:$0x1], $0x80, $0x38;
	[tilespmem:$0x1ED90] =	vst v63  }
0x20a: {  	s30 =	sadd.s32 $0x7980, s20;
	s31 =	simm.s32 $0x1A400  }
0x20b: {  	[spmem:s30] =	stream.linear.scatter [tilespmem:s31], [sflag:$0x1], $0x80, $0x38;
	[tilespmem:$0x1ED90] =	vst v63  }
0x20c: {  	s2 =	sadd.s32 $0x7A00, s20;
	s3 =	simm.s32 $0x1A800  }
0x20d: {  	[spmem:s2] =	stream.linear.scatter [tilespmem:s3], [sflag:$0x1], $0x80, $0x38;
	[tilespmem:$0x1ED90] =	vst v63  }
0x20e: {  	_ =	swait.ge [sflag:s0], $0x280  }
0x20f: {  	[sflag:s0] =	ssyncset.done $0x0  }
0x210: {  	[sflag:s0] =	ssyncadd.s32 $0xFFFFFD80  }
0x211: {  	s5 =	simm.s32 $0x4F00;
	[bflag:$0x0] =	sbarrier.arrive $0xFFFF  }
0x212: {  	[tilespmem:s5], [sflag:$0x1] =	stream.linear.gather [spmem:s9], $0x2800, $0x38;
	[tilespmem:$0x1ED90] =	vst v63  }
0x213: {  	_ =	swait.ge [sflag:s0], $0x2800  }
0x214: {  	[sflag:s0] =	ssyncset.done $0x0  }
0x215: {  	s18 =	sadd.s32 $0x2800, s9;
	s19 =	simm.s32 $0x7700;
	[sflag:s0] =	ssyncadd.s32 $0xFFFFD800  }
0x216: {  	[tilespmem:s19], [sflag:$0x1] =	stream.linear.gather [spmem:s18], $0x2800, $0x38;
	[tilespmem:$0x1ED90] =	vst v63  }
0x217: {  	_ =	swait.ge [sflag:s0], $0x2800  }
0x218: {  	[sflag:s0] =	ssyncset.done $0x0  }
0x219: {  	s28 =	sadd.s32 $0x5000, s9;
	s29 =	simm.s32 $0x9F00;
	[sflag:s0] =	ssyncadd.s32 $0xFFFFD800  }
0x21a: {  	[tilespmem:s29], [sflag:$0x1] =	stream.linear.gather [spmem:s28], $0x2800, $0x38;
	[tilespmem:$0x1ED90] =	vst v63  }
0x21b: {  	_ =	swait.ge [sflag:s0], $0x2800  }
0x21c: {  	[sflag:s0] =	ssyncset.done $0x0  }
0x21d: {  	s30 =	sadd.s32 $0x7800, s9;
	s31 =	simm.s32 $0xC700;
	[sflag:s0] =	ssyncadd.s32 $0xFFFFD800  }
0x21e: {  	[tilespmem:s31], [sflag:$0x1] =	stream.linear.gather [spmem:s30], $0x2800, $0x38;
	[tilespmem:$0x1ED90] =	vst v63  }
0x21f: {  	_ =	swait.ge [sflag:s0], $0x2800  }
0x220: {  	[sflag:s0] =	ssyncset.done $0x0  }
0x221: {  	v3 =	vimm.f32 $0.0e+00;
	s1 =	simm.s32 $0x40;
	[sflag:s0] =	ssyncadd.s32 $0xFFFFD800;
	s0 =	simm.s32 $0x0  }
.LBB2_11:
0x222: {  	p0 =	sne.s32 s1, $0x9FC0;
	[tilespmem:s0+$0x16700] =	vst v3;
	s2 =	smov.u32 s1;
	s1 =	sadd.s32 $0x40, s1  }
.Ltmp5:
0x223: {  	[tilespmem:s0+$0x13F00] =	vst v3;
	(pc) =	sbr.rel @p0 .LBB2_11-.Ltmp5, $3  }
0x224: {  	[tilespmem:s0+$0xEF00] =	vst v3  }
0x225: {  	[tilespmem:s0+$0x11700] =	vst v3;
	_ =	sdelay $0x1  }
0x226: {  	s0 =	sshra.s32 s2, $0x2  }
0x227: {  	[tilespmem:s0+$0x16700] =	vst v3  }
0x228: {  	[tilespmem:s0+$0x13F00] =	vst v3  }
0x229: {  	[tilespmem:s0+$0xEF00] =	vst v3  }
0x22a: {  	[tilespmem:s0+$0x11700] =	vst v3;
	s19 =	simm.s32 $0x1AD00;
	s1 =	simm.s32 $0x1  }
0x22b: {  	[spmem:s8] =	stream.linear.scatter [tilespmem:s19], [sflag:$0x1], $0x280, $0x38;
	[tilespmem:$0x1ED90] =	vst v63  }
0x22c: {  	_ =	swait.ge [sflag:s1], $0x280  }
0x22d: {  	[sflag:s1] =	ssyncset.done $0x0  }
0x22e: {  	[sflag:s1] =	ssyncadd.s32 $0xFFFFFD80  }
0x22f: {  	[spmem:s7] =	stream.linear.scatter [tilespmem:s19], [sflag:$0x1], $0x280, $0x38;
	[tilespmem:$0x1ED90] =	vst v63  }
0x230: {  	_ =	swait.ge [sflag:s1], $0x280  }
0x231: {  	[sflag:s1] =	ssyncset.done $0x0  }
0x232: {  	s9 =	smov.u32 s26;
	s26 =	sadd.s32 s4, s26;
	[sflag:s1] =	ssyncadd.s32 $0xFFFFFD80  }
0x233: {  	[spmem:s26] =	stream.linear.scatter [tilespmem:s19], [sflag:$0x1], $0x280, $0x38;
	[tilespmem:$0x1ED90] =	vst v63  }
0x234: {  	s5 =	smov.u32 s25;
	_ =	swait.ge [sflag:s1], $0x280  }
0x235: {  	s25 =	sadd.s32 s4, s25;
	s28 =	simm.s32 $0x0;
	[sflag:s1] =	ssyncset.done $0x0  }
0x236: {  	s29 =	simm.s32 $0x4F00;
	s30 =	simm.s32 $0x7700;
	[sflag:s1] =	ssyncadd.s32 $0xFFFFFD80  }
0x237: {  	[spmem:s25] =	stream.linear.scatter [tilespmem:s19], [sflag:$0x1], $0x280, $0x38;
	[tilespmem:$0x1ED90] =	vst v63  }
0x238: {  	s31 =	simm.s32 $0x9F00;
	s2 =	simm.s32 $0xEF00;
	_ =	swait.ge [sflag:s1], $0x280  }
0x239: {  	s3 =	simm.s32 $0x11700;
	s0 =	simm.s32 $0x13F00;
	[sflag:s1] =	ssyncset.done $0x0  }
0x23a: {  	s18 =	simm.s32 $0x16700;
	[sflag:s1] =	ssyncadd.s32 $0xFFFFFD80;
	s1 =	simm.s32 $0xC700  }
.LBB2_13:
0x23b: {  	s19 =	sshra.s32 s28, $0x2  }
0x23c: {  	v30 =	vld [tilespmem:s19+$0xA0];
	_ =	sdelay $0x2  }
0x23d: {  	v3 =	vld [tilespmem:s19+$0x0]  }
0x23e: {  	v5 =	vld [tilespmem:s19+$0x10]  }
0x23f: {  	v31 =	vld [tilespmem:s19+$0xB0]  }
0x240: {  	v14 =	vld [tilespmem:s19+$0x20]  }
0x241: {  	v15 =	vld [tilespmem:s19+$0x30]  }
0x242: {  	v0 =	vld.idx.msk [tilespmem:v30+s30+$0x0], $0xffff  }
0x243: {  	v16 =	vld [tilespmem:s19+$0x40]  }
0x244: {  	v32 =	vld [tilespmem:s19+$0xC0]  }
0x245: {  	v18 =	vld [tilespmem:s19+$0x50]  }
0x246: {  	v20 =	vld [tilespmem:s19+$0x60]  }
0x247: {  	[tilespmem:$0x1FEA0] =	vst v0;
	v0 =	vld.idx.msk [tilespmem:v31+s30+$0x0], $0xffff  }
0x248: {  	v24 =	vld [tilespmem:s19+$0x70]  }
0x249: {  	v34 =	vld [tilespmem:s19+$0xD0]  }
0x24a: {  	v27 =	vld [tilespmem:s19+$0x80]  }
0x24b: {  	v28 =	vld [tilespmem:s19+$0x90]  }
0x24c: {  	[tilespmem:$0x1FEB0] =	vst v0;
	v0 =	vld.idx.msk [tilespmem:v32+s30+$0x0], $0xffff  }
0x24d: {  	v37 =	vld [tilespmem:s19+$0xE0]  }
0x24e: {  	v39 =	vld [tilespmem:s19+$0xF0]  }
0x24f: {  	v58 =	vld [tilespmem:s19+$0x2780]  }
0x250: {  	v53 =	vld [tilespmem:s19+$0x2790]  }
0x251: {  	[tilespmem:$0x1FED0] =	vst v0;
	v0 =	vld.idx.msk [tilespmem:v34+s30+$0x0], $0xffff  }
0x252: {  	v49 =	vld [tilespmem:s19+$0x27A0]  }
0x253: {  	v46 =	vld [tilespmem:s19+$0x27B0]  }
0x254: {  	v41 =	vld [tilespmem:s19+$0x27C0]  }
0x255: {  	v36 =	vld [tilespmem:s19+$0x27D0]  }
0x256: {  	[tilespmem:$0x1FEF0] =	vst v0;
	v0 =	vld.idx.msk [tilespmem:v37+s30+$0x0], $0xffff  }
0x257: {  	v25 =	vld [tilespmem:s19+$0x27E0]  }
0x258: {  	v21 =	vld [tilespmem:s19+$0x27F0]  }
0x259: {  	v6 =	vld.idx.msk [tilespmem:v58+s29+$0x0], $0xffff  }
0x25a: {  	v11 =	vld.idx.msk [tilespmem:v3+s30+$0x0], $0xffff  }
0x25b: {  	[tilespmem:$0x1FF40] =	vst v0;
	v0 =	vld.idx.msk [tilespmem:v39+s30+$0x0], $0xffff  }
0x25c: {  	v60 =	vld.idx.msk [tilespmem:v5+s30+$0x0], $0xffff  }
0x25d: {  	v56 =	vld.idx.msk [tilespmem:v14+s30+$0x0], $0xffff  }
0x25e: {  	v52 =	vld.idx.msk [tilespmem:v15+s30+$0x0], $0xffff  }
0x25f: {  	v48 =	vld.idx.msk [tilespmem:v16+s30+$0x0], $0xffff  }
0x260: {  	[tilespmem:$0x1FFA0] =	vst v0;
	v0 =	vld.idx.msk [tilespmem:v31+s31+$0x0], $0xffff  }
0x261: {  	v19 =	vld.idx.msk [tilespmem:v18+s30+$0x0], $0xffff  }
0x262: {  	v26 =	vld.idx.msk [tilespmem:v20+s30+$0x0], $0xffff  }
0x263: {  	v7 =	vld.idx.msk [tilespmem:v24+s30+$0x0], $0xffff  }
0x264: {  	v38 =	vld.idx.msk [tilespmem:v27+s30+$0x0], $0xffff  }
0x265: {  	[tilespmem:$0x1FEC0] =	vst v0;
	v0 =	vld.idx.msk [tilespmem:v32+s31+$0x0], $0xffff  }
0x266: {  	v40 =	vld.idx.msk [tilespmem:v28+s30+$0x0], $0xffff  }
0x267: {  	v61 =	vld.idx.msk [tilespmem:v3+s31+$0x0], $0xffff  }
0x268: {  	v63 =	vld.idx.msk [tilespmem:v5+s31+$0x0], $0xffff  }
0x269: {  	v59 =	vld.idx.msk [tilespmem:v14+s31+$0x0], $0xffff  }
0x26a: {  	[tilespmem:$0x1FEE0] =	vst v0;
	v0 =	vld.idx.msk [tilespmem:v34+s31+$0x0], $0xffff  }
0x26b: {  	v54 =	vld.idx.msk [tilespmem:v15+s31+$0x0], $0xffff  }
0x26c: {  	v51 =	vld.idx.msk [tilespmem:v16+s31+$0x0], $0xffff  }
0x26d: {  	v47 =	vld.idx.msk [tilespmem:v18+s31+$0x0], $0xffff  }
0x26e: {  	v29 =	vld.idx.msk [tilespmem:v20+s31+$0x0], $0xffff  }
0x26f: {  	[tilespmem:$0x1FF00] =	vst v0;
	v0 =	vld.idx.msk [tilespmem:v37+s31+$0x0], $0xffff  }
0x270: {  	v33 =	vld.idx.msk [tilespmem:v24+s31+$0x0], $0xffff  }
0x271: {  	v8 =	vld.idx.msk [tilespmem:v27+s31+$0x0], $0xffff  }
0x272: {  	v42 =	vld.idx.msk [tilespmem:v28+s31+$0x0], $0xffff  }
0x273: {  	v10 =	vld.idx.msk [tilespmem:v30+s31+$0x0], $0xffff  }
0x274: {  	[tilespmem:$0x1FF50] =	vst v0;
	v0 =	vld.idx.msk [tilespmem:v39+s31+$0x0], $0xffff  }
0x275: {  	v9 =	vld.idx.msk [tilespmem:v3+s1+$0x0], $0xffff  }
0x276: {  	v12 =	vld.idx.msk [tilespmem:v5+s1+$0x0], $0xffff  }
0x277: {  	v62 =	vld.idx.msk [tilespmem:v14+s1+$0x0], $0xffff  }
0x278: {  	v57 =	vld.idx.msk [tilespmem:v15+s1+$0x0], $0xffff  }
0x279: {  	[tilespmem:$0x1FFC0] =	vst v0;
	v0 =	vld.idx.msk [tilespmem:v34+s1+$0x0], $0xffff  }
0x27a: {  	v50 =	vld.idx.msk [tilespmem:v18+s1+$0x0], $0xffff;
	v35 =	vmul.f32 v11, v44;
	v43 =	vmul.f32 v61, v1  }
0x27b: {  	v18 =	vld.idx.msk [tilespmem:v24+s1+$0x0], $0xffff  }
0x27c: {  	v24 =	vld.idx.msk [tilespmem:v27+s1+$0x0], $0xffff;
	v4 =	vmul.f32 v9, v2;
	v5 =	vmul.f32 v60, v44;
	v14 =	vadd.f32 v43, v35  }
0x27d: {  	v17 =	vld.idx.msk [tilespmem:v30+s1+$0x0], $0xffff;
	v35 =	vmul.f32 v63, v1;
	v43 =	vmul.f32 v59, v1  }
0x27e: {  	v30 =	vadd.f32 v4, v14;
	v14 =	vmul.f32 v56, v44;
	[tilespmem:$0x1FF10] =	vst v0;
	v0 =	vld.idx.msk [tilespmem:v37+s1+$0x0], $0xffff  }
0x27f: {  	v27 =	vld.idx.msk [tilespmem:v28+s1+$0x0], $0xffff;
	v28 =	vadd.f32 v35, v5  }
0x280: {  	v55 =	vld.idx.msk [tilespmem:v16+s1+$0x0], $0xffff;
	v4 =	vmul.f32 v12, v2;
	v5 =	vmul.f32 v62, v2;
	v14 =	vadd.f32 v43, v14  }
0x281: {  	v45 =	vld.idx.msk [tilespmem:v20+s1+$0x0], $0xffff;
	v23 =	vmul.f32 v19, v44  }
0x282: {  	v13 =	vld.idx.msk [tilespmem:v31+s1+$0x0], $0xffff;
	v28 =	vadd.f32 v4, v28;
	v4 =	vadd.f32 v5, v14;
	v5 =	vmul.f32 v47, v1  }
0x283: {  	[tilespmem:$0x1FF60] =	vst v0;
	v0 =	vld.idx.msk [tilespmem:v39+s1+$0x0], $0xffff  }
0x284: {  	v20 =	vld.idx.msk [tilespmem:v32+s1+$0x0], $0xffff;
	v16 =	vmul.f32 v48, v44;
	v32 =	vadd.f32 v5, v23;
	v23 =	vmul.f32 v50, v2  }
0x285: {  	[tilespmem:$0x1FF80] =	vst v33;
	v22 =	vmul.f32 v51, v1;
	v35 =	vmul.f32 v33, v1;
	v33 =	vld [tilespmem:s19+$0x2850]  }
0x286: {  	v15 =	vmul.f32 v52, v44;
	v43 =	vmul.f32 v54, v1;
	v23 =	vadd.f32 v23, v32;
	v32 =	vld [tilespmem:s19+$0x2840]  }
0x287: {  	v14 =	vmul.f32 v57, v2;
	v31 =	vadd.f32 v22, v16;
	v37 =	vld.idx.msk [tilespmem:v53+s29+$0x0], $0xffff  }
0x288: {  	v22 =	vmul.f32 v55, v2;
	v16 =	vmul.f32 v29, v1;
	v34 =	vld [tilespmem:s19+$0x2820];
	[tilespmem:$0x1FFD0] =	vst v0;
	v0 =	vadd.f32 v43, v15  }
0x289: {  	[tilespmem:$0x1FF70] =	vst v7;
	v6 =	vadd.f32 v30, v6;
	v5 =	vmul.f32 v8, v1;
	v39 =	vld [tilespmem:s19+$0x2810];
	v15 =	vmul.f32 v26, v44  }
0x28a: {  	v3 =	vadd.f32 v14, v0;
	v0 =	vmul.f32 v7, v44;
	v7 =	vadd.f32 v22, v31;
	v31 =	vld.idx.msk [tilespmem:v49+s29+$0x0], $0xffff  }
0x28b: {  	[tilespmem:$0x1FF20] =	vst v26;
	v14 =	vmin.f32 v6, $0.0e+00;
	v26 =	vadd.f32 v16, v15;
	v15 =	vld.idx.msk [tilespmem:v46+s29+$0x0], $0xffff;
	v16 =	vmul.f32 v45, v2  }
0x28c: {  	[tilespmem:$0x1FF30] =	vst v29;
	v37 =	vadd.f32 v28, v37;
	v43 =	vld [tilespmem:s19+$0x2800];
	v29 =	vadd.f32 v35, v0;
	v0 =	vmul.f32 $2.000000030e-01, v14  }
0x28d: {  	[tilespmem:$0x1FFB0] =	vst v8;
	v6 =	vmax.f32 v6, $0.0e+00;
	v22 =	vld [tilespmem:s19+$0x2830];
	v35 =	vmul.f32 v18, v2;
	v8 =	vadd.f32 v16, v26  }
0x28e: {  	v28 =	vld [tilespmem:s19+$0x2870];
	v14 =	vmin.f32 v37, $0.0e+00;
	v16 =	vmul.f32 v24, v2;
	v6 =	vadd.f32 v0, v6  }
0x28f: {  	v26 =	vld [tilespmem:s19+$0x2860];
	v30 =	vmul.f32 $2.000000030e-01, v14;
	v0 =	vmul.f32 v38, v44;
	v4 =	vadd.f32 v4, v31  }
0x290: {  	v29 =	vadd.f32 v35, v29;
	v35 =	vld.idx.msk [tilespmem:v36+s29+$0x0], $0xffff;
	v3 =	vadd.f32 v3, v15;
	v6 =	vmul.f32 $1.442695020e+00, v6  }
0x291: {  	v15 =	vmax.f32 v37, $0.0e+00;
	v31 =	vld.idx.msk [tilespmem:v41+s29+$0x0], $0xffff;
	v5 =	vadd.f32 v5, v0;
	v14 =	vmin.f32 v4, $0.0e+00  }
0x292: {  	[tilespmem:$0x1FF90] =	vst v38;
	v38 =	vld.idx.msk [tilespmem:v25+s29+$0x0], $0xffff;
	v0 =	vmin.f32 v3, $0.0e+00;
	v4 =	vmax.f32 v4, $0.0e+00;
	(erf) = vpow2.f32 v6  }
0x293: {  	v37 =	vld.idx.msk [tilespmem:v21+s29+$0x0], $0xffff;
	v3 =	vmax.f32 v3, $0.0e+00;
	v6 =	vadd.f32 v30, v15;
	v0 =	vmul.f32 $2.000000030e-01, v0  }
0x294: {  	v15 =	vmul.f32 $2.000000030e-01, v14;
	v5 =	vadd.f32 v16, v5;
	v30 =	vld.idx.msk [tilespmem:v43+s29+$0x0], $0xffff;
	v16 =	vmul.f32 v40, v44  }
0x295: {  	v14 =	vmul.f32 v42, v1;
	v23 =	vadd.f32 v23, v35;
	v35 =	vld.idx.msk [tilespmem:v22+s29+$0x0], $0xffff;
	v0 =	vadd.f32 v0, v3  }
0x296: {  	v4 =	vadd.f32 v15, v4;
	v3 =	vmul.f32 $1.442695020e+00, v6;
	v6 =	vadd.f32 v7, v31;
	v7 =	vld.idx.msk [tilespmem:v39+s29+$0x0], $0xffff  }
0x297: {  	v31 =	vadd.f32 v14, v16;
	v14 =	vld [tilespmem:$0x1FEA0];
	v0 =	vmul.f32 $1.442695020e+00, v0  }
0x298: {  	(erf) = vpow2.f32 v3;
	v3 =	vmul.f32 $1.442695020e+00, v4;
	v4 =	vld.idx.msk [tilespmem:v34+s29+$0x0], $0xffff;
	v15 =	vmin.f32 v6, $0.0e+00  }
0x299: {  	[tilespmem:$0x1FFE0] =	vst v40;
	v16 =	vmin.f32 v23, $0.0e+00;
	v40 =	vmul.f32 $2.000000030e-01, v15;
	v15 =	vld.idx.msk [tilespmem:v33+s29+$0x0], $0xffff  }
0x29a: {  	[tilespmem:$0x1FFF0] =	vst v42;
	v6 =	vmax.f32 v6, $0.0e+00;
	v42 =	vmul.f32 $2.000000030e-01, v16;
	(erf) = vpow2.f32 v3;
	v3 =	vld.idx.msk [tilespmem:v32+s29+$0x0], $0xffff  }
0x29b: {  	v23 =	vmax.f32 v23, $0.0e+00;
	(erf) = vpow2.f32 v0;
	v40 =	vadd.f32 v40, v6;
	v6 =	vld.idx.msk [tilespmem:v26+s29+$0x0], $0xffff;
	v0 =	vpop (erf)  }
0x29c: {  	v23 =	vadd.f32 v42, v23;
	v11 =	vmul.f32 v0, v11;
	v42 =	vmul.f32 v0, v61;
	v61 =	vld.idx.msk [tilespmem:v28+s29+$0x0], $0xffff  }
0x29d: {  	[tilespmem:v58+s2+$0x0] =	vst.idx.add.f32.msk $0xffff, v0  }
0x29e: {  	v8 =	vadd.f32 v8, v38;
	v9 =	vmul.f32 v0, v9;
	v0 =	vmul.f32 $1.442695020e+00, v40;
	[tilespmem:v58+s3+$0x0] =	vst.idx.add.f32.msk $0xffff, v11  }
0x29f: {  	v40 =	vmul.f32 v10, v1;
	v11 =	vmul.f32 v14, v44;
	[tilespmem:v58+s0+$0x0] =	vst.idx.add.f32.msk $0xffff, v42  }
0x2a0: {  	v38 =	vmul.f32 v27, v2;
	(erf) = vpow2.f32 v0;
	[tilespmem:v58+s18+$0x0] =	vst.idx.add.f32.msk $0xffff, v9  }
0x2a1: {  	v0 =	vmin.f32 v8, $0.0e+00;
	v9 =	vadd.f32 v40, v11;
	v11 =	vmul.f32 $1.442695020e+00, v23;
	v23 =	vpop (erf);
	v58 =	vld [tilespmem:$0x1FEB0]  }
0x2a2: {  	v29 =	vadd.f32 v29, v37;
	v0 =	vmul.f32 $2.000000030e-01, v0;
	v37 =	vmul.f32 v23, v60;
	[tilespmem:v53+s2+$0x0] =	vst.idx.add.f32.msk $0xffff, v23  }
0x2a3: {  	v31 =	vadd.f32 v38, v31;
	v8 =	vmax.f32 v8, $0.0e+00;
	v38 =	vmul.f32 v23, v63;
	v60 =	vld [tilespmem:$0x1FEC0]  }
0x2a4: {  	v0 =	vadd.f32 v0, v8;
	[tilespmem:v53+s3+$0x0] =	vst.idx.add.f32.msk $0xffff, v37  }
0x2a5: {  	v12 =	vmul.f32 v23, v12;
	[tilespmem:v53+s0+$0x0] =	vst.idx.add.f32.msk $0xffff, v38  }
0x2a6: {  	(erf) = vpow2.f32 v11;
	v37 =	vmin.f32 v29, $0.0e+00;
	v0 =	vmul.f32 $1.442695020e+00, v0;
	v38 =	vld [tilespmem:$0x1FF00]  }
0x2a7: {  	v16 =	vmov v10;
	v42 =	vpop (erf);
	v10 =	vmul.f32 $2.000000030e-01, v37;
	v40 =	vmul.f32 v58, v44;
	[tilespmem:v53+s18+$0x0] =	vst.idx.add.f32.msk $0xffff, v12  }
0x2a8: {  	v12 =	vmul.f32 v42, v56;
	v53 =	vld [tilespmem:$0x1FEE0];
	v63 =	vmul.f32 v60, v1  }
0x2a9: {  	v37 =	vmul.f32 v42, v62;
	v62 =	vmul.f32 v13, v2;
	[tilespmem:v49+s2+$0x0] =	vst.idx.add.f32.msk $0xffff, v42  }
0x2aa: {  	v56 =	vmov v13;
	v13 =	vpop (erf);
	[tilespmem:v49+s3+$0x0] =	vst.idx.add.f32.msk $0xffff, v12;
	v23 =	vadd.f32 v63, v40;
	v63 =	vmax.f32 v29, $0.0e+00  }
0x2ab: {  	(erf) = vpow2.f32 v0;
	v8 =	vadd.f32 v10, v63;
	v10 =	vmul.f32 v42, v59;
	v42 =	vld [tilespmem:$0x1FED0];
	v40 =	vpop (erf)  }
0x2ac: {  	v0 =	vmul.f32 v13, v52;
	v52 =	vmul.f32 v40, v48;
	v48 =	vld [tilespmem:$0x1FF30]  }
0x2ad: {  	[tilespmem:v49+s0+$0x0] =	vst.idx.add.f32.msk $0xffff, v10  }
0x2ae: {  	[tilespmem:v49+s18+$0x0] =	vst.idx.add.f32.msk $0xffff, v37  }
0x2af: {  	v7 =	vadd.f32 v31, v7;
	v59 =	vmov v17;
	v17 =	vmul.f32 v17, v2;
	v37 =	vld [tilespmem:$0x1FEF0]  }
0x2b0: {  	[tilespmem:v46+s2+$0x0] =	vst.idx.add.f32.msk $0xffff, v13  }
0x2b1: {  	v31 =	vmin.f32 v7, $0.0e+00;
	v9 =	vadd.f32 v17, v9;
	v17 =	vmul.f32 v13, v54;
	[tilespmem:v46+s3+$0x0] =	vst.idx.add.f32.msk $0xffff, v0  }
0x2b2: {  	v31 =	vmul.f32 $2.000000030e-01, v31;
	v0 =	vmul.f32 v13, v57;
	v13 =	vld [tilespmem:$0x1FF40]  }
0x2b3: {  	v12 =	vmul.f32 v53, v1;
	v8 =	vmul.f32 $1.442695020e+00, v8;
	v57 =	vpop (erf);
	[tilespmem:v46+s0+$0x0] =	vst.idx.add.f32.msk $0xffff, v17  }
0x2b4: {  	v11 =	vadd.f32 v62, v23;
	v17 =	vmul.f32 v57, v19;
	v19 =	vmul.f32 v57, v47;
	v47 =	vld [tilespmem:$0x1FF20]  }
0x2b5: {  	v10 =	vmul.f32 v20, v2;
	v63 =	vmul.f32 v42, v44;
	[tilespmem:v46+s18+$0x0] =	vst.idx.add.f32.msk $0xffff, v0  }
0x2b6: {  	v7 =	vmax.f32 v7, $0.0e+00;
	v54 =	vmul.f32 v40, v51;
	(erf) = vpow2.f32 v8;
	[tilespmem:v41+s2+$0x0] =	vst.idx.add.f32.msk $0xffff, v40  }
0x2b7: {  	v8 =	vmul.f32 v40, v55;
	v23 =	vadd.f32 v12, v63;
	v40 =	vadd.f32 v11, v35;
	v35 =	vld [tilespmem:$0x1FFD0]  }
0x2b8: {  	v7 =	vadd.f32 v31, v7;
	v55 =	vmul.f32 v38, v1;
	[tilespmem:v41+s3+$0x0] =	vst.idx.add.f32.msk $0xffff, v52  }
0x2b9: {  	v0 =	vadd.f32 v9, v4;
	v29 =	vmul.f32 v37, v44;
	v31 =	vadd.f32 v10, v23;
	v23 =	vld [tilespmem:$0x1FF10]  }
0x2ba: {  	v5 =	vadd.f32 v5, v30;
	[tilespmem:v41+s0+$0x0] =	vst.idx.add.f32.msk $0xffff, v54  }
0x2bb: {  	v62 =	vmin.f32 v0, $0.0e+00;
	v9 =	vadd.f32 v55, v29;
	v55 =	vld [tilespmem:$0x1FF70]  }
0x2bc: {  	v30 =	vmin.f32 v5, $0.0e+00;
	v63 =	vmul.f32 $2.000000030e-01, v62;
	v62 =	vld [tilespmem:$0x1FF90]  }
0x2bd: {  	v49 =	vmul.f32 $2.000000030e-01, v30;
	v29 =	vld [tilespmem:$0x1FFC0]  }
0x2be: {  	v5 =	vmax.f32 v5, $0.0e+00;
	[tilespmem:v41+s18+$0x0] =	vst.idx.add.f32.msk $0xffff, v8  }
0x2bf: {  	v4 =	vadd.f32 v49, v5;
	[tilespmem:v36+s2+$0x0] =	vst.idx.add.f32.msk $0xffff, v57  }
0x2c0: {  	v5 =	vmul.f32 v57, v50;
	v0 =	vmax.f32 v0, $0.0e+00;
	v57 =	vld [tilespmem:$0x1FF80]  }
0x2c1: {  	v4 =	vmul.f32 $1.442695020e+00, v4;
	v0 =	vadd.f32 v63, v0;
	v63 =	vld [tilespmem:$0x1FFA0]  }
0x2c2: {  	v7 =	vmul.f32 $1.442695020e+00, v7;
	[tilespmem:v36+s3+$0x0] =	vst.idx.add.f32.msk $0xffff, v17  }
0x2c3: {  	(erf) = vpow2.f32 v4;
	v17 =	vld [tilespmem:$0x1FF50];
	v0 =	vmul.f32 $1.442695020e+00, v0  }
0x2c4: {  	(erf) = vpow2.f32 v7;
	[tilespmem:v36+s0+$0x0] =	vst.idx.add.f32.msk $0xffff, v19  }
0x2c5: {  	v41 =	vpop (erf);
	v19 =	vld [tilespmem:$0x1FF60];
	(erf) = vpow2.f32 v0;
	v0 =	vmin.f32 v40, $0.0e+00  }
0x2c6: {  	v8 =	vmul.f32 v41, v47;
	[tilespmem:v36+s18+$0x0] =	vst.idx.add.f32.msk $0xffff, v5;
	v0 =	vmul.f32 $2.000000030e-01, v0  }
0x2c7: {  	v4 =	vmax.f32 v40, $0.0e+00;
	v10 =	vmul.f32 v41, v48;
	[tilespmem:v25+s2+$0x0] =	vst.idx.add.f32.msk $0xffff, v41  }
0x2c8: {  	v5 =	vmul.f32 v41, v45;
	[tilespmem:v25+s3+$0x0] =	vst.idx.add.f32.msk $0xffff, v8;
	v0 =	vadd.f32 v0, v4  }
0x2c9: {  	[tilespmem:v25+s0+$0x0] =	vst.idx.add.f32.msk $0xffff, v10  }
0x2ca: {  	v52 =	vpop (erf);
	[tilespmem:v25+s18+$0x0] =	vst.idx.add.f32.msk $0xffff, v5;
	v0 =	vmul.f32 $1.442695020e+00, v0  }
0x2cb: {  	v3 =	vadd.f32 v31, v3;
	v11 =	vmul.f32 v52, v55;
	v25 =	vld [tilespmem:$0x1FFB0]  }
0x2cc: {  	v10 =	vmul.f32 v52, v57;
	[tilespmem:v21+s2+$0x0] =	vst.idx.add.f32.msk $0xffff, v52  }
0x2cd: {  	v49 =	vmin.f32 v3, $0.0e+00;
	v4 =	vmul.f32 v52, v18;
	[tilespmem:v21+s3+$0x0] =	vst.idx.add.f32.msk $0xffff, v11  }
0x2ce: {  	v8 =	vmul.f32 $2.000000030e-01, v49;
	[tilespmem:v21+s0+$0x0] =	vst.idx.add.f32.msk $0xffff, v10;
	(erf) = vpow2.f32 v0;
	v0 =	vpop (erf)  }
0x2cf: {  	v3 =	vmax.f32 v3, $0.0e+00;
	[tilespmem:v21+s18+$0x0] =	vst.idx.add.f32.msk $0xffff, v4;
	v4 =	vmul.f32 v0, v62  }
0x2d0: {  	v3 =	vadd.f32 v8, v3;
	[tilespmem:v43+s2+$0x0] =	vst.idx.add.f32.msk $0xffff, v0;
	v8 =	vmul.f32 v0, v25  }
0x2d1: {  	v0 =	vmul.f32 v0, v24;
	[tilespmem:v43+s3+$0x0] =	vst.idx.add.f32.msk $0xffff, v4  }
0x2d2: {  	v46 =	vmul.f32 v23, v2;
	[tilespmem:v43+s0+$0x0] =	vst.idx.add.f32.msk $0xffff, v8  }
0x2d3: {  	v50 =	vmul.f32 v13, v44;
	v51 =	vmul.f32 v17, v1;
	[tilespmem:v43+s18+$0x0] =	vst.idx.add.f32.msk $0xffff, v0  }
0x2d4: {  	v7 =	vadd.f32 v46, v9;
	v3 =	vmul.f32 $1.442695020e+00, v3;
	v43 =	vld [tilespmem:$0x1FFE0]  }
0x2d5: {  	v46 =	vld [tilespmem:$0x1FFF0];
	v54 =	vmul.f32 v19, v2;
	v5 =	vadd.f32 v51, v50  }
0x2d6: {  	(erf) = vpow2.f32 v3;
	v3 =	vadd.f32 v7, v15  }
0x2d7: {  	v30 =	vmul.f32 v29, v1;
	v5 =	vadd.f32 v54, v5  }
0x2d8: {  	v36 =	vmul.f32 v35, v2;
	v21 =	vmul.f32 v63, v44;
	v31 =	vpop (erf);
	v40 =	vmin.f32 v3, $0.0e+00  }
0x2d9: {  	v5 =	vadd.f32 v5, v6;
	v41 =	vmul.f32 $2.000000030e-01, v40;
	v7 =	vmul.f32 v31, v43  }
0x2da: {  	v3 =	vmax.f32 v3, $0.0e+00;
	v10 =	vmul.f32 v31, v46;
	v0 =	vadd.f32 v30, v21;
	[tilespmem:v39+s2+$0x0] =	vst.idx.add.f32.msk $0xffff, v31  }
0x2db: {  	v47 =	vmul.f32 v31, v27;
	v3 =	vadd.f32 v41, v3;
	[tilespmem:v39+s3+$0x0] =	vst.idx.add.f32.msk $0xffff, v7  }
0x2dc: {  	v49 =	vpop (erf);
	v0 =	vadd.f32 v36, v0;
	[tilespmem:v39+s0+$0x0] =	vst.idx.add.f32.msk $0xffff, v10  }
0x2dd: {  	v45 =	vmin.f32 v5, $0.0e+00;
	v51 =	vmul.f32 v49, v14;
	v3 =	vmul.f32 $1.442695020e+00, v3;
	[tilespmem:v39+s18+$0x0] =	vst.idx.add.f32.msk $0xffff, v47  }
0x2de: {  	v48 =	vmul.f32 $2.000000030e-01, v45;
	v52 =	vmul.f32 v49, v16;
	v0 =	vadd.f32 v0, v61;
	[tilespmem:v34+s2+$0x0] =	vst.idx.add.f32.msk $0xffff, v49  }
0x2df: {  	v5 =	vmax.f32 v5, $0.0e+00;
	(erf) = vpow2.f32 v3;
	v3 =	vmul.f32 v49, v59;
	[tilespmem:v34+s3+$0x0] =	vst.idx.add.f32.msk $0xffff, v51  }
0x2e0: {  	v50 =	vadd.f32 v48, v5;
	v54 =	vpop (erf);
	v55 =	vmin.f32 v0, $0.0e+00;
	[tilespmem:v34+s0+$0x0] =	vst.idx.add.f32.msk $0xffff, v52  }
0x2e1: {  	v57 =	vmul.f32 v54, v58;
	[tilespmem:v34+s18+$0x0] =	vst.idx.add.f32.msk $0xffff, v3;
	v3 =	vmul.f32 $2.000000030e-01, v55  }
0x2e2: {  	v4 =	vmul.f32 $1.442695020e+00, v50;
	v58 =	vmul.f32 v54, v60;
	v0 =	vmax.f32 v0, $0.0e+00;
	[tilespmem:v22+s2+$0x0] =	vst.idx.add.f32.msk $0xffff, v54  }
0x2e3: {  	v0 =	vadd.f32 v3, v0;
	[tilespmem:v22+s3+$0x0] =	vst.idx.add.f32.msk $0xffff, v57;
	v3 =	vmul.f32 v54, v56  }
0x2e4: {  	v59 =	vpop (erf);
	(erf) = vpow2.f32 v4;
	[tilespmem:v22+s0+$0x0] =	vst.idx.add.f32.msk $0xffff, v58  }
0x2e5: {  	[tilespmem:v22+s18+$0x0] =	vst.idx.add.f32.msk $0xffff, v3;
	v3 =	vmul.f32 v59, v42  }
0x2e6: {  	v0 =	vmul.f32 $1.442695020e+00, v0  }
0x2e7: {  	v60 =	vmul.f32 v59, v53;
	[tilespmem:v32+s2+$0x0] =	vst.idx.add.f32.msk $0xffff, v59  }
0x2e8: {  	(erf) = vpow2.f32 v0;
	[tilespmem:v32+s3+$0x0] =	vst.idx.add.f32.msk $0xffff, v3;
	v0 =	vmul.f32 v59, v20  }
0x2e9: {  	[tilespmem:v32+s0+$0x0] =	vst.idx.add.f32.msk $0xffff, v60;
	v3 =	vpop (erf)  }
0x2ea: {  	[tilespmem:v32+s18+$0x0] =	vst.idx.add.f32.msk $0xffff, v0;
	v0 =	vmul.f32 v3, v37  }
0x2eb: {  	[tilespmem:v33+s2+$0x0] =	vst.idx.add.f32.msk $0xffff, v3;
	v61 =	vmul.f32 v3, v38  }
0x2ec: {  	[tilespmem:v33+s3+$0x0] =	vst.idx.add.f32.msk $0xffff, v0;
	v0 =	vmul.f32 v3, v23  }
0x2ed: {  	v3 =	vpop (erf);
	[tilespmem:v33+s0+$0x0] =	vst.idx.add.f32.msk $0xffff, v61  }
0x2ee: {  	[tilespmem:v33+s18+$0x0] =	vst.idx.add.f32.msk $0xffff, v0;
	v0 =	vmul.f32 v3, v13  }
0x2ef: {  	v62 =	vmul.f32 v3, v17;
	[tilespmem:v26+s2+$0x0] =	vst.idx.add.f32.msk $0xffff, v3  }
0x2f0: {  	[tilespmem:v26+s3+$0x0] =	vst.idx.add.f32.msk $0xffff, v0;
	v0 =	vmul.f32 v3, v19  }
0x2f1: {  	p0 =	sne.s32 s28, $0x9800;
	v3 =	vpop (erf);
	[tilespmem:v26+s0+$0x0] =	vst.idx.add.f32.msk $0xffff, v62  }
.Ltmp6:
0x2f2: {  	[tilespmem:v26+s18+$0x0] =	vst.idx.add.f32.msk $0xffff, v0;
	v0 =	vmul.f32 v3, v63;
	(pc) =	sbr.rel @p0 .LBB2_13-.Ltmp6, $4  }
0x2f3: {  	v63 =	vmul.f32 v3, v29;
	[tilespmem:v28+s2+$0x0] =	vst.idx.add.f32.msk $0xffff, v3  }
0x2f4: {  	[tilespmem:v28+s3+$0x0] =	vst.idx.add.f32.msk $0xffff, v0;
	v0 =	vmul.f32 v3, v35  }
0x2f5: {  	[tilespmem:v28+s0+$0x0] =	vst.idx.add.f32.msk $0xffff, v63  }
0x2f6: {  	s28 =	sadd.s32 $0x400, s28;
	[tilespmem:v28+s18+$0x0] =	vst.idx.add.f32.msk $0xffff, v0  }
0x2f7: {  	v0 =	vld [tilespmem:$0x2700];
	_ =	sdelay $0x6  }
0x2f8: {  	v3 =	vld [tilespmem:$0x4E80];
	s0 =	simm.s32 $0x7700  }
0x2f9: {  	s18 =	simm.s32 $0x9F00;
	v4 =	vld.idx.msk [tilespmem:v0+s0+$0x0], $0xffff  }
0x2fa: {  	v5 =	vld.idx.msk [tilespmem:v0+s18+$0x0], $0xffff  }
0x2fb: {  	s19 =	simm.s32 $0xC700  }
0x2fc: {  	v0 =	vld.idx.msk [tilespmem:v0+s19+$0x0], $0xffff;
	_ =	sdelay $0x2  }
0x2fd: {  	s29 =	simm.s32 $0x4F00;
	v6 =	vmul.f32 v4, v44;
	v7 =	vmul.f32 v5, v1  }
0x2fe: {  	v8 =	vld.idx.msk [tilespmem:v3+s29+$0x0], $0xffff  }
0x2ff: {  	v6 =	vadd.f32 v7, v6;
	v7 =	vmul.f32 v0, v2;
	_ =	sdelay $0x1  }
0x300: {  	v6 =	vadd.f32 v7, v6;
	_ =	sdelay $0x1  }
0x301: {  	v6 =	vadd.f32 v6, v8;
	_ =	sdelay $0x1  }
0x302: {  	v7 =	vmin.f32 v6, $0.0e+00  }
0x303: {  	v7 =	vmul.f32 $2.000000030e-01, v7  }
0x304: {  	v6 =	vmax.f32 v6, $0.0e+00  }
0x305: {  	v6 =	vadd.f32 v7, v6;
	_ =	sdelay $0x1  }
0x306: {  	v6 =	vmul.f32 $1.442695020e+00, v6;
	_ =	sdelay $0x1  }
0x307: {  	(erf) = vpow2.f32 v6;
	_ =	sdelay $0x8  }
0x308: {  	v6 =	vpop (erf)  }
0x309: {  	s30 =	simm.s32 $0xEF00;
	v4 =	vmul.f32 v6, v4  }
0x30a: {  	s1 =	simm.s32 $0x11700;
	[tilespmem:v3+s30+$0x0] =	vst.idx.add.f32.msk $0xffff, v6;
	v5 =	vmul.f32 v6, v5  }
0x30b: {  	s2 =	simm.s32 $0x13F00;
	v0 =	vmul.f32 v6, v0;
	[tilespmem:v3+s1+$0x0] =	vst.idx.add.f32.msk $0xffff, v4  }
0x30c: {  	s3 =	simm.s32 $0x16700;
	[tilespmem:v3+s2+$0x0] =	vst.idx.add.f32.msk $0xffff, v5  }
0x30d: {  	[tilespmem:v3+s3+$0x0] =	vst.idx.add.f32.msk $0xffff, v0  }
0x30e: {  	s18 =	simm.s32 $0x2800;
	[bflag:$0x0] =	sbarrier.arrive $0xFFFF  }
0x30f: {  	s19 =	simm.s32 $0x1AF80;
	s0 =	simm.s32 $0x1;
	s28 =	rddreg [dreg:$0x1]  }
0x310: {  	[spmem:s28] =	stream.indirect.scatter.add.f32 [tilespmem:s30], [sflag:$0x1], $0x1, s19, s18, $0xb8;
	[tilespmem:$0x1ED90] =	vst v63  }
0x311: {  	_ =	swait.ge [sflag:s0], $0x2800  }
0x312: {  	[sflag:s0] =	ssyncset.done $0x0  }
0x313: {  	[sflag:s0] =	ssyncadd.s32 $0xFFFFD800  }
0x314: {  	[spmem:s6] =	stream.indirect.scatter.add.f32 [tilespmem:s1], [sflag:$0x1], $0x1, s19, s18, $0xb8;
	[tilespmem:$0x1ED90] =	vst v63  }
0x315: {  	_ =	swait.ge [sflag:s0], $0x2800  }
0x316: {  	[sflag:s0] =	ssyncset.done $0x0  }
0x317: {  	[sflag:s0] =	ssyncadd.s32 $0xFFFFD800  }
0x318: {  	[spmem:s9] =	stream.indirect.scatter.add.f32 [tilespmem:s2], [sflag:$0x1], $0x1, s19, s18, $0xb8;
	[tilespmem:$0x1ED90] =	vst v63  }
0x319: {  	_ =	swait.ge [sflag:s0], $0x2800  }
0x31a: {  	[sflag:s0] =	ssyncset.done $0x0  }
0x31b: {  	[sflag:s0] =	ssyncadd.s32 $0xFFFFD800  }
0x31c: {  	[spmem:s5] =	stream.indirect.scatter.add.f32 [tilespmem:s3], [sflag:$0x1], $0x1, s19, s18, $0xb8;
	[tilespmem:$0x1ED90] =	vst v63  }
0x31d: {  	_ =	swait.ge [sflag:s0], $0x2800  }
0x31e: {  	[sflag:s0] =	ssyncset.done $0x0  }
0x31f: {  	[sflag:s0] =	ssyncadd.s32 $0xFFFFD800  }
0x320: {  	s3 =	simm.s32 $0x19680;
	[bflag:$0x0] =	sbarrier.arrive $0xFFFF  }
0x321: {  	[tilespmem:s3], [sflag:$0x1] =	stream.linear.gather [spmem:s8], $0x80, $0x38;
	[tilespmem:$0x1ED90] =	vst v63  }
0x322: {  	s5 =	simm.s32 $0x19A80  }
0x323: {  	[tilespmem:s5], [sflag:$0x1] =	stream.linear.gather [spmem:s10], $0x80, $0x38;
	[tilespmem:$0x1ED90] =	vst v63  }
0x324: {  	s31 =	smov.u32 s6;
	s6 =	simm.s32 $0x19E80  }
0x325: {  	[tilespmem:s6], [sflag:$0x1] =	stream.linear.gather [spmem:s11], $0x80, $0x38;
	[tilespmem:$0x1ED90] =	vst v63  }
0x326: {  	s9 =	simm.s32 $0x1A280  }
0x327: {  	[tilespmem:s9], [sflag:$0x1] =	stream.linear.gather [spmem:s12], $0x80, $0x38;
	[tilespmem:$0x1ED90] =	vst v63  }
0x328: {  	s18 =	simm.s32 $0x1A680  }
0x329: {  	[tilespmem:s18], [sflag:$0x1] =	stream.linear.gather [spmem:s13], $0x80, $0x38;
	[tilespmem:$0x1ED90] =	vst v63  }
0x32a: {  	_ =	swait.ge [sflag:s0], $0x280  }
0x32b: {  	[sflag:s0] =	ssyncset.done $0x0  }
0x32c: {  	s19 =	simm.s32 $0x19700;
	[sflag:s0] =	ssyncadd.s32 $0xFFFFFD80  }
0x32d: {  	[tilespmem:s19], [sflag:$0x1] =	stream.linear.gather [spmem:s7], $0x80, $0x38;
	[tilespmem:$0x1ED90] =	vst v63  }
0x32e: {  	s29 =	simm.s32 $0x19B00  }
0x32f: {  	[tilespmem:s29], [sflag:$0x1] =	stream.linear.gather [spmem:s14], $0x80, $0x38;
	[tilespmem:$0x1ED90] =	vst v63  }
0x330: {  	s30 =	simm.s32 $0x19F00  }
0x331: {  	[tilespmem:s30], [sflag:$0x1] =	stream.linear.gather [spmem:s15], $0x80, $0x38;
	[tilespmem:$0x1ED90] =	vst v63  }
0x332: {  	s2 =	simm.s32 $0x1A300  }
0x333: {  	[tilespmem:s2], [sflag:$0x1] =	stream.linear.gather [spmem:s16], $0x80, $0x38;
	[tilespmem:$0x1ED90] =	vst v63  }
0x334: {  	s3 =	simm.s32 $0x1A700  }
0x335: {  	[tilespmem:s3], [sflag:$0x1] =	stream.linear.gather [spmem:s17], $0x80, $0x38;
	[tilespmem:$0x1ED90] =	vst v63  }
0x336: {  	_ =	swait.ge [sflag:s0], $0x280  }
0x337: {  	[sflag:s0] =	ssyncset.done $0x0  }
0x338: {  	s5 =	simm.s32 $0x19780;
	[sflag:s0] =	ssyncadd.s32 $0xFFFFFD80  }
0x339: {  	[tilespmem:s5], [sflag:$0x1] =	stream.linear.gather [spmem:s26], $0x80, $0x38;
	[tilespmem:$0x1ED90] =	vst v63  }
0x33a: {  	s6 =	sadd.s32 $0x80, s26;
	s9 =	simm.s32 $0x19B80  }
0x33b: {  	[tilespmem:s9], [sflag:$0x1] =	stream.linear.gather [spmem:s6], $0x80, $0x38;
	[tilespmem:$0x1ED90] =	vst v63  }
0x33c: {  	s18 =	sadd.s32 $0x100, s26;
	s19 =	simm.s32 $0x19F80  }
0x33d: {  	[tilespmem:s19], [sflag:$0x1] =	stream.linear.gather [spmem:s18], $0x80, $0x38;
	[tilespmem:$0x1ED90] =	vst v63  }
0x33e: {  	s29 =	sadd.s32 $0x180, s26;
	s30 =	simm.s32 $0x1A380  }
0x33f: {  	[tilespmem:s30], [sflag:$0x1] =	stream.linear.gather [spmem:s29], $0x80, $0x38;
	[tilespmem:$0x1ED90] =	vst v63  }
0x340: {  	s3 =	sadd.s32 $0x200, s26;
	s5 =	simm.s32 $0x1A780  }
0x341: {  	[tilespmem:s5], [sflag:$0x1] =	stream.linear.gather [spmem:s3], $0x80, $0x38;
	[tilespmem:$0x1ED90] =	vst v63  }
0x342: {  	_ =	swait.ge [sflag:s0], $0x280  }
0x343: {  	[sflag:s0] =	ssyncset.done $0x0  }
0x344: {  	s6 =	simm.s32 $0x19800;
	[sflag:s0] =	ssyncadd.s32 $0xFFFFFD80  }
0x345: {  	[tilespmem:s6], [sflag:$0x1] =	stream.linear.gather [spmem:s25], $0x80, $0x38;
	[tilespmem:$0x1ED90] =	vst v63  }
0x346: {  	s9 =	sadd.s32 $0x80, s25;
	s18 =	simm.s32 $0x19C00  }
0x347: {  	[tilespmem:s18], [sflag:$0x1] =	stream.linear.gather [spmem:s9], $0x80, $0x38;
	[tilespmem:$0x1ED90] =	vst v63  }
0x348: {  	s26 =	simm.s32 $0x1A000;
	s19 =	sadd.s32 $0x100, s25  }
0x349: {  	[tilespmem:s26], [sflag:$0x1] =	stream.linear.gather [spmem:s19], $0x80, $0x38;
	[tilespmem:$0x1ED90] =	vst v63  }
0x34a: {  	s29 =	sadd.s32 $0x180, s25;
	s30 =	simm.s32 $0x1A400  }
0x34b: {  	[tilespmem:s30], [sflag:$0x1] =	stream.linear.gather [spmem:s29], $0x80, $0x38;
	[tilespmem:$0x1ED90] =	vst v63  }
0x34c: {  	s2 =	sadd.s32 $0x200, s25;
	s3 =	simm.s32 $0x1A800  }
0x34d: {  	[tilespmem:s3], [sflag:$0x1] =	stream.linear.gather [spmem:s2], $0x80, $0x38;
	[tilespmem:$0x1ED90] =	vst v63  }
0x34e: {  	s5 =	simm.s32 $0x0;
	s6 =	sadd.s32 $0x0, s4;
	_ =	swait.ge [sflag:s0], $0x280  }
0x34f: {  	s9 =	sand.u32 $0x70, s5;
	s2 =	sand.u32 $0x7F80, s6;
	[sflag:s0] =	ssyncset.done $0x0  }
0x350: {  	s18 =	sor.u32 s9, s2;
	[sflag:s0] =	ssyncadd.s32 $0xFFFFFD80  }
0x351: {  	v0 =	vld [tilespmem:s18+$0x7700]  }
0x352: {  	v6 =	vld [tilespmem:s18+$0x9F00];
	_ =	sdelay $0x1  }
0x353: {  	v7 =	vld [tilespmem:s18+$0xC700];
	_ =	sdelay $0x2  }
0x354: {  	v3 =	vmul.f32 v0, v44;
	v4 =	vmul.f32 v6, v1  }
0x355: {  	v5 =	vld [tilespmem:s18+$0x4F00]  }
0x356: {  	v8 =	vmul.f32 v7, v2;
	v3 =	vadd.f32 v4, v3;
	_ =	sdelay $0x1  }
0x357: {  	v3 =	vadd.f32 v8, v3;
	_ =	sdelay $0x1  }
0x358: {  	v3 =	vadd.f32 v3, v5;
	_ =	sdelay $0x1  }
0x359: {  	v4 =	vmin.f32 v3, $0.0e+00  }
0x35a: {  	v4 =	vmul.f32 $2.000000030e-01, v4  }
0x35b: {  	v3 =	vmax.f32 v3, $0.0e+00  }
0x35c: {  	v3 =	vadd.f32 v4, v3;
	_ =	sdelay $0x1  }
0x35d: {  	v3 =	vmul.f32 $1.442695020e+00, v3;
	_ =	sdelay $0x1  }
0x35e: {  	(erf) = vpow2.f32 v3;
	_ =	sdelay $0x2  }
0x35f: {  	s19 =	sand.u32 $0x1C00, s5  }
0x360: {  	s0 =	sor.u32 s9, s19  }
0x361: {  	v3 =	vld [tilespmem:s0+$0x19680];
	_ =	sdelay $0x3  }
0x362: {  	v8 =	vpop (erf)  }
0x363: {  	v3 =	vadd.f32 v8, v3;
	_ =	sdelay $0x1  }
0x364: {  	(erf) = vrcp.f32 v3;
	_ =	sdelay $0x1  }
0x365: {  	s0 =	sadd.s32 $0x19680, s0;
	v3 =	vimm.s32 $0x17  }
0x366: {  	v5 =	vld [tilespmem:s0+$0x80];
	_ =	sdelay $0x2  }
0x367: {  	s25 =	simm.s32 $0x1D900;
	v0 =	vmul.f32 v8, v0  }
0x368: {  	v4 =	vld.idx.msk [tilespmem:v3+s25+$0x0], $0xffff  }
0x369: {  	v0 =	vadd.f32 v0, v5  }
0x36a: {  	v3 =	vimm.s32 $0x18;
	v10 =	vpop (erf)  }
0x36b: {  	v9 =	vimm.s32 $0x19;
	v0 =	vmul.f32 v10, v0;
	_ =	sdelay $0x1  }
0x36c: {  	v0 =	vadd.f32 v0, v4;
	_ =	sdelay $0x1  }
0x36d: {  	s26 =	simm.s32 $0x18F00;
	v5 =	vld.idx.msk [tilespmem:v3+s25+$0x0], $0xffff;
	v0 =	vmax.f32 v0, $0.0e+00  }
0x36e: {  	v3 =	vld.idx.msk [tilespmem:v9+s25+$0x0], $0xffff;
	[tilespmem:s26+$0x0] =	vst v0  }
0x36f: {  	v0 =	vld [tilespmem:s0+$0x100];
	_ =	sdelay $0x2  }
0x370: {  	v6 =	vmul.f32 v8, v6;
	_ =	sdelay $0x1  }
0x371: {  	v0 =	vadd.f32 v6, v0;
	_ =	sdelay $0x1  }
0x372: {  	v0 =	vmul.f32 v10, v0;
	_ =	sdelay $0x1  }
0x373: {  	v0 =	vadd.f32 v0, v5;
	_ =	sdelay $0x1  }
0x374: {  	s29 =	simm.s32 $0x19180;
	v0 =	vmax.f32 v0, $0.0e+00  }
0x375: {  	[tilespmem:s29+$0x0] =	vst v0  }
0x376: {  	v0 =	vld [tilespmem:s0+$0x180];
	_ =	sdelay $0x2  }
0x377: {  	v6 =	vmul.f32 v8, v7;
	_ =	sdelay $0x1  }
0x378: {  	v0 =	vadd.f32 v6, v0;
	_ =	sdelay $0x1  }
0x379: {  	s28 =	simm.s32 $0x20;
	s1 =	simm.s32 $0x19190;
	s30 =	simm.s32 $0x10;
	v0 =	vmul.f32 v10, v0  }
0x37a: {  	s3 =	sand.u32 $0x70, s30;
	s2 =	simm.s32 $0x18F10;
	s19 =	simm.s32 $0x19400  }
0x37b: {  	s18 =	simm.s32 $0x80;
	s26 =	sadd.s32 $0x10, s4;
	s0 =	simm.s32 $0x19410;
	v6 =	vadd.f32 v0, v3  }
.LBB2_15:
0x37c: {  	s29 =	sand.u32 $0x70, s28  }
0x37d: {  	s30 =	sand.u32 $0x7F80, s26;
	v0 =	vmax.f32 v6, $0.0e+00;
	s26 =	smov.u32 s28;
	s25 =	sadd.s32 $0x10, s28  }
0x37e: {  	p0 =	sne.s32 s28, $0x270;
	s28 =	sor.u32 s3, s30;
	[tilespmem:s19+$0x0] =	vst v0;
	s19 =	smov.u32 s0  }
0x37f: {  	v0 =	vld [tilespmem:s28+$0x7700]  }
0x380: {  	v6 =	vld [tilespmem:s28+$0x9F00]  }
0x381: {  	v7 =	vld [tilespmem:s28+$0xC700];
	_ =	sdelay $0x2  }
0x382: {  	v8 =	vmul.f32 v0, v44  }
0x383: {  	v9 =	vld [tilespmem:s28+$0x4F00];
	v10 =	vmul.f32 v6, v1  }
0x384: {  	v11 =	vmul.f32 v7, v2  }
0x385: {  	v8 =	vadd.f32 v10, v8;
	_ =	sdelay $0x1  }
0x386: {  	v8 =	vadd.f32 v11, v8;
	_ =	sdelay $0x1  }
0x387: {  	v8 =	vadd.f32 v8, v9;
	_ =	sdelay $0x1  }
0x388: {  	v9 =	vmin.f32 v8, $0.0e+00  }
0x389: {  	v8 =	vmax.f32 v8, $0.0e+00;
	v9 =	vmul.f32 $2.000000030e-01, v9;
	_ =	sdelay $0x1  }
0x38a: {  	v8 =	vadd.f32 v9, v8;
	_ =	sdelay $0x1  }
0x38b: {  	v8 =	vmul.f32 $1.442695020e+00, v8;
	_ =	sdelay $0x1  }
0x38c: {  	(erf) = vpow2.f32 v8;
	_ =	sdelay $0x1  }
0x38d: {  	s28 =	sand.u32 $0x1C00, s18  }
0x38e: {  	s28 =	sor.u32 s3, s28;
	s3 =	smov.u32 s29  }
0x38f: {  	v8 =	vld [tilespmem:s28+$0x19680];
	_ =	sdelay $0x4  }
0x390: {  	v9 =	vpop (erf)  }
0x391: {  	v8 =	vadd.f32 v9, v8;
	v0 =	vmul.f32 v9, v0;
	v6 =	vmul.f32 v9, v6  }
0x392: {  	v7 =	vmul.f32 v9, v7  }
0x393: {  	(erf) = vrcp.f32 v8  }
0x394: {  	s28 =	sadd.s32 $0x19680, s28  }
0x395: {  	v8 =	vld [tilespmem:s28+$0x80];
	_ =	sdelay $0x4  }
0x396: {  	v0 =	vadd.f32 v0, v8;
	_ =	sdelay $0x1  }
0x397: {  	v8 =	vpop (erf)  }
0x398: {  	v0 =	vmul.f32 v8, v0;
	_ =	sdelay $0x1  }
0x399: {  	v0 =	vadd.f32 v0, v4;
	_ =	sdelay $0x1  }
0x39a: {  	v0 =	vmax.f32 v0, $0.0e+00  }
0x39b: {  	[tilespmem:s2+$0x0] =	vst v0  }
0x39c: {  	v0 =	vld [tilespmem:s28+$0x100];
	_ =	sdelay $0x4  }
0x39d: {  	v0 =	vadd.f32 v6, v0;
	_ =	sdelay $0x1  }
0x39e: {  	v0 =	vmul.f32 v8, v0;
	_ =	sdelay $0x1  }
0x39f: {  	v0 =	vadd.f32 v0, v5;
	_ =	sdelay $0x1  }
0x3a0: {  	v0 =	vmax.f32 v0, $0.0e+00  }
0x3a1: {  	[tilespmem:s1+$0x0] =	vst v0  }
0x3a2: {  	v0 =	vld [tilespmem:s28+$0x180];
	_ =	sdelay $0x4  }
0x3a3: {  	v0 =	vadd.f32 v7, v0  }
.Ltmp7:
0x3a4: {  	(pc) =	sbr.rel @p0 .LBB2_15-.Ltmp7, $3  }
0x3a5: {  	v0 =	vmul.f32 v8, v0;
	_ =	sdelay $0x1  }
0x3a6: {  	s0 =	sadd.s32 $0x10, s0;
	s26 =	sadd.s32 s26, s4;
	s1 =	sadd.s32 $0x10, s1;
	v6 =	vadd.f32 v0, v3  }
0x3a7: {  	s18 =	sadd.s32 $0x80, s18;
	s2 =	sadd.s32 $0x10, s2;
	s28 =	smov.u32 s25  }
0x3a8: {  	s25 =	sand.u32 $0x7F80, s26;
	v0 =	vmax.f32 v6, $0.0e+00  }
0x3a9: {  	s25 =	sor.u32 s3, s25;
	[tilespmem:s19+$0x0] =	vst v0  }
0x3aa: {  	v0 =	vld [tilespmem:s25+$0x7700]  }
0x3ab: {  	v6 =	vld [tilespmem:s25+$0x9F00];
	_ =	sdelay $0x1  }
0x3ac: {  	v7 =	vld [tilespmem:s25+$0xC700];
	_ =	sdelay $0x2  }
0x3ad: {  	v8 =	vmul.f32 v0, v44;
	v1 =	vmul.f32 v6, v1  }
0x3ae: {  	v9 =	vld [tilespmem:s25+$0x4F00]  }
0x3af: {  	v2 =	vmul.f32 v7, v2;
	v1 =	vadd.f32 v1, v8;
	_ =	sdelay $0x1  }
0x3b0: {  	v1 =	vadd.f32 v2, v1;
	_ =	sdelay $0x1  }
0x3b1: {  	v1 =	vadd.f32 v1, v9;
	_ =	sdelay $0x1  }
0x3b2: {  	v2 =	vmin.f32 v1, $0.0e+00  }
0x3b3: {  	v2 =	vmul.f32 $2.000000030e-01, v2  }
0x3b4: {  	v1 =	vmax.f32 v1, $0.0e+00  }
0x3b5: {  	v1 =	vadd.f32 v2, v1;
	_ =	sdelay $0x1  }
0x3b6: {  	v1 =	vmul.f32 $1.442695020e+00, v1;
	_ =	sdelay $0x1  }
0x3b7: {  	(erf) = vpow2.f32 v1;
	_ =	sdelay $0x2  }
0x3b8: {  	s18 =	sand.u32 $0x1C00, s18  }
0x3b9: {  	s19 =	sor.u32 s3, s18  }
0x3ba: {  	v1 =	vld [tilespmem:s19+$0x19680];
	_ =	sdelay $0x3  }
0x3bb: {  	v2 =	vpop (erf)  }
0x3bc: {  	v1 =	vadd.f32 v2, v1;
	_ =	sdelay $0x1  }
0x3bd: {  	(erf) = vrcp.f32 v1;
	_ =	sdelay $0x1  }
0x3be: {  	s3 =	sadd.s32 $0x19680, s19  }
0x3bf: {  	v1 =	vld [tilespmem:s3+$0x80];
	_ =	sdelay $0x2  }
0x3c0: {  	v0 =	vmul.f32 v2, v0;
	_ =	sdelay $0x1  }
0x3c1: {  	v0 =	vadd.f32 v0, v1  }
0x3c2: {  	v1 =	vpop (erf)  }
0x3c3: {  	v0 =	vmul.f32 v1, v0;
	_ =	sdelay $0x1  }
0x3c4: {  	v0 =	vadd.f32 v0, v4;
	_ =	sdelay $0x1  }
0x3c5: {  	v0 =	vmax.f32 v0, $0.0e+00  }
0x3c6: {  	[tilespmem:s2+$0x0] =	vst v0  }
0x3c7: {  	v0 =	vld [tilespmem:s3+$0x100];
	_ =	sdelay $0x2  }
0x3c8: {  	v4 =	vmul.f32 v2, v6;
	_ =	sdelay $0x1  }
0x3c9: {  	v0 =	vadd.f32 v4, v0;
	_ =	sdelay $0x1  }
0x3ca: {  	v0 =	vmul.f32 v1, v0;
	_ =	sdelay $0x1  }
0x3cb: {  	v0 =	vadd.f32 v0, v5;
	_ =	sdelay $0x1  }
0x3cc: {  	v0 =	vmax.f32 v0, $0.0e+00  }
0x3cd: {  	[tilespmem:s1+$0x0] =	vst v0  }
0x3ce: {  	v0 =	vld [tilespmem:s3+$0x180];
	_ =	sdelay $0x2  }
0x3cf: {  	v2 =	vmul.f32 v2, v7;
	_ =	sdelay $0x1  }
0x3d0: {  	v0 =	vadd.f32 v2, v0;
	_ =	sdelay $0x1  }
0x3d1: {  	v0 =	vmul.f32 v1, v0  }
0x3d2: {  	v1 =	vimm.s32 $0x1A  }
0x3d3: {  	v2 =	vimm.s32 $0x1B;
	v0 =	vadd.f32 v0, v3;
	_ =	sdelay $0x1  }
0x3d4: {  	v0 =	vmax.f32 v0, $0.0e+00  }
0x3d5: {  	s25 =	simm.s32 $0x1D900;
	v3 =	vimm.s32 $0x1C;
	[tilespmem:s0+$0x0] =	vst v0  }
0x3d6: {  	v0 =	vld.idx.msk [tilespmem:v1+s25+$0x0], $0xffff  }
0x3d7: {  	s26 =	simm.s32 $0x18F00;
	v1 =	vld.idx.msk [tilespmem:v2+s25+$0x0], $0xffff  }
0x3d8: {  	s28 =	simm.s32 $0x19180;
	v4 =	vld [tilespmem:s26+$0x0]  }
0x3d9: {  	v5 =	vld [tilespmem:s28+$0x0]  }
0x3da: {  	s0 =	simm.s32 $0x19400;
	v2 =	vld.idx.msk [tilespmem:v3+s25+$0x0], $0xffff  }
0x3db: {  	v3 =	vld [tilespmem:s0+$0x0];
	_ =	sdelay $0x2  }
0x3dc: {  	v4 =	vmul.f32 v4, v0;
	v5 =	vmul.f32 v5, v1;
	_ =	sdelay $0x1  }
0x3dd: {  	v3 =	vmul.f32 v3, v2;
	v4 =	vadd.f32 v5, v4  }
0x3de: {  	s1 =	simm.s32 $0x0  }
0x3df: {  	s29 =	sand.u32 $0x70, s1;
	s30 =	sand.u32 $0x1C00, s1;
	v3 =	vadd.f32 v3, v4  }
0x3e0: {  	s2 =	sor.u32 s29, s30  }
0x3e1: {  	s3 =	simm.s32 $0x18F10;
	[tilespmem:s2+$0x19680] =	vst v3  }
0x3e2: {  	s18 =	simm.s32 $0x19190;
	v3 =	vld [tilespmem:s3+$0x0]  }
0x3e3: {  	s5 =	rddreg [dreg:$0x3];
	s19 =	simm.s32 $0x20;
	s2 =	simm.s32 $0x10;
	v4 =	vld [tilespmem:s18+$0x0]  }
.LBB2_17:
0x3e4: {  	p0 =	sne.s32 s19, $0x270;
	s0 =	sadd.s32 $0x10, s0  }
0x3e5: {  	v5 =	vld [tilespmem:s0+$0x0];
	_ =	sdelay $0x2  }
0x3e6: {  	v3 =	vmul.f32 v3, v0;
	v4 =	vmul.f32 v4, v1;
	_ =	sdelay $0x1  }
0x3e7: {  	v3 =	vadd.f32 v4, v3;
	v4 =	vmul.f32 v5, v2  }
0x3e8: {  	s1 =	sadd.s32 $0x80, s1  }
.Ltmp8:
0x3e9: {  	s2 =	sand.u32 $0x70, s2;
	s25 =	sand.u32 $0x1C00, s1;
	v3 =	vadd.f32 v4, v3;
	(pc) =	sbr.rel @p0 .LBB2_17-.Ltmp8, $4  }
0x3ea: {  	s25 =	sor.u32 s2, s25;
	s2 =	smov.u32 s19  }
0x3eb: {  	s3 =	sadd.s32 $0x10, s3;
	[tilespmem:s25+$0x19680] =	vst v3  }
0x3ec: {  	s18 =	sadd.s32 $0x10, s18;
	v3 =	vld [tilespmem:s3+$0x0]  }
0x3ed: {  	s19 =	sadd.s32 $0x10, s19;
	v4 =	vld [tilespmem:s18+$0x0]  }
0x3ee: {  	s0 =	sadd.s32 $0x10, s0  }
0x3ef: {  	v5 =	vld [tilespmem:s0+$0x0];
	_ =	sdelay $0x2  }
0x3f0: {  	v0 =	vmul.f32 v3, v0;
	v1 =	vmul.f32 v4, v1;
	_ =	sdelay $0x1  }
0x3f1: {  	v0 =	vadd.f32 v1, v0;
	v1 =	vmul.f32 v5, v2  }
0x3f2: {  	s9 =	sadd.s32 $0x80, s1  }
0x3f3: {  	s18 =	sand.u32 $0x70, s2;
	s0 =	sand.u32 $0x1C00, s9;
	v0 =	vadd.f32 v1, v0  }
0x3f4: {  	s0 =	sor.u32 s18, s0  }
0x3f5: {  	s19 =	simm.s32 $0x19680;
	[tilespmem:s0+$0x19680] =	vst v0  }
0x3f6: {  	[spmem:s20] =	stream.linear.scatter [tilespmem:s19], [sflag:$0x1], $0x80, $0x38;
	[tilespmem:$0x1ED90] =	vst v63  }
0x3f7: {  	s20 =	simm.s32 $0x19A80  }
0x3f8: {  	[spmem:s21] =	stream.linear.scatter [tilespmem:s20], [sflag:$0x1], $0x80, $0x38;
	[tilespmem:$0x1ED90] =	vst v63  }
0x3f9: {  	s21 =	simm.s32 $0x19E80  }
0x3fa: {  	[spmem:s22] =	stream.linear.scatter [tilespmem:s21], [sflag:$0x1], $0x80, $0x38;
	[tilespmem:$0x1ED90] =	vst v63  }
0x3fb: {  	s25 =	simm.s32 $0x1A280  }
0x3fc: {  	[spmem:s23] =	stream.linear.scatter [tilespmem:s25], [sflag:$0x1], $0x80, $0x38;
	[tilespmem:$0x1ED90] =	vst v63  }
0x3fd: {  	s26 =	simm.s32 $0x1A680;
	s28 =	simm.s32 $0x1  }
0x3fe: {  	[spmem:s24] =	stream.linear.scatter [tilespmem:s26], [sflag:$0x1], $0x80, $0x38;
	[tilespmem:$0x1ED90] =	vst v63  }
0x3ff: {  	_ =	swait.ge [sflag:s28], $0x280  }
0x400: {  	[sflag:s28] =	ssyncset.done $0x0  }
0x401: {  	[sflag:s28] =	ssyncadd.s32 $0xFFFFFD80  }
0x402: {  	s29 =	simm.s32 $0x4F00;
	v0 =	vimm.s32 $0x1D;
	[bflag:$0x0] =	sbarrier.arrive $0xFFFF  }
0x403: {  	v2 =	vimm.s32 $0x1E;
	[tilespmem:s29], [sflag:$0x1] =	stream.linear.gather [spmem:s5], $0x2800, $0x38;
	[tilespmem:$0x1ED90] =	vst v63  }
0x404: {  	_ =	swait.ge [sflag:s28], $0x2800  }
0x405: {  	[sflag:s28] =	ssyncset.done $0x0  }
0x406: {  	s30 =	simm.s32 $0x1D900;
	[sflag:s28] =	ssyncadd.s32 $0xFFFFD800  }
0x407: {  	v3 =	vimm.s32 $0x1F;
	v1 =	vld.idx.msk [tilespmem:v0+s30+$0x0], $0xffff  }
0x408: {  	v2 =	vld.idx.msk [tilespmem:v2+s30+$0x0], $0xffff;
	_ =	sdelay $0x3  }
0x409: {  	s1 =	simm.s32 $0x0;
	s0 =	simm.s32 $0x40;
	v0 =	vld.idx.msk [tilespmem:v3+s30+$0x0], $0xffff;
	v3 =	vimm.f32 $0.0e+00;
	s5 =	rddreg [dreg:$0x1]  }
.LBB2_19:
0x40a: {  	p0 =	sne.s32 s0, $0x9FC0;
	[tilespmem:s1+$0xEF00] =	vst v3;
	s2 =	smov.u32 s0;
	s0 =	sadd.s32 $0x40, s0  }
.Ltmp9:
0x40b: {  	[tilespmem:s1+$0x11700] =	vst v3;
	(pc) =	sbr.rel @p0 .LBB2_19-.Ltmp9, $2  }
0x40c: {  	_ =	sdelay $0x2  }
0x40d: {  	s1 =	sshra.s32 s2, $0x2  }
0x40e: {  	[tilespmem:s1+$0xEF00] =	vst v3  }
0x40f: {  	[tilespmem:s1+$0x11700] =	vst v3;
	s0 =	simm.s32 $0x1AD00;
	s29 =	simm.s32 $0x1  }
0x410: {  	[spmem:s8] =	stream.linear.scatter [tilespmem:s0], [sflag:$0x1], $0x280, $0x38;
	[tilespmem:$0x1ED90] =	vst v63  }
0x411: {  	_ =	swait.ge [sflag:s29], $0x280  }
0x412: {  	[sflag:s29] =	ssyncset.done $0x0  }
0x413: {  	[sflag:s29] =	ssyncadd.s32 $0xFFFFFD80  }
0x414: {  	[spmem:s7] =	stream.linear.scatter [tilespmem:s0], [sflag:$0x1], $0x280, $0x38;
	[tilespmem:$0x1ED90] =	vst v63  }
0x415: {  	_ =	swait.ge [sflag:s29], $0x280  }
0x416: {  	[sflag:s29] =	ssyncset.done $0x0  }
0x417: {  	s30 =	simm.s32 $0x0;
	[sflag:s29] =	ssyncadd.s32 $0xFFFFFD80  }
0x418: {  	v10 =	vld [tilespmem:s30+$0x80]  }
0x419: {  	v4 =	vld [tilespmem:s30+$0x2800]  }
0x41a: {  	v17 =	vld [tilespmem:s30+$0x70]  }
0x41b: {  	v9 =	vld [tilespmem:s30+$0x60]  }
0x41c: {  	v3 =	vld [tilespmem:s30+$0x2820]  }
0x41d: {  	v12 =	vld [tilespmem:s30+$0x50]  }
0x41e: {  	v7 =	vld [tilespmem:s30+$0x27D0]  }
0x41f: {  	v6 =	vld [tilespmem:s30+$0x27E0]  }
0x420: {  	v13 =	vld [tilespmem:s30+$0x40]  }
0x421: {  	v14 =	vld [tilespmem:s30+$0x20]  }
0x422: {  	v8 =	vld [tilespmem:s30+$0x27C0]  }
0x423: {  	v11 =	vld [tilespmem:s30+$0x27A0]  }
0x424: {  	v16 =	vld [tilespmem:s30+$0x30]  }
0x425: {  	v15 =	vld [tilespmem:s30+$0x2790]  }
0x426: {  	v20 =	vld [tilespmem:s30+$0x10]  }
0x427: {  	v21 =	vld [tilespmem:s30+$0x0]  }
0x428: {  	s9 =	simm.s32 $0x4F00;
	v22 =	vld [tilespmem:s30+$0x2780]  }
0x429: {  	v18 =	vld.idx.msk [tilespmem:v7+s9+$0x0], $0xffff  }
0x42a: {  	v19 =	vld.idx.msk [tilespmem:v14+s9+$0x0], $0xffff  }
0x42b: {  	v23 =	vld.idx.msk [tilespmem:v11+s9+$0x0], $0xffff  }
0x42c: {  	v14 =	vld.idx.msk [tilespmem:v16+s9+$0x0], $0xffff  }
0x42d: {  	v16 =	vld.idx.msk [tilespmem:v13+s9+$0x0], $0xffff  }
0x42e: {  	v24 =	vld.idx.msk [tilespmem:v8+s9+$0x0], $0xffff  }
0x42f: {  	v30 =	vld.idx.msk [tilespmem:v20+s9+$0x0], $0xffff  }
0x430: {  	v20 =	vld.idx.msk [tilespmem:v15+s9+$0x0], $0xffff  }
0x431: {  	v36 =	vld.idx.msk [tilespmem:v21+s9+$0x0], $0xffff  }
0x432: {  	v27 =	vld.idx.msk [tilespmem:v12+s9+$0x0], $0xffff  }
0x433: {  	v25 =	vld.idx.msk [tilespmem:v6+s9+$0x0], $0xffff;
	v13 =	vmul.f32 v19, v1  }
0x434: {  	v54 =	vld.idx.msk [tilespmem:v3+s9+$0x0], $0xffff;
	v21 =	vmul.f32 v23, v2;
	v26 =	vmul.f32 v14, v1  }
0x435: {  	v5 =	vld [tilespmem:s30+$0x27F0];
	v28 =	vmul.f32 v16, v1;
	v29 =	vmul.f32 v30, v1  }
0x436: {  	v23 =	vld.idx.msk [tilespmem:v22+s9+$0x0], $0xffff;
	v20 =	vmul.f32 v20, v2;
	v33 =	vmul.f32 v36, v1  }
0x437: {  	v32 =	vld [tilespmem:s30+$0x90];
	v24 =	vmul.f32 v24, v2;
	v18 =	vmul.f32 v18, v2  }
0x438: {  	v38 =	vld.idx.msk [tilespmem:v4+s9+$0x0], $0xffff;
	v25 =	vmul.f32 v25, v2;
	v21 =	vadd.f32 v21, v13;
	v20 =	vadd.f32 v20, v29  }
0x439: {  	v37 =	vmul.f32 v27, v1;
	v63 =	vmul.f32 v54, v2;
	v13 =	vld.idx.msk [tilespmem:v9+s9+$0x0], $0xffff;
	v28 =	vadd.f32 v24, v28  }
0x43a: {  	v9 =	vld [tilespmem:s30+$0x2810];
	v12 =	vmin.f32 v21, $0.0e+00;
	v21 =	vmax.f32 v21, $0.0e+00;
	v24 =	vmin.f32 v20, $0.0e+00  }
0x43b: {  	v29 =	vld [tilespmem:s30+$0xA0];
	v39 =	vmin.f32 v28, $0.0e+00;
	v31 =	vmul.f32 $2.000000030e-01, v12;
	v34 =	vmul.f32 v23, v2  }
0x43c: {  	v28 =	vmax.f32 v28, $0.0e+00;
	v23 =	vld.idx.msk [tilespmem:v17+s9+$0x0], $0xffff;
	v17 =	vmax.f32 v20, $0.0e+00;
	v20 =	vmul.f32 $2.000000030e-01, v24  }
0x43d: {  	v24 =	vld.idx.msk [tilespmem:v10+s9+$0x0], $0xffff;
	v39 =	vmul.f32 $2.000000030e-01, v39;
	v21 =	vadd.f32 v31, v21;
	v33 =	vadd.f32 v34, v33  }
0x43e: {  	v12 =	vld [tilespmem:s30+$0x27B0];
	v35 =	vmul.f32 v13, v1;
	v10 =	vadd.f32 v20, v17;
	v17 =	vadd.f32 v18, v37  }
0x43f: {  	v44 =	vld [tilespmem:s30+$0xC0];
	v28 =	vadd.f32 v39, v28;
	v20 =	vmax.f32 v33, $0.0e+00;
	v21 =	vmul.f32 $1.442695020e+00, v21  }
0x440: {  	v31 =	vld.idx.msk [tilespmem:v5+s9+$0x0], $0xffff;
	v52 =	vmul.f32 $1.442695020e+00, v10;
	v10 =	vmin.f32 v17, $0.0e+00;
	v33 =	vmin.f32 v33, $0.0e+00  }
0x441: {  	v51 =	vadd.f32 v25, v35;
	v25 =	vld.idx.msk [tilespmem:v32+s9+$0x0], $0xffff;
	v40 =	vmul.f32 $2.000000030e-01, v10;
	v33 =	vmul.f32 $2.000000030e-01, v33  }
0x442: {  	v17 =	vmax.f32 v17, $0.0e+00;
	v18 =	vld.idx.msk [tilespmem:v9+s9+$0x0], $0xffff;
	v42 =	vmul.f32 v24, v1;
	v53 =	vmul.f32 v23, v1  }
0x443: {  	v35 =	vmin.f32 v51, $0.0e+00;
	(erf) = vpow2.f32 v21;
	v21 =	vld.idx.msk [tilespmem:v29+s9+$0x0], $0xffff;
	v29 =	vmul.f32 v38, v2  }
0x444: {  	v60 =	vld [tilespmem:s30+$0xE0];
	v34 =	vmax.f32 v51, $0.0e+00;
	v35 =	vmul.f32 $2.000000030e-01, v35;
	v17 =	vadd.f32 v40, v17  }
0x445: {  	v47 =	vld [tilespmem:s30+$0xB0];
	v31 =	vmul.f32 v31, v2;
	v20 =	vadd.f32 v33, v20;
	v29 =	vadd.f32 v29, v42  }
0x446: {  	v41 =	vld.idx.msk [tilespmem:v12+s9+$0x0], $0xffff;
	v34 =	vadd.f32 v35, v34;
	v17 =	vmul.f32 $1.442695020e+00, v17;
	v56 =	vmul.f32 v25, v1  }
0x447: {  	v10 =	vld [tilespmem:s30+$0x2870];
	v55 =	vadd.f32 v31, v53;
	v57 =	vmul.f32 $1.442695020e+00, v20;
	v43 =	vmul.f32 v18, v2  }
0x448: {  	v37 =	vld [tilespmem:s30+$0xF0];
	v31 =	vmin.f32 v29, $0.0e+00;
	v29 =	vmax.f32 v29, $0.0e+00;
	(erf) = vpow2.f32 v17  }
0x449: {  	v20 =	vld [tilespmem:s30+$0x2850];
	v58 =	vmin.f32 v55, $0.0e+00;
	v45 =	vmul.f32 $2.000000030e-01, v31;
	v46 =	vmul.f32 v21, v1  }
0x44a: {  	v18 =	vld [tilespmem:s30+$0x2840];
	(erf) = vpow2.f32 v57;
	v59 =	vmul.f32 $2.000000030e-01, v58;
	v61 =	vadd.f32 v43, v56  }
0x44b: {  	v17 =	vld [tilespmem:s30+$0x2860];
	v58 =	vmul.f32 $1.442695020e+00, v28;
	v41 =	vmul.f32 v41, v2;
	v29 =	vadd.f32 v45, v29  }
0x44c: {  	v45 =	vld [tilespmem:s30+$0xD0];
	(erf) = vpow2.f32 v52;
	v32 =	vadd.f32 v63, v46;
	v52 =	vmin.f32 v61, $0.0e+00  }
0x44d: {  	v28 =	vld.idx.msk [tilespmem:v60+s9+$0x0], $0xffff;
	v41 =	vadd.f32 v41, v26;
	v26 =	vmax.f32 v55, $0.0e+00;
	v29 =	vmul.f32 $1.442695020e+00, v29  }
0x44e: {  	v55 =	vmul.f32 $2.000000030e-01, v52;
	v63 =	vmax.f32 v32, $0.0e+00;
	v62 =	vadd.f32 v59, v26;
	v26 =	vld [tilespmem:s30+$0x2830]  }
0x44f: {  	v31 =	vld.idx.msk [tilespmem:v10+s9+$0x0], $0xffff;
	v59 =	vmin.f32 v32, $0.0e+00;
	v51 =	vmin.f32 v41, $0.0e+00;
	(erf) = vpow2.f32 v29  }
0x450: {  	v32 =	vld.idx.msk [tilespmem:v47+s9+$0x0], $0xffff;
	v29 =	vmax.f32 v61, $0.0e+00;
	v53 =	vmul.f32 $2.000000030e-01, v51;
	v48 =	vmul.f32 $1.442695020e+00, v62  }
0x451: {  	v35 =	vmul.f32 $1.442695020e+00, v34;
	v54 =	vmax.f32 v41, $0.0e+00;
	v40 =	vld.idx.msk [tilespmem:v20+s9+$0x0], $0xffff;
	v29 =	vadd.f32 v55, v29  }
0x452: {  	v38 =	vpop (erf);
	v46 =	vmul.f32 v28, v1;
	v49 =	vld.idx.msk [tilespmem:v18+s9+$0x0], $0xffff;
	v57 =	vadd.f32 v53, v54;
	(erf) = vpow2.f32 v48  }
0x453: {  	v62 =	vmul.f32 $2.000000030e-01, v59;
	v56 =	vld.idx.msk [tilespmem:v17+s9+$0x0], $0xffff;
	v61 =	vmul.f32 $1.442695020e+00, v29  }
0x454: {  	v33 =	vpop (erf);
	v29 =	vld.idx.msk [tilespmem:v45+s9+$0x0], $0xffff;
	(erf) = vpow2.f32 v58;
	v60 =	vmul.f32 $1.442695020e+00, v57  }
0x455: {  	v34 =	vmul.f32 v33, v27;
	v27 =	vld.idx.msk [tilespmem:v37+s9+$0x0], $0xffff;
	v50 =	vpop (erf);
	(erf) = vpow2.f32 v61  }
0x456: {  	v37 =	vadd.f32 v62, v63;
	v43 =	vpop (erf);
	v45 =	vmul.f32 v50, v36;
	v41 =	vld.idx.msk [tilespmem:v26+s9+$0x0], $0xffff;
	(erf) = vpow2.f32 v60  }
0x457: {  	s18 =	simm.s32 $0xEF00;
	v39 =	vmul.f32 v49, v2;
	v42 =	vmul.f32 v43, v30;
	v30 =	vld.idx.msk [tilespmem:v44+s9+$0x0], $0xffff  }
0x458: {  	s19 =	simm.s32 $0x11700;
	s0 =	simm.s32 $0x400;
	v37 =	vmul.f32 $1.442695020e+00, v37;
	v44 =	vmul.f32 v56, v2;
	[tilespmem:v22+s18+$0x0] =	vst.idx.add.f32.msk $0xffff, v50;
	v36 =	vpop (erf)  }
.LBB2_21:
0x459: {  	p0 =	sne.s32 s0, $0x9800;
	v47 =	vmul.f32 v29, v1;
	v40 =	vmul.f32 v40, v2;
	[tilespmem:v22+s19+$0x0] =	vst.idx.add.f32.msk $0xffff, v45;
	s1 =	smov.u32 s0;
	s0 =	sadd.s32 $0x400, s0  }
0x45a: {  	v22 =	vadd.f32 v44, v46;
	[tilespmem:v15+s18+$0x0] =	vst.idx.add.f32.msk $0xffff, v43;
	v43 =	vmul.f32 v38, v19;
	(erf) = vpow2.f32 v35  }
0x45b: {  	v35 =	vmul.f32 v32, v1;
	v44 =	vmul.f32 v41, v2;
	[tilespmem:v15+s19+$0x0] =	vst.idx.add.f32.msk $0xffff, v42;
	v15 =	vpop (erf)  }
0x45c: {  	v40 =	vadd.f32 v40, v47;
	v42 =	vmin.f32 v22, $0.0e+00;
	[tilespmem:v11+s18+$0x0] =	vst.idx.add.f32.msk $0xffff, v38;
	v23 =	vmul.f32 v15, v23  }
0x45d: {  	v35 =	vadd.f32 v44, v35;
	v44 =	vmul.f32 $2.000000030e-01, v42;
	[tilespmem:v11+s19+$0x0] =	vst.idx.add.f32.msk $0xffff, v43;
	v11 =	vmul.f32 v36, v24;
	v19 =	vpop (erf)  }
0x45e: {  	v22 =	vmax.f32 v22, $0.0e+00;
	v24 =	vmax.f32 v40, $0.0e+00;
	v16 =	vmul.f32 v19, v16;
	v41 =	vpop (erf)  }
0x45f: {  	v42 =	vmin.f32 v35, $0.0e+00;
	v22 =	vadd.f32 v44, v22;
	v25 =	vmul.f32 v41, v25;
	v38 =	vpop (erf)  }
0x460: {  	v40 =	vmin.f32 v40, $0.0e+00;
	v42 =	vmul.f32 $2.000000030e-01, v42;
	[tilespmem:v12+s18+$0x0] =	vst.idx.add.f32.msk $0xffff, v38;
	v14 =	vmul.f32 v38, v14  }
0x461: {  	v35 =	vmax.f32 v35, $0.0e+00;
	v38 =	vmul.f32 v30, v1;
	v22 =	vmul.f32 $1.442695020e+00, v22  }
0x462: {  	v31 =	vmul.f32 v31, v2;
	v40 =	vmul.f32 $2.000000030e-01, v40;
	v35 =	vadd.f32 v42, v35;
	[tilespmem:v12+s19+$0x0] =	vst.idx.add.f32.msk $0xffff, v14  }
0x463: {  	v12 =	vadd.f32 v39, v38;
	v14 =	vmul.f32 v27, v1;
	[tilespmem:v8+s18+$0x0] =	vst.idx.add.f32.msk $0xffff, v19;
	v19 =	vpop (erf);
	(erf) = vpow2.f32 v37  }
0x464: {  	v24 =	vadd.f32 v40, v24;
	v35 =	vmul.f32 $1.442695020e+00, v35;
	[tilespmem:v8+s19+$0x0] =	vst.idx.add.f32.msk $0xffff, v16;
	v8 =	vmul.f32 v19, v13  }
0x465: {  	v13 =	vmin.f32 v12, $0.0e+00;
	v14 =	vadd.f32 v31, v14;
	[tilespmem:v7+s18+$0x0] =	vst.idx.add.f32.msk $0xffff, v33  }
0x466: {  	v12 =	vmax.f32 v12, $0.0e+00;
	v13 =	vmul.f32 $2.000000030e-01, v13;
	[tilespmem:v7+s19+$0x0] =	vst.idx.add.f32.msk $0xffff, v34;
	(erf) = vpow2.f32 v35  }
0x467: {  	v7 =	vmin.f32 v14, $0.0e+00;
	[tilespmem:v6+s18+$0x0] =	vst.idx.add.f32.msk $0xffff, v19  }
0x468: {  	v12 =	vadd.f32 v13, v12;
	v13 =	vmul.f32 $1.442695020e+00, v24;
	v7 =	vmul.f32 $2.000000030e-01, v7;
	[tilespmem:v6+s19+$0x0] =	vst.idx.add.f32.msk $0xffff, v8  }
0x469: {  	v6 =	vmax.f32 v14, $0.0e+00;
	[tilespmem:v5+s18+$0x0] =	vst.idx.add.f32.msk $0xffff, v15  }
0x46a: {  	v8 =	vmul.f32 $1.442695020e+00, v12;
	v6 =	vadd.f32 v7, v6;
	[tilespmem:v5+s19+$0x0] =	vst.idx.add.f32.msk $0xffff, v23;
	(erf) = vpow2.f32 v13  }
0x46b: {  	[tilespmem:v4+s18+$0x0] =	vst.idx.add.f32.msk $0xffff, v36;
	(erf) = vpow2.f32 v22  }
0x46c: {  	v5 =	vmul.f32 $1.442695020e+00, v6;
	[tilespmem:v4+s19+$0x0] =	vst.idx.add.f32.msk $0xffff, v11;
	v4 =	vpop (erf);
	(erf) = vpow2.f32 v8  }
0x46d: {  	[tilespmem:v9+s18+$0x0] =	vst.idx.add.f32.msk $0xffff, v41  }
0x46e: {  	v6 =	vmul.f32 v4, v21;
	[tilespmem:v9+s19+$0x0] =	vst.idx.add.f32.msk $0xffff, v25;
	(erf) = vpow2.f32 v5  }
0x46f: {  	[tilespmem:v3+s18+$0x0] =	vst.idx.add.f32.msk $0xffff, v4;
	v4 =	vpop (erf)  }
0x470: {  	[tilespmem:v3+s19+$0x0] =	vst.idx.add.f32.msk $0xffff, v6;
	v5 =	vmul.f32 v4, v32  }
0x471: {  	[tilespmem:v26+s18+$0x0] =	vst.idx.add.f32.msk $0xffff, v4  }
0x472: {  	[tilespmem:v26+s19+$0x0] =	vst.idx.add.f32.msk $0xffff, v5  }
0x473: {  	v3 =	vpop (erf)  }
0x474: {  	v4 =	vmul.f32 v3, v29;
	v5 =	vpop (erf)  }
0x475: {  	v6 =	vpop (erf)  }
0x476: {  	v7 =	vmul.f32 v5, v28;
	[tilespmem:v18+s18+$0x0] =	vst.idx.add.f32.msk $0xffff, v6;
	v6 =	vmul.f32 v6, v30  }
0x477: {  	v8 =	vpop (erf)  }
0x478: {  	[tilespmem:v18+s19+$0x0] =	vst.idx.add.f32.msk $0xffff, v6;
	v6 =	vmul.f32 v8, v27  }
0x479: {  	[tilespmem:v20+s18+$0x0] =	vst.idx.add.f32.msk $0xffff, v3  }
0x47a: {  	[tilespmem:v20+s19+$0x0] =	vst.idx.add.f32.msk $0xffff, v4  }
0x47b: {  	[tilespmem:v17+s18+$0x0] =	vst.idx.add.f32.msk $0xffff, v5  }
0x47c: {  	[tilespmem:v17+s19+$0x0] =	vst.idx.add.f32.msk $0xffff, v7  }
0x47d: {  	[tilespmem:v10+s18+$0x0] =	vst.idx.add.f32.msk $0xffff, v8  }
0x47e: {  	[tilespmem:v10+s19+$0x0] =	vst.idx.add.f32.msk $0xffff, v6;
	_ =	sdelay $0x1  }
0x47f: {  	s1 =	sshra.s32 s1, $0x2  }
0x480: {  	v10 =	vld [tilespmem:s1+$0x80]  }
0x481: {  	v4 =	vld [tilespmem:s1+$0x2800]  }
0x482: {  	v17 =	vld [tilespmem:s1+$0x70]  }
0x483: {  	v9 =	vld [tilespmem:s1+$0x60]  }
0x484: {  	v3 =	vld [tilespmem:s1+$0x2820]  }
0x485: {  	v13 =	vld [tilespmem:s1+$0x50]  }
0x486: {  	v7 =	vld [tilespmem:s1+$0x27D0]  }
0x487: {  	v6 =	vld [tilespmem:s1+$0x27E0]  }
0x488: {  	v16 =	vld [tilespmem:s1+$0x40]  }
0x489: {  	v5 =	vld [tilespmem:s1+$0x27F0]  }
0x48a: {  	v8 =	vld [tilespmem:s1+$0x27C0]  }
0x48b: {  	v14 =	vld [tilespmem:s1+$0x20]  }
0x48c: {  	v11 =	vld [tilespmem:s1+$0x27A0]  }
0x48d: {  	v18 =	vld [tilespmem:s1+$0x30]  }
0x48e: {  	v20 =	vld.idx.msk [tilespmem:v7+s9+$0x0], $0xffff  }
0x48f: {  	v15 =	vld [tilespmem:s1+$0x2790]  }
0x490: {  	v12 =	vld [tilespmem:s1+$0x27B0]  }
0x491: {  	v21 =	vld [tilespmem:s1+$0x10]  }
0x492: {  	v23 =	vld [tilespmem:s1+$0x0]  }
0x493: {  	v19 =	vld.idx.msk [tilespmem:v14+s9+$0x0], $0xffff  }
0x494: {  	v22 =	vld [tilespmem:s1+$0x2780]  }
0x495: {  	v24 =	vld.idx.msk [tilespmem:v11+s9+$0x0], $0xffff  }
0x496: {  	v14 =	vld.idx.msk [tilespmem:v18+s9+$0x0], $0xffff  }
0x497: {  	v16 =	vld.idx.msk [tilespmem:v16+s9+$0x0], $0xffff  }
0x498: {  	v18 =	vld.idx.msk [tilespmem:v8+s9+$0x0], $0xffff  }
0x499: {  	v37 =	vld.idx.msk [tilespmem:v21+s9+$0x0], $0xffff  }
0x49a: {  	v25 =	vmul.f32 v19, v1;
	v21 =	vld.idx.msk [tilespmem:v15+s9+$0x0], $0xffff  }
0x49b: {  	v36 =	vld.idx.msk [tilespmem:v23+s9+$0x0], $0xffff;
	v23 =	vmul.f32 v24, v2  }
0x49c: {  	v26 =	vmul.f32 v14, v1;
	v24 =	vld.idx.msk [tilespmem:v22+s9+$0x0], $0xffff  }
0x49d: {  	v28 =	vld.idx.msk [tilespmem:v13+s9+$0x0], $0xffff;
	v23 =	vadd.f32 v23, v25;
	v25 =	vmul.f32 v16, v1  }
0x49e: {  	v27 =	vld.idx.msk [tilespmem:v6+s9+$0x0], $0xffff  }
0x49f: {  	v29 =	vmul.f32 v37, v1;
	v13 =	vld.idx.msk [tilespmem:v9+s9+$0x0], $0xffff;
	v30 =	vmin.f32 v23, $0.0e+00  }
0x4a0: {  	v21 =	vmul.f32 v21, v2;
	v9 =	vld [tilespmem:s1+$0x2810];
	v30 =	vmul.f32 $2.000000030e-01, v30  }
0x4a1: {  	v18 =	vmul.f32 v18, v2;
	v23 =	vmax.f32 v23, $0.0e+00;
	v32 =	vmul.f32 v36, v1;
	v31 =	vld [tilespmem:s1+$0x90]  }
0x4a2: {  	v20 =	vmul.f32 v20, v2;
	v34 =	vmul.f32 v24, v2;
	v21 =	vadd.f32 v21, v29;
	v33 =	vld [tilespmem:s1+$0xA0]  }
0x4a3: {  	v18 =	vadd.f32 v18, v25;
	v30 =	vadd.f32 v30, v23;
	v29 =	vld.idx.msk [tilespmem:v5+s9+$0x0], $0xffff  }
0x4a4: {  	v25 =	vmul.f32 v27, v2;
	v23 =	vld.idx.msk [tilespmem:v17+s9+$0x0], $0xffff;
	v17 =	vmax.f32 v21, $0.0e+00;
	v21 =	vmin.f32 v21, $0.0e+00  }
0x4a5: {  	v35 =	vmin.f32 v18, $0.0e+00;
	v38 =	vmul.f32 v13, v1;
	v27 =	vld.idx.msk [tilespmem:v4+s9+$0x0], $0xffff;
	v21 =	vmul.f32 $2.000000030e-01, v21  }
0x4a6: {  	v24 =	vld.idx.msk [tilespmem:v10+s9+$0x0], $0xffff;
	v10 =	vadd.f32 v34, v32;
	v32 =	vmul.f32 $2.000000030e-01, v35;
	v34 =	vmul.f32 v28, v1  }
0x4a7: {  	v17 =	vadd.f32 v21, v17;
	v21 =	vadd.f32 v25, v38  }
0x4a8: {  	v35 =	vld.idx.msk [tilespmem:v9+s9+$0x0], $0xffff;
	v38 =	vmax.f32 v10, $0.0e+00;
	v39 =	vmin.f32 v10, $0.0e+00;
	v20 =	vadd.f32 v20, v34  }
0x4a9: {  	v30 =	vmul.f32 $1.442695020e+00, v30;
	v29 =	vmul.f32 v29, v2;
	v25 =	vld.idx.msk [tilespmem:v31+s9+$0x0], $0xffff;
	v10 =	vmin.f32 v21, $0.0e+00  }
0x4aa: {  	v40 =	vmul.f32 $1.442695020e+00, v17;
	v34 =	vld [tilespmem:s1+$0xF0];
	v17 =	vmin.f32 v20, $0.0e+00;
	v31 =	vmul.f32 $2.000000030e-01, v10  }
0x4ab: {  	v20 =	vmax.f32 v20, $0.0e+00;
	v10 =	vld [tilespmem:s1+$0x2870];
	v17 =	vmul.f32 $2.000000030e-01, v17;
	(erf) = vpow2.f32 v30  }
0x4ac: {  	v39 =	vmul.f32 $2.000000030e-01, v39;
	v41 =	vmax.f32 v21, $0.0e+00;
	v42 =	vmul.f32 v24, v1;
	v30 =	vld.idx.msk [tilespmem:v12+s9+$0x0], $0xffff  }
0x4ad: {  	v21 =	vld.idx.msk [tilespmem:v33+s9+$0x0], $0xffff;
	v33 =	vmax.f32 v18, $0.0e+00;
	v17 =	vadd.f32 v17, v20;
	v18 =	vmul.f32 v27, v2  }
0x4ae: {  	v20 =	vadd.f32 v31, v41;
	v31 =	vmul.f32 v23, v1;
	v41 =	vmul.f32 v35, v2;
	v27 =	vld.idx.msk [tilespmem:v3+s9+$0x0], $0xffff  }
0x4af: {  	v38 =	vadd.f32 v39, v38;
	v44 =	vld [tilespmem:s1+$0xC0];
	v39 =	vmul.f32 $1.442695020e+00, v17;
	v42 =	vadd.f32 v18, v42  }
0x4b0: {  	v43 =	vmul.f32 v25, v1;
	v35 =	vmul.f32 $1.442695020e+00, v20;
	v29 =	vadd.f32 v29, v31;
	v18 =	vld [tilespmem:s1+$0x2840]  }
0x4b1: {  	v48 =	vmul.f32 $1.442695020e+00, v38;
	v17 =	vld [tilespmem:s1+$0x2860];
	v31 =	vmin.f32 v42, $0.0e+00;
	(erf) = vpow2.f32 v39  }
0x4b2: {  	v30 =	vmul.f32 v30, v2;
	v39 =	vmin.f32 v29, $0.0e+00;
	v20 =	vld [tilespmem:s1+$0x2850];
	v45 =	vmul.f32 $2.000000030e-01, v31  }
0x4b3: {  	v42 =	vmax.f32 v42, $0.0e+00;
	v46 =	vmul.f32 v21, v1;
	v31 =	vld.idx.msk [tilespmem:v10+s9+$0x0], $0xffff;
	(erf) = vpow2.f32 v48  }
0x4b4: {  	v29 =	vmax.f32 v29, $0.0e+00;
	v39 =	vmul.f32 $2.000000030e-01, v39;
	v30 =	vadd.f32 v30, v26;
	v47 =	vld [tilespmem:s1+$0xE0];
	v38 =	vpop (erf)  }
0x4b5: {  	v41 =	vadd.f32 v41, v43;
	v27 =	vmul.f32 v27, v2;
	v42 =	vadd.f32 v45, v42;
	v48 =	vld [tilespmem:s1+$0xD0]  }
0x4b6: {  	v29 =	vadd.f32 v39, v29;
	v43 =	vmax.f32 v30, $0.0e+00;
	v26 =	vld [tilespmem:s1+$0x2830];
	(erf) = vpow2.f32 v40  }
0x4b7: {  	v30 =	vmin.f32 v30, $0.0e+00;
	v40 =	vmul.f32 $1.442695020e+00, v42;
	v42 =	vmin.f32 v41, $0.0e+00;
	v39 =	vld [tilespmem:s1+$0xB0]  }
0x4b8: {  	v46 =	vadd.f32 v27, v46;
	v30 =	vmul.f32 $2.000000030e-01, v30;
	v29 =	vmul.f32 $1.442695020e+00, v29;
	v45 =	vld.idx.msk [tilespmem:v18+s9+$0x0], $0xffff  }
0x4b9: {  	v32 =	vadd.f32 v32, v33;
	v42 =	vmul.f32 $2.000000030e-01, v42;
	v49 =	vld.idx.msk [tilespmem:v17+s9+$0x0], $0xffff;
	(erf) = vpow2.f32 v40  }
0x4ba: {  	v41 =	vmax.f32 v41, $0.0e+00;
	v50 =	vmin.f32 v46, $0.0e+00;
	v40 =	vld.idx.msk [tilespmem:v20+s9+$0x0], $0xffff;
	v33 =	vpop (erf)  }
0x4bb: {  	v30 =	vadd.f32 v30, v43;
	v41 =	vadd.f32 v42, v41;
	v27 =	vld.idx.msk [tilespmem:v34+s9+$0x0], $0xffff;
	v34 =	vmul.f32 v33, v28  }
0x4bc: {  	v32 =	vmul.f32 $1.442695020e+00, v32;
	v28 =	vld.idx.msk [tilespmem:v47+s9+$0x0], $0xffff;
	v47 =	vpop (erf);
	(erf) = vpow2.f32 v29  }
0x4bd: {  	v29 =	vld.idx.msk [tilespmem:v48+s9+$0x0], $0xffff;
	v48 =	vmul.f32 $1.442695020e+00, v30;
	v30 =	vmul.f32 $1.442695020e+00, v41  }
.Ltmp10:
0x4be: {  	v42 =	vmul.f32 $2.000000030e-01, v50;
	v41 =	vld.idx.msk [tilespmem:v26+s9+$0x0], $0xffff;
	(erf) = vpow2.f32 v32;
	(pc) =	sbr.rel @p0 .LBB2_21-.Ltmp10, $4  }
0x4bf: {  	v46 =	vmax.f32 v46, $0.0e+00;
	v32 =	vld.idx.msk [tilespmem:v39+s9+$0x0], $0xffff;
	v39 =	vmul.f32 v45, v2;
	v43 =	vpop (erf);
	(erf) = vpow2.f32 v30  }
0x4c0: {  	v46 =	vadd.f32 v42, v46;
	v30 =	vld.idx.msk [tilespmem:v44+s9+$0x0], $0xffff;
	v42 =	vmul.f32 v43, v37;
	(erf) = vpow2.f32 v48  }
0x4c1: {  	v45 =	vmul.f32 v47, v36;
	v44 =	vmul.f32 v49, v2;
	[tilespmem:v22+s18+$0x0] =	vst.idx.add.f32.msk $0xffff, v47  }
0x4c2: {  	v37 =	vmul.f32 $1.442695020e+00, v46;
	v46 =	vmul.f32 v28, v1;
	v36 =	vpop (erf)  }
0x4c3: {  	_ =	sdelay $0x1  }
0x4c4: {  	v47 =	vmul.f32 v29, v1;
	v40 =	vmul.f32 v40, v2  }
0x4c5: {  	v41 =	vmul.f32 v41, v2;
	(erf) = vpow2.f32 v35  }
0x4c6: {  	[tilespmem:v22+s19+$0x0] =	vst.idx.add.f32.msk $0xffff, v45;
	v19 =	vmul.f32 v38, v19;
	v31 =	vmul.f32 v31, v2  }
0x4c7: {  	v56 =	vmul.f32 v27, v1;
	v44 =	vadd.f32 v44, v46;
	v57 =	vmul.f32 v32, v1;
	v22 =	vpop (erf)  }
0x4c8: {  	[tilespmem:v15+s18+$0x0] =	vst.idx.add.f32.msk $0xffff, v43;
	v58 =	vadd.f32 v40, v47;
	v62 =	vmul.f32 v30, v1;
	(erf) = vpow2.f32 v37;
	v60 =	vpop (erf)  }
0x4c9: {  	[tilespmem:v15+s19+$0x0] =	vst.idx.add.f32.msk $0xffff, v42;
	v59 =	vmin.f32 v44, $0.0e+00;
	v41 =	vadd.f32 v41, v57;
	v63 =	vmul.f32 v60, v16;
	v16 =	vpop (erf)  }
0x4ca: {  	v44 =	vmax.f32 v44, $0.0e+00;
	[tilespmem:v11+s18+$0x0] =	vst.idx.add.f32.msk $0xffff, v38;
	v40 =	vmul.f32 $2.000000030e-01, v59;
	v61 =	vmax.f32 v58, $0.0e+00;
	v48 =	vpop (erf)  }
0x4cb: {  	v39 =	vadd.f32 v39, v62;
	[tilespmem:v11+s19+$0x0] =	vst.idx.add.f32.msk $0xffff, v19;
	v47 =	vmin.f32 v41, $0.0e+00;
	v49 =	vmul.f32 v48, v14  }
0x4cc: {  	v35 =	vmin.f32 v58, $0.0e+00;
	v62 =	vmul.f32 v22, v23;
	v42 =	vmul.f32 $2.000000030e-01, v47;
	[tilespmem:v12+s18+$0x0] =	vst.idx.add.f32.msk $0xffff, v48  }
0x4cd: {  	v50 =	vmax.f32 v41, $0.0e+00;
	v51 =	vmul.f32 $2.000000030e-01, v35;
	v53 =	vmin.f32 v39, $0.0e+00;
	[tilespmem:v12+s19+$0x0] =	vst.idx.add.f32.msk $0xffff, v49  }
0x4ce: {  	v40 =	vadd.f32 v40, v44;
	v55 =	vmul.f32 $2.000000030e-01, v53;
	v14 =	vadd.f32 v42, v50;
	[tilespmem:v8+s18+$0x0] =	vst.idx.add.f32.msk $0xffff, v60  }
0x4cf: {  	v57 =	vmax.f32 v39, $0.0e+00;
	v54 =	vadd.f32 v51, v61;
	v61 =	vadd.f32 v31, v56;
	[tilespmem:v8+s19+$0x0] =	vst.idx.add.f32.msk $0xffff, v63  }
0x4d0: {  	v52 =	vmul.f32 $1.442695020e+00, v40;
	v58 =	vpop (erf);
	v59 =	vadd.f32 v55, v57;
	v14 =	vmul.f32 $1.442695020e+00, v14;
	[tilespmem:v7+s18+$0x0] =	vst.idx.add.f32.msk $0xffff, v33  }
0x4d1: {  	v11 =	vmul.f32 $1.442695020e+00, v54;
	v60 =	vmul.f32 v58, v13;
	[tilespmem:v7+s19+$0x0] =	vst.idx.add.f32.msk $0xffff, v34  }
0x4d2: {  	v63 =	vmin.f32 v61, $0.0e+00;
	(erf) = vpow2.f32 v14;
	v7 =	vmul.f32 $1.442695020e+00, v59;
	[tilespmem:v6+s18+$0x0] =	vst.idx.add.f32.msk $0xffff, v58  }
0x4d3: {  	(erf) = vpow2.f32 v11;
	v11 =	vmul.f32 $2.000000030e-01, v63;
	[tilespmem:v6+s19+$0x0] =	vst.idx.add.f32.msk $0xffff, v60  }
0x4d4: {  	(erf) = vpow2.f32 v52;
	v6 =	vmax.f32 v61, $0.0e+00;
	[tilespmem:v5+s18+$0x0] =	vst.idx.add.f32.msk $0xffff, v22  }
0x4d5: {  	(erf) = vpow2.f32 v7;
	v7 =	vmul.f32 v36, v24;
	v6 =	vadd.f32 v11, v6;
	[tilespmem:v5+s19+$0x0] =	vst.idx.add.f32.msk $0xffff, v62  }
0x4d6: {  	[tilespmem:v4+s18+$0x0] =	vst.idx.add.f32.msk $0xffff, v36  }
0x4d7: {  	v5 =	vmul.f32 v16, v25;
	v6 =	vmul.f32 $1.442695020e+00, v6;
	[tilespmem:v4+s19+$0x0] =	vst.idx.add.f32.msk $0xffff, v7  }
0x4d8: {  	v4 =	vpop (erf);
	[tilespmem:v9+s18+$0x0] =	vst.idx.add.f32.msk $0xffff, v16  }
0x4d9: {  	[tilespmem:v9+s19+$0x0] =	vst.idx.add.f32.msk $0xffff, v5;
	v5 =	vmul.f32 v4, v21;
	_ =	sdelay $0x1  }
0x4da: {  	(erf) = vpow2.f32 v6;
	v6 =	vpop (erf)  }
0x4db: {  	[tilespmem:v3+s18+$0x0] =	vst.idx.add.f32.msk $0xffff, v4;
	v4 =	vpop (erf)  }
0x4dc: {  	[tilespmem:v3+s19+$0x0] =	vst.idx.add.f32.msk $0xffff, v5;
	v3 =	vmul.f32 v6, v32;
	v5 =	vpop (erf)  }
0x4dd: {  	[tilespmem:v26+s18+$0x0] =	vst.idx.add.f32.msk $0xffff, v6;
	v6 =	vpop (erf)  }
0x4de: {  	[tilespmem:v26+s19+$0x0] =	vst.idx.add.f32.msk $0xffff, v3;
	v3 =	vmul.f32 v6, v30  }
0x4df: {  	[tilespmem:v18+s18+$0x0] =	vst.idx.add.f32.msk $0xffff, v6  }
0x4e0: {  	v6 =	vmul.f32 v4, v29;
	[tilespmem:v18+s19+$0x0] =	vst.idx.add.f32.msk $0xffff, v3  }
0x4e1: {  	[tilespmem:v20+s18+$0x0] =	vst.idx.add.f32.msk $0xffff, v4  }
0x4e2: {  	v3 =	vmul.f32 v5, v28;
	[tilespmem:v20+s19+$0x0] =	vst.idx.add.f32.msk $0xffff, v6  }
0x4e3: {  	v4 =	vpop (erf);
	[tilespmem:v17+s18+$0x0] =	vst.idx.add.f32.msk $0xffff, v5  }
0x4e4: {  	v5 =	vmul.f32 v4, v27;
	[tilespmem:v17+s19+$0x0] =	vst.idx.add.f32.msk $0xffff, v3  }
0x4e5: {  	[tilespmem:v10+s18+$0x0] =	vst.idx.add.f32.msk $0xffff, v4  }
0x4e6: {  	[tilespmem:v10+s19+$0x0] =	vst.idx.add.f32.msk $0xffff, v5  }
0x4e7: {  	v3 =	vld [tilespmem:$0x2700]  }
0x4e8: {  	v4 =	vld [tilespmem:$0x4E80];
	_ =	sdelay $0x5  }
0x4e9: {  	s0 =	simm.s32 $0x4F00  }
0x4ea: {  	v3 =	vld.idx.msk [tilespmem:v3+s0+$0x0], $0xffff  }
0x4eb: {  	v5 =	vld.idx.msk [tilespmem:v4+s0+$0x0], $0xffff;
	_ =	sdelay $0x4  }
0x4ec: {  	v6 =	vmul.f32 v3, v1;
	v5 =	vmul.f32 v5, v2;
	_ =	sdelay $0x1  }
0x4ed: {  	v5 =	vadd.f32 v5, v6;
	_ =	sdelay $0x1  }
0x4ee: {  	v6 =	vmin.f32 v5, $0.0e+00  }
0x4ef: {  	v6 =	vmul.f32 $2.000000030e-01, v6  }
0x4f0: {  	v5 =	vmax.f32 v5, $0.0e+00  }
0x4f1: {  	v5 =	vadd.f32 v6, v5;
	_ =	sdelay $0x1  }
0x4f2: {  	v5 =	vmul.f32 $1.442695020e+00, v5;
	_ =	sdelay $0x1  }
0x4f3: {  	(erf) = vpow2.f32 v5;
	_ =	sdelay $0x8  }
0x4f4: {  	v5 =	vpop (erf)  }
0x4f5: {  	s6 =	simm.s32 $0xEF00;
	v3 =	vmul.f32 v5, v3  }
0x4f6: {  	s1 =	simm.s32 $0x11700;
	[tilespmem:v4+s6+$0x0] =	vst.idx.add.f32.msk $0xffff, v5  }
0x4f7: {  	[tilespmem:v4+s1+$0x0] =	vst.idx.add.f32.msk $0xffff, v3  }
0x4f8: {  	s2 =	simm.s32 $0x2800;
	s3 =	simm.s32 $0x1AF80;
	[bflag:$0x0] =	sbarrier.arrive $0xFFFF  }
0x4f9: {  	[spmem:s5] =	stream.indirect.scatter.add.f32 [tilespmem:s6], [sflag:$0x1], $0x1, s3, s2, $0xb8;
	[tilespmem:$0x1ED90] =	vst v63  }
0x4fa: {  	s6 =	simm.s32 $0x1  }
0x4fb: {  	_ =	swait.ge [sflag:s6], $0x2800  }
0x4fc: {  	[sflag:s6] =	ssyncset.done $0x0  }
0x4fd: {  	[sflag:s6] =	ssyncadd.s32 $0xFFFFD800  }
0x4fe: {  	[spmem:s31] =	stream.indirect.scatter.add.f32 [tilespmem:s1], [sflag:$0x1], $0x1, s3, s2, $0xb8;
	[tilespmem:$0x1ED90] =	vst v63  }
0x4ff: {  	_ =	swait.ge [sflag:s6], $0x2800  }
0x500: {  	[sflag:s6] =	ssyncset.done $0x0  }
0x501: {  	[sflag:s6] =	ssyncadd.s32 $0xFFFFD800  }
0x502: {  	s9 =	simm.s32 $0x19680;
	[bflag:$0x0] =	sbarrier.arrive $0xFFFF  }
0x503: {  	[tilespmem:s9], [sflag:$0x1] =	stream.linear.gather [spmem:s8], $0x80, $0x38;
	[tilespmem:$0x1ED90] =	vst v63  }
0x504: {  	s18 =	simm.s32 $0x19A80  }
0x505: {  	[tilespmem:s18], [sflag:$0x1] =	stream.linear.gather [spmem:s10], $0x80, $0x38;
	[tilespmem:$0x1ED90] =	vst v63  }
0x506: {  	s19 =	simm.s32 $0x19E80  }
0x507: {  	[tilespmem:s19], [sflag:$0x1] =	stream.linear.gather [spmem:s11], $0x80, $0x38;
	[tilespmem:$0x1ED90] =	vst v63  }
0x508: {  	s20 =	simm.s32 $0x1A280  }
0x509: {  	[tilespmem:s20], [sflag:$0x1] =	stream.linear.gather [spmem:s12], $0x80, $0x38;
	[tilespmem:$0x1ED90] =	vst v63  }
0x50a: {  	s21 =	simm.s32 $0x1A680  }
0x50b: {  	[tilespmem:s21], [sflag:$0x1] =	stream.linear.gather [spmem:s13], $0x80, $0x38;
	[tilespmem:$0x1ED90] =	vst v63  }
0x50c: {  	_ =	swait.ge [sflag:s6], $0x280  }
0x50d: {  	[sflag:s6] =	ssyncset.done $0x0  }
0x50e: {  	s22 =	simm.s32 $0x19700;
	[sflag:s6] =	ssyncadd.s32 $0xFFFFFD80  }
0x50f: {  	[tilespmem:s22], [sflag:$0x1] =	stream.linear.gather [spmem:s7], $0x80, $0x38;
	[tilespmem:$0x1ED90] =	vst v63  }
0x510: {  	s23 =	simm.s32 $0x19B00  }
0x511: {  	[tilespmem:s23], [sflag:$0x1] =	stream.linear.gather [spmem:s14], $0x80, $0x38;
	[tilespmem:$0x1ED90] =	vst v63  }
0x512: {  	s24 =	simm.s32 $0x19F00  }
0x513: {  	[tilespmem:s24], [sflag:$0x1] =	stream.linear.gather [spmem:s15], $0x80, $0x38;
	[tilespmem:$0x1ED90] =	vst v63  }
0x514: {  	s25 =	simm.s32 $0x1A300  }
0x515: {  	[tilespmem:s25], [sflag:$0x1] =	stream.linear.gather [spmem:s16], $0x80, $0x38;
	[tilespmem:$0x1ED90] =	vst v63  }
0x516: {  	s26 =	simm.s32 $0x1A700  }
0x517: {  	[tilespmem:s26], [sflag:$0x1] =	stream.linear.gather [spmem:s17], $0x80, $0x38;
	[tilespmem:$0x1ED90] =	vst v63  }
0x518: {  	s28 =	sadd.s32 $0x0, s4;
	s0 =	simm.s32 $0x0;
	_ =	swait.ge [sflag:s6], $0x280  }
0x519: {  	s29 =	sand.u32 $0x7F80, s28;
	s30 =	sand.u32 $0x70, s0;
	[sflag:s6] =	ssyncset.done $0x0  }
0x51a: {  	s1 =	sor.u32 s30, s29;
	[sflag:s6] =	ssyncadd.s32 $0xFFFFFD80  }
0x51b: {  	v3 =	vld [tilespmem:s1+$0x4F00];
	_ =	sdelay $0x4  }
0x51c: {  	v4 =	vmul.f32 v3, v1;
	v5 =	vmul.f32 v3, v2;
	_ =	sdelay $0x1  }
0x51d: {  	v4 =	vadd.f32 v5, v4;
	_ =	sdelay $0x1  }
0x51e: {  	v5 =	vmin.f32 v4, $0.0e+00  }
0x51f: {  	v5 =	vmul.f32 $2.000000030e-01, v5  }
0x520: {  	v4 =	vmax.f32 v4, $0.0e+00  }
0x521: {  	v4 =	vadd.f32 v5, v4;
	_ =	sdelay $0x1  }
0x522: {  	v4 =	vmul.f32 $1.442695020e+00, v4;
	_ =	sdelay $0x1  }
0x523: {  	(erf) = vpow2.f32 v4;
	_ =	sdelay $0x2  }
0x524: {  	s31 =	sand.u32 $0x1C00, s0  }
0x525: {  	s1 =	sor.u32 s30, s31  }
0x526: {  	v4 =	vld [tilespmem:s1+$0x19680];
	_ =	sdelay $0x3  }
0x527: {  	v5 =	vpop (erf)  }
0x528: {  	v4 =	vadd.f32 v5, v4;
	_ =	sdelay $0x1  }
0x529: {  	(erf) = vrcp.f32 v4;
	_ =	sdelay $0x1  }
0x52a: {  	s1 =	sadd.s32 $0x19680, s1  }
0x52b: {  	v4 =	vld [tilespmem:s1+$0x80];
	_ =	sdelay $0x2  }
0x52c: {  	v3 =	vmul.f32 v5, v3;
	_ =	sdelay $0x1  }
0x52d: {  	v3 =	vadd.f32 v3, v4  }
0x52e: {  	v4 =	vpop (erf)  }
0x52f: {  	v3 =	vmul.f32 v4, v3;
	_ =	sdelay $0x1  }
0x530: {  	v3 =	vadd.f32 v3, v0;
	_ =	sdelay $0x1  }
0x531: {  	v3 =	vmul.f32 $1.442695020e+00, v3;
	_ =	sdelay $0x1  }
0x532: {  	(erf) = vpow2.f32 v3;
	_ =	sdelay $0x7  }
0x533: {  	p1 =	slt.u32 s28, $0x2710;
	s5 =	simm.s32 $0x10  }
0x534: {  	s2 =	sadd.s32 $0x10, s4;
	s3 =	simm.s32 $0x20;
	s1 =	simm.s32 $0x1AA80;
	v3 =	vimm.f32 $0.0e+00;
	v4 =	vpop (erf)  }
.LBB2_23:
0x535: {  	p0 =	sne.s32 s3, $0x270;
	s6 =	sand.u32 $0x7F80, s2;
	s7 =	sand.u32 $0x70, s5;
	v4 =	vpsel !p1, $0x0, v4  }
0x536: {  	s5 =	smov.u32 s3;
	s6 =	sor.u32 s7, s6;
	[tilespmem:s1+$0x0] =	vst v4;
	v3 =	vadd.f32 v4, v3  }
0x537: {  	v4 =	vld [tilespmem:s6+$0x4F00];
	_ =	sdelay $0x4  }
0x538: {  	v5 =	vmul.f32 v4, v1;
	v6 =	vmul.f32 v4, v2;
	_ =	sdelay $0x1  }
0x539: {  	v5 =	vadd.f32 v6, v5;
	_ =	sdelay $0x1  }
0x53a: {  	v6 =	vmin.f32 v5, $0.0e+00  }
0x53b: {  	v6 =	vmul.f32 $2.000000030e-01, v6  }
0x53c: {  	v5 =	vmax.f32 v5, $0.0e+00  }
0x53d: {  	v5 =	vadd.f32 v6, v5;
	_ =	sdelay $0x1  }
0x53e: {  	v5 =	vmul.f32 $1.442695020e+00, v5;
	_ =	sdelay $0x1  }
0x53f: {  	(erf) = vpow2.f32 v5;
	_ =	sdelay $0x1  }
0x540: {  	s0 =	sadd.s32 $0x80, s0  }
0x541: {  	s6 =	sand.u32 $0x1C00, s0  }
0x542: {  	s6 =	sor.u32 s7, s6  }
0x543: {  	v5 =	vld [tilespmem:s6+$0x19680];
	_ =	sdelay $0x3  }
0x544: {  	v6 =	vpop (erf)  }
0x545: {  	v5 =	vadd.f32 v6, v5;
	_ =	sdelay $0x1  }
0x546: {  	(erf) = vrcp.f32 v5;
	_ =	sdelay $0x1  }
0x547: {  	s6 =	sadd.s32 $0x19680, s6  }
0x548: {  	v5 =	vld [tilespmem:s6+$0x80];
	_ =	sdelay $0x2  }
0x549: {  	v4 =	vmul.f32 v6, v4;
	_ =	sdelay $0x1  }
0x54a: {  	v4 =	vadd.f32 v4, v5  }
0x54b: {  	v5 =	vpop (erf)  }
0x54c: {  	v4 =	vmul.f32 v5, v4;
	_ =	sdelay $0x1  }
0x54d: {  	v4 =	vadd.f32 v4, v0;
	_ =	sdelay $0x1  }
0x54e: {  	v4 =	vmul.f32 $1.442695020e+00, v4;
	_ =	sdelay $0x1  }
0x54f: {  	(erf) = vpow2.f32 v4;
	_ =	sdelay $0x4  }
.Ltmp11:
0x550: {  	(pc) =	sbr.rel @p0 .LBB2_23-.Ltmp11, $3  }
0x551: {  	_ =	sdelay $0x1  }
0x552: {  	s1 =	sadd.s32 $0x10, s1  }
0x553: {  	s3 =	sadd.s32 $0x10, s3;
	p1 =	slt.u32 s2, $0x2710;
	s2 =	sadd.s32 s5, s4;
	v4 =	vpop (erf)  }
0x554: {  	s3 =	sand.u32 $0x7F80, s2;
	s5 =	sand.u32 $0x70, s5;
	v4 =	vpsel !p1, $0x0, v4  }
0x555: {  	s3 =	sor.u32 s5, s3;
	[tilespmem:s1+$0x0] =	vst v4  }
0x556: {  	v5 =	vld [tilespmem:s3+$0x4F00];
	_ =	sdelay $0x4  }
0x557: {  	v1 =	vmul.f32 v5, v1;
	v2 =	vmul.f32 v5, v2;
	_ =	sdelay $0x1  }
0x558: {  	v1 =	vadd.f32 v2, v1;
	_ =	sdelay $0x1  }
0x559: {  	v2 =	vmin.f32 v1, $0.0e+00  }
0x55a: {  	v2 =	vmul.f32 $2.000000030e-01, v2  }
0x55b: {  	v1 =	vmax.f32 v1, $0.0e+00  }
0x55c: {  	v1 =	vadd.f32 v2, v1;
	_ =	sdelay $0x1  }
0x55d: {  	v1 =	vmul.f32 $1.442695020e+00, v1;
	_ =	sdelay $0x1  }
0x55e: {  	(erf) = vpow2.f32 v1;
	_ =	sdelay $0x1  }
0x55f: {  	s0 =	sadd.s32 $0x80, s0  }
0x560: {  	s0 =	sand.u32 $0x1C00, s0  }
0x561: {  	s0 =	sor.u32 s5, s0  }
0x562: {  	v1 =	vld [tilespmem:s0+$0x19680];
	_ =	sdelay $0x3  }
0x563: {  	v2 =	vpop (erf)  }
0x564: {  	v1 =	vadd.f32 v2, v1;
	_ =	sdelay $0x1  }
0x565: {  	(erf) = vrcp.f32 v1;
	_ =	sdelay $0x1  }
0x566: {  	s0 =	sadd.s32 $0x19680, s0  }
0x567: {  	v1 =	vld [tilespmem:s0+$0x80];
	_ =	sdelay $0x1  }
0x568: {  	v2 =	vmul.f32 v2, v5;
	_ =	sdelay $0x2  }
0x569: {  	v1 =	vadd.f32 v2, v1  }
0x56a: {  	v2 =	vpop (erf)  }
0x56b: {  	v1 =	vmul.f32 v2, v1;
	_ =	sdelay $0x1  }
0x56c: {  	v0 =	vadd.f32 v1, v0;
	_ =	sdelay $0x1  }
0x56d: {  	v0 =	vmul.f32 $1.442695020e+00, v0;
	_ =	sdelay $0x1  }
0x56e: {  	(erf) = vpow2.f32 v0;
	_ =	sdelay $0x8  }
0x56f: {  	p0 =	slt.u32 s2, $0x2710;
	v0 =	vadd.f32 v4, v3;
	v1 =	vpop (erf)  }
0x570: {  	v1 =	vpsel !p0, $0x0, v1  }
0x571: {  	s25 =	sadd.s32 $0x10, s1;
	s3 =	stileid.u32;
	v0 =	vadd.f32 v1, v0  }
0x572: {  	s28 =	rddreg [dreg:$0x6];
	s26 =	sshll.u32 s3, $0x4;
	[tilespmem:s25+$0x0] =	vst v1  }
0x573: {  	s29 =	simm.s32 $0x1D780;
	s30 =	simm.s32 $0x1;
	s0 =	sadd.s32 s26, s28;
	[tilespmem:$0x1D780] =	vst v0  }
0x574: {  	[spmem:s0] =	stream.linear.scatter [tilespmem:s29], [sflag:$0x1], $0x10, $0x38;
	[tilespmem:$0x1ED90] =	vst v63  }
0x575: {  	_ =	swait.ge [sflag:s30], $0x10  }
0x576: {  	[sflag:s30] =	ssyncset.done $0x0  }
0x577: {  	[sflag:s30] =	ssyncadd.s32 $0xFFFFFFF0  }
0x578: {  	s31 =	simm.s32 $0x1D800;
	[bflag:$0x0] =	sbarrier.arrive $0xFFFF  }
0x579: {  	[tilespmem:s31], [sflag:$0x1] =	stream.linear.gather [spmem:s28], $0x100, $0x38;
	[tilespmem:$0x1ED90] =	vst v63  }
0x57a: {  	_ =	swait.ge [sflag:s30], $0x100  }
0x57b: {  	[sflag:s30] =	ssyncset.done $0x0  }
0x57c: {  	[sflag:s30] =	ssyncadd.s32 $0xFFFFFF00  }
0x57d: {  	v0 =	vld [tilespmem:$0x1D800];
	_ =	sdelay $0x1  }
0x57e: {  	v1 =	vld [tilespmem:$0x1D810];
	_ =	sdelay $0x1  }
0x57f: {  	v2 =	vld [tilespmem:$0x1D820]  }
0x580: {  	v0 =	vadd.f32 $0.0e+00, v0  }
0x581: {  	v3 =	vld [tilespmem:$0x1D830]  }
0x582: {  	v0 =	vadd.f32 v1, v0  }
0x583: {  	v1 =	vld [tilespmem:$0x1D840]  }
0x584: {  	v0 =	vadd.f32 v2, v0  }
0x585: {  	v2 =	vld [tilespmem:$0x1D850]  }
0x586: {  	v0 =	vadd.f32 v3, v0  }
0x587: {  	v3 =	vld [tilespmem:$0x1D860]  }
0x588: {  	v0 =	vadd.f32 v1, v0  }
0x589: {  	v1 =	vld [tilespmem:$0x1D870]  }
0x58a: {  	v0 =	vadd.f32 v2, v0  }
0x58b: {  	v2 =	vld [tilespmem:$0x1D880]  }
0x58c: {  	v0 =	vadd.f32 v3, v0  }
0x58d: {  	v3 =	vld [tilespmem:$0x1D890]  }
0x58e: {  	v0 =	vadd.f32 v1, v0  }
0x58f: {  	v1 =	vld [tilespmem:$0x1D8A0]  }
0x590: {  	v0 =	vadd.f32 v2, v0  }
0x591: {  	v2 =	vld [tilespmem:$0x1D8B0]  }
0x592: {  	v0 =	vadd.f32 v3, v0  }
0x593: {  	v3 =	vld [tilespmem:$0x1D8C0]  }
0x594: {  	v0 =	vadd.f32 v1, v0  }
0x595: {  	v1 =	vld [tilespmem:$0x1D8D0]  }
0x596: {  	v0 =	vadd.f32 v2, v0  }
0x597: {  	v2 =	vld [tilespmem:$0x1D8E0]  }
0x598: {  	v0 =	vadd.f32 v3, v0  }
0x599: {  	v3 =	vld [tilespmem:$0x1D8F0]  }
0x59a: {  	v0 =	vadd.f32 v1, v0;
	_ =	sdelay $0x1  }
0x59b: {  	v0 =	vadd.f32 v2, v0;
	_ =	sdelay $0x1  }
0x59c: {  	v0 =	vadd.f32 v3, v0;
	_ =	sdelay $0x1  }
0x59d: {  	(xrf2) =	vadd.scan.msk.f32 $0xffff, v0;
	_ =	sdelay $0x9  }
0x59e: {  	v0, _, _ =	vpop (xrf2)  }
0x59f: {  	v0 =	vbroadcast v0, $0xF;
	_ =	sdelay $0x1  }
0x5a0: {  	(erf) = vrcp.f32 v0;
	_ =	sdelay $0x8  }
0x5a1: {  	s1 =	simm.s32 $0x40;
	s0 =	simm.s32 $0x0;
	v0 =	vpop (erf)  }
.LBB2_25:
0x5a2: {  	p0 =	sne.s32 s1, $0x9C0;
	v1 =	vld [tilespmem:s0+$0x1AA80];
	_ =	sdelay $0x2  }
.Ltmp12:
0x5a3: {  	(pc) =	sbr.rel @p0 .LBB2_25-.Ltmp12, $3  }
0x5a4: {  	_ = 	snop  }
0x5a5: {  	v1 =	vmul.f32 v1, v0;
	_ =	sdelay $0x1  }
0x5a6: {  	[tilespmem:s0+$0x1AA80] =	vst v1;
	s0 =	sshra.s32 s1, $0x2;
	s1 =	sadd.s32 $0x40, s1  }
0x5a7: {  	v1 =	vld [tilespmem:s0+$0x1AA80];
	_ =	sdelay $0x4  }
0x5a8: {  	v0 =	vmul.f32 v1, v0  }
0x5a9: {  	s1 =	sshrl.u32 s4, $0x3;
	s29 =	rddreg [dreg:$0x8];
	s30 =	simm.s32 $0x0  }
0x5aa: {  	s2 =	simm.s32 $0x1AA80;
	s31 =	simm.s32 $0x1;
	[tilespmem:s0+$0x1AA80] =	vst v0;
	s0 =	sadd.s32 s29, s1  }
0x5ab: {  	[hbm4b:s0+s30] =	stream.linear.scatter [tilespmem:s2], [sflag:$0x1], $0x280, $0x38;
	[tilespmem:$0x1ED90] =	vst v63  }
0x5ac: {  	_ =	swait.ge [sflag:s31], $0x280  }
0x5ad: {  	[sflag:s31] =	ssyncset.done $0x0  }
0x5ae: {  	[sflag:s31] =	ssyncadd.s32 $0xFFFFFD80  }
0x5af: {  	_ =	sfence.sel $0x180000  }
0x5b0: {  	[bflag:$0x0] =	sbarrier.arrive $0xFFFF  }
0x5b1: {  	_ =	strace $0x90000047  }
0x5b2: {  	[bflag:$0x2] =	sbarrier.arrive $0xFFFF  }
0x5b3: {  	p0 =	sne.s32 s3, $0x0;
	s0 =	rddreg [dreg:$0x7]  }
0x5b4: {  	s0 =	sadd.s32 @!p0 $0x100000, s0  }
0x5b5: {  	[sflag:s0] =	ssyncadd.tile.s32 @!p0 $0x1;
	_ =	shalt  }
.Lfunc_end2:
_tile_overlayer_lowered:
.L_overlay_start_2:
0x5b6: {  	(tag) =	ssettag $0x2  }
0x5b7: {  	s0 =	rddreg [dreg:$0x0];
	s2 =	stileid.u32  }
0x5b8: {  	s1 =	rddreg [dreg:$0x1];
	p0 =	sne.s32 s2, $0x0  }
0x5b9: {  	s3 =	rddreg [dreg:$0x2];
	[bflag:$0x3] =	sbarrier.arrive $0xFFFF;
	s2 =	simm.s32 @!p0 $0x1C01  }
0x5ba: {  	[timem:s3], [sflag:s2] =	dma.local @!p0 [hbm:s0], s1  }
0x5bb: {  	s0 =	simm.s32 @!p0 $0x1  }
0x5bc: {  	_ =	swait.ge @!p0 [sflag:s0], s1  }
0x5bd: {  	s1 =	ssub.s32 @!p0 $0x0, s1;
	[sflag:s0] =	ssyncset.done @!p0 $0x0  }
0x5be: {  	[sflag:s0] =	ssyncadd.s32 @!p0 s1  }
0x5bf: {  	[bflag:$0x3] =	sbarrier.arrive $0xFFFF  }
0x5c0: {  	_ =	shalt  }

</sc_bundles>
